<compile_context>
chip_gen: v7x
topology: tpu7x:2x2x1
jax: 0.10.2.dev20260603
libtpu: 0.0.44.dev20260713+nightly
codegen_flags: <defaults>
</compile_context>

<pallas_src>
import functools

import jax
import jax.numpy as jnp
from jax import lax
from jax.experimental import pallas as pl
from jax.experimental.pallas import tpu as pltpu
from jax.experimental.pallas import tpu_sc as plsc

_H = 768
_F = 1536
_E = 8
_T = 2048
_TT = 512
_NT = _T // _TT
_G = 128
_M = 2 * _T + _E * _G
_NR = _M // _G
_NC = 2
_NS = 16
_NW = _NC * _NS
_PAIRS = 2 * _T
_PPW = _PAIRS // _NW
_TPW = _T // _NW


def _route_body(x_ref, rw_ref, logits_ref, d1_ref, d2_ref, te_ref, re_ref,
                nxt_ref, nxt2_ref,
                logits_s, rank_s, idx1_s, idx2_s, cnt_s, tri_s):
    i = pl.program_id(0)

    @pl.when(i < _NT)
    def _():
        sl = pl.ds(i * _TT, _TT)

        @pl.when(i == 0)
        def _():
            cnt_s[...] = jnp.zeros_like(cnt_s)
            ri = lax.broadcasted_iota(jnp.int32, (_TT, _TT), 0)
            ci = lax.broadcasted_iota(jnp.int32, (_TT, _TT), 1)
            tri_s[...] = (ci < ri).astype(jnp.float32)

        x = x_ref[...]
        logits = lax.dot_general(
            x, rw_ref[...], (((1,), (0,)), ((), ())),
            precision=lax.Precision.DEFAULT,
            preferred_element_type=jnp.float32,
        )
        logits_s[sl, :] = logits
        lane = lax.broadcasted_iota(jnp.int32, (_TT, _E), 1)
        m1 = jnp.max(logits, axis=1, keepdims=True)
        idx1 = jnp.min(jnp.where(logits == m1, lane, _E), axis=1,
                       keepdims=True)
        neg = jnp.full_like(logits, -jnp.inf)
        l2 = jnp.where(lane == idx1, neg, logits)
        m2 = jnp.max(l2, axis=1, keepdims=True)
        idx2 = jnp.min(jnp.where(l2 == m2, lane, _E), axis=1, keepdims=True)
        idx1_s[sl, :] = idx1
        idx2_s[sl, :] = idx2
        mask = ((lane == idx1) | (lane == idx2)).astype(jnp.float32)
        rank = lax.dot_general(
            tri_s[...], mask, (((1,), (0,)), ((), ())),
            precision=lax.Precision.DEFAULT,
            preferred_element_type=jnp.float32,
        )
        rank_s[sl, :] = rank + cnt_s[...]
        cnt_s[...] = cnt_s[...] + jnp.sum(mask, axis=0, keepdims=True)

    @pl.when(i == _NT)
    def _():
        logits_ref[...] = logits_s[...]
        counts = cnt_s[...]
        pc = jnp.floor((counts + (_G - 1)) * (1.0 / _G)) * _G
        er = lax.broadcasted_iota(jnp.int32, (_E, _E), 0)
        ec = lax.broadcasted_iota(jnp.int32, (_E, _E), 1)
        ltri = (er < ec).astype(jnp.float32)
        poff = lax.dot_general(
            pc, ltri, (((1,), (0,)), ((), ())),
            precision=lax.Precision.DEFAULT,
            preferred_element_type=jnp.float32,
        )
        rank = rank_s[...]
        idx1 = idx1_s[...]
        idx2 = idx2_s[...]
        lane = lax.broadcasted_iota(jnp.int32, (_T, _E), 1)
        val = poff + rank
        d1 = jnp.sum(jnp.where(lane == idx1, val, 0.0), axis=1, keepdims=True)
        d2 = jnp.sum(jnp.where(lane == idx2, val, 0.0), axis=1, keepdims=True)
        d1_ref[...] = d1.astype(jnp.int32)
        d2_ref[...] = d2.astype(jnp.int32)
        ends = poff + pc
        rows = (lax.broadcasted_iota(jnp.int32, (_NR, _E), 0) * _G
                ).astype(jnp.float32)
        te = jnp.sum((rows >= ends).astype(jnp.int32), axis=1, keepdims=True)
        lane_g = lax.broadcasted_iota(jnp.int32, (1, _E), 1)
        gmax = jnp.max(jnp.where(pc > 0.0, lane_g, 0), axis=1, keepdims=True)
        te = jnp.minimum(te, gmax)
        te_ref[...] = te
        re_ref[...] = jnp.sum(pc, axis=1, keepdims=True).astype(jnp.int32)
        lane_r = lax.broadcasted_iota(jnp.int32, (_NR, _E), 1)
        present = pc > 0.0
        cand = jnp.where((lane_r > te) & present, lane_r, _E)
        nxt = jnp.min(cand, axis=1, keepdims=True)
        nxt = jnp.where(nxt == _E, te, nxt)
        nxt_ref[...] = nxt
        cand2 = jnp.where((lane_r > nxt) & present, lane_r, _E)
        nxt2 = jnp.min(cand2, axis=1, keepdims=True)
        nxt2_ref[...] = jnp.where(nxt2 == _E, nxt, nxt2)


_DCH = 4


def _dispatch_body(flat_hbm, dest_hbm, xs_hbm, dest_v, rbufs, gsems, ssems):
    c = lax.axis_index("c")
    s = lax.axis_index("s")
    wid = s * _NC + c
    ck = _PPW // _DCH
    pltpu.sync_copy(dest_hbm.at[wid], dest_v)
    tbase = lax.rem(wid, _NS) * _PPW
    gets = []
    for ch in range(_DCH):
        gets.append(pltpu.async_copy(
            flat_hbm.at[pl.ds(tbase + ch * ck, ck)], rbufs.at[ch],
            gsems.at[ch]))
    puts = []
    for ch in range(_DCH):
        gets[ch].wait()
        puts.append(pltpu.async_copy(
            rbufs.at[ch], xs_hbm.at[dest_v.at[ch]], ssems.at[ch]))
    for ch in range(_DCH):
        puts[ch].wait()


def _gmm_body(te_ref, re_ref, nx_ref, nx2_ref, xs_ref, upw_hbm, upb_ref,
              dww_hbm, dwb_ref,
              ys_ref, upw_b, dww_b, sems, ns_ref):
    r = pl.program_id(0)
    e = te_ref[r]
    prev_e = jnp.where(r > 0, te_ref[jnp.maximum(r - 1, 0)], -1)
    switch = e != prev_e
    ne = nx_ref[r]

    ne2 = nx2_ref[r]

    @pl.when(r == 0)
    def _():
        ns_ref[0] = 0
        ns_ref[1] = 0
        pltpu.make_async_copy(upw_hbm.at[e], upw_b.at[0],
                              sems.at[0, 0]).start()
        pltpu.make_async_copy(dww_hbm.at[e], dww_b.at[0],
                              sems.at[0, 1]).start()
        ns_ref[0] = 1

        @pl.when(ne != e)
        def _():
            pltpu.make_async_copy(upw_hbm.at[ne], upw_b.at[1],
                                  sems.at[1, 0]).start()
            pltpu.make_async_copy(dww_hbm.at[ne], dww_b.at[1],
                                  sems.at[1, 1]).start()
            ns_ref[0] = 2

    @pl.when(switch)
    def _():
        wslot = lax.rem(ns_ref[1], 3)
        for _k in range(3):
            @pl.when(wslot == _k)
            def _(_k=_k):
                pltpu.make_async_copy(upw_hbm.at[e], upw_b.at[_k],
                                      sems.at[_k, 0]).wait()
                pltpu.make_async_copy(dww_hbm.at[e], dww_b.at[_k],
                                      sems.at[_k, 1]).wait()
        ns_ref[1] = ns_ref[1] + 1

        @pl.when(ne2 != ne)
        def _():
            islot = lax.rem(ns_ref[0], 3)
            for _k in range(3):
                @pl.when(islot == _k)
                def _(_k=_k):
                    pltpu.make_async_copy(upw_hbm.at[ne2], upw_b.at[_k],
                                          sems.at[_k, 0]).start()
                    pltpu.make_async_copy(dww_hbm.at[ne2], dww_b.at[_k],
                                          sems.at[_k, 1]).start()
            ns_ref[0] = ns_ref[0] + 1

    slot = lax.rem(ns_ref[1] - 1, 3)
    active = r * _G < re_ref[0]

    def _compute(k):
        up = lax.dot_general(
            xs_ref[...], upw_b[k], (((1,), (0,)), ((), ())),
            precision=lax.Precision.DEFAULT,
            preferred_element_type=jnp.float32,
        )
        up = up + upb_ref[0]
        act = up * jax.nn.sigmoid(up)
        down = lax.dot_general(
            act, dww_b[k], (((1,), (0,)), ((), ())),
            precision=lax.Precision.DEFAULT,
            preferred_element_type=jnp.float32,
        )
        ys_ref[...] = down + dwb_ref[0]

    for _k in range(3):
        @pl.when(active & (slot == _k))
        def _(_k=_k):
            _compute(_k)


_CC = 32


def _combine_body(ys_hbm, d1_hbm, d2_hbm, out_hbm, i1, i2, r1, r2,
                  sem1, sem2):
    c = lax.axis_index("c")
    s = lax.axis_index("s")
    wid = s * _NC + c
    pltpu.sync_copy(d1_hbm.at[wid], i1)
    pltpu.sync_copy(d2_hbm.at[wid], i2)
    for ch in range(_TPW // _CC):
        g1 = pltpu.async_copy(ys_hbm.at[i1.at[ch]], r1, sem1)
        g2 = pltpu.async_copy(ys_hbm.at[i2.at[ch]], r2, sem2)
        g1.wait()
        g2.wait()

        def _row(row, carry):
            for col in range(_H // 16):
                sl = (row, pl.ds(col * 16, 16))
                r1[sl] = r1[sl] + r2[sl]
            return carry

        lax.fori_loop(0, _CC, _row, 0)
        pltpu.sync_copy(
            r1, out_hbm.at[pl.ds(wid * _TPW + ch * _CC, _CC)])


@functools.partial(jax.jit, static_argnames=())
def kernel(hidden_states, router_w, up_w, up_b, down_w, down_b):
    b, s_len, d = hidden_states.shape
    flat = hidden_states.reshape(_T, d)

    logits, d1, d2, te, rowend, nxt, nxt2 = pl.pallas_call(
        _route_body,
        grid=(_NT + 1,),
        in_specs=[
            pl.BlockSpec((_TT, _H), lambda i: (jnp.minimum(i, _NT - 1), 0)),
            pl.BlockSpec((_H, _E), lambda i: (0, 0)),
        ],
        out_specs=(
            pl.BlockSpec((_T, _E), lambda i: (0, 0)),
            pl.BlockSpec((_T, 1), lambda i: (0, 0)),
            pl.BlockSpec((_T, 1), lambda i: (0, 0)),
            pl.BlockSpec((_NR, 1), lambda i: (0, 0)),
            pl.BlockSpec((1, 1), lambda i: (0, 0)),
            pl.BlockSpec((_NR, 1), lambda i: (0, 0)),
            pl.BlockSpec((_NR, 1), lambda i: (0, 0)),
        ),
        out_shape=(
            jax.ShapeDtypeStruct((_T, _E), jnp.float32),
            jax.ShapeDtypeStruct((_T, 1), jnp.int32),
            jax.ShapeDtypeStruct((_T, 1), jnp.int32),
            jax.ShapeDtypeStruct((_NR, 1), jnp.int32),
            jax.ShapeDtypeStruct((1, 1), jnp.int32),
            jax.ShapeDtypeStruct((_NR, 1), jnp.int32),
            jax.ShapeDtypeStruct((_NR, 1), jnp.int32),
        ),
        scratch_shapes=[
            pltpu.VMEM((_T, _E), jnp.float32),
            pltpu.VMEM((_T, _E), jnp.float32),
            pltpu.VMEM((_T, 1), jnp.int32),
            pltpu.VMEM((_T, 1), jnp.int32),
            pltpu.VMEM((1, _E), jnp.float32),
            pltpu.VMEM((_TT, _TT), jnp.float32),
        ],
        compiler_params=pltpu.CompilerParams(
            dimension_semantics=("arbitrary",),
        ),
    )(flat, router_w)

    dest = jnp.concatenate([d1.reshape(_T), d2.reshape(_T)])
    dest3 = dest.reshape(_NW, _DCH, _PPW // _DCH)

    mesh = plsc.VectorSubcoreMesh(core_axis_name="c", subcore_axis_name="s")
    xs = pl.kernel(
        _dispatch_body,
        out_type=jax.ShapeDtypeStruct((_M, _H), jnp.float32),
        mesh=mesh,
        scratch_types=[
            pltpu.VMEM((_DCH, _PPW // _DCH), jnp.int32),
            pltpu.VMEM((_DCH, _PPW // _DCH, _H), jnp.float32),
            pltpu.SemaphoreType.DMA((_DCH,)),
            pltpu.SemaphoreType.DMA((_DCH,)),
        ],
    )(flat, dest3)

    up_b3 = up_b.reshape(_E, 1, _F)
    down_b3 = down_b.reshape(_E, 1, _H)
    ys = pl.pallas_call(
        _gmm_body,
        grid_spec=pltpu.PrefetchScalarGridSpec(
            num_scalar_prefetch=4,
            grid=(_NR,),
            in_specs=[
                pl.BlockSpec((_G, _H), lambda r, te_s, re_s, nx_s, nx2_s: (r, 0)),
                pl.BlockSpec(memory_space=pl.ANY),
                pl.BlockSpec((1, 1, _F),
                             lambda r, te_s, re_s, nx_s, nx2_s: (te_s[r], 0, 0)),
                pl.BlockSpec(memory_space=pl.ANY),
                pl.BlockSpec((1, 1, _H),
                             lambda r, te_s, re_s, nx_s, nx2_s: (te_s[r], 0, 0)),
            ],
            out_specs=pl.BlockSpec((_G, _H), lambda r, te_s, re_s, nx_s, nx2_s: (r, 0)),
            scratch_shapes=[
                pltpu.VMEM((3, _H, _F), jnp.float32),
                pltpu.VMEM((3, _F, _H), jnp.float32),
                pltpu.SemaphoreType.DMA((3, 2)),
                pltpu.SMEM((2,), jnp.int32),
            ],
        ),
        out_shape=jax.ShapeDtypeStruct((_M, _H), jnp.float32),
        compiler_params=pltpu.CompilerParams(
            dimension_semantics=("arbitrary",),
        ),
    )(te.reshape(_NR), rowend.reshape(1), nxt.reshape(_NR),
      nxt2.reshape(_NR), xs, up_w, up_b3, down_w, down_b3)

    final = pl.kernel(
        _combine_body,
        out_type=jax.ShapeDtypeStruct((_T, _H), jnp.float32),
        mesh=plsc.VectorSubcoreMesh(core_axis_name="c", subcore_axis_name="s"),
        scratch_types=[
            pltpu.VMEM((_TPW // _CC, _CC), jnp.int32),
            pltpu.VMEM((_TPW // _CC, _CC), jnp.int32),
            pltpu.VMEM((_CC, _H), jnp.float32),
            pltpu.VMEM((_CC, _H), jnp.float32),
            pltpu.SemaphoreType.DMA,
            pltpu.SemaphoreType.DMA,
        ],
    )(ys, d1.reshape(_NW, _TPW // _CC, _CC), d2.reshape(_NW, _TPW // _CC, _CC))

    return final.reshape(b, s_len, d), logits

# --- scband reference (transcript-rebuilt; emitter-appended) ---
"""Pipeline reference for scband-qwen3-omni-moe-sparse-moe-block-88424786690399 (READ-ONLY COPY).

The authoritative reference and input builder live on the scoring server;
editing this copy changes nothing except your own understanding.
"""

import jax, jax.numpy as jnp
import numpy as np

HIDDEN = 768
INTER = 1536
E = 8
TOP_K = 2
BATCH = 1
SEQ = 2048


def setup_inputs(seed: int = 0) -> dict:
    key = jax.random.key(seed)
    ks = jax.random.split(key, 5)
    hidden_states = jax.random.normal(ks[0], (BATCH, SEQ, HIDDEN), dtype=jnp.float32)
    router_w = jax.random.normal(ks[1], (HIDDEN, E), dtype=jnp.float32) * 0.02
    up_w = jax.random.normal(ks[2], (E, HIDDEN, INTER), dtype=jnp.float32) * 0.02
    up_b = jnp.zeros((E, INTER), dtype=jnp.float32)
    down_w = jax.random.normal(ks[3], (E, INTER, HIDDEN), dtype=jnp.float32) * 0.02
    down_b = jnp.zeros((E, HIDDEN), dtype=jnp.float32)
    return {
        "hidden_states": hidden_states,
        "router_w": router_w,
        "up_w": up_w,
        "up_b": up_b,
        "down_w": down_w,
        "down_b": down_b,
    }


def reference(hidden_states, router_w, up_w, up_b, down_w, down_b):
    b, s, d = hidden_states.shape
    flat = hidden_states.reshape(-1, d)  # [T, d]
    # Router (Dense, no bias)
    router_logits = flat @ router_w  # [T, E]
    routing_weights = jax.nn.softmax(router_logits, axis=-1)
    _, selected_experts = jax.lax.top_k(routing_weights, TOP_K)  # [T, K]
    expert_mask = jax.nn.one_hot(selected_experts, E, dtype=flat.dtype)  # [T, K, E]
    # sum over top-k slots -> per-token 0/1 indicator per expert
    mask_sum = jnp.sum(expert_mask, axis=1)  # [T, E]
    # Every expert runs on every token (faithful to the Keras module)
    up = jnp.einsum('td,edf->etf', flat, up_w) + up_b[:, None, :]  # [E, T, INTER]
    act = jax.nn.silu(up)
    down = jnp.einsum('etf,efd->etd', act, down_w) + down_b[:, None, :]  # [E, T, d]
    weighted = down * jnp.transpose(mask_sum)[:, :, None]  # [E, T, d]
    final = jnp.sum(weighted, axis=0)  # [T, d]
    final = final.reshape(b, s, d)
    return final, router_logits

if __name__ == "__main__":
    import jax
    _d = setup_inputs()
    print(jax.jit(kernel)(*tuple(_d.values())))

</pallas_src>

<mosaic_0001>
#map = affine_map<(d0, d1) -> (0, 0)>
#map1 = affine_map<(d0, d1) -> (0, 0, 0)>
module attributes {stable_mosaic.version = 14 : i64} {
  func.func @_dispatch_body(%arg0: i32, %arg1: i32, %arg2: memref<2048x768xf32, #tpu.memory_space<hbm>>, %arg3: memref<32x4x32xi32, #tpu.memory_space<hbm>>, %arg4: memref<5120x768xf32, #tpu.memory_space<hbm>>, %arg5: memref<4x32xi32, #tpu.memory_space<vmem>>, %arg6: memref<4x32x768xf32, #tpu.memory_space<vmem>>, %arg7: memref<4x!tpu.dma_semaphore, #tpu.memory_space<semaphore_mem>>, %arg8: memref<4x!tpu.dma_semaphore, #tpu.memory_space<semaphore_mem>>) attributes {dimension_semantics = [#tpu.dimension_semantics<core_parallel>, #tpu.dimension_semantics<subcore_parallel>], iteration_bounds = array<i64: 2, 16>, scalar_prefetch = 0 : i64, scratch_operands = 4 : i64, tpu.core_type = #tpu.core_type<sc_vector_subcore>, window_params = [{transform_indices = #map}, {transform_indices = #map1}, {transform_indices = #map}]} {
    %mul3A = arith.constant 2 : i32
    %mul3A_0 = arith.muli %arg1, %mul3A : i32
    %add3A = arith.addi %mul3A_0, %arg0 : i32
    "tpu.region"() ({
      %run_scoped3A = tpu.sem_alloc : memref<!tpu.dma_semaphore, #tpu.memory_space<semaphore_mem>>
      %dma_start3A_258 = arith.constant 0 : i32
      %dma_start3A_259 = arith.constant 0 : i32
      %dma_start3A_260 = tpu.memref_slice %arg3[%add3A, %dma_start3A_258, %dma_start3A_259] : memref<32x4x32xi32, #tpu.memory_space<hbm>> -> memref<1x4x32xi32, #tpu.memory_space<hbm>>
      %dma_start3A_261 = tpu.memref_squeeze %dma_start3A_260 : memref<1x4x32xi32, #tpu.memory_space<hbm>> -> memref<4x32xi32, #tpu.memory_space<hbm>>
      %dma_start3A_262 = arith.constant 0 : i32
      %dma_start3A_263 = arith.constant 0 : i32
      %dma_start3A_264 = tpu.memref_slice %arg3[%add3A, %dma_start3A_262, %dma_start3A_263] : memref<32x4x32xi32, #tpu.memory_space<hbm>> -> memref<1x4x32xi32, #tpu.memory_space<hbm>>
      %dma_start3A_265 = tpu.memref_squeeze %dma_start3A_264 : memref<1x4x32xi32, #tpu.memory_space<hbm>> -> memref<4x32xi32, #tpu.memory_space<hbm>>
      tpu.enqueue_dma source(%dma_start3A_265 : memref<4x32xi32, #tpu.memory_space<hbm>>) target(%arg5 : memref<4x32xi32, #tpu.memory_space<vmem>>) target_semaphore(%run_scoped3A : memref<!tpu.dma_semaphore, #tpu.memory_space<semaphore_mem>>)
      %dma_wait3A_266 = arith.constant 0 : i32
      %dma_wait3A_267 = arith.constant 0 : i32
      %dma_wait3A_268 = tpu.memref_slice %arg3[%add3A, %dma_wait3A_266, %dma_wait3A_267] : memref<32x4x32xi32, #tpu.memory_space<hbm>> -> memref<1x4x32xi32, #tpu.memory_space<hbm>>
      %dma_wait3A_269 = tpu.memref_squeeze %dma_wait3A_268 : memref<1x4x32xi32, #tpu.memory_space<hbm>> -> memref<4x32xi32, #tpu.memory_space<hbm>>
      %dma_wait3A_270 = arith.constant 0 : i32
      %dma_wait3A_271 = arith.constant 0 : i32
      %dma_wait3A_272 = tpu.memref_slice %arg3[%add3A, %dma_wait3A_270, %dma_wait3A_271] : memref<32x4x32xi32, #tpu.memory_space<hbm>> -> memref<1x4x32xi32, #tpu.memory_space<hbm>>
      %dma_wait3A_273 = tpu.memref_squeeze %dma_wait3A_272 : memref<1x4x32xi32, #tpu.memory_space<hbm>> -> memref<4x32xi32, #tpu.memory_space<hbm>>
      tpu.wait_dma2 semaphore(%run_scoped3A : memref<!tpu.dma_semaphore, #tpu.memory_space<semaphore_mem>>) src(%dma_wait3A_273 : memref<4x32xi32, #tpu.memory_space<hbm>>) dst(%arg5 : memref<4x32xi32, #tpu.memory_space<vmem>>)
      tpu.yield
    }) : () -> ()
    %rem3A = arith.constant 16 : i32
    %rem3A_1 = arith.remsi %add3A, %rem3A : i32
    %mul3A_2 = arith.constant 128 : i32
    %mul3A_3 = arith.muli %rem3A_1, %mul3A_2 : i32
    %add3A_4 = arith.constant 0 : i32
    %add3A_5 = arith.addi %mul3A_3, %add3A_4 : i32
    %dma_start3A = arith.constant 0 : i32
    %dma_start3A_6 = arith.constant 0 : i32
    %dma_start3A_7 = arith.constant 0 : i32
    %dma_start3A_8 = arith.constant 0 : i32
    %dma_start3A_9 = tpu.memref_slice %arg6[%dma_start3A, %dma_start3A_7, %dma_start3A_8] : memref<4x32x768xf32, #tpu.memory_space<vmem>> -> memref<1x32x768xf32, #tpu.memory_space<vmem>>
    %dma_start3A_10 = tpu.memref_squeeze %dma_start3A_9 : memref<1x32x768xf32, #tpu.memory_space<vmem>> -> memref<32x768xf32, #tpu.memory_space<vmem>>
    %dma_start3A_11 = arith.constant 0 : i32
    %dma_start3A_12 = tpu.memref_slice %arg2[%add3A_5, %dma_start3A_11] : memref<2048x768xf32, #tpu.memory_space<hbm>> -> memref<32x768xf32, #tpu.memory_space<hbm>>
    %dma_start3A_13 = tpu.memref_slice %arg7[%dma_start3A_6] : memref<4x!tpu.dma_semaphore, #tpu.memory_space<semaphore_mem>> -> memref<1x!tpu.dma_semaphore, #tpu.memory_space<semaphore_mem>>
    %dma_start3A_14 = tpu.memref_squeeze %dma_start3A_13 : memref<1x!tpu.dma_semaphore, #tpu.memory_space<semaphore_mem>> -> memref<!tpu.dma_semaphore, #tpu.memory_space<semaphore_mem>>
    %dma_start3A_15 = arith.constant 0 : i32
    %dma_start3A_16 = arith.constant 0 : i32
    %dma_start3A_17 = tpu.memref_slice %arg6[%dma_start3A, %dma_start3A_15, %dma_start3A_16] : memref<4x32x768xf32, #tpu.memory_space<vmem>> -> memref<1x32x768xf32, #tpu.memory_space<vmem>>
    %dma_start3A_18 = tpu.memref_squeeze %dma_start3A_17 : memref<1x32x768xf32, #tpu.memory_space<vmem>> -> memref<32x768xf32, #tpu.memory_space<vmem>>
    %dma_start3A_19 = arith.constant 0 : i32
    %dma_start3A_20 = tpu.memref_slice %arg2[%add3A_5, %dma_start3A_19] : memref<2048x768xf32, #tpu.memory_space<hbm>> -> memref<32x768xf32, #tpu.memory_space<hbm>>
    tpu.enqueue_dma source(%dma_start3A_20 : memref<32x768xf32, #tpu.memory_space<hbm>>) target(%dma_start3A_18 : memref<32x768xf32, #tpu.memory_space<vmem>>) target_semaphore(%dma_start3A_14 : memref<!tpu.dma_semaphore, #tpu.memory_space<semaphore_mem>>)
    %add3A_21 = arith.constant 32 : i32
    %add3A_22 = arith.addi %mul3A_3, %add3A_21 : i32
    %dma_start3A_23 = arith.constant 1 : i32
    %dma_start3A_24 = arith.constant 1 : i32
    %dma_start3A_25 = arith.constant 0 : i32
    %dma_start3A_26 = arith.constant 0 : i32
    %dma_start3A_27 = tpu.memref_slice %arg6[%dma_start3A_23, %dma_start3A_25, %dma_start3A_26] : memref<4x32x768xf32, #tpu.memory_space<vmem>> -> memref<1x32x768xf32, #tpu.memory_space<vmem>>
    %dma_start3A_28 = tpu.memref_squeeze %dma_start3A_27 : memref<1x32x768xf32, #tpu.memory_space<vmem>> -> memref<32x768xf32, #tpu.memory_space<vmem>>
    %dma_start3A_29 = arith.constant 0 : i32
    %dma_start3A_30 = tpu.memref_slice %arg2[%add3A_22, %dma_start3A_29] : memref<2048x768xf32, #tpu.memory_space<hbm>> -> memref<32x768xf32, #tpu.memory_space<hbm>>
    %dma_start3A_31 = tpu.memref_slice %arg7[%dma_start3A_24] : memref<4x!tpu.dma_semaphore, #tpu.memory_space<semaphore_mem>> -> memref<1x!tpu.dma_semaphore, #tpu.memory_space<semaphore_mem>>
    %dma_start3A_32 = tpu.memref_squeeze %dma_start3A_31 : memref<1x!tpu.dma_semaphore, #tpu.memory_space<semaphore_mem>> -> memref<!tpu.dma_semaphore, #tpu.memory_space<semaphore_mem>>
    %dma_start3A_33 = arith.constant 0 : i32
    %dma_start3A_34 = arith.constant 0 : i32
    %dma_start3A_35 = tpu.memref_slice %arg6[%dma_start3A_23, %dma_start3A_33, %dma_start3A_34] : memref<4x32x768xf32, #tpu.memory_space<vmem>> -> memref<1x32x768xf32, #tpu.memory_space<vmem>>
    %dma_start3A_36 = tpu.memref_squeeze %dma_start3A_35 : memref<1x32x768xf32, #tpu.memory_space<vmem>> -> memref<32x768xf32, #tpu.memory_space<vmem>>
    %dma_start3A_37 = arith.constant 0 : i32
    %dma_start3A_38 = tpu.memref_slice %arg2[%add3A_22, %dma_start3A_37] : memref<2048x768xf32, #tpu.memory_space<hbm>> -> memref<32x768xf32, #tpu.memory_space<hbm>>
    tpu.enqueue_dma source(%dma_start3A_38 : memref<32x768xf32, #tpu.memory_space<hbm>>) target(%dma_start3A_36 : memref<32x768xf32, #tpu.memory_space<vmem>>) target_semaphore(%dma_start3A_32 : memref<!tpu.dma_semaphore, #tpu.memory_space<semaphore_mem>>)
    %add3A_39 = arith.constant 64 : i32
    %add3A_40 = arith.addi %mul3A_3, %add3A_39 : i32
    %dma_start3A_41 = arith.constant 2 : i32
    %dma_start3A_42 = arith.constant 2 : i32
    %dma_start3A_43 = arith.constant 0 : i32
    %dma_start3A_44 = arith.constant 0 : i32
    %dma_start3A_45 = tpu.memref_slice %arg6[%dma_start3A_41, %dma_start3A_43, %dma_start3A_44] : memref<4x32x768xf32, #tpu.memory_space<vmem>> -> memref<1x32x768xf32, #tpu.memory_space<vmem>>
    %dma_start3A_46 = tpu.memref_squeeze %dma_start3A_45 : memref<1x32x768xf32, #tpu.memory_space<vmem>> -> memref<32x768xf32, #tpu.memory_space<vmem>>
    %dma_start3A_47 = arith.constant 0 : i32
    %dma_start3A_48 = tpu.memref_slice %arg2[%add3A_40, %dma_start3A_47] : memref<2048x768xf32, #tpu.memory_space<hbm>> -> memref<32x768xf32, #tpu.memory_space<hbm>>
    %dma_start3A_49 = tpu.memref_slice %arg7[%dma_start3A_42] : memref<4x!tpu.dma_semaphore, #tpu.memory_space<semaphore_mem>> -> memref<1x!tpu.dma_semaphore, #tpu.memory_space<semaphore_mem>>
    %dma_start3A_50 = tpu.memref_squeeze %dma_start3A_49 : memref<1x!tpu.dma_semaphore, #tpu.memory_space<semaphore_mem>> -> memref<!tpu.dma_semaphore, #tpu.memory_space<semaphore_mem>>
    %dma_start3A_51 = arith.constant 0 : i32
    %dma_start3A_52 = arith.constant 0 : i32
    %dma_start3A_53 = tpu.memref_slice %arg6[%dma_start3A_41, %dma_start3A_51, %dma_start3A_52] : memref<4x32x768xf32, #tpu.memory_space<vmem>> -> memref<1x32x768xf32, #tpu.memory_space<vmem>>
    %dma_start3A_54 = tpu.memref_squeeze %dma_start3A_53 : memref<1x32x768xf32, #tpu.memory_space<vmem>> -> memref<32x768xf32, #tpu.memory_space<vmem>>
    %dma_start3A_55 = arith.constant 0 : i32
    %dma_start3A_56 = tpu.memref_slice %arg2[%add3A_40, %dma_start3A_55] : memref<2048x768xf32, #tpu.memory_space<hbm>> -> memref<32x768xf32, #tpu.memory_space<hbm>>
    tpu.enqueue_dma source(%dma_start3A_56 : memref<32x768xf32, #tpu.memory_space<hbm>>) target(%dma_start3A_54 : memref<32x768xf32, #tpu.memory_space<vmem>>) target_semaphore(%dma_start3A_50 : memref<!tpu.dma_semaphore, #tpu.memory_space<semaphore_mem>>)
    %add3A_57 = arith.constant 96 : i32
    %add3A_58 = arith.addi %mul3A_3, %add3A_57 : i32
    %dma_start3A_59 = arith.constant 3 : i32
    %dma_start3A_60 = arith.constant 3 : i32
    %dma_start3A_61 = arith.constant 0 : i32
    %dma_start3A_62 = arith.constant 0 : i32
    %dma_start3A_63 = tpu.memref_slice %arg6[%dma_start3A_59, %dma_start3A_61, %dma_start3A_62] : memref<4x32x768xf32, #tpu.memory_space<vmem>> -> memref<1x32x768xf32, #tpu.memory_space<vmem>>
    %dma_start3A_64 = tpu.memref_squeeze %dma_start3A_63 : memref<1x32x768xf32, #tpu.memory_space<vmem>> -> memref<32x768xf32, #tpu.memory_space<vmem>>
    %dma_start3A_65 = arith.constant 0 : i32
    %dma_start3A_66 = tpu.memref_slice %arg2[%add3A_58, %dma_start3A_65] : memref<2048x768xf32, #tpu.memory_space<hbm>> -> memref<32x768xf32, #tpu.memory_space<hbm>>
    %dma_start3A_67 = tpu.memref_slice %arg7[%dma_start3A_60] : memref<4x!tpu.dma_semaphore, #tpu.memory_space<semaphore_mem>> -> memref<1x!tpu.dma_semaphore, #tpu.memory_space<semaphore_mem>>
    %dma_start3A_68 = tpu.memref_squeeze %dma_start3A_67 : memref<1x!tpu.dma_semaphore, #tpu.memory_space<semaphore_mem>> -> memref<!tpu.dma_semaphore, #tpu.memory_space<semaphore_mem>>
    %dma_start3A_69 = arith.constant 0 : i32
    %dma_start3A_70 = arith.constant 0 : i32
    %dma_start3A_71 = tpu.memref_slice %arg6[%dma_start3A_59, %dma_start3A_69, %dma_start3A_70] : memref<4x32x768xf32, #tpu.memory_space<vmem>> -> memref<1x32x768xf32, #tpu.memory_space<vmem>>
    %dma_start3A_72 = tpu.memref_squeeze %dma_start3A_71 : memref<1x32x768xf32, #tpu.memory_space<vmem>> -> memref<32x768xf32, #tpu.memory_space<vmem>>
    %dma_start3A_73 = arith.constant 0 : i32
    %dma_start3A_74 = tpu.memref_slice %arg2[%add3A_58, %dma_start3A_73] : memref<2048x768xf32, #tpu.memory_space<hbm>> -> memref<32x768xf32, #tpu.memory_space<hbm>>
    tpu.enqueue_dma source(%dma_start3A_74 : memref<32x768xf32, #tpu.memory_space<hbm>>) target(%dma_start3A_72 : memref<32x768xf32, #tpu.memory_space<vmem>>) target_semaphore(%dma_start3A_68 : memref<!tpu.dma_semaphore, #tpu.memory_space<semaphore_mem>>)
    %dma_wait3A = arith.constant 0 : i32
    %dma_wait3A_75 = arith.constant 0 : i32
    %dma_wait3A_76 = arith.constant 0 : i32
    %dma_wait3A_77 = arith.constant 0 : i32
    %dma_wait3A_78 = tpu.memref_slice %arg6[%dma_wait3A, %dma_wait3A_76, %dma_wait3A_77] : memref<4x32x768xf32, #tpu.memory_space<vmem>> -> memref<1x32x768xf32, #tpu.memory_space<vmem>>
    %dma_wait3A_79 = tpu.memref_squeeze %dma_wait3A_78 : memref<1x32x768xf32, #tpu.memory_space<vmem>> -> memref<32x768xf32, #tpu.memory_space<vmem>>
    %dma_wait3A_80 = arith.constant 0 : i32
    %dma_wait3A_81 = tpu.memref_slice %arg2[%add3A_5, %dma_wait3A_80] : memref<2048x768xf32, #tpu.memory_space<hbm>> -> memref<32x768xf32, #tpu.memory_space<hbm>>
    %dma_wait3A_82 = tpu.memref_slice %arg7[%dma_wait3A_75] : memref<4x!tpu.dma_semaphore, #tpu.memory_space<semaphore_mem>> -> memref<1x!tpu.dma_semaphore, #tpu.memory_space<semaphore_mem>>
    %dma_wait3A_83 = tpu.memref_squeeze %dma_wait3A_82 : memref<1x!tpu.dma_semaphore, #tpu.memory_space<semaphore_mem>> -> memref<!tpu.dma_semaphore, #tpu.memory_space<semaphore_mem>>
    %dma_wait3A_84 = arith.constant 0 : i32
    %dma_wait3A_85 = arith.constant 0 : i32
    %dma_wait3A_86 = tpu.memref_slice %arg6[%dma_wait3A, %dma_wait3A_84, %dma_wait3A_85] : memref<4x32x768xf32, #tpu.memory_space<vmem>> -> memref<1x32x768xf32, #tpu.memory_space<vmem>>
    %dma_wait3A_87 = tpu.memref_squeeze %dma_wait3A_86 : memref<1x32x768xf32, #tpu.memory_space<vmem>> -> memref<32x768xf32, #tpu.memory_space<vmem>>
    %dma_wait3A_88 = arith.constant 0 : i32
    %dma_wait3A_89 = tpu.memref_slice %arg2[%add3A_5, %dma_wait3A_88] : memref<2048x768xf32, #tpu.memory_space<hbm>> -> memref<32x768xf32, #tpu.memory_space<hbm>>
    tpu.wait_dma2 semaphore(%dma_wait3A_83 : memref<!tpu.dma_semaphore, #tpu.memory_space<semaphore_mem>>) src(%dma_wait3A_89 : memref<32x768xf32, #tpu.memory_space<hbm>>) dst(%dma_wait3A_87 : memref<32x768xf32, #tpu.memory_space<vmem>>)
    %dma_start3A_90 = arith.constant 0 : i32
    %dma_start3A_91 = arith.constant 0 : i32
    %dma_start3A_92 = arith.constant 0 : i32
    %dma_start3A_93 = arith.constant 0 : i32
    %dma_start3A_94 = arith.constant 0 : i32
    %dma_start3A_95 = tpu.memref_slice %arg6[%dma_start3A_90, %dma_start3A_93, %dma_start3A_94] : memref<4x32x768xf32, #tpu.memory_space<vmem>> -> memref<1x32x768xf32, #tpu.memory_space<vmem>>
    %dma_start3A_96 = tpu.memref_squeeze %dma_start3A_95 : memref<1x32x768xf32, #tpu.memory_space<vmem>> -> memref<32x768xf32, #tpu.memory_space<vmem>>
    %dma_start3A_97 = arith.constant 0 : i32
    %dma_start3A_98 = tpu.memref_slice %arg5[%dma_start3A_91, %dma_start3A_97] : memref<4x32xi32, #tpu.memory_space<vmem>> -> memref<1x32xi32, #tpu.memory_space<vmem>>
    %dma_start3A_99 = tpu.memref_squeeze %dma_start3A_98 : memref<1x32xi32, #tpu.memory_space<vmem>> -> memref<32xi32, #tpu.memory_space<vmem>>
    %dma_start3A_100 = arith.constant 0 : i32
    %dma_start3A_101 = arith.constant 0 : i32
    %dma_start3A_102 = tpu.memref_slice %arg4[%dma_start3A_100, %dma_start3A_101] : memref<5120x768xf32, #tpu.memory_space<hbm>> -> memref<5120x768xf32, #tpu.memory_space<hbm>>
    %dma_start3A_103 = tpu.memref_slice %arg8[%dma_start3A_92] : memref<4x!tpu.dma_semaphore, #tpu.memory_space<semaphore_mem>> -> memref<1x!tpu.dma_semaphore, #tpu.memory_space<semaphore_mem>>
    %dma_start3A_104 = tpu.memref_squeeze %dma_start3A_103 : memref<1x!tpu.dma_semaphore, #tpu.memory_space<semaphore_mem>> -> memref<!tpu.dma_semaphore, #tpu.memory_space<semaphore_mem>>
    tpu.enqueue_indirect_dma source(%dma_start3A_96 : memref<32x768xf32, #tpu.memory_space<vmem>>) target(%dma_start3A_102 : memref<5120x768xf32, #tpu.memory_space<hbm>>) offsets(%dma_start3A_99 : memref<32xi32, #tpu.memory_space<vmem>>) semaphore(%dma_start3A_104 : memref<!tpu.dma_semaphore, #tpu.memory_space<semaphore_mem>>)
    %dma_wait3A_105 = arith.constant 1 : i32
    %dma_wait3A_106 = arith.constant 1 : i32
    %dma_wait3A_107 = arith.constant 0 : i32
    %dma_wait3A_108 = arith.constant 0 : i32
    %dma_wait3A_109 = tpu.memref_slice %arg6[%dma_wait3A_105, %dma_wait3A_107, %dma_wait3A_108] : memref<4x32x768xf32, #tpu.memory_space<vmem>> -> memref<1x32x768xf32, #tpu.memory_space<vmem>>
    %dma_wait3A_110 = tpu.memref_squeeze %dma_wait3A_109 : memref<1x32x768xf32, #tpu.memory_space<vmem>> -> memref<32x768xf32, #tpu.memory_space<vmem>>
    %dma_wait3A_111 = arith.constant 0 : i32
    %dma_wait3A_112 = tpu.memref_slice %arg2[%add3A_22, %dma_wait3A_111] : memref<2048x768xf32, #tpu.memory_space<hbm>> -> memref<32x768xf32, #tpu.memory_space<hbm>>
    %dma_wait3A_113 = tpu.memref_slice %arg7[%dma_wait3A_106] : memref<4x!tpu.dma_semaphore, #tpu.memory_space<semaphore_mem>> -> memref<1x!tpu.dma_semaphore, #tpu.memory_space<semaphore_mem>>
    %dma_wait3A_114 = tpu.memref_squeeze %dma_wait3A_113 : memref<1x!tpu.dma_semaphore, #tpu.memory_space<semaphore_mem>> -> memref<!tpu.dma_semaphore, #tpu.memory_space<semaphore_mem>>
    %dma_wait3A_115 = arith.constant 0 : i32
    %dma_wait3A_116 = arith.constant 0 : i32
    %dma_wait3A_117 = tpu.memref_slice %arg6[%dma_wait3A_105, %dma_wait3A_115, %dma_wait3A_116] : memref<4x32x768xf32, #tpu.memory_space<vmem>> -> memref<1x32x768xf32, #tpu.memory_space<vmem>>
    %dma_wait3A_118 = tpu.memref_squeeze %dma_wait3A_117 : memref<1x32x768xf32, #tpu.memory_space<vmem>> -> memref<32x768xf32, #tpu.memory_space<vmem>>
    %dma_wait3A_119 = arith.constant 0 : i32
    %dma_wait3A_120 = tpu.memref_slice %arg2[%add3A_22, %dma_wait3A_119] : memref<2048x768xf32, #tpu.memory_space<hbm>> -> memref<32x768xf32, #tpu.memory_space<hbm>>
    tpu.wait_dma2 semaphore(%dma_wait3A_114 : memref<!tpu.dma_semaphore, #tpu.memory_space<semaphore_mem>>) src(%dma_wait3A_120 : memref<32x768xf32, #tpu.memory_space<hbm>>) dst(%dma_wait3A_118 : memref<32x768xf32, #tpu.memory_space<vmem>>)
    %dma_start3A_121 = arith.constant 1 : i32
    %dma_start3A_122 = arith.constant 1 : i32
    %dma_start3A_123 = arith.constant 1 : i32
    %dma_start3A_124 = arith.constant 0 : i32
    %dma_start3A_125 = arith.constant 0 : i32
    %dma_start3A_126 = tpu.memref_slice %arg6[%dma_start3A_121, %dma_start3A_124, %dma_start3A_125] : memref<4x32x768xf32, #tpu.memory_space<vmem>> -> memref<1x32x768xf32, #tpu.memory_space<vmem>>
    %dma_start3A_127 = tpu.memref_squeeze %dma_start3A_126 : memref<1x32x768xf32, #tpu.memory_space<vmem>> -> memref<32x768xf32, #tpu.memory_space<vmem>>
    %dma_start3A_128 = arith.constant 0 : i32
    %dma_start3A_129 = tpu.memref_slice %arg5[%dma_start3A_122, %dma_start3A_128] : memref<4x32xi32, #tpu.memory_space<vmem>> -> memref<1x32xi32, #tpu.memory_space<vmem>>
    %dma_start3A_130 = tpu.memref_squeeze %dma_start3A_129 : memref<1x32xi32, #tpu.memory_space<vmem>> -> memref<32xi32, #tpu.memory_space<vmem>>
    %dma_start3A_131 = arith.constant 0 : i32
    %dma_start3A_132 = arith.constant 0 : i32
    %dma_start3A_133 = tpu.memref_slice %arg4[%dma_start3A_131, %dma_start3A_132] : memref<5120x768xf32, #tpu.memory_space<hbm>> -> memref<5120x768xf32, #tpu.memory_space<hbm>>
    %dma_start3A_134 = tpu.memref_slice %arg8[%dma_start3A_123] : memref<4x!tpu.dma_semaphore, #tpu.memory_space<semaphore_mem>> -> memref<1x!tpu.dma_semaphore, #tpu.memory_space<semaphore_mem>>
    %dma_start3A_135 = tpu.memref_squeeze %dma_start3A_134 : memref<1x!tpu.dma_semaphore, #tpu.memory_space<semaphore_mem>> -> memref<!tpu.dma_semaphore, #tpu.memory_space<semaphore_mem>>
    tpu.enqueue_indirect_dma source(%dma_start3A_127 : memref<32x768xf32, #tpu.memory_space<vmem>>) target(%dma_start3A_133 : memref<5120x768xf32, #tpu.memory_space<hbm>>) offsets(%dma_start3A_130 : memref<32xi32, #tpu.memory_space<vmem>>) semaphore(%dma_start3A_135 : memref<!tpu.dma_semaphore, #tpu.memory_space<semaphore_mem>>)
    %dma_wait3A_136 = arith.constant 2 : i32
    %dma_wait3A_137 = arith.constant 2 : i32
    %dma_wait3A_138 = arith.constant 0 : i32
    %dma_wait3A_139 = arith.constant 0 : i32
    %dma_wait3A_140 = tpu.memref_slice %arg6[%dma_wait3A_136, %dma_wait3A_138, %dma_wait3A_139] : memref<4x32x768xf32, #tpu.memory_space<vmem>> -> memref<1x32x768xf32, #tpu.memory_space<vmem>>
    %dma_wait3A_141 = tpu.memref_squeeze %dma_wait3A_140 : memref<1x32x768xf32, #tpu.memory_space<vmem>> -> memref<32x768xf32, #tpu.memory_space<vmem>>
    %dma_wait3A_142 = arith.constant 0 : i32
    %dma_wait3A_143 = tpu.memref_slice %arg2[%add3A_40, %dma_wait3A_142] : memref<2048x768xf32, #tpu.memory_space<hbm>> -> memref<32x768xf32, #tpu.memory_space<hbm>>
    %dma_wait3A_144 = tpu.memref_slice %arg7[%dma_wait3A_137] : memref<4x!tpu.dma_semaphore, #tpu.memory_space<semaphore_mem>> -> memref<1x!tpu.dma_semaphore, #tpu.memory_space<semaphore_mem>>
    %dma_wait3A_145 = tpu.memref_squeeze %dma_wait3A_144 : memref<1x!tpu.dma_semaphore, #tpu.memory_space<semaphore_mem>> -> memref<!tpu.dma_semaphore, #tpu.memory_space<semaphore_mem>>
    %dma_wait3A_146 = arith.constant 0 : i32
    %dma_wait3A_147 = arith.constant 0 : i32
    %dma_wait3A_148 = tpu.memref_slice %arg6[%dma_wait3A_136, %dma_wait3A_146, %dma_wait3A_147] : memref<4x32x768xf32, #tpu.memory_space<vmem>> -> memref<1x32x768xf32, #tpu.memory_space<vmem>>
    %dma_wait3A_149 = tpu.memref_squeeze %dma_wait3A_148 : memref<1x32x768xf32, #tpu.memory_space<vmem>> -> memref<32x768xf32, #tpu.memory_space<vmem>>
    %dma_wait3A_150 = arith.constant 0 : i32
    %dma_wait3A_151 = tpu.memref_slice %arg2[%add3A_40, %dma_wait3A_150] : memref<2048x768xf32, #tpu.memory_space<hbm>> -> memref<32x768xf32, #tpu.memory_space<hbm>>
    tpu.wait_dma2 semaphore(%dma_wait3A_145 : memref<!tpu.dma_semaphore, #tpu.memory_space<semaphore_mem>>) src(%dma_wait3A_151 : memref<32x768xf32, #tpu.memory_space<hbm>>) dst(%dma_wait3A_149 : memref<32x768xf32, #tpu.memory_space<vmem>>)
    %dma_start3A_152 = arith.constant 2 : i32
    %dma_start3A_153 = arith.constant 2 : i32
    %dma_start3A_154 = arith.constant 2 : i32
    %dma_start3A_155 = arith.constant 0 : i32
    %dma_start3A_156 = arith.constant 0 : i32
    %dma_start3A_157 = tpu.memref_slice %arg6[%dma_start3A_152, %dma_start3A_155, %dma_start3A_156] : memref<4x32x768xf32, #tpu.memory_space<vmem>> -> memref<1x32x768xf32, #tpu.memory_space<vmem>>
    %dma_start3A_158 = tpu.memref_squeeze %dma_start3A_157 : memref<1x32x768xf32, #tpu.memory_space<vmem>> -> memref<32x768xf32, #tpu.memory_space<vmem>>
    %dma_start3A_159 = arith.constant 0 : i32
    %dma_start3A_160 = tpu.memref_slice %arg5[%dma_start3A_153, %dma_start3A_159] : memref<4x32xi32, #tpu.memory_space<vmem>> -> memref<1x32xi32, #tpu.memory_space<vmem>>
    %dma_start3A_161 = tpu.memref_squeeze %dma_start3A_160 : memref<1x32xi32, #tpu.memory_space<vmem>> -> memref<32xi32, #tpu.memory_space<vmem>>
    %dma_start3A_162 = arith.constant 0 : i32
    %dma_start3A_163 = arith.constant 0 : i32
    %dma_start3A_164 = tpu.memref_slice %arg4[%dma_start3A_162, %dma_start3A_163] : memref<5120x768xf32, #tpu.memory_space<hbm>> -> memref<5120x768xf32, #tpu.memory_space<hbm>>
    %dma_start3A_165 = tpu.memref_slice %arg8[%dma_start3A_154] : memref<4x!tpu.dma_semaphore, #tpu.memory_space<semaphore_mem>> -> memref<1x!tpu.dma_semaphore, #tpu.memory_space<semaphore_mem>>
    %dma_start3A_166 = tpu.memref_squeeze %dma_start3A_165 : memref<1x!tpu.dma_semaphore, #tpu.memory_space<semaphore_mem>> -> memref<!tpu.dma_semaphore, #tpu.memory_space<semaphore_mem>>
    tpu.enqueue_indirect_dma source(%dma_start3A_158 : memref<32x768xf32, #tpu.memory_space<vmem>>) target(%dma_start3A_164 : memref<5120x768xf32, #tpu.memory_space<hbm>>) offsets(%dma_start3A_161 : memref<32xi32, #tpu.memory_space<vmem>>) semaphore(%dma_start3A_166 : memref<!tpu.dma_semaphore, #tpu.memory_space<semaphore_mem>>)
    %dma_wait3A_167 = arith.constant 3 : i32
    %dma_wait3A_168 = arith.constant 3 : i32
    %dma_wait3A_169 = arith.constant 0 : i32
    %dma_wait3A_170 = arith.constant 0 : i32
    %dma_wait3A_171 = tpu.memref_slice %arg6[%dma_wait3A_167, %dma_wait3A_169, %dma_wait3A_170] : memref<4x32x768xf32, #tpu.memory_space<vmem>> -> memref<1x32x768xf32, #tpu.memory_space<vmem>>
    %dma_wait3A_172 = tpu.memref_squeeze %dma_wait3A_171 : memref<1x32x768xf32, #tpu.memory_space<vmem>> -> memref<32x768xf32, #tpu.memory_space<vmem>>
    %dma_wait3A_173 = arith.constant 0 : i32
    %dma_wait3A_174 = tpu.memref_slice %arg2[%add3A_58, %dma_wait3A_173] : memref<2048x768xf32, #tpu.memory_space<hbm>> -> memref<32x768xf32, #tpu.memory_space<hbm>>
    %dma_wait3A_175 = tpu.memref_slice %arg7[%dma_wait3A_168] : memref<4x!tpu.dma_semaphore, #tpu.memory_space<semaphore_mem>> -> memref<1x!tpu.dma_semaphore, #tpu.memory_space<semaphore_mem>>
    %dma_wait3A_176 = tpu.memref_squeeze %dma_wait3A_175 : memref<1x!tpu.dma_semaphore, #tpu.memory_space<semaphore_mem>> -> memref<!tpu.dma_semaphore, #tpu.memory_space<semaphore_mem>>
    %dma_wait3A_177 = arith.constant 0 : i32
    %dma_wait3A_178 = arith.constant 0 : i32
    %dma_wait3A_179 = tpu.memref_slice %arg6[%dma_wait3A_167, %dma_wait3A_177, %dma_wait3A_178] : memref<4x32x768xf32, #tpu.memory_space<vmem>> -> memref<1x32x768xf32, #tpu.memory_space<vmem>>
    %dma_wait3A_180 = tpu.memref_squeeze %dma_wait3A_179 : memref<1x32x768xf32, #tpu.memory_space<vmem>> -> memref<32x768xf32, #tpu.memory_space<vmem>>
    %dma_wait3A_181 = arith.constant 0 : i32
    %dma_wait3A_182 = tpu.memref_slice %arg2[%add3A_58, %dma_wait3A_181] : memref<2048x768xf32, #tpu.memory_space<hbm>> -> memref<32x768xf32, #tpu.memory_space<hbm>>
    tpu.wait_dma2 semaphore(%dma_wait3A_176 : memref<!tpu.dma_semaphore, #tpu.memory_space<semaphore_mem>>) src(%dma_wait3A_182 : memref<32x768xf32, #tpu.memory_space<hbm>>) dst(%dma_wait3A_180 : memref<32x768xf32, #tpu.memory_space<vmem>>)
    %dma_start3A_183 = arith.constant 3 : i32
    %dma_start3A_184 = arith.constant 3 : i32
    %dma_start3A_185 = arith.constant 3 : i32
    %dma_start3A_186 = arith.constant 0 : i32
    %dma_start3A_187 = arith.constant 0 : i32
    %dma_start3A_188 = tpu.memref_slice %arg6[%dma_start3A_183, %dma_start3A_186, %dma_start3A_187] : memref<4x32x768xf32, #tpu.memory_space<vmem>> -> memref<1x32x768xf32, #tpu.memory_space<vmem>>
    %dma_start3A_189 = tpu.memref_squeeze %dma_start3A_188 : memref<1x32x768xf32, #tpu.memory_space<vmem>> -> memref<32x768xf32, #tpu.memory_space<vmem>>
    %dma_start3A_190 = arith.constant 0 : i32
    %dma_start3A_191 = tpu.memref_slice %arg5[%dma_start3A_184, %dma_start3A_190] : memref<4x32xi32, #tpu.memory_space<vmem>> -> memref<1x32xi32, #tpu.memory_space<vmem>>
    %dma_start3A_192 = tpu.memref_squeeze %dma_start3A_191 : memref<1x32xi32, #tpu.memory_space<vmem>> -> memref<32xi32, #tpu.memory_space<vmem>>
    %dma_start3A_193 = arith.constant 0 : i32
    %dma_start3A_194 = arith.constant 0 : i32
    %dma_start3A_195 = tpu.memref_slice %arg4[%dma_start3A_193, %dma_start3A_194] : memref<5120x768xf32, #tpu.memory_space<hbm>> -> memref<5120x768xf32, #tpu.memory_space<hbm>>
    %dma_start3A_196 = tpu.memref_slice %arg8[%dma_start3A_185] : memref<4x!tpu.dma_semaphore, #tpu.memory_space<semaphore_mem>> -> memref<1x!tpu.dma_semaphore, #tpu.memory_space<semaphore_mem>>
    %dma_start3A_197 = tpu.memref_squeeze %dma_start3A_196 : memref<1x!tpu.dma_semaphore, #tpu.memory_space<semaphore_mem>> -> memref<!tpu.dma_semaphore, #tpu.memory_space<semaphore_mem>>
    tpu.enqueue_indirect_dma source(%dma_start3A_189 : memref<32x768xf32, #tpu.memory_space<vmem>>) target(%dma_start3A_195 : memref<5120x768xf32, #tpu.memory_space<hbm>>) offsets(%dma_start3A_192 : memref<32xi32, #tpu.memory_space<vmem>>) semaphore(%dma_start3A_197 : memref<!tpu.dma_semaphore, #tpu.memory_space<semaphore_mem>>)
    %dma_wait3A_198 = arith.constant 0 : i32
    %dma_wait3A_199 = arith.constant 0 : i32
    %dma_wait3A_200 = arith.constant 0 : i32
    %dma_wait3A_201 = arith.constant 0 : i32
    %dma_wait3A_202 = arith.constant 0 : i32
    %dma_wait3A_203 = tpu.memref_slice %arg6[%dma_wait3A_198, %dma_wait3A_201, %dma_wait3A_202] : memref<4x32x768xf32, #tpu.memory_space<vmem>> -> memref<1x32x768xf32, #tpu.memory_space<vmem>>
    %dma_wait3A_204 = tpu.memref_squeeze %dma_wait3A_203 : memref<1x32x768xf32, #tpu.memory_space<vmem>> -> memref<32x768xf32, #tpu.memory_space<vmem>>
    %dma_wait3A_205 = arith.constant 0 : i32
    %dma_wait3A_206 = tpu.memref_slice %arg5[%dma_wait3A_199, %dma_wait3A_205] : memref<4x32xi32, #tpu.memory_space<vmem>> -> memref<1x32xi32, #tpu.memory_space<vmem>>
    %dma_wait3A_207 = tpu.memref_squeeze %dma_wait3A_206 : memref<1x32xi32, #tpu.memory_space<vmem>> -> memref<32xi32, #tpu.memory_space<vmem>>
    %dma_wait3A_208 = arith.constant 0 : i32
    %dma_wait3A_209 = arith.constant 0 : i32
    %dma_wait3A_210 = tpu.memref_slice %arg4[%dma_wait3A_208, %dma_wait3A_209] : memref<5120x768xf32, #tpu.memory_space<hbm>> -> memref<5120x768xf32, #tpu.memory_space<hbm>>
    %dma_wait3A_211 = tpu.memref_slice %arg8[%dma_wait3A_200] : memref<4x!tpu.dma_semaphore, #tpu.memory_space<semaphore_mem>> -> memref<1x!tpu.dma_semaphore, #tpu.memory_space<semaphore_mem>>
    %dma_wait3A_212 = tpu.memref_squeeze %dma_wait3A_211 : memref<1x!tpu.dma_semaphore, #tpu.memory_space<semaphore_mem>> -> memref<!tpu.dma_semaphore, #tpu.memory_space<semaphore_mem>>
    tpu.wait_indirect_dma semaphore(%dma_wait3A_212 : memref<!tpu.dma_semaphore, #tpu.memory_space<semaphore_mem>>) src(%dma_wait3A_204 : memref<32x768xf32, #tpu.memory_space<vmem>>) dst(%dma_wait3A_210 : memref<5120x768xf32, #tpu.memory_space<hbm>>)
    %dma_wait3A_213 = arith.constant 1 : i32
    %dma_wait3A_214 = arith.constant 1 : i32
    %dma_wait3A_215 = arith.constant 1 : i32
    %dma_wait3A_216 = arith.constant 0 : i32
    %dma_wait3A_217 = arith.constant 0 : i32
    %dma_wait3A_218 = tpu.memref_slice %arg6[%dma_wait3A_213, %dma_wait3A_216, %dma_wait3A_217] : memref<4x32x768xf32, #tpu.memory_space<vmem>> -> memref<1x32x768xf32, #tpu.memory_space<vmem>>
    %dma_wait3A_219 = tpu.memref_squeeze %dma_wait3A_218 : memref<1x32x768xf32, #tpu.memory_space<vmem>> -> memref<32x768xf32, #tpu.memory_space<vmem>>
    %dma_wait3A_220 = arith.constant 0 : i32
    %dma_wait3A_221 = tpu.memref_slice %arg5[%dma_wait3A_214, %dma_wait3A_220] : memref<4x32xi32, #tpu.memory_space<vmem>> -> memref<1x32xi32, #tpu.memory_space<vmem>>
    %dma_wait3A_222 = tpu.memref_squeeze %dma_wait3A_221 : memref<1x32xi32, #tpu.memory_space<vmem>> -> memref<32xi32, #tpu.memory_space<vmem>>
    %dma_wait3A_223 = arith.constant 0 : i32
    %dma_wait3A_224 = arith.constant 0 : i32
    %dma_wait3A_225 = tpu.memref_slice %arg4[%dma_wait3A_223, %dma_wait3A_224] : memref<5120x768xf32, #tpu.memory_space<hbm>> -> memref<5120x768xf32, #tpu.memory_space<hbm>>
    %dma_wait3A_226 = tpu.memref_slice %arg8[%dma_wait3A_215] : memref<4x!tpu.dma_semaphore, #tpu.memory_space<semaphore_mem>> -> memref<1x!tpu.dma_semaphore, #tpu.memory_space<semaphore_mem>>
    %dma_wait3A_227 = tpu.memref_squeeze %dma_wait3A_226 : memref<1x!tpu.dma_semaphore, #tpu.memory_space<semaphore_mem>> -> memref<!tpu.dma_semaphore, #tpu.memory_space<semaphore_mem>>
    tpu.wait_indirect_dma semaphore(%dma_wait3A_227 : memref<!tpu.dma_semaphore, #tpu.memory_space<semaphore_mem>>) src(%dma_wait3A_219 : memref<32x768xf32, #tpu.memory_space<vmem>>) dst(%dma_wait3A_225 : memref<5120x768xf32, #tpu.memory_space<hbm>>)
    %dma_wait3A_228 = arith.constant 2 : i32
    %dma_wait3A_229 = arith.constant 2 : i32
    %dma_wait3A_230 = arith.constant 2 : i32
    %dma_wait3A_231 = arith.constant 0 : i32
    %dma_wait3A_232 = arith.constant 0 : i32
    %dma_wait3A_233 = tpu.memref_slice %arg6[%dma_wait3A_228, %dma_wait3A_231, %dma_wait3A_232] : memref<4x32x768xf32, #tpu.memory_space<vmem>> -> memref<1x32x768xf32, #tpu.memory_space<vmem>>
    %dma_wait3A_234 = tpu.memref_squeeze %dma_wait3A_233 : memref<1x32x768xf32, #tpu.memory_space<vmem>> -> memref<32x768xf32, #tpu.memory_space<vmem>>
    %dma_wait3A_235 = arith.constant 0 : i32
    %dma_wait3A_236 = tpu.memref_slice %arg5[%dma_wait3A_229, %dma_wait3A_235] : memref<4x32xi32, #tpu.memory_space<vmem>> -> memref<1x32xi32, #tpu.memory_space<vmem>>
    %dma_wait3A_237 = tpu.memref_squeeze %dma_wait3A_236 : memref<1x32xi32, #tpu.memory_space<vmem>> -> memref<32xi32, #tpu.memory_space<vmem>>
    %dma_wait3A_238 = arith.constant 0 : i32
    %dma_wait3A_239 = arith.constant 0 : i32
    %dma_wait3A_240 = tpu.memref_slice %arg4[%dma_wait3A_238, %dma_wait3A_239] : memref<5120x768xf32, #tpu.memory_space<hbm>> -> memref<5120x768xf32, #tpu.memory_space<hbm>>
    %dma_wait3A_241 = tpu.memref_slice %arg8[%dma_wait3A_230] : memref<4x!tpu.dma_semaphore, #tpu.memory_space<semaphore_mem>> -> memref<1x!tpu.dma_semaphore, #tpu.memory_space<semaphore_mem>>
    %dma_wait3A_242 = tpu.memref_squeeze %dma_wait3A_241 : memref<1x!tpu.dma_semaphore, #tpu.memory_space<semaphore_mem>> -> memref<!tpu.dma_semaphore, #tpu.memory_space<semaphore_mem>>
    tpu.wait_indirect_dma semaphore(%dma_wait3A_242 : memref<!tpu.dma_semaphore, #tpu.memory_space<semaphore_mem>>) src(%dma_wait3A_234 : memref<32x768xf32, #tpu.memory_space<vmem>>) dst(%dma_wait3A_240 : memref<5120x768xf32, #tpu.memory_space<hbm>>)
    %dma_wait3A_243 = arith.constant 3 : i32
    %dma_wait3A_244 = arith.constant 3 : i32
    %dma_wait3A_245 = arith.constant 3 : i32
    %dma_wait3A_246 = arith.constant 0 : i32
    %dma_wait3A_247 = arith.constant 0 : i32
    %dma_wait3A_248 = tpu.memref_slice %arg6[%dma_wait3A_243, %dma_wait3A_246, %dma_wait3A_247] : memref<4x32x768xf32, #tpu.memory_space<vmem>> -> memref<1x32x768xf32, #tpu.memory_space<vmem>>
    %dma_wait3A_249 = tpu.memref_squeeze %dma_wait3A_248 : memref<1x32x768xf32, #tpu.memory_space<vmem>> -> memref<32x768xf32, #tpu.memory_space<vmem>>
    %dma_wait3A_250 = arith.constant 0 : i32
    %dma_wait3A_251 = tpu.memref_slice %arg5[%dma_wait3A_244, %dma_wait3A_250] : memref<4x32xi32, #tpu.memory_space<vmem>> -> memref<1x32xi32, #tpu.memory_space<vmem>>
    %dma_wait3A_252 = tpu.memref_squeeze %dma_wait3A_251 : memref<1x32xi32, #tpu.memory_space<vmem>> -> memref<32xi32, #tpu.memory_space<vmem>>
    %dma_wait3A_253 = arith.constant 0 : i32
    %dma_wait3A_254 = arith.constant 0 : i32
    %dma_wait3A_255 = tpu.memref_slice %arg4[%dma_wait3A_253, %dma_wait3A_254] : memref<5120x768xf32, #tpu.memory_space<hbm>> -> memref<5120x768xf32, #tpu.memory_space<hbm>>
    %dma_wait3A_256 = tpu.memref_slice %arg8[%dma_wait3A_245] : memref<4x!tpu.dma_semaphore, #tpu.memory_space<semaphore_mem>> -> memref<1x!tpu.dma_semaphore, #tpu.memory_space<semaphore_mem>>
    %dma_wait3A_257 = tpu.memref_squeeze %dma_wait3A_256 : memref<1x!tpu.dma_semaphore, #tpu.memory_space<semaphore_mem>> -> memref<!tpu.dma_semaphore, #tpu.memory_space<semaphore_mem>>
    tpu.wait_indirect_dma semaphore(%dma_wait3A_257 : memref<!tpu.dma_semaphore, #tpu.memory_space<semaphore_mem>>) src(%dma_wait3A_249 : memref<32x768xf32, #tpu.memory_space<vmem>>) dst(%dma_wait3A_255 : memref<5120x768xf32, #tpu.memory_space<hbm>>)
    return
  }
}

#map = affine_map<(d0, d1) -> (0, 0)>
#map1 = affine_map<(d0, d1) -> (0, 0, 0)>
module attributes {stable_mosaic.version = 14 : i64} {
  func.func @_combine_body(%arg0: i32, %arg1: i32, %arg2: memref<5120x768xf32, #tpu.memory_space<hbm>>, %arg3: memref<32x2x32xi32, #tpu.memory_space<hbm>>, %arg4: memref<32x2x32xi32, #tpu.memory_space<hbm>>, %arg5: memref<2048x768xf32, #tpu.memory_space<hbm>>, %arg6: memref<2x32xi32, #tpu.memory_space<vmem>>, %arg7: memref<2x32xi32, #tpu.memory_space<vmem>>, %arg8: memref<32x768xf32, #tpu.memory_space<vmem>>, %arg9: memref<32x768xf32, #tpu.memory_space<vmem>>, %arg10: memref<!tpu.dma_semaphore, #tpu.memory_space<semaphore_mem>>, %arg11: memref<!tpu.dma_semaphore, #tpu.memory_space<semaphore_mem>>) attributes {dimension_semantics = [#tpu.dimension_semantics<core_parallel>, #tpu.dimension_semantics<subcore_parallel>], iteration_bounds = array<i64: 2, 16>, scalar_prefetch = 0 : i64, scratch_operands = 6 : i64, tpu.core_type = #tpu.core_type<sc_vector_subcore>, window_params = [{transform_indices = #map}, {transform_indices = #map1}, {transform_indices = #map1}, {transform_indices = #map}]} {
    %mul3A = arith.constant 2 : i32
    %mul3A_0 = arith.muli %arg1, %mul3A : i32
    %add3A = arith.addi %mul3A_0, %arg0 : i32
    "tpu.region"() ({
      %run_scoped3A = tpu.sem_alloc : memref<!tpu.dma_semaphore, #tpu.memory_space<semaphore_mem>>
      %dma_start3A_74 = arith.constant 0 : i32
      %dma_start3A_75 = arith.constant 0 : i32
      %dma_start3A_76 = tpu.memref_slice %arg3[%add3A, %dma_start3A_74, %dma_start3A_75] : memref<32x2x32xi32, #tpu.memory_space<hbm>> -> memref<1x2x32xi32, #tpu.memory_space<hbm>>
      %dma_start3A_77 = tpu.memref_squeeze %dma_start3A_76 : memref<1x2x32xi32, #tpu.memory_space<hbm>> -> memref<2x32xi32, #tpu.memory_space<hbm>>
      %dma_start3A_78 = arith.constant 0 : i32
      %dma_start3A_79 = arith.constant 0 : i32
      %dma_start3A_80 = tpu.memref_slice %arg3[%add3A, %dma_start3A_78, %dma_start3A_79] : memref<32x2x32xi32, #tpu.memory_space<hbm>> -> memref<1x2x32xi32, #tpu.memory_space<hbm>>
      %dma_start3A_81 = tpu.memref_squeeze %dma_start3A_80 : memref<1x2x32xi32, #tpu.memory_space<hbm>> -> memref<2x32xi32, #tpu.memory_space<hbm>>
      tpu.enqueue_dma source(%dma_start3A_81 : memref<2x32xi32, #tpu.memory_space<hbm>>) target(%arg6 : memref<2x32xi32, #tpu.memory_space<vmem>>) target_semaphore(%run_scoped3A : memref<!tpu.dma_semaphore, #tpu.memory_space<semaphore_mem>>)
      %dma_wait3A_82 = arith.constant 0 : i32
      %dma_wait3A_83 = arith.constant 0 : i32
      %dma_wait3A_84 = tpu.memref_slice %arg3[%add3A, %dma_wait3A_82, %dma_wait3A_83] : memref<32x2x32xi32, #tpu.memory_space<hbm>> -> memref<1x2x32xi32, #tpu.memory_space<hbm>>
      %dma_wait3A_85 = tpu.memref_squeeze %dma_wait3A_84 : memref<1x2x32xi32, #tpu.memory_space<hbm>> -> memref<2x32xi32, #tpu.memory_space<hbm>>
      %dma_wait3A_86 = arith.constant 0 : i32
      %dma_wait3A_87 = arith.constant 0 : i32
      %dma_wait3A_88 = tpu.memref_slice %arg3[%add3A, %dma_wait3A_86, %dma_wait3A_87] : memref<32x2x32xi32, #tpu.memory_space<hbm>> -> memref<1x2x32xi32, #tpu.memory_space<hbm>>
      %dma_wait3A_89 = tpu.memref_squeeze %dma_wait3A_88 : memref<1x2x32xi32, #tpu.memory_space<hbm>> -> memref<2x32xi32, #tpu.memory_space<hbm>>
      tpu.wait_dma2 semaphore(%run_scoped3A : memref<!tpu.dma_semaphore, #tpu.memory_space<semaphore_mem>>) src(%dma_wait3A_89 : memref<2x32xi32, #tpu.memory_space<hbm>>) dst(%arg6 : memref<2x32xi32, #tpu.memory_space<vmem>>)
      tpu.yield
    }) : () -> ()
    "tpu.region"() ({
      %run_scoped3A = tpu.sem_alloc : memref<!tpu.dma_semaphore, #tpu.memory_space<semaphore_mem>>
      %dma_start3A_74 = arith.constant 0 : i32
      %dma_start3A_75 = arith.constant 0 : i32
      %dma_start3A_76 = tpu.memref_slice %arg4[%add3A, %dma_start3A_74, %dma_start3A_75] : memref<32x2x32xi32, #tpu.memory_space<hbm>> -> memref<1x2x32xi32, #tpu.memory_space<hbm>>
      %dma_start3A_77 = tpu.memref_squeeze %dma_start3A_76 : memref<1x2x32xi32, #tpu.memory_space<hbm>> -> memref<2x32xi32, #tpu.memory_space<hbm>>
      %dma_start3A_78 = arith.constant 0 : i32
      %dma_start3A_79 = arith.constant 0 : i32
      %dma_start3A_80 = tpu.memref_slice %arg4[%add3A, %dma_start3A_78, %dma_start3A_79] : memref<32x2x32xi32, #tpu.memory_space<hbm>> -> memref<1x2x32xi32, #tpu.memory_space<hbm>>
      %dma_start3A_81 = tpu.memref_squeeze %dma_start3A_80 : memref<1x2x32xi32, #tpu.memory_space<hbm>> -> memref<2x32xi32, #tpu.memory_space<hbm>>
      tpu.enqueue_dma source(%dma_start3A_81 : memref<2x32xi32, #tpu.memory_space<hbm>>) target(%arg7 : memref<2x32xi32, #tpu.memory_space<vmem>>) target_semaphore(%run_scoped3A : memref<!tpu.dma_semaphore, #tpu.memory_space<semaphore_mem>>)
      %dma_wait3A_82 = arith.constant 0 : i32
      %dma_wait3A_83 = arith.constant 0 : i32
      %dma_wait3A_84 = tpu.memref_slice %arg4[%add3A, %dma_wait3A_82, %dma_wait3A_83] : memref<32x2x32xi32, #tpu.memory_space<hbm>> -> memref<1x2x32xi32, #tpu.memory_space<hbm>>
      %dma_wait3A_85 = tpu.memref_squeeze %dma_wait3A_84 : memref<1x2x32xi32, #tpu.memory_space<hbm>> -> memref<2x32xi32, #tpu.memory_space<hbm>>
      %dma_wait3A_86 = arith.constant 0 : i32
      %dma_wait3A_87 = arith.constant 0 : i32
      %dma_wait3A_88 = tpu.memref_slice %arg4[%add3A, %dma_wait3A_86, %dma_wait3A_87] : memref<32x2x32xi32, #tpu.memory_space<hbm>> -> memref<1x2x32xi32, #tpu.memory_space<hbm>>
      %dma_wait3A_89 = tpu.memref_squeeze %dma_wait3A_88 : memref<1x2x32xi32, #tpu.memory_space<hbm>> -> memref<2x32xi32, #tpu.memory_space<hbm>>
      tpu.wait_dma2 semaphore(%run_scoped3A : memref<!tpu.dma_semaphore, #tpu.memory_space<semaphore_mem>>) src(%dma_wait3A_89 : memref<2x32xi32, #tpu.memory_space<hbm>>) dst(%arg7 : memref<2x32xi32, #tpu.memory_space<vmem>>)
      tpu.yield
    }) : () -> ()
    %dma_start3A = arith.constant 0 : i32
    %dma_start3A_1 = arith.constant 0 : i32
    %dma_start3A_2 = tpu.memref_slice %arg6[%dma_start3A, %dma_start3A_1] : memref<2x32xi32, #tpu.memory_space<vmem>> -> memref<1x32xi32, #tpu.memory_space<vmem>>
    %dma_start3A_3 = tpu.memref_squeeze %dma_start3A_2 : memref<1x32xi32, #tpu.memory_space<vmem>> -> memref<32xi32, #tpu.memory_space<vmem>>
    %dma_start3A_4 = arith.constant 0 : i32
    %dma_start3A_5 = arith.constant 0 : i32
    %dma_start3A_6 = tpu.memref_slice %arg2[%dma_start3A_4, %dma_start3A_5] : memref<5120x768xf32, #tpu.memory_space<hbm>> -> memref<5120x768xf32, #tpu.memory_space<hbm>>
    tpu.enqueue_indirect_dma source(%dma_start3A_6 : memref<5120x768xf32, #tpu.memory_space<hbm>>) target(%arg8 : memref<32x768xf32, #tpu.memory_space<vmem>>) offsets(%dma_start3A_3 : memref<32xi32, #tpu.memory_space<vmem>>) semaphore(%arg10 : memref<!tpu.dma_semaphore, #tpu.memory_space<semaphore_mem>>)
    %dma_start3A_7 = arith.constant 0 : i32
    %dma_start3A_8 = arith.constant 0 : i32
    %dma_start3A_9 = tpu.memref_slice %arg7[%dma_start3A_7, %dma_start3A_8] : memref<2x32xi32, #tpu.memory_space<vmem>> -> memref<1x32xi32, #tpu.memory_space<vmem>>
    %dma_start3A_10 = tpu.memref_squeeze %dma_start3A_9 : memref<1x32xi32, #tpu.memory_space<vmem>> -> memref<32xi32, #tpu.memory_space<vmem>>
    %dma_start3A_11 = arith.constant 0 : i32
    %dma_start3A_12 = arith.constant 0 : i32
    %dma_start3A_13 = tpu.memref_slice %arg2[%dma_start3A_11, %dma_start3A_12] : memref<5120x768xf32, #tpu.memory_space<hbm>> -> memref<5120x768xf32, #tpu.memory_space<hbm>>
    tpu.enqueue_indirect_dma source(%dma_start3A_13 : memref<5120x768xf32, #tpu.memory_space<hbm>>) target(%arg9 : memref<32x768xf32, #tpu.memory_space<vmem>>) offsets(%dma_start3A_10 : memref<32xi32, #tpu.memory_space<vmem>>) semaphore(%arg11 : memref<!tpu.dma_semaphore, #tpu.memory_space<semaphore_mem>>)
    %dma_wait3A = arith.constant 0 : i32
    %dma_wait3A_14 = arith.constant 0 : i32
    %dma_wait3A_15 = tpu.memref_slice %arg6[%dma_wait3A, %dma_wait3A_14] : memref<2x32xi32, #tpu.memory_space<vmem>> -> memref<1x32xi32, #tpu.memory_space<vmem>>
    %dma_wait3A_16 = tpu.memref_squeeze %dma_wait3A_15 : memref<1x32xi32, #tpu.memory_space<vmem>> -> memref<32xi32, #tpu.memory_space<vmem>>
    %dma_wait3A_17 = arith.constant 0 : i32
    %dma_wait3A_18 = arith.constant 0 : i32
    %dma_wait3A_19 = tpu.memref_slice %arg2[%dma_wait3A_17, %dma_wait3A_18] : memref<5120x768xf32, #tpu.memory_space<hbm>> -> memref<5120x768xf32, #tpu.memory_space<hbm>>
    tpu.wait_indirect_dma semaphore(%arg10 : memref<!tpu.dma_semaphore, #tpu.memory_space<semaphore_mem>>) src(%dma_wait3A_19 : memref<5120x768xf32, #tpu.memory_space<hbm>>) dst(%arg8 : memref<32x768xf32, #tpu.memory_space<vmem>>)
    %dma_wait3A_20 = arith.constant 0 : i32
    %dma_wait3A_21 = arith.constant 0 : i32
    %dma_wait3A_22 = tpu.memref_slice %arg7[%dma_wait3A_20, %dma_wait3A_21] : memref<2x32xi32, #tpu.memory_space<vmem>> -> memref<1x32xi32, #tpu.memory_space<vmem>>
    %dma_wait3A_23 = tpu.memref_squeeze %dma_wait3A_22 : memref<1x32xi32, #tpu.memory_space<vmem>> -> memref<32xi32, #tpu.memory_space<vmem>>
    %dma_wait3A_24 = arith.constant 0 : i32
    %dma_wait3A_25 = arith.constant 0 : i32
    %dma_wait3A_26 = tpu.memref_slice %arg2[%dma_wait3A_24, %dma_wait3A_25] : memref<5120x768xf32, #tpu.memory_space<hbm>> -> memref<5120x768xf32, #tpu.memory_space<hbm>>
    tpu.wait_indirect_dma semaphore(%arg11 : memref<!tpu.dma_semaphore, #tpu.memory_space<semaphore_mem>>) src(%dma_wait3A_26 : memref<5120x768xf32, #tpu.memory_space<hbm>>) dst(%arg9 : memref<32x768xf32, #tpu.memory_space<vmem>>)
    %scan3A = arith.constant 0 : i32
    %scan3A_27 = arith.constant 0 : i32
    %scan3A_28 = arith.constant 32 : i32
    %scan3A_29 = arith.addi %scan3A_27, %scan3A_28 : i32
    %scan3A_30 = arith.constant 1 : i32
    scf.for %scan3A_74 = %scan3A_27 to %scan3A_29 step %scan3A_30  : i32 {
      %get3A = arith.index_cast %scan3A_74 : i32 to index
      %get3A_75 = arith.constant 0 : index
      %get3A_76 = tpu.vector_load %arg8[%get3A, %get3A_75] {strides = array<i32>} : memref<32x768xf32, #tpu.memory_space<vmem>>, vector<1x16xf32>,
      %get3A_77 = vector.shape_cast %get3A_76 : vector<1x16xf32> to vector<16xf32>
      %get3A_78 = arith.index_cast %scan3A_74 : i32 to index
      %get3A_79 = arith.constant 0 : index
      %get3A_80 = tpu.vector_load %arg9[%get3A_78, %get3A_79] {strides = array<i32>} : memref<32x768xf32, #tpu.memory_space<vmem>>, vector<1x16xf32>,
      %get3A_81 = vector.shape_cast %get3A_80 : vector<1x16xf32> to vector<16xf32>
      %add3A_82 = arith.addf %get3A_77, %get3A_81 : vector<16xf32>
      %swap3A = arith.index_cast %scan3A_74 : i32 to index
      %swap3A_83 = arith.constant 0 : index
      %swap3A_84 = tpu.vector_load %arg8[%swap3A, %swap3A_83] {strides = array<i32>} : memref<32x768xf32, #tpu.memory_space<vmem>>, vector<1x16xf32>,
      %swap3A_85 = vector.shape_cast %swap3A_84 : vector<1x16xf32> to vector<16xf32>
      %swap3A_86 = vector.shape_cast %add3A_82 : vector<16xf32> to vector<1x16xf32>
      tpu.vector_store %arg8[%swap3A, %swap3A_83], %swap3A_86 {strides = array<i32>} : memref<32x768xf32, #tpu.memory_space<vmem>>, vector<1x16xf32>,
      %get3A_87 = arith.index_cast %scan3A_74 : i32 to index
      %get3A_88 = arith.constant 16 : index
      %get3A_89 = tpu.vector_load %arg8[%get3A_87, %get3A_88] {strides = array<i32>} : memref<32x768xf32, #tpu.memory_space<vmem>>, vector<1x16xf32>,
      %get3A_90 = vector.shape_cast %get3A_89 : vector<1x16xf32> to vector<16xf32>
      %get3A_91 = arith.index_cast %scan3A_74 : i32 to index
      %get3A_92 = arith.constant 16 : index
      %get3A_93 = tpu.vector_load %arg9[%get3A_91, %get3A_92] {strides = array<i32>} : memref<32x768xf32, #tpu.memory_space<vmem>>, vector<1x16xf32>,
      %get3A_94 = vector.shape_cast %get3A_93 : vector<1x16xf32> to vector<16xf32>
      %add3A_95 = arith.addf %get3A_90, %get3A_94 : vector<16xf32>
      %swap3A_96 = arith.index_cast %scan3A_74 : i32 to index
      %swap3A_97 = arith.constant 16 : index
      %swap3A_98 = tpu.vector_load %arg8[%swap3A_96, %swap3A_97] {strides = array<i32>} : memref<32x768xf32, #tpu.memory_space<vmem>>, vector<1x16xf32>,
      %swap3A_99 = vector.shape_cast %swap3A_98 : vector<1x16xf32> to vector<16xf32>
      %swap3A_100 = vector.shape_cast %add3A_95 : vector<16xf32> to vector<1x16xf32>
      tpu.vector_store %arg8[%swap3A_96, %swap3A_97], %swap3A_100 {strides = array<i32>} : memref<32x768xf32, #tpu.memory_space<vmem>>, vector<1x16xf32>,
      %get3A_101 = arith.index_cast %scan3A_74 : i32 to index
      %get3A_102 = arith.constant 32 : index
      %get3A_103 = tpu.vector_load %arg8[%get3A_101, %get3A_102] {strides = array<i32>} : memref<32x768xf32, #tpu.memory_space<vmem>>, vector<1x16xf32>,
      %get3A_104 = vector.shape_cast %get3A_103 : vector<1x16xf32> to vector<16xf32>
      %get3A_105 = arith.index_cast %scan3A_74 : i32 to index
      %get3A_106 = arith.constant 32 : index
      %get3A_107 = tpu.vector_load %arg9[%get3A_105, %get3A_106] {strides = array<i32>} : memref<32x768xf32, #tpu.memory_space<vmem>>, vector<1x16xf32>,
      %get3A_108 = vector.shape_cast %get3A_107 : vector<1x16xf32> to vector<16xf32>
      %add3A_109 = arith.addf %get3A_104, %get3A_108 : vector<16xf32>
      %swap3A_110 = arith.index_cast %scan3A_74 : i32 to index
      %swap3A_111 = arith.constant 32 : index
      %swap3A_112 = tpu.vector_load %arg8[%swap3A_110, %swap3A_111] {strides = array<i32>} : memref<32x768xf32, #tpu.memory_space<vmem>>, vector<1x16xf32>,
      %swap3A_113 = vector.shape_cast %swap3A_112 : vector<1x16xf32> to vector<16xf32>
      %swap3A_114 = vector.shape_cast %add3A_109 : vector<16xf32> to vector<1x16xf32>
      tpu.vector_store %arg8[%swap3A_110, %swap3A_111], %swap3A_114 {strides = array<i32>} : memref<32x768xf32, #tpu.memory_space<vmem>>, vector<1x16xf32>,
      %get3A_115 = arith.index_cast %scan3A_74 : i32 to index
      %get3A_116 = arith.constant 48 : index
      %get3A_117 = tpu.vector_load %arg8[%get3A_115, %get3A_116] {strides = array<i32>} : memref<32x768xf32, #tpu.memory_space<vmem>>, vector<1x16xf32>,
      %get3A_118 = vector.shape_cast %get3A_117 : vector<1x16xf32> to vector<16xf32>
      %get3A_119 = arith.index_cast %scan3A_74 : i32 to index
      %get3A_120 = arith.constant 48 : index
      %get3A_121 = tpu.vector_load %arg9[%get3A_119, %get3A_120] {strides = array<i32>} : memref<32x768xf32, #tpu.memory_space<vmem>>, vector<1x16xf32>,
      %get3A_122 = vector.shape_cast %get3A_121 : vector<1x16xf32> to vector<16xf32>
      %add3A_123 = arith.addf %get3A_118, %get3A_122 : vector<16xf32>
      %swap3A_124 = arith.index_cast %scan3A_74 : i32 to index
      %swap3A_125 = arith.constant 48 : index
      %swap3A_126 = tpu.vector_load %arg8[%swap3A_124, %swap3A_125] {strides = array<i32>} : memref<32x768xf32, #tpu.memory_space<vmem>>, vector<1x16xf32>,
      %swap3A_127 = vector.shape_cast %swap3A_126 : vector<1x16xf32> to vector<16xf32>
      %swap3A_128 = vector.shape_cast %add3A_123 : vector<16xf32> to vector<1x16xf32>
      tpu.vector_store %arg8[%swap3A_124, %swap3A_125], %swap3A_128 {strides = array<i32>} : memref<32x768xf32, #tpu.memory_space<vmem>>, vector<1x16xf32>,
      %get3A_129 = arith.index_cast %scan3A_74 : i32 to index
      %get3A_130 = arith.constant 64 : index
      %get3A_131 = tpu.vector_load %arg8[%get3A_129, %get3A_130] {strides = array<i32>} : memref<32x768xf32, #tpu.memory_space<vmem>>, vector<1x16xf32>,
      %get3A_132 = vector.shape_cast %get3A_131 : vector<1x16xf32> to vector<16xf32>
      %get3A_133 = arith.index_cast %scan3A_74 : i32 to index
      %get3A_134 = arith.constant 64 : index
      %get3A_135 = tpu.vector_load %arg9[%get3A_133, %get3A_134] {strides = array<i32>} : memref<32x768xf32, #tpu.memory_space<vmem>>, vector<1x16xf32>,
      %get3A_136 = vector.shape_cast %get3A_135 : vector<1x16xf32> to vector<16xf32>
      %add3A_137 = arith.addf %get3A_132, %get3A_136 : vector<16xf32>
      %swap3A_138 = arith.index_cast %scan3A_74 : i32 to index
      %swap3A_139 = arith.constant 64 : index
      %swap3A_140 = tpu.vector_load %arg8[%swap3A_138, %swap3A_139] {strides = array<i32>} : memref<32x768xf32, #tpu.memory_space<vmem>>, vector<1x16xf32>,
      %swap3A_141 = vector.shape_cast %swap3A_140 : vector<1x16xf32> to vector<16xf32>
      %swap3A_142 = vector.shape_cast %add3A_137 : vector<16xf32> to vector<1x16xf32>
      tpu.vector_store %arg8[%swap3A_138, %swap3A_139], %swap3A_142 {strides = array<i32>} : memref<32x768xf32, #tpu.memory_space<vmem>>, vector<1x16xf32>,
      %get3A_143 = arith.index_cast %scan3A_74 : i32 to index
      %get3A_144 = arith.constant 80 : index
      %get3A_145 = tpu.vector_load %arg8[%get3A_143, %get3A_144] {strides = array<i32>} : memref<32x768xf32, #tpu.memory_space<vmem>>, vector<1x16xf32>,
      %get3A_146 = vector.shape_cast %get3A_145 : vector<1x16xf32> to vector<16xf32>
      %get3A_147 = arith.index_cast %scan3A_74 : i32 to index
      %get3A_148 = arith.constant 80 : index
      %get3A_149 = tpu.vector_load %arg9[%get3A_147, %get3A_148] {strides = array<i32>} : memref<32x768xf32, #tpu.memory_space<vmem>>, vector<1x16xf32>,
      %get3A_150 = vector.shape_cast %get3A_149 : vector<1x16xf32> to vector<16xf32>
      %add3A_151 = arith.addf %get3A_146, %get3A_150 : vector<16xf32>
      %swap3A_152 = arith.index_cast %scan3A_74 : i32 to index
      %swap3A_153 = arith.constant 80 : index
      %swap3A_154 = tpu.vector_load %arg8[%swap3A_152, %swap3A_153] {strides = array<i32>} : memref<32x768xf32, #tpu.memory_space<vmem>>, vector<1x16xf32>,
      %swap3A_155 = vector.shape_cast %swap3A_154 : vector<1x16xf32> to vector<16xf32>
      %swap3A_156 = vector.shape_cast %add3A_151 : vector<16xf32> to vector<1x16xf32>
      tpu.vector_store %arg8[%swap3A_152, %swap3A_153], %swap3A_156 {strides = array<i32>} : memref<32x768xf32, #tpu.memory_space<vmem>>, vector<1x16xf32>,
      %get3A_157 = arith.index_cast %scan3A_74 : i32 to index
      %get3A_158 = arith.constant 96 : index
      %get3A_159 = tpu.vector_load %arg8[%get3A_157, %get3A_158] {strides = array<i32>} : memref<32x768xf32, #tpu.memory_space<vmem>>, vector<1x16xf32>,
      %get3A_160 = vector.shape_cast %get3A_159 : vector<1x16xf32> to vector<16xf32>
      %get3A_161 = arith.index_cast %scan3A_74 : i32 to index
      %get3A_162 = arith.constant 96 : index
      %get3A_163 = tpu.vector_load %arg9[%get3A_161, %get3A_162] {strides = array<i32>} : memref<32x768xf32, #tpu.memory_space<vmem>>, vector<1x16xf32>,
      %get3A_164 = vector.shape_cast %get3A_163 : vector<1x16xf32> to vector<16xf32>
      %add3A_165 = arith.addf %get3A_160, %get3A_164 : vector<16xf32>
      %swap3A_166 = arith.index_cast %scan3A_74 : i32 to index
      %swap3A_167 = arith.constant 96 : index
      %swap3A_168 = tpu.vector_load %arg8[%swap3A_166, %swap3A_167] {strides = array<i32>} : memref<32x768xf32, #tpu.memory_space<vmem>>, vector<1x16xf32>,
      %swap3A_169 = vector.shape_cast %swap3A_168 : vector<1x16xf32> to vector<16xf32>
      %swap3A_170 = vector.shape_cast %add3A_165 : vector<16xf32> to vector<1x16xf32>
      tpu.vector_store %arg8[%swap3A_166, %swap3A_167], %swap3A_170 {strides = array<i32>} : memref<32x768xf32, #tpu.memory_space<vmem>>, vector<1x16xf32>,
      %get3A_171 = arith.index_cast %scan3A_74 : i32 to index
      %get3A_172 = arith.constant 112 : index
      %get3A_173 = tpu.vector_load %arg8[%get3A_171, %get3A_172] {strides = array<i32>} : memref<32x768xf32, #tpu.memory_space<vmem>>, vector<1x16xf32>,
      %get3A_174 = vector.shape_cast %get3A_173 : vector<1x16xf32> to vector<16xf32>
      %get3A_175 = arith.index_cast %scan3A_74 : i32 to index
      %get3A_176 = arith.constant 112 : index
      %get3A_177 = tpu.vector_load %arg9[%get3A_175, %get3A_176] {strides = array<i32>} : memref<32x768xf32, #tpu.memory_space<vmem>>, vector<1x16xf32>,
      %get3A_178 = vector.shape_cast %get3A_177 : vector<1x16xf32> to vector<16xf32>
      %add3A_179 = arith.addf %get3A_174, %get3A_178 : vector<16xf32>
      %swap3A_180 = arith.index_cast %scan3A_74 : i32 to index
      %swap3A_181 = arith.constant 112 : index
      %swap3A_182 = tpu.vector_load %arg8[%swap3A_180, %swap3A_181] {strides = array<i32>} : memref<32x768xf32, #tpu.memory_space<vmem>>, vector<1x16xf32>,
      %swap3A_183 = vector.shape_cast %swap3A_182 : vector<1x16xf32> to vector<16xf32>
      %swap3A_184 = vector.shape_cast %add3A_179 : vector<16xf32> to vector<1x16xf32>
      tpu.vector_store %arg8[%swap3A_180, %swap3A_181], %swap3A_184 {strides = array<i32>} : memref<32x768xf32, #tpu.memory_space<vmem>>, vector<1x16xf32>,
      %get3A_185 = arith.index_cast %scan3A_74 : i32 to index
      %get3A_186 = arith.constant 128 : index
      %get3A_187 = tpu.vector_load %arg8[%get3A_185, %get3A_186] {strides = array<i32>} : memref<32x768xf32, #tpu.memory_space<vmem>>, vector<1x16xf32>,
      %get3A_188 = vector.shape_cast %get3A_187 : vector<1x16xf32> to vector<16xf32>
      %get3A_189 = arith.index_cast %scan3A_74 : i32 to index
      %get3A_190 = arith.constant 128 : index
      %get3A_191 = tpu.vector_load %arg9[%get3A_189, %get3A_190] {strides = array<i32>} : memref<32x768xf32, #tpu.memory_space<vmem>>, vector<1x16xf32>,
      %get3A_192 = vector.shape_cast %get3A_191 : vector<1x16xf32> to vector<16xf32>
      %add3A_193 = arith.addf %get3A_188, %get3A_192 : vector<16xf32>
      %swap3A_194 = arith.index_cast %scan3A_74 : i32 to index
      %swap3A_195 = arith.constant 128 : index
      %swap3A_196 = tpu.vector_load %arg8[%swap3A_194, %swap3A_195] {strides = array<i32>} : memref<32x768xf32, #tpu.memory_space<vmem>>, vector<1x16xf32>,
      %swap3A_197 = vector.shape_cast %swap3A_196 : vector<1x16xf32> to vector<16xf32>
      %swap3A_198 = vector.shape_cast %add3A_193 : vector<16xf32> to vector<1x16xf32>
      tpu.vector_store %arg8[%swap3A_194, %swap3A_195], %swap3A_198 {strides = array<i32>} : memref<32x768xf32, #tpu.memory_space<vmem>>, vector<1x16xf32>,
      %get3A_199 = arith.index_cast %scan3A_74 : i32 to index
      %get3A_200 = arith.constant 144 : index
      %get3A_201 = tpu.vector_load %arg8[%get3A_199, %get3A_200] {strides = array<i32>} : memref<32x768xf32, #tpu.memory_space<vmem>>, vector<1x16xf32>,
      %get3A_202 = vector.shape_cast %get3A_201 : vector<1x16xf32> to vector<16xf32>
      %get3A_203 = arith.index_cast %scan3A_74 : i32 to index
      %get3A_204 = arith.constant 144 : index
      %get3A_205 = tpu.vector_load %arg9[%get3A_203, %get3A_204] {strides = array<i32>} : memref<32x768xf32, #tpu.memory_space<vmem>>, vector<1x16xf32>,
      %get3A_206 = vector.shape_cast %get3A_205 : vector<1x16xf32> to vector<16xf32>
      %add3A_207 = arith.addf %get3A_202, %get3A_206 : vector<16xf32>
      %swap3A_208 = arith.index_cast %scan3A_74 : i32 to index
      %swap3A_209 = arith.constant 144 : index
      %swap3A_210 = tpu.vector_load %arg8[%swap3A_208, %swap3A_209] {strides = array<i32>} : memref<32x768xf32, #tpu.memory_space<vmem>>, vector<1x16xf32>,
      %swap3A_211 = vector.shape_cast %swap3A_210 : vector<1x16xf32> to vector<16xf32>
      %swap3A_212 = vector.shape_cast %add3A_207 : vector<16xf32> to vector<1x16xf32>
      tpu.vector_store %arg8[%swap3A_208, %swap3A_209], %swap3A_212 {strides = array<i32>} : memref<32x768xf32, #tpu.memory_space<vmem>>, vector<1x16xf32>,
      %get3A_213 = arith.index_cast %scan3A_74 : i32 to index
      %get3A_214 = arith.constant 160 : index
      %get3A_215 = tpu.vector_load %arg8[%get3A_213, %get3A_214] {strides = array<i32>} : memref<32x768xf32, #tpu.memory_space<vmem>>, vector<1x16xf32>,
      %get3A_216 = vector.shape_cast %get3A_215 : vector<1x16xf32> to vector<16xf32>
      %get3A_217 = arith.index_cast %scan3A_74 : i32 to index
      %get3A_218 = arith.constant 160 : index
      %get3A_219 = tpu.vector_load %arg9[%get3A_217, %get3A_218] {strides = array<i32>} : memref<32x768xf32, #tpu.memory_space<vmem>>, vector<1x16xf32>,
      %get3A_220 = vector.shape_cast %get3A_219 : vector<1x16xf32> to vector<16xf32>
      %add3A_221 = arith.addf %get3A_216, %get3A_220 : vector<16xf32>
      %swap3A_222 = arith.index_cast %scan3A_74 : i32 to index
      %swap3A_223 = arith.constant 160 : index
      %swap3A_224 = tpu.vector_load %arg8[%swap3A_222, %swap3A_223] {strides = array<i32>} : memref<32x768xf32, #tpu.memory_space<vmem>>, vector<1x16xf32>,
      %swap3A_225 = vector.shape_cast %swap3A_224 : vector<1x16xf32> to vector<16xf32>
      %swap3A_226 = vector.shape_cast %add3A_221 : vector<16xf32> to vector<1x16xf32>
      tpu.vector_store %arg8[%swap3A_222, %swap3A_223], %swap3A_226 {strides = array<i32>} : memref<32x768xf32, #tpu.memory_space<vmem>>, vector<1x16xf32>,
      %get3A_227 = arith.index_cast %scan3A_74 : i32 to index
      %get3A_228 = arith.constant 176 : index
      %get3A_229 = tpu.vector_load %arg8[%get3A_227, %get3A_228] {strides = array<i32>} : memref<32x768xf32, #tpu.memory_space<vmem>>, vector<1x16xf32>,
      %get3A_230 = vector.shape_cast %get3A_229 : vector<1x16xf32> to vector<16xf32>
      %get3A_231 = arith.index_cast %scan3A_74 : i32 to index
      %get3A_232 = arith.constant 176 : index
      %get3A_233 = tpu.vector_load %arg9[%get3A_231, %get3A_232] {strides = array<i32>} : memref<32x768xf32, #tpu.memory_space<vmem>>, vector<1x16xf32>,
      %get3A_234 = vector.shape_cast %get3A_233 : vector<1x16xf32> to vector<16xf32>
      %add3A_235 = arith.addf %get3A_230, %get3A_234 : vector<16xf32>
      %swap3A_236 = arith.index_cast %scan3A_74 : i32 to index
      %swap3A_237 = arith.constant 176 : index
      %swap3A_238 = tpu.vector_load %arg8[%swap3A_236, %swap3A_237] {strides = array<i32>} : memref<32x768xf32, #tpu.memory_space<vmem>>, vector<1x16xf32>,
      %swap3A_239 = vector.shape_cast %swap3A_238 : vector<1x16xf32> to vector<16xf32>
      %swap3A_240 = vector.shape_cast %add3A_235 : vector<16xf32> to vector<1x16xf32>
      tpu.vector_store %arg8[%swap3A_236, %swap3A_237], %swap3A_240 {strides = array<i32>} : memref<32x768xf32, #tpu.memory_space<vmem>>, vector<1x16xf32>,
      %get3A_241 = arith.index_cast %scan3A_74 : i32 to index
      %get3A_242 = arith.constant 192 : index
      %get3A_243 = tpu.vector_load %arg8[%get3A_241, %get3A_242] {strides = array<i32>} : memref<32x768xf32, #tpu.memory_space<vmem>>, vector<1x16xf32>,
      %get3A_244 = vector.shape_cast %get3A_243 : vector<1x16xf32> to vector<16xf32>
      %get3A_245 = arith.index_cast %scan3A_74 : i32 to index
      %get3A_246 = arith.constant 192 : index
      %get3A_247 = tpu.vector_load %arg9[%get3A_245, %get3A_246] {strides = array<i32>} : memref<32x768xf32, #tpu.memory_space<vmem>>, vector<1x16xf32>,
      %get3A_248 = vector.shape_cast %get3A_247 : vector<1x16xf32> to vector<16xf32>
      %add3A_249 = arith.addf %get3A_244, %get3A_248 : vector<16xf32>
      %swap3A_250 = arith.index_cast %scan3A_74 : i32 to index
      %swap3A_251 = arith.constant 192 : index
      %swap3A_252 = tpu.vector_load %arg8[%swap3A_250, %swap3A_251] {strides = array<i32>} : memref<32x768xf32, #tpu.memory_space<vmem>>, vector<1x16xf32>,
      %swap3A_253 = vector.shape_cast %swap3A_252 : vector<1x16xf32> to vector<16xf32>
      %swap3A_254 = vector.shape_cast %add3A_249 : vector<16xf32> to vector<1x16xf32>
      tpu.vector_store %arg8[%swap3A_250, %swap3A_251], %swap3A_254 {strides = array<i32>} : memref<32x768xf32, #tpu.memory_space<vmem>>, vector<1x16xf32>,
      %get3A_255 = arith.index_cast %scan3A_74 : i32 to index
      %get3A_256 = arith.constant 208 : index
      %get3A_257 = tpu.vector_load %arg8[%get3A_255, %get3A_256] {strides = array<i32>} : memref<32x768xf32, #tpu.memory_space<vmem>>, vector<1x16xf32>,
      %get3A_258 = vector.shape_cast %get3A_257 : vector<1x16xf32> to vector<16xf32>
      %get3A_259 = arith.index_cast %scan3A_74 : i32 to index
      %get3A_260 = arith.constant 208 : index
      %get3A_261 = tpu.vector_load %arg9[%get3A_259, %get3A_260] {strides = array<i32>} : memref<32x768xf32, #tpu.memory_space<vmem>>, vector<1x16xf32>,
      %get3A_262 = vector.shape_cast %get3A_261 : vector<1x16xf32> to vector<16xf32>
      %add3A_263 = arith.addf %get3A_258, %get3A_262 : vector<16xf32>
      %swap3A_264 = arith.index_cast %scan3A_74 : i32 to index
      %swap3A_265 = arith.constant 208 : index
      %swap3A_266 = tpu.vector_load %arg8[%swap3A_264, %swap3A_265] {strides = array<i32>} : memref<32x768xf32, #tpu.memory_space<vmem>>, vector<1x16xf32>,
      %swap3A_267 = vector.shape_cast %swap3A_266 : vector<1x16xf32> to vector<16xf32>
      %swap3A_268 = vector.shape_cast %add3A_263 : vector<16xf32> to vector<1x16xf32>
      tpu.vector_store %arg8[%swap3A_264, %swap3A_265], %swap3A_268 {strides = array<i32>} : memref<32x768xf32, #tpu.memory_space<vmem>>, vector<1x16xf32>,
      %get3A_269 = arith.index_cast %scan3A_74 : i32 to index
      %get3A_270 = arith.constant 224 : index
      %get3A_271 = tpu.vector_load %arg8[%get3A_269, %get3A_270] {strides = array<i32>} : memref<32x768xf32, #tpu.memory_space<vmem>>, vector<1x16xf32>,
      %get3A_272 = vector.shape_cast %get3A_271 : vector<1x16xf32> to vector<16xf32>
      %get3A_273 = arith.index_cast %scan3A_74 : i32 to index
      %get3A_274 = arith.constant 224 : index
      %get3A_275 = tpu.vector_load %arg9[%get3A_273, %get3A_274] {strides = array<i32>} : memref<32x768xf32, #tpu.memory_space<vmem>>, vector<1x16xf32>,
      %get3A_276 = vector.shape_cast %get3A_275 : vector<1x16xf32> to vector<16xf32>
      %add3A_277 = arith.addf %get3A_272, %get3A_276 : vector<16xf32>
      %swap3A_278 = arith.index_cast %scan3A_74 : i32 to index
      %swap3A_279 = arith.constant 224 : index
      %swap3A_280 = tpu.vector_load %arg8[%swap3A_278, %swap3A_279] {strides = array<i32>} : memref<32x768xf32, #tpu.memory_space<vmem>>, vector<1x16xf32>,
      %swap3A_281 = vector.shape_cast %swap3A_280 : vector<1x16xf32> to vector<16xf32>
      %swap3A_282 = vector.shape_cast %add3A_277 : vector<16xf32> to vector<1x16xf32>
      tpu.vector_store %arg8[%swap3A_278, %swap3A_279], %swap3A_282 {strides = array<i32>} : memref<32x768xf32, #tpu.memory_space<vmem>>, vector<1x16xf32>,
      %get3A_283 = arith.index_cast %scan3A_74 : i32 to index
      %get3A_284 = arith.constant 240 : index
      %get3A_285 = tpu.vector_load %arg8[%get3A_283, %get3A_284] {strides = array<i32>} : memref<32x768xf32, #tpu.memory_space<vmem>>, vector<1x16xf32>,
      %get3A_286 = vector.shape_cast %get3A_285 : vector<1x16xf32> to vector<16xf32>
      %get3A_287 = arith.index_cast %scan3A_74 : i32 to index
      %get3A_288 = arith.constant 240 : index
      %get3A_289 = tpu.vector_load %arg9[%get3A_287, %get3A_288] {strides = array<i32>} : memref<32x768xf32, #tpu.memory_space<vmem>>, vector<1x16xf32>,
      %get3A_290 = vector.shape_cast %get3A_289 : vector<1x16xf32> to vector<16xf32>
      %add3A_291 = arith.addf %get3A_286, %get3A_290 : vector<16xf32>
      %swap3A_292 = arith.index_cast %scan3A_74 : i32 to index
      %swap3A_293 = arith.constant 240 : index
      %swap3A_294 = tpu.vector_load %arg8[%swap3A_292, %swap3A_293] {strides = array<i32>} : memref<32x768xf32, #tpu.memory_space<vmem>>, vector<1x16xf32>,
      %swap3A_295 = vector.shape_cast %swap3A_294 : vector<1x16xf32> to vector<16xf32>
      %swap3A_296 = vector.shape_cast %add3A_291 : vector<16xf32> to vector<1x16xf32>
      tpu.vector_store %arg8[%swap3A_292, %swap3A_293], %swap3A_296 {strides = array<i32>} : memref<32x768xf32, #tpu.memory_space<vmem>>, vector<1x16xf32>,
      %get3A_297 = arith.index_cast %scan3A_74 : i32 to index
      %get3A_298 = arith.constant 256 : index
      %get3A_299 = tpu.vector_load %arg8[%get3A_297, %get3A_298] {strides = array<i32>} : memref<32x768xf32, #tpu.memory_space<vmem>>, vector<1x16xf32>,
      %get3A_300 = vector.shape_cast %get3A_299 : vector<1x16xf32> to vector<16xf32>
      %get3A_301 = arith.index_cast %scan3A_74 : i32 to index
      %get3A_302 = arith.constant 256 : index
      %get3A_303 = tpu.vector_load %arg9[%get3A_301, %get3A_302] {strides = array<i32>} : memref<32x768xf32, #tpu.memory_space<vmem>>, vector<1x16xf32>,
      %get3A_304 = vector.shape_cast %get3A_303 : vector<1x16xf32> to vector<16xf32>
      %add3A_305 = arith.addf %get3A_300, %get3A_304 : vector<16xf32>
      %swap3A_306 = arith.index_cast %scan3A_74 : i32 to index
      %swap3A_307 = arith.constant 256 : index
      %swap3A_308 = tpu.vector_load %arg8[%swap3A_306, %swap3A_307] {strides = array<i32>} : memref<32x768xf32, #tpu.memory_space<vmem>>, vector<1x16xf32>,
      %swap3A_309 = vector.shape_cast %swap3A_308 : vector<1x16xf32> to vector<16xf32>
      %swap3A_310 = vector.shape_cast %add3A_305 : vector<16xf32> to vector<1x16xf32>
      tpu.vector_store %arg8[%swap3A_306, %swap3A_307], %swap3A_310 {strides = array<i32>} : memref<32x768xf32, #tpu.memory_space<vmem>>, vector<1x16xf32>,
      %get3A_311 = arith.index_cast %scan3A_74 : i32 to index
      %get3A_312 = arith.constant 272 : index
      %get3A_313 = tpu.vector_load %arg8[%get3A_311, %get3A_312] {strides = array<i32>} : memref<32x768xf32, #tpu.memory_space<vmem>>, vector<1x16xf32>,
      %get3A_314 = vector.shape_cast %get3A_313 : vector<1x16xf32> to vector<16xf32>
      %get3A_315 = arith.index_cast %scan3A_74 : i32 to index
      %get3A_316 = arith.constant 272 : index
      %get3A_317 = tpu.vector_load %arg9[%get3A_315, %get3A_316] {strides = array<i32>} : memref<32x768xf32, #tpu.memory_space<vmem>>, vector<1x16xf32>,
      %get3A_318 = vector.shape_cast %get3A_317 : vector<1x16xf32> to vector<16xf32>
      %add3A_319 = arith.addf %get3A_314, %get3A_318 : vector<16xf32>
      %swap3A_320 = arith.index_cast %scan3A_74 : i32 to index
      %swap3A_321 = arith.constant 272 : index
      %swap3A_322 = tpu.vector_load %arg8[%swap3A_320, %swap3A_321] {strides = array<i32>} : memref<32x768xf32, #tpu.memory_space<vmem>>, vector<1x16xf32>,
      %swap3A_323 = vector.shape_cast %swap3A_322 : vector<1x16xf32> to vector<16xf32>
      %swap3A_324 = vector.shape_cast %add3A_319 : vector<16xf32> to vector<1x16xf32>
      tpu.vector_store %arg8[%swap3A_320, %swap3A_321], %swap3A_324 {strides = array<i32>} : memref<32x768xf32, #tpu.memory_space<vmem>>, vector<1x16xf32>,
      %get3A_325 = arith.index_cast %scan3A_74 : i32 to index
      %get3A_326 = arith.constant 288 : index
      %get3A_327 = tpu.vector_load %arg8[%get3A_325, %get3A_326] {strides = array<i32>} : memref<32x768xf32, #tpu.memory_space<vmem>>, vector<1x16xf32>,
      %get3A_328 = vector.shape_cast %get3A_327 : vector<1x16xf32> to vector<16xf32>
      %get3A_329 = arith.index_cast %scan3A_74 : i32 to index
      %get3A_330 = arith.constant 288 : index
      %get3A_331 = tpu.vector_load %arg9[%get3A_329, %get3A_330] {strides = array<i32>} : memref<32x768xf32, #tpu.memory_space<vmem>>, vector<1x16xf32>,
      %get3A_332 = vector.shape_cast %get3A_331 : vector<1x16xf32> to vector<16xf32>
      %add3A_333 = arith.addf %get3A_328, %get3A_332 : vector<16xf32>
      %swap3A_334 = arith.index_cast %scan3A_74 : i32 to index
      %swap3A_335 = arith.constant 288 : index
      %swap3A_336 = tpu.vector_load %arg8[%swap3A_334, %swap3A_335] {strides = array<i32>} : memref<32x768xf32, #tpu.memory_space<vmem>>, vector<1x16xf32>,
      %swap3A_337 = vector.shape_cast %swap3A_336 : vector<1x16xf32> to vector<16xf32>
      %swap3A_338 = vector.shape_cast %add3A_333 : vector<16xf32> to vector<1x16xf32>
      tpu.vector_store %arg8[%swap3A_334, %swap3A_335], %swap3A_338 {strides = array<i32>} : memref<32x768xf32, #tpu.memory_space<vmem>>, vector<1x16xf32>,
      %get3A_339 = arith.index_cast %scan3A_74 : i32 to index
      %get3A_340 = arith.constant 304 : index
      %get3A_341 = tpu.vector_load %arg8[%get3A_339, %get3A_340] {strides = array<i32>} : memref<32x768xf32, #tpu.memory_space<vmem>>, vector<1x16xf32>,
      %get3A_342 = vector.shape_cast %get3A_341 : vector<1x16xf32> to vector<16xf32>
      %get3A_343 = arith.index_cast %scan3A_74 : i32 to index
      %get3A_344 = arith.constant 304 : index
      %get3A_345 = tpu.vector_load %arg9[%get3A_343, %get3A_344] {strides = array<i32>} : memref<32x768xf32, #tpu.memory_space<vmem>>, vector<1x16xf32>,
      %get3A_346 = vector.shape_cast %get3A_345 : vector<1x16xf32> to vector<16xf32>
      %add3A_347 = arith.addf %get3A_342, %get3A_346 : vector<16xf32>
      %swap3A_348 = arith.index_cast %scan3A_74 : i32 to index
      %swap3A_349 = arith.constant 304 : index
      %swap3A_350 = tpu.vector_load %arg8[%swap3A_348, %swap3A_349] {strides = array<i32>} : memref<32x768xf32, #tpu.memory_space<vmem>>, vector<1x16xf32>,
      %swap3A_351 = vector.shape_cast %swap3A_350 : vector<1x16xf32> to vector<16xf32>
      %swap3A_352 = vector.shape_cast %add3A_347 : vector<16xf32> to vector<1x16xf32>
      tpu.vector_store %arg8[%swap3A_348, %swap3A_349], %swap3A_352 {strides = array<i32>} : memref<32x768xf32, #tpu.memory_space<vmem>>, vector<1x16xf32>,
      %get3A_353 = arith.index_cast %scan3A_74 : i32 to index
      %get3A_354 = arith.constant 320 : index
      %get3A_355 = tpu.vector_load %arg8[%get3A_353, %get3A_354] {strides = array<i32>} : memref<32x768xf32, #tpu.memory_space<vmem>>, vector<1x16xf32>,
      %get3A_356 = vector.shape_cast %get3A_355 : vector<1x16xf32> to vector<16xf32>
      %get3A_357 = arith.index_cast %scan3A_74 : i32 to index
      %get3A_358 = arith.constant 320 : index
      %get3A_359 = tpu.vector_load %arg9[%get3A_357, %get3A_358] {strides = array<i32>} : memref<32x768xf32, #tpu.memory_space<vmem>>, vector<1x16xf32>,
      %get3A_360 = vector.shape_cast %get3A_359 : vector<1x16xf32> to vector<16xf32>
      %add3A_361 = arith.addf %get3A_356, %get3A_360 : vector<16xf32>
      %swap3A_362 = arith.index_cast %scan3A_74 : i32 to index
      %swap3A_363 = arith.constant 320 : index
      %swap3A_364 = tpu.vector_load %arg8[%swap3A_362, %swap3A_363] {strides = array<i32>} : memref<32x768xf32, #tpu.memory_space<vmem>>, vector<1x16xf32>,
      %swap3A_365 = vector.shape_cast %swap3A_364 : vector<1x16xf32> to vector<16xf32>
      %swap3A_366 = vector.shape_cast %add3A_361 : vector<16xf32> to vector<1x16xf32>
      tpu.vector_store %arg8[%swap3A_362, %swap3A_363], %swap3A_366 {strides = array<i32>} : memref<32x768xf32, #tpu.memory_space<vmem>>, vector<1x16xf32>,
      %get3A_367 = arith.index_cast %scan3A_74 : i32 to index
      %get3A_368 = arith.constant 336 : index
      %get3A_369 = tpu.vector_load %arg8[%get3A_367, %get3A_368] {strides = array<i32>} : memref<32x768xf32, #tpu.memory_space<vmem>>, vector<1x16xf32>,
      %get3A_370 = vector.shape_cast %get3A_369 : vector<1x16xf32> to vector<16xf32>
      %get3A_371 = arith.index_cast %scan3A_74 : i32 to index
      %get3A_372 = arith.constant 336 : index
      %get3A_373 = tpu.vector_load %arg9[%get3A_371, %get3A_372] {strides = array<i32>} : memref<32x768xf32, #tpu.memory_space<vmem>>, vector<1x16xf32>,
      %get3A_374 = vector.shape_cast %get3A_373 : vector<1x16xf32> to vector<16xf32>
      %add3A_375 = arith.addf %get3A_370, %get3A_374 : vector<16xf32>
      %swap3A_376 = arith.index_cast %scan3A_74 : i32 to index
      %swap3A_377 = arith.constant 336 : index
      %swap3A_378 = tpu.vector_load %arg8[%swap3A_376, %swap3A_377] {strides = array<i32>} : memref<32x768xf32, #tpu.memory_space<vmem>>, vector<1x16xf32>,
      %swap3A_379 = vector.shape_cast %swap3A_378 : vector<1x16xf32> to vector<16xf32>
      %swap3A_380 = vector.shape_cast %add3A_375 : vector<16xf32> to vector<1x16xf32>
      tpu.vector_store %arg8[%swap3A_376, %swap3A_377], %swap3A_380 {strides = array<i32>} : memref<32x768xf32, #tpu.memory_space<vmem>>, vector<1x16xf32>,
      %get3A_381 = arith.index_cast %scan3A_74 : i32 to index
      %get3A_382 = arith.constant 352 : index
      %get3A_383 = tpu.vector_load %arg8[%get3A_381, %get3A_382] {strides = array<i32>} : memref<32x768xf32, #tpu.memory_space<vmem>>, vector<1x16xf32>,
      %get3A_384 = vector.shape_cast %get3A_383 : vector<1x16xf32> to vector<16xf32>
      %get3A_385 = arith.index_cast %scan3A_74 : i32 to index
      %get3A_386 = arith.constant 352 : index
      %get3A_387 = tpu.vector_load %arg9[%get3A_385, %get3A_386] {strides = array<i32>} : memref<32x768xf32, #tpu.memory_space<vmem>>, vector<1x16xf32>,
      %get3A_388 = vector.shape_cast %get3A_387 : vector<1x16xf32> to vector<16xf32>
      %add3A_389 = arith.addf %get3A_384, %get3A_388 : vector<16xf32>
      %swap3A_390 = arith.index_cast %scan3A_74 : i32 to index
      %swap3A_391 = arith.constant 352 : index
      %swap3A_392 = tpu.vector_load %arg8[%swap3A_390, %swap3A_391] {strides = array<i32>} : memref<32x768xf32, #tpu.memory_space<vmem>>, vector<1x16xf32>,
      %swap3A_393 = vector.shape_cast %swap3A_392 : vector<1x16xf32> to vector<16xf32>
      %swap3A_394 = vector.shape_cast %add3A_389 : vector<16xf32> to vector<1x16xf32>
      tpu.vector_store %arg8[%swap3A_390, %swap3A_391], %swap3A_394 {strides = array<i32>} : memref<32x768xf32, #tpu.memory_space<vmem>>, vector<1x16xf32>,
      %get3A_395 = arith.index_cast %scan3A_74 : i32 to index
      %get3A_396 = arith.constant 368 : index
      %get3A_397 = tpu.vector_load %arg8[%get3A_395, %get3A_396] {strides = array<i32>} : memref<32x768xf32, #tpu.memory_space<vmem>>, vector<1x16xf32>,
      %get3A_398 = vector.shape_cast %get3A_397 : vector<1x16xf32> to vector<16xf32>
      %get3A_399 = arith.index_cast %scan3A_74 : i32 to index
      %get3A_400 = arith.constant 368 : index
      %get3A_401 = tpu.vector_load %arg9[%get3A_399, %get3A_400] {strides = array<i32>} : memref<32x768xf32, #tpu.memory_space<vmem>>, vector<1x16xf32>,
      %get3A_402 = vector.shape_cast %get3A_401 : vector<1x16xf32> to vector<16xf32>
      %add3A_403 = arith.addf %get3A_398, %get3A_402 : vector<16xf32>
      %swap3A_404 = arith.index_cast %scan3A_74 : i32 to index
      %swap3A_405 = arith.constant 368 : index
      %swap3A_406 = tpu.vector_load %arg8[%swap3A_404, %swap3A_405] {strides = array<i32>} : memref<32x768xf32, #tpu.memory_space<vmem>>, vector<1x16xf32>,
      %swap3A_407 = vector.shape_cast %swap3A_406 : vector<1x16xf32> to vector<16xf32>
      %swap3A_408 = vector.shape_cast %add3A_403 : vector<16xf32> to vector<1x16xf32>
      tpu.vector_store %arg8[%swap3A_404, %swap3A_405], %swap3A_408 {strides = array<i32>} : memref<32x768xf32, #tpu.memory_space<vmem>>, vector<1x16xf32>,
      %get3A_409 = arith.index_cast %scan3A_74 : i32 to index
      %get3A_410 = arith.constant 384 : index
      %get3A_411 = tpu.vector_load %arg8[%get3A_409, %get3A_410] {strides = array<i32>} : memref<32x768xf32, #tpu.memory_space<vmem>>, vector<1x16xf32>,
      %get3A_412 = vector.shape_cast %get3A_411 : vector<1x16xf32> to vector<16xf32>
      %get3A_413 = arith.index_cast %scan3A_74 : i32 to index
      %get3A_414 = arith.constant 384 : index
      %get3A_415 = tpu.vector_load %arg9[%get3A_413, %get3A_414] {strides = array<i32>} : memref<32x768xf32, #tpu.memory_space<vmem>>, vector<1x16xf32>,
      %get3A_416 = vector.shape_cast %get3A_415 : vector<1x16xf32> to vector<16xf32>
      %add3A_417 = arith.addf %get3A_412, %get3A_416 : vector<16xf32>
      %swap3A_418 = arith.index_cast %scan3A_74 : i32 to index
      %swap3A_419 = arith.constant 384 : index
      %swap3A_420 = tpu.vector_load %arg8[%swap3A_418, %swap3A_419] {strides = array<i32>} : memref<32x768xf32, #tpu.memory_space<vmem>>, vector<1x16xf32>,
      %swap3A_421 = vector.shape_cast %swap3A_420 : vector<1x16xf32> to vector<16xf32>
      %swap3A_422 = vector.shape_cast %add3A_417 : vector<16xf32> to vector<1x16xf32>
      tpu.vector_store %arg8[%swap3A_418, %swap3A_419], %swap3A_422 {strides = array<i32>} : memref<32x768xf32, #tpu.memory_space<vmem>>, vector<1x16xf32>,
      %get3A_423 = arith.index_cast %scan3A_74 : i32 to index
      %get3A_424 = arith.constant 400 : index
      %get3A_425 = tpu.vector_load %arg8[%get3A_423, %get3A_424] {strides = array<i32>} : memref<32x768xf32, #tpu.memory_space<vmem>>, vector<1x16xf32>,
      %get3A_426 = vector.shape_cast %get3A_425 : vector<1x16xf32> to vector<16xf32>
      %get3A_427 = arith.index_cast %scan3A_74 : i32 to index
      %get3A_428 = arith.constant 400 : index
      %get3A_429 = tpu.vector_load %arg9[%get3A_427, %get3A_428] {strides = array<i32>} : memref<32x768xf32, #tpu.memory_space<vmem>>, vector<1x16xf32>,
      %get3A_430 = vector.shape_cast %get3A_429 : vector<1x16xf32> to vector<16xf32>
      %add3A_431 = arith.addf %get3A_426, %get3A_430 : vector<16xf32>
      %swap3A_432 = arith.index_cast %scan3A_74 : i32 to index
      %swap3A_433 = arith.constant 400 : index
      %swap3A_434 = tpu.vector_load %arg8[%swap3A_432, %swap3A_433] {strides = array<i32>} : memref<32x768xf32, #tpu.memory_space<vmem>>, vector<1x16xf32>,
      %swap3A_435 = vector.shape_cast %swap3A_434 : vector<1x16xf32> to vector<16xf32>
      %swap3A_436 = vector.shape_cast %add3A_431 : vector<16xf32> to vector<1x16xf32>
      tpu.vector_store %arg8[%swap3A_432, %swap3A_433], %swap3A_436 {strides = array<i32>} : memref<32x768xf32, #tpu.memory_space<vmem>>, vector<1x16xf32>,
      %get3A_437 = arith.index_cast %scan3A_74 : i32 to index
      %get3A_438 = arith.constant 416 : index
      %get3A_439 = tpu.vector_load %arg8[%get3A_437, %get3A_438] {strides = array<i32>} : memref<32x768xf32, #tpu.memory_space<vmem>>, vector<1x16xf32>,
      %get3A_440 = vector.shape_cast %get3A_439 : vector<1x16xf32> to vector<16xf32>
      %get3A_441 = arith.index_cast %scan3A_74 : i32 to index
      %get3A_442 = arith.constant 416 : index
      %get3A_443 = tpu.vector_load %arg9[%get3A_441, %get3A_442] {strides = array<i32>} : memref<32x768xf32, #tpu.memory_space<vmem>>, vector<1x16xf32>,
      %get3A_444 = vector.shape_cast %get3A_443 : vector<1x16xf32> to vector<16xf32>
      %add3A_445 = arith.addf %get3A_440, %get3A_444 : vector<16xf32>
      %swap3A_446 = arith.index_cast %scan3A_74 : i32 to index
      %swap3A_447 = arith.constant 416 : index
      %swap3A_448 = tpu.vector_load %arg8[%swap3A_446, %swap3A_447] {strides = array<i32>} : memref<32x768xf32, #tpu.memory_space<vmem>>, vector<1x16xf32>,
      %swap3A_449 = vector.shape_cast %swap3A_448 : vector<1x16xf32> to vector<16xf32>
      %swap3A_450 = vector.shape_cast %add3A_445 : vector<16xf32> to vector<1x16xf32>
      tpu.vector_store %arg8[%swap3A_446, %swap3A_447], %swap3A_450 {strides = array<i32>} : memref<32x768xf32, #tpu.memory_space<vmem>>, vector<1x16xf32>,
      %get3A_451 = arith.index_cast %scan3A_74 : i32 to index
      %get3A_452 = arith.constant 432 : index
      %get3A_453 = tpu.vector_load %arg8[%get3A_451, %get3A_452] {strides = array<i32>} : memref<32x768xf32, #tpu.memory_space<vmem>>, vector<1x16xf32>,
      %get3A_454 = vector.shape_cast %get3A_453 : vector<1x16xf32> to vector<16xf32>
      %get3A_455 = arith.index_cast %scan3A_74 : i32 to index
      %get3A_456 = arith.constant 432 : index
      %get3A_457 = tpu.vector_load %arg9[%get3A_455, %get3A_456] {strides = array<i32>} : memref<32x768xf32, #tpu.memory_space<vmem>>, vector<1x16xf32>,
      %get3A_458 = vector.shape_cast %get3A_457 : vector<1x16xf32> to vector<16xf32>
      %add3A_459 = arith.addf %get3A_454, %get3A_458 : vector<16xf32>
      %swap3A_460 = arith.index_cast %scan3A_74 : i32 to index
      %swap3A_461 = arith.constant 432 : index
      %swap3A_462 = tpu.vector_load %arg8[%swap3A_460, %swap3A_461] {strides = array<i32>} : memref<32x768xf32, #tpu.memory_space<vmem>>, vector<1x16xf32>,
      %swap3A_463 = vector.shape_cast %swap3A_462 : vector<1x16xf32> to vector<16xf32>
      %swap3A_464 = vector.shape_cast %add3A_459 : vector<16xf32> to vector<1x16xf32>
      tpu.vector_store %arg8[%swap3A_460, %swap3A_461], %swap3A_464 {strides = array<i32>} : memref<32x768xf32, #tpu.memory_space<vmem>>, vector<1x16xf32>,
      %get3A_465 = arith.index_cast %scan3A_74 : i32 to index
      %get3A_466 = arith.constant 448 : index
      %get3A_467 = tpu.vector_load %arg8[%get3A_465, %get3A_466] {strides = array<i32>} : memref<32x768xf32, #tpu.memory_space<vmem>>, vector<1x16xf32>,
      %get3A_468 = vector.shape_cast %get3A_467 : vector<1x16xf32> to vector<16xf32>
      %get3A_469 = arith.index_cast %scan3A_74 : i32 to index
      %get3A_470 = arith.constant 448 : index
      %get3A_471 = tpu.vector_load %arg9[%get3A_469, %get3A_470] {strides = array<i32>} : memref<32x768xf32, #tpu.memory_space<vmem>>, vector<1x16xf32>,
      %get3A_472 = vector.shape_cast %get3A_471 : vector<1x16xf32> to vector<16xf32>
      %add3A_473 = arith.addf %get3A_468, %get3A_472 : vector<16xf32>
      %swap3A_474 = arith.index_cast %scan3A_74 : i32 to index
      %swap3A_475 = arith.constant 448 : index
      %swap3A_476 = tpu.vector_load %arg8[%swap3A_474, %swap3A_475] {strides = array<i32>} : memref<32x768xf32, #tpu.memory_space<vmem>>, vector<1x16xf32>,
      %swap3A_477 = vector.shape_cast %swap3A_476 : vector<1x16xf32> to vector<16xf32>
      %swap3A_478 = vector.shape_cast %add3A_473 : vector<16xf32> to vector<1x16xf32>
      tpu.vector_store %arg8[%swap3A_474, %swap3A_475], %swap3A_478 {strides = array<i32>} : memref<32x768xf32, #tpu.memory_space<vmem>>, vector<1x16xf32>,
      %get3A_479 = arith.index_cast %scan3A_74 : i32 to index
      %get3A_480 = arith.constant 464 : index
      %get3A_481 = tpu.vector_load %arg8[%get3A_479, %get3A_480] {strides = array<i32>} : memref<32x768xf32, #tpu.memory_space<vmem>>, vector<1x16xf32>,
      %get3A_482 = vector.shape_cast %get3A_481 : vector<1x16xf32> to vector<16xf32>
      %get3A_483 = arith.index_cast %scan3A_74 : i32 to index
      %get3A_484 = arith.constant 464 : index
      %get3A_485 = tpu.vector_load %arg9[%get3A_483, %get3A_484] {strides = array<i32>} : memref<32x768xf32, #tpu.memory_space<vmem>>, vector<1x16xf32>,
      %get3A_486 = vector.shape_cast %get3A_485 : vector<1x16xf32> to vector<16xf32>
      %add3A_487 = arith.addf %get3A_482, %get3A_486 : vector<16xf32>
      %swap3A_488 = arith.index_cast %scan3A_74 : i32 to index
      %swap3A_489 = arith.constant 464 : index
      %swap3A_490 = tpu.vector_load %arg8[%swap3A_488, %swap3A_489] {strides = array<i32>} : memref<32x768xf32, #tpu.memory_space<vmem>>, vector<1x16xf32>,
      %swap3A_491 = vector.shape_cast %swap3A_490 : vector<1x16xf32> to vector<16xf32>
      %swap3A_492 = vector.shape_cast %add3A_487 : vector<16xf32> to vector<1x16xf32>
      tpu.vector_store %arg8[%swap3A_488, %swap3A_489], %swap3A_492 {strides = array<i32>} : memref<32x768xf32, #tpu.memory_space<vmem>>, vector<1x16xf32>,
      %get3A_493 = arith.index_cast %scan3A_74 : i32 to index
      %get3A_494 = arith.constant 480 : index
      %get3A_495 = tpu.vector_load %arg8[%get3A_493, %get3A_494] {strides = array<i32>} : memref<32x768xf32, #tpu.memory_space<vmem>>, vector<1x16xf32>,
      %get3A_496 = vector.shape_cast %get3A_495 : vector<1x16xf32> to vector<16xf32>
      %get3A_497 = arith.index_cast %scan3A_74 : i32 to index
      %get3A_498 = arith.constant 480 : index
      %get3A_499 = tpu.vector_load %arg9[%get3A_497, %get3A_498] {strides = array<i32>} : memref<32x768xf32, #tpu.memory_space<vmem>>, vector<1x16xf32>,
      %get3A_500 = vector.shape_cast %get3A_499 : vector<1x16xf32> to vector<16xf32>
      %add3A_501 = arith.addf %get3A_496, %get3A_500 : vector<16xf32>
      %swap3A_502 = arith.index_cast %scan3A_74 : i32 to index
      %swap3A_503 = arith.constant 480 : index
      %swap3A_504 = tpu.vector_load %arg8[%swap3A_502, %swap3A_503] {strides = array<i32>} : memref<32x768xf32, #tpu.memory_space<vmem>>, vector<1x16xf32>,
      %swap3A_505 = vector.shape_cast %swap3A_504 : vector<1x16xf32> to vector<16xf32>
      %swap3A_506 = vector.shape_cast %add3A_501 : vector<16xf32> to vector<1x16xf32>
      tpu.vector_store %arg8[%swap3A_502, %swap3A_503], %swap3A_506 {strides = array<i32>} : memref<32x768xf32, #tpu.memory_space<vmem>>, vector<1x16xf32>,
      %get3A_507 = arith.index_cast %scan3A_74 : i32 to index
      %get3A_508 = arith.constant 496 : index
      %get3A_509 = tpu.vector_load %arg8[%get3A_507, %get3A_508] {strides = array<i32>} : memref<32x768xf32, #tpu.memory_space<vmem>>, vector<1x16xf32>,
      %get3A_510 = vector.shape_cast %get3A_509 : vector<1x16xf32> to vector<16xf32>
      %get3A_511 = arith.index_cast %scan3A_74 : i32 to index
      %get3A_512 = arith.constant 496 : index
      %get3A_513 = tpu.vector_load %arg9[%get3A_511, %get3A_512] {strides = array<i32>} : memref<32x768xf32, #tpu.memory_space<vmem>>, vector<1x16xf32>,
      %get3A_514 = vector.shape_cast %get3A_513 : vector<1x16xf32> to vector<16xf32>
      %add3A_515 = arith.addf %get3A_510, %get3A_514 : vector<16xf32>
      %swap3A_516 = arith.index_cast %scan3A_74 : i32 to index
      %swap3A_517 = arith.constant 496 : index
      %swap3A_518 = tpu.vector_load %arg8[%swap3A_516, %swap3A_517] {strides = array<i32>} : memref<32x768xf32, #tpu.memory_space<vmem>>, vector<1x16xf32>,
      %swap3A_519 = vector.shape_cast %swap3A_518 : vector<1x16xf32> to vector<16xf32>
      %swap3A_520 = vector.shape_cast %add3A_515 : vector<16xf32> to vector<1x16xf32>
      tpu.vector_store %arg8[%swap3A_516, %swap3A_517], %swap3A_520 {strides = array<i32>} : memref<32x768xf32, #tpu.memory_space<vmem>>, vector<1x16xf32>,
      %get3A_521 = arith.index_cast %scan3A_74 : i32 to index
      %get3A_522 = arith.constant 512 : index
      %get3A_523 = tpu.vector_load %arg8[%get3A_521, %get3A_522] {strides = array<i32>} : memref<32x768xf32, #tpu.memory_space<vmem>>, vector<1x16xf32>,
      %get3A_524 = vector.shape_cast %get3A_523 : vector<1x16xf32> to vector<16xf32>
      %get3A_525 = arith.index_cast %scan3A_74 : i32 to index
      %get3A_526 = arith.constant 512 : index
      %get3A_527 = tpu.vector_load %arg9[%get3A_525, %get3A_526] {strides = array<i32>} : memref<32x768xf32, #tpu.memory_space<vmem>>, vector<1x16xf32>,
      %get3A_528 = vector.shape_cast %get3A_527 : vector<1x16xf32> to vector<16xf32>
      %add3A_529 = arith.addf %get3A_524, %get3A_528 : vector<16xf32>
      %swap3A_530 = arith.index_cast %scan3A_74 : i32 to index
      %swap3A_531 = arith.constant 512 : index
      %swap3A_532 = tpu.vector_load %arg8[%swap3A_530, %swap3A_531] {strides = array<i32>} : memref<32x768xf32, #tpu.memory_space<vmem>>, vector<1x16xf32>,
      %swap3A_533 = vector.shape_cast %swap3A_532 : vector<1x16xf32> to vector<16xf32>
      %swap3A_534 = vector.shape_cast %add3A_529 : vector<16xf32> to vector<1x16xf32>
      tpu.vector_store %arg8[%swap3A_530, %swap3A_531], %swap3A_534 {strides = array<i32>} : memref<32x768xf32, #tpu.memory_space<vmem>>, vector<1x16xf32>,
      %get3A_535 = arith.index_cast %scan3A_74 : i32 to index
      %get3A_536 = arith.constant 528 : index
      %get3A_537 = tpu.vector_load %arg8[%get3A_535, %get3A_536] {strides = array<i32>} : memref<32x768xf32, #tpu.memory_space<vmem>>, vector<1x16xf32>,
      %get3A_538 = vector.shape_cast %get3A_537 : vector<1x16xf32> to vector<16xf32>
      %get3A_539 = arith.index_cast %scan3A_74 : i32 to index
      %get3A_540 = arith.constant 528 : index
      %get3A_541 = tpu.vector_load %arg9[%get3A_539, %get3A_540] {strides = array<i32>} : memref<32x768xf32, #tpu.memory_space<vmem>>, vector<1x16xf32>,
      %get3A_542 = vector.shape_cast %get3A_541 : vector<1x16xf32> to vector<16xf32>
      %add3A_543 = arith.addf %get3A_538, %get3A_542 : vector<16xf32>
      %swap3A_544 = arith.index_cast %scan3A_74 : i32 to index
      %swap3A_545 = arith.constant 528 : index
      %swap3A_546 = tpu.vector_load %arg8[%swap3A_544, %swap3A_545] {strides = array<i32>} : memref<32x768xf32, #tpu.memory_space<vmem>>, vector<1x16xf32>,
      %swap3A_547 = vector.shape_cast %swap3A_546 : vector<1x16xf32> to vector<16xf32>
      %swap3A_548 = vector.shape_cast %add3A_543 : vector<16xf32> to vector<1x16xf32>
      tpu.vector_store %arg8[%swap3A_544, %swap3A_545], %swap3A_548 {strides = array<i32>} : memref<32x768xf32, #tpu.memory_space<vmem>>, vector<1x16xf32>,
      %get3A_549 = arith.index_cast %scan3A_74 : i32 to index
      %get3A_550 = arith.constant 544 : index
      %get3A_551 = tpu.vector_load %arg8[%get3A_549, %get3A_550] {strides = array<i32>} : memref<32x768xf32, #tpu.memory_space<vmem>>, vector<1x16xf32>,
      %get3A_552 = vector.shape_cast %get3A_551 : vector<1x16xf32> to vector<16xf32>
      %get3A_553 = arith.index_cast %scan3A_74 : i32 to index
      %get3A_554 = arith.constant 544 : index
      %get3A_555 = tpu.vector_load %arg9[%get3A_553, %get3A_554] {strides = array<i32>} : memref<32x768xf32, #tpu.memory_space<vmem>>, vector<1x16xf32>,
      %get3A_556 = vector.shape_cast %get3A_555 : vector<1x16xf32> to vector<16xf32>
      %add3A_557 = arith.addf %get3A_552, %get3A_556 : vector<16xf32>
      %swap3A_558 = arith.index_cast %scan3A_74 : i32 to index
      %swap3A_559 = arith.constant 544 : index
      %swap3A_560 = tpu.vector_load %arg8[%swap3A_558, %swap3A_559] {strides = array<i32>} : memref<32x768xf32, #tpu.memory_space<vmem>>, vector<1x16xf32>,
      %swap3A_561 = vector.shape_cast %swap3A_560 : vector<1x16xf32> to vector<16xf32>
      %swap3A_562 = vector.shape_cast %add3A_557 : vector<16xf32> to vector<1x16xf32>
      tpu.vector_store %arg8[%swap3A_558, %swap3A_559], %swap3A_562 {strides = array<i32>} : memref<32x768xf32, #tpu.memory_space<vmem>>, vector<1x16xf32>,
      %get3A_563 = arith.index_cast %scan3A_74 : i32 to index
      %get3A_564 = arith.constant 560 : index
      %get3A_565 = tpu.vector_load %arg8[%get3A_563, %get3A_564] {strides = array<i32>} : memref<32x768xf32, #tpu.memory_space<vmem>>, vector<1x16xf32>,
      %get3A_566 = vector.shape_cast %get3A_565 : vector<1x16xf32> to vector<16xf32>
      %get3A_567 = arith.index_cast %scan3A_74 : i32 to index
      %get3A_568 = arith.constant 560 : index
      %get3A_569 = tpu.vector_load %arg9[%get3A_567, %get3A_568] {strides = array<i32>} : memref<32x768xf32, #tpu.memory_space<vmem>>, vector<1x16xf32>,
      %get3A_570 = vector.shape_cast %get3A_569 : vector<1x16xf32> to vector<16xf32>
      %add3A_571 = arith.addf %get3A_566, %get3A_570 : vector<16xf32>
      %swap3A_572 = arith.index_cast %scan3A_74 : i32 to index
      %swap3A_573 = arith.constant 560 : index
      %swap3A_574 = tpu.vector_load %arg8[%swap3A_572, %swap3A_573] {strides = array<i32>} : memref<32x768xf32, #tpu.memory_space<vmem>>, vector<1x16xf32>,
      %swap3A_575 = vector.shape_cast %swap3A_574 : vector<1x16xf32> to vector<16xf32>
      %swap3A_576 = vector.shape_cast %add3A_571 : vector<16xf32> to vector<1x16xf32>
      tpu.vector_store %arg8[%swap3A_572, %swap3A_573], %swap3A_576 {strides = array<i32>} : memref<32x768xf32, #tpu.memory_space<vmem>>, vector<1x16xf32>,
      %get3A_577 = arith.index_cast %scan3A_74 : i32 to index
      %get3A_578 = arith.constant 576 : index
      %get3A_579 = tpu.vector_load %arg8[%get3A_577, %get3A_578] {strides = array<i32>} : memref<32x768xf32, #tpu.memory_space<vmem>>, vector<1x16xf32>,
      %get3A_580 = vector.shape_cast %get3A_579 : vector<1x16xf32> to vector<16xf32>
      %get3A_581 = arith.index_cast %scan3A_74 : i32 to index
      %get3A_582 = arith.constant 576 : index
      %get3A_583 = tpu.vector_load %arg9[%get3A_581, %get3A_582] {strides = array<i32>} : memref<32x768xf32, #tpu.memory_space<vmem>>, vector<1x16xf32>,
      %get3A_584 = vector.shape_cast %get3A_583 : vector<1x16xf32> to vector<16xf32>
      %add3A_585 = arith.addf %get3A_580, %get3A_584 : vector<16xf32>
      %swap3A_586 = arith.index_cast %scan3A_74 : i32 to index
      %swap3A_587 = arith.constant 576 : index
      %swap3A_588 = tpu.vector_load %arg8[%swap3A_586, %swap3A_587] {strides = array<i32>} : memref<32x768xf32, #tpu.memory_space<vmem>>, vector<1x16xf32>,
      %swap3A_589 = vector.shape_cast %swap3A_588 : vector<1x16xf32> to vector<16xf32>
      %swap3A_590 = vector.shape_cast %add3A_585 : vector<16xf32> to vector<1x16xf32>
      tpu.vector_store %arg8[%swap3A_586, %swap3A_587], %swap3A_590 {strides = array<i32>} : memref<32x768xf32, #tpu.memory_space<vmem>>, vector<1x16xf32>,
      %get3A_591 = arith.index_cast %scan3A_74 : i32 to index
      %get3A_592 = arith.constant 592 : index
      %get3A_593 = tpu.vector_load %arg8[%get3A_591, %get3A_592] {strides = array<i32>} : memref<32x768xf32, #tpu.memory_space<vmem>>, vector<1x16xf32>,
      %get3A_594 = vector.shape_cast %get3A_593 : vector<1x16xf32> to vector<16xf32>
      %get3A_595 = arith.index_cast %scan3A_74 : i32 to index
      %get3A_596 = arith.constant 592 : index
      %get3A_597 = tpu.vector_load %arg9[%get3A_595, %get3A_596] {strides = array<i32>} : memref<32x768xf32, #tpu.memory_space<vmem>>, vector<1x16xf32>,
      %get3A_598 = vector.shape_cast %get3A_597 : vector<1x16xf32> to vector<16xf32>
      %add3A_599 = arith.addf %get3A_594, %get3A_598 : vector<16xf32>
      %swap3A_600 = arith.index_cast %scan3A_74 : i32 to index
      %swap3A_601 = arith.constant 592 : index
      %swap3A_602 = tpu.vector_load %arg8[%swap3A_600, %swap3A_601] {strides = array<i32>} : memref<32x768xf32, #tpu.memory_space<vmem>>, vector<1x16xf32>,
      %swap3A_603 = vector.shape_cast %swap3A_602 : vector<1x16xf32> to vector<16xf32>
      %swap3A_604 = vector.shape_cast %add3A_599 : vector<16xf32> to vector<1x16xf32>
      tpu.vector_store %arg8[%swap3A_600, %swap3A_601], %swap3A_604 {strides = array<i32>} : memref<32x768xf32, #tpu.memory_space<vmem>>, vector<1x16xf32>,
      %get3A_605 = arith.index_cast %scan3A_74 : i32 to index
      %get3A_606 = arith.constant 608 : index
      %get3A_607 = tpu.vector_load %arg8[%get3A_605, %get3A_606] {strides = array<i32>} : memref<32x768xf32, #tpu.memory_space<vmem>>, vector<1x16xf32>,
      %get3A_608 = vector.shape_cast %get3A_607 : vector<1x16xf32> to vector<16xf32>
      %get3A_609 = arith.index_cast %scan3A_74 : i32 to index
      %get3A_610 = arith.constant 608 : index
      %get3A_611 = tpu.vector_load %arg9[%get3A_609, %get3A_610] {strides = array<i32>} : memref<32x768xf32, #tpu.memory_space<vmem>>, vector<1x16xf32>,
      %get3A_612 = vector.shape_cast %get3A_611 : vector<1x16xf32> to vector<16xf32>
      %add3A_613 = arith.addf %get3A_608, %get3A_612 : vector<16xf32>
      %swap3A_614 = arith.index_cast %scan3A_74 : i32 to index
      %swap3A_615 = arith.constant 608 : index
      %swap3A_616 = tpu.vector_load %arg8[%swap3A_614, %swap3A_615] {strides = array<i32>} : memref<32x768xf32, #tpu.memory_space<vmem>>, vector<1x16xf32>,
      %swap3A_617 = vector.shape_cast %swap3A_616 : vector<1x16xf32> to vector<16xf32>
      %swap3A_618 = vector.shape_cast %add3A_613 : vector<16xf32> to vector<1x16xf32>
      tpu.vector_store %arg8[%swap3A_614, %swap3A_615], %swap3A_618 {strides = array<i32>} : memref<32x768xf32, #tpu.memory_space<vmem>>, vector<1x16xf32>,
      %get3A_619 = arith.index_cast %scan3A_74 : i32 to index
      %get3A_620 = arith.constant 624 : index
      %get3A_621 = tpu.vector_load %arg8[%get3A_619, %get3A_620] {strides = array<i32>} : memref<32x768xf32, #tpu.memory_space<vmem>>, vector<1x16xf32>,
      %get3A_622 = vector.shape_cast %get3A_621 : vector<1x16xf32> to vector<16xf32>
      %get3A_623 = arith.index_cast %scan3A_74 : i32 to index
      %get3A_624 = arith.constant 624 : index
      %get3A_625 = tpu.vector_load %arg9[%get3A_623, %get3A_624] {strides = array<i32>} : memref<32x768xf32, #tpu.memory_space<vmem>>, vector<1x16xf32>,
      %get3A_626 = vector.shape_cast %get3A_625 : vector<1x16xf32> to vector<16xf32>
      %add3A_627 = arith.addf %get3A_622, %get3A_626 : vector<16xf32>
      %swap3A_628 = arith.index_cast %scan3A_74 : i32 to index
      %swap3A_629 = arith.constant 624 : index
      %swap3A_630 = tpu.vector_load %arg8[%swap3A_628, %swap3A_629] {strides = array<i32>} : memref<32x768xf32, #tpu.memory_space<vmem>>, vector<1x16xf32>,
      %swap3A_631 = vector.shape_cast %swap3A_630 : vector<1x16xf32> to vector<16xf32>
      %swap3A_632 = vector.shape_cast %add3A_627 : vector<16xf32> to vector<1x16xf32>
      tpu.vector_store %arg8[%swap3A_628, %swap3A_629], %swap3A_632 {strides = array<i32>} : memref<32x768xf32, #tpu.memory_space<vmem>>, vector<1x16xf32>,
      %get3A_633 = arith.index_cast %scan3A_74 : i32 to index
      %get3A_634 = arith.constant 640 : index
      %get3A_635 = tpu.vector_load %arg8[%get3A_633, %get3A_634] {strides = array<i32>} : memref<32x768xf32, #tpu.memory_space<vmem>>, vector<1x16xf32>,
      %get3A_636 = vector.shape_cast %get3A_635 : vector<1x16xf32> to vector<16xf32>
      %get3A_637 = arith.index_cast %scan3A_74 : i32 to index
      %get3A_638 = arith.constant 640 : index
      %get3A_639 = tpu.vector_load %arg9[%get3A_637, %get3A_638] {strides = array<i32>} : memref<32x768xf32, #tpu.memory_space<vmem>>, vector<1x16xf32>,
      %get3A_640 = vector.shape_cast %get3A_639 : vector<1x16xf32> to vector<16xf32>
      %add3A_641 = arith.addf %get3A_636, %get3A_640 : vector<16xf32>
      %swap3A_642 = arith.index_cast %scan3A_74 : i32 to index
      %swap3A_643 = arith.constant 640 : index
      %swap3A_644 = tpu.vector_load %arg8[%swap3A_642, %swap3A_643] {strides = array<i32>} : memref<32x768xf32, #tpu.memory_space<vmem>>, vector<1x16xf32>,
      %swap3A_645 = vector.shape_cast %swap3A_644 : vector<1x16xf32> to vector<16xf32>
      %swap3A_646 = vector.shape_cast %add3A_641 : vector<16xf32> to vector<1x16xf32>
      tpu.vector_store %arg8[%swap3A_642, %swap3A_643], %swap3A_646 {strides = array<i32>} : memref<32x768xf32, #tpu.memory_space<vmem>>, vector<1x16xf32>,
      %get3A_647 = arith.index_cast %scan3A_74 : i32 to index
      %get3A_648 = arith.constant 656 : index
      %get3A_649 = tpu.vector_load %arg8[%get3A_647, %get3A_648] {strides = array<i32>} : memref<32x768xf32, #tpu.memory_space<vmem>>, vector<1x16xf32>,
      %get3A_650 = vector.shape_cast %get3A_649 : vector<1x16xf32> to vector<16xf32>
      %get3A_651 = arith.index_cast %scan3A_74 : i32 to index
      %get3A_652 = arith.constant 656 : index
      %get3A_653 = tpu.vector_load %arg9[%get3A_651, %get3A_652] {strides = array<i32>} : memref<32x768xf32, #tpu.memory_space<vmem>>, vector<1x16xf32>,
      %get3A_654 = vector.shape_cast %get3A_653 : vector<1x16xf32> to vector<16xf32>
      %add3A_655 = arith.addf %get3A_650, %get3A_654 : vector<16xf32>
      %swap3A_656 = arith.index_cast %scan3A_74 : i32 to index
      %swap3A_657 = arith.constant 656 : index
      %swap3A_658 = tpu.vector_load %arg8[%swap3A_656, %swap3A_657] {strides = array<i32>} : memref<32x768xf32, #tpu.memory_space<vmem>>, vector<1x16xf32>,
      %swap3A_659 = vector.shape_cast %swap3A_658 : vector<1x16xf32> to vector<16xf32>
      %swap3A_660 = vector.shape_cast %add3A_655 : vector<16xf32> to vector<1x16xf32>
      tpu.vector_store %arg8[%swap3A_656, %swap3A_657], %swap3A_660 {strides = array<i32>} : memref<32x768xf32, #tpu.memory_space<vmem>>, vector<1x16xf32>,
      %get3A_661 = arith.index_cast %scan3A_74 : i32 to index
      %get3A_662 = arith.constant 672 : index
      %get3A_663 = tpu.vector_load %arg8[%get3A_661, %get3A_662] {strides = array<i32>} : memref<32x768xf32, #tpu.memory_space<vmem>>, vector<1x16xf32>,
      %get3A_664 = vector.shape_cast %get3A_663 : vector<1x16xf32> to vector<16xf32>
      %get3A_665 = arith.index_cast %scan3A_74 : i32 to index
      %get3A_666 = arith.constant 672 : index
      %get3A_667 = tpu.vector_load %arg9[%get3A_665, %get3A_666] {strides = array<i32>} : memref<32x768xf32, #tpu.memory_space<vmem>>, vector<1x16xf32>,
      %get3A_668 = vector.shape_cast %get3A_667 : vector<1x16xf32> to vector<16xf32>
      %add3A_669 = arith.addf %get3A_664, %get3A_668 : vector<16xf32>
      %swap3A_670 = arith.index_cast %scan3A_74 : i32 to index
      %swap3A_671 = arith.constant 672 : index
      %swap3A_672 = tpu.vector_load %arg8[%swap3A_670, %swap3A_671] {strides = array<i32>} : memref<32x768xf32, #tpu.memory_space<vmem>>, vector<1x16xf32>,
      %swap3A_673 = vector.shape_cast %swap3A_672 : vector<1x16xf32> to vector<16xf32>
      %swap3A_674 = vector.shape_cast %add3A_669 : vector<16xf32> to vector<1x16xf32>
      tpu.vector_store %arg8[%swap3A_670, %swap3A_671], %swap3A_674 {strides = array<i32>} : memref<32x768xf32, #tpu.memory_space<vmem>>, vector<1x16xf32>,
      %get3A_675 = arith.index_cast %scan3A_74 : i32 to index
      %get3A_676 = arith.constant 688 : index
      %get3A_677 = tpu.vector_load %arg8[%get3A_675, %get3A_676] {strides = array<i32>} : memref<32x768xf32, #tpu.memory_space<vmem>>, vector<1x16xf32>,
      %get3A_678 = vector.shape_cast %get3A_677 : vector<1x16xf32> to vector<16xf32>
      %get3A_679 = arith.index_cast %scan3A_74 : i32 to index
      %get3A_680 = arith.constant 688 : index
      %get3A_681 = tpu.vector_load %arg9[%get3A_679, %get3A_680] {strides = array<i32>} : memref<32x768xf32, #tpu.memory_space<vmem>>, vector<1x16xf32>,
      %get3A_682 = vector.shape_cast %get3A_681 : vector<1x16xf32> to vector<16xf32>
      %add3A_683 = arith.addf %get3A_678, %get3A_682 : vector<16xf32>
      %swap3A_684 = arith.index_cast %scan3A_74 : i32 to index
      %swap3A_685 = arith.constant 688 : index
      %swap3A_686 = tpu.vector_load %arg8[%swap3A_684, %swap3A_685] {strides = array<i32>} : memref<32x768xf32, #tpu.memory_space<vmem>>, vector<1x16xf32>,
      %swap3A_687 = vector.shape_cast %swap3A_686 : vector<1x16xf32> to vector<16xf32>
      %swap3A_688 = vector.shape_cast %add3A_683 : vector<16xf32> to vector<1x16xf32>
      tpu.vector_store %arg8[%swap3A_684, %swap3A_685], %swap3A_688 {strides = array<i32>} : memref<32x768xf32, #tpu.memory_space<vmem>>, vector<1x16xf32>,
      %get3A_689 = arith.index_cast %scan3A_74 : i32 to index
      %get3A_690 = arith.constant 704 : index
      %get3A_691 = tpu.vector_load %arg8[%get3A_689, %get3A_690] {strides = array<i32>} : memref<32x768xf32, #tpu.memory_space<vmem>>, vector<1x16xf32>,
      %get3A_692 = vector.shape_cast %get3A_691 : vector<1x16xf32> to vector<16xf32>
      %get3A_693 = arith.index_cast %scan3A_74 : i32 to index
      %get3A_694 = arith.constant 704 : index
      %get3A_695 = tpu.vector_load %arg9[%get3A_693, %get3A_694] {strides = array<i32>} : memref<32x768xf32, #tpu.memory_space<vmem>>, vector<1x16xf32>,
      %get3A_696 = vector.shape_cast %get3A_695 : vector<1x16xf32> to vector<16xf32>
      %add3A_697 = arith.addf %get3A_692, %get3A_696 : vector<16xf32>
      %swap3A_698 = arith.index_cast %scan3A_74 : i32 to index
      %swap3A_699 = arith.constant 704 : index
      %swap3A_700 = tpu.vector_load %arg8[%swap3A_698, %swap3A_699] {strides = array<i32>} : memref<32x768xf32, #tpu.memory_space<vmem>>, vector<1x16xf32>,
      %swap3A_701 = vector.shape_cast %swap3A_700 : vector<1x16xf32> to vector<16xf32>
      %swap3A_702 = vector.shape_cast %add3A_697 : vector<16xf32> to vector<1x16xf32>
      tpu.vector_store %arg8[%swap3A_698, %swap3A_699], %swap3A_702 {strides = array<i32>} : memref<32x768xf32, #tpu.memory_space<vmem>>, vector<1x16xf32>,
      %get3A_703 = arith.index_cast %scan3A_74 : i32 to index
      %get3A_704 = arith.constant 720 : index
      %get3A_705 = tpu.vector_load %arg8[%get3A_703, %get3A_704] {strides = array<i32>} : memref<32x768xf32, #tpu.memory_space<vmem>>, vector<1x16xf32>,
      %get3A_706 = vector.shape_cast %get3A_705 : vector<1x16xf32> to vector<16xf32>
      %get3A_707 = arith.index_cast %scan3A_74 : i32 to index
      %get3A_708 = arith.constant 720 : index
      %get3A_709 = tpu.vector_load %arg9[%get3A_707, %get3A_708] {strides = array<i32>} : memref<32x768xf32, #tpu.memory_space<vmem>>, vector<1x16xf32>,
      %get3A_710 = vector.shape_cast %get3A_709 : vector<1x16xf32> to vector<16xf32>
      %add3A_711 = arith.addf %get3A_706, %get3A_710 : vector<16xf32>
      %swap3A_712 = arith.index_cast %scan3A_74 : i32 to index
      %swap3A_713 = arith.constant 720 : index
      %swap3A_714 = tpu.vector_load %arg8[%swap3A_712, %swap3A_713] {strides = array<i32>} : memref<32x768xf32, #tpu.memory_space<vmem>>, vector<1x16xf32>,
      %swap3A_715 = vector.shape_cast %swap3A_714 : vector<1x16xf32> to vector<16xf32>
      %swap3A_716 = vector.shape_cast %add3A_711 : vector<16xf32> to vector<1x16xf32>
      tpu.vector_store %arg8[%swap3A_712, %swap3A_713], %swap3A_716 {strides = array<i32>} : memref<32x768xf32, #tpu.memory_space<vmem>>, vector<1x16xf32>,
      %get3A_717 = arith.index_cast %scan3A_74 : i32 to index
      %get3A_718 = arith.constant 736 : index
      %get3A_719 = tpu.vector_load %arg8[%get3A_717, %get3A_718] {strides = array<i32>} : memref<32x768xf32, #tpu.memory_space<vmem>>, vector<1x16xf32>,
      %get3A_720 = vector.shape_cast %get3A_719 : vector<1x16xf32> to vector<16xf32>
      %get3A_721 = arith.index_cast %scan3A_74 : i32 to index
      %get3A_722 = arith.constant 736 : index
      %get3A_723 = tpu.vector_load %arg9[%get3A_721, %get3A_722] {strides = array<i32>} : memref<32x768xf32, #tpu.memory_space<vmem>>, vector<1x16xf32>,
      %get3A_724 = vector.shape_cast %get3A_723 : vector<1x16xf32> to vector<16xf32>
      %add3A_725 = arith.addf %get3A_720, %get3A_724 : vector<16xf32>
      %swap3A_726 = arith.index_cast %scan3A_74 : i32 to index
      %swap3A_727 = arith.constant 736 : index
      %swap3A_728 = tpu.vector_load %arg8[%swap3A_726, %swap3A_727] {strides = array<i32>} : memref<32x768xf32, #tpu.memory_space<vmem>>, vector<1x16xf32>,
      %swap3A_729 = vector.shape_cast %swap3A_728 : vector<1x16xf32> to vector<16xf32>
      %swap3A_730 = vector.shape_cast %add3A_725 : vector<16xf32> to vector<1x16xf32>
      tpu.vector_store %arg8[%swap3A_726, %swap3A_727], %swap3A_730 {strides = array<i32>} : memref<32x768xf32, #tpu.memory_space<vmem>>, vector<1x16xf32>,
      %get3A_731 = arith.index_cast %scan3A_74 : i32 to index
      %get3A_732 = arith.constant 752 : index
      %get3A_733 = tpu.vector_load %arg8[%get3A_731, %get3A_732] {strides = array<i32>} : memref<32x768xf32, #tpu.memory_space<vmem>>, vector<1x16xf32>,
      %get3A_734 = vector.shape_cast %get3A_733 : vector<1x16xf32> to vector<16xf32>
      %get3A_735 = arith.index_cast %scan3A_74 : i32 to index
      %get3A_736 = arith.constant 752 : index
      %get3A_737 = tpu.vector_load %arg9[%get3A_735, %get3A_736] {strides = array<i32>} : memref<32x768xf32, #tpu.memory_space<vmem>>, vector<1x16xf32>,
      %get3A_738 = vector.shape_cast %get3A_737 : vector<1x16xf32> to vector<16xf32>
      %add3A_739 = arith.addf %get3A_734, %get3A_738 : vector<16xf32>
      %swap3A_740 = arith.index_cast %scan3A_74 : i32 to index
      %swap3A_741 = arith.constant 752 : index
      %swap3A_742 = tpu.vector_load %arg8[%swap3A_740, %swap3A_741] {strides = array<i32>} : memref<32x768xf32, #tpu.memory_space<vmem>>, vector<1x16xf32>,
      %swap3A_743 = vector.shape_cast %swap3A_742 : vector<1x16xf32> to vector<16xf32>
      %swap3A_744 = vector.shape_cast %add3A_739 : vector<16xf32> to vector<1x16xf32>
      tpu.vector_store %arg8[%swap3A_740, %swap3A_741], %swap3A_744 {strides = array<i32>} : memref<32x768xf32, #tpu.memory_space<vmem>>, vector<1x16xf32>,
    }
    %scan3A_31 = arith.constant 32 : i32
    %mul3A_32 = arith.constant 64 : i32
    %mul3A_33 = arith.muli %add3A, %mul3A_32 : i32
    %add3A_34 = arith.constant 0 : i32
    %add3A_35 = arith.addi %mul3A_33, %add3A_34 : i32
    "tpu.region"() ({
      %run_scoped3A = tpu.sem_alloc : memref<!tpu.dma_semaphore, #tpu.memory_space<semaphore_mem>>
      %dma_start3A_74 = arith.constant 0 : i32
      %dma_start3A_75 = tpu.memref_slice %arg5[%add3A_35, %dma_start3A_74] : memref<2048x768xf32, #tpu.memory_space<hbm>> -> memref<32x768xf32, #tpu.memory_space<hbm>>
      %dma_start3A_76 = arith.constant 0 : i32
      %dma_start3A_77 = tpu.memref_slice %arg5[%add3A_35, %dma_start3A_76] : memref<2048x768xf32, #tpu.memory_space<hbm>> -> memref<32x768xf32, #tpu.memory_space<hbm>>
      tpu.enqueue_dma source(%arg8 : memref<32x768xf32, #tpu.memory_space<vmem>>) target(%dma_start3A_77 : memref<32x768xf32, #tpu.memory_space<hbm>>) target_semaphore(%run_scoped3A : memref<!tpu.dma_semaphore, #tpu.memory_space<semaphore_mem>>)
      %dma_wait3A_78 = arith.constant 0 : i32
      %dma_wait3A_79 = tpu.memref_slice %arg5[%add3A_35, %dma_wait3A_78] : memref<2048x768xf32, #tpu.memory_space<hbm>> -> memref<32x768xf32, #tpu.memory_space<hbm>>
      %dma_wait3A_80 = arith.constant 0 : i32
      %dma_wait3A_81 = tpu.memref_slice %arg5[%add3A_35, %dma_wait3A_80] : memref<2048x768xf32, #tpu.memory_space<hbm>> -> memref<32x768xf32, #tpu.memory_space<hbm>>
      tpu.wait_dma2 semaphore(%run_scoped3A : memref<!tpu.dma_semaphore, #tpu.memory_space<semaphore_mem>>) src(%arg8 : memref<32x768xf32, #tpu.memory_space<vmem>>) dst(%dma_wait3A_81 : memref<32x768xf32, #tpu.memory_space<hbm>>)
      tpu.yield
    }) : () -> ()
    %dma_start3A_36 = arith.constant 1 : i32
    %dma_start3A_37 = arith.constant 0 : i32
    %dma_start3A_38 = tpu.memref_slice %arg6[%dma_start3A_36, %dma_start3A_37] : memref<2x32xi32, #tpu.memory_space<vmem>> -> memref<1x32xi32, #tpu.memory_space<vmem>>
    %dma_start3A_39 = tpu.memref_squeeze %dma_start3A_38 : memref<1x32xi32, #tpu.memory_space<vmem>> -> memref<32xi32, #tpu.memory_space<vmem>>
    %dma_start3A_40 = arith.constant 0 : i32
    %dma_start3A_41 = arith.constant 0 : i32
    %dma_start3A_42 = tpu.memref_slice %arg2[%dma_start3A_40, %dma_start3A_41] : memref<5120x768xf32, #tpu.memory_space<hbm>> -> memref<5120x768xf32, #tpu.memory_space<hbm>>
    tpu.enqueue_indirect_dma source(%dma_start3A_42 : memref<5120x768xf32, #tpu.memory_space<hbm>>) target(%arg8 : memref<32x768xf32, #tpu.memory_space<vmem>>) offsets(%dma_start3A_39 : memref<32xi32, #tpu.memory_space<vmem>>) semaphore(%arg10 : memref<!tpu.dma_semaphore, #tpu.memory_space<semaphore_mem>>)
    %dma_start3A_43 = arith.constant 1 : i32
    %dma_start3A_44 = arith.constant 0 : i32
    %dma_start3A_45 = tpu.memref_slice %arg7[%dma_start3A_43, %dma_start3A_44] : memref<2x32xi32, #tpu.memory_space<vmem>> -> memref<1x32xi32, #tpu.memory_space<vmem>>
    %dma_start3A_46 = tpu.memref_squeeze %dma_start3A_45 : memref<1x32xi32, #tpu.memory_space<vmem>> -> memref<32xi32, #tpu.memory_space<vmem>>
    %dma_start3A_47 = arith.constant 0 : i32
    %dma_start3A_48 = arith.constant 0 : i32
    %dma_start3A_49 = tpu.memref_slice %arg2[%dma_start3A_47, %dma_start3A_48] : memref<5120x768xf32, #tpu.memory_space<hbm>> -> memref<5120x768xf32, #tpu.memory_space<hbm>>
    tpu.enqueue_indirect_dma source(%dma_start3A_49 : memref<5120x768xf32, #tpu.memory_space<hbm>>) target(%arg9 : memref<32x768xf32, #tpu.memory_space<vmem>>) offsets(%dma_start3A_46 : memref<32xi32, #tpu.memory_space<vmem>>) semaphore(%arg11 : memref<!tpu.dma_semaphore, #tpu.memory_space<semaphore_mem>>)
    %dma_wait3A_50 = arith.constant 1 : i32
    %dma_wait3A_51 = arith.constant 0 : i32
    %dma_wait3A_52 = tpu.memref_slice %arg6[%dma_wait3A_50, %dma_wait3A_51] : memref<2x32xi32, #tpu.memory_space<vmem>> -> memref<1x32xi32, #tpu.memory_space<vmem>>
    %dma_wait3A_53 = tpu.memref_squeeze %dma_wait3A_52 : memref<1x32xi32, #tpu.memory_space<vmem>> -> memref<32xi32, #tpu.memory_space<vmem>>
    %dma_wait3A_54 = arith.constant 0 : i32
    %dma_wait3A_55 = arith.constant 0 : i32
    %dma_wait3A_56 = tpu.memref_slice %arg2[%dma_wait3A_54, %dma_wait3A_55] : memref<5120x768xf32, #tpu.memory_space<hbm>> -> memref<5120x768xf32, #tpu.memory_space<hbm>>
    tpu.wait_indirect_dma semaphore(%arg10 : memref<!tpu.dma_semaphore, #tpu.memory_space<semaphore_mem>>) src(%dma_wait3A_56 : memref<5120x768xf32, #tpu.memory_space<hbm>>) dst(%arg8 : memref<32x768xf32, #tpu.memory_space<vmem>>)
    %dma_wait3A_57 = arith.constant 1 : i32
    %dma_wait3A_58 = arith.constant 0 : i32
    %dma_wait3A_59 = tpu.memref_slice %arg7[%dma_wait3A_57, %dma_wait3A_58] : memref<2x32xi32, #tpu.memory_space<vmem>> -> memref<1x32xi32, #tpu.memory_space<vmem>>
    %dma_wait3A_60 = tpu.memref_squeeze %dma_wait3A_59 : memref<1x32xi32, #tpu.memory_space<vmem>> -> memref<32xi32, #tpu.memory_space<vmem>>
    %dma_wait3A_61 = arith.constant 0 : i32
    %dma_wait3A_62 = arith.constant 0 : i32
    %dma_wait3A_63 = tpu.memref_slice %arg2[%dma_wait3A_61, %dma_wait3A_62] : memref<5120x768xf32, #tpu.memory_space<hbm>> -> memref<5120x768xf32, #tpu.memory_space<hbm>>
    tpu.wait_indirect_dma semaphore(%arg11 : memref<!tpu.dma_semaphore, #tpu.memory_space<semaphore_mem>>) src(%dma_wait3A_63 : memref<5120x768xf32, #tpu.memory_space<hbm>>) dst(%arg9 : memref<32x768xf32, #tpu.memory_space<vmem>>)
    %scan3A_64 = arith.constant 0 : i32
    %scan3A_65 = arith.constant 0 : i32
    %scan3A_66 = arith.constant 32 : i32
    %scan3A_67 = arith.addi %scan3A_65, %scan3A_66 : i32
    %scan3A_68 = arith.constant 1 : i32
    scf.for %scan3A_74 = %scan3A_65 to %scan3A_67 step %scan3A_68  : i32 {
      %get3A = arith.index_cast %scan3A_74 : i32 to index
      %get3A_75 = arith.constant 0 : index
      %get3A_76 = tpu.vector_load %arg8[%get3A, %get3A_75] {strides = array<i32>} : memref<32x768xf32, #tpu.memory_space<vmem>>, vector<1x16xf32>,
      %get3A_77 = vector.shape_cast %get3A_76 : vector<1x16xf32> to vector<16xf32>
      %get3A_78 = arith.index_cast %scan3A_74 : i32 to index
      %get3A_79 = arith.constant 0 : index
      %get3A_80 = tpu.vector_load %arg9[%get3A_78, %get3A_79] {strides = array<i32>} : memref<32x768xf32, #tpu.memory_space<vmem>>, vector<1x16xf32>,
      %get3A_81 = vector.shape_cast %get3A_80 : vector<1x16xf32> to vector<16xf32>
      %add3A_82 = arith.addf %get3A_77, %get3A_81 : vector<16xf32>
      %swap3A = arith.index_cast %scan3A_74 : i32 to index
      %swap3A_83 = arith.constant 0 : index
      %swap3A_84 = tpu.vector_load %arg8[%swap3A, %swap3A_83] {strides = array<i32>} : memref<32x768xf32, #tpu.memory_space<vmem>>, vector<1x16xf32>,
      %swap3A_85 = vector.shape_cast %swap3A_84 : vector<1x16xf32> to vector<16xf32>
      %swap3A_86 = vector.shape_cast %add3A_82 : vector<16xf32> to vector<1x16xf32>
      tpu.vector_store %arg8[%swap3A, %swap3A_83], %swap3A_86 {strides = array<i32>} : memref<32x768xf32, #tpu.memory_space<vmem>>, vector<1x16xf32>,
      %get3A_87 = arith.index_cast %scan3A_74 : i32 to index
      %get3A_88 = arith.constant 16 : index
      %get3A_89 = tpu.vector_load %arg8[%get3A_87, %get3A_88] {strides = array<i32>} : memref<32x768xf32, #tpu.memory_space<vmem>>, vector<1x16xf32>,
      %get3A_90 = vector.shape_cast %get3A_89 : vector<1x16xf32> to vector<16xf32>
      %get3A_91 = arith.index_cast %scan3A_74 : i32 to index
      %get3A_92 = arith.constant 16 : index
      %get3A_93 = tpu.vector_load %arg9[%get3A_91, %get3A_92] {strides = array<i32>} : memref<32x768xf32, #tpu.memory_space<vmem>>, vector<1x16xf32>,
      %get3A_94 = vector.shape_cast %get3A_93 : vector<1x16xf32> to vector<16xf32>
      %add3A_95 = arith.addf %get3A_90, %get3A_94 : vector<16xf32>
      %swap3A_96 = arith.index_cast %scan3A_74 : i32 to index
      %swap3A_97 = arith.constant 16 : index
      %swap3A_98 = tpu.vector_load %arg8[%swap3A_96, %swap3A_97] {strides = array<i32>} : memref<32x768xf32, #tpu.memory_space<vmem>>, vector<1x16xf32>,
      %swap3A_99 = vector.shape_cast %swap3A_98 : vector<1x16xf32> to vector<16xf32>
      %swap3A_100 = vector.shape_cast %add3A_95 : vector<16xf32> to vector<1x16xf32>
      tpu.vector_store %arg8[%swap3A_96, %swap3A_97], %swap3A_100 {strides = array<i32>} : memref<32x768xf32, #tpu.memory_space<vmem>>, vector<1x16xf32>,
      %get3A_101 = arith.index_cast %scan3A_74 : i32 to index
      %get3A_102 = arith.constant 32 : index
      %get3A_103 = tpu.vector_load %arg8[%get3A_101, %get3A_102] {strides = array<i32>} : memref<32x768xf32, #tpu.memory_space<vmem>>, vector<1x16xf32>,
      %get3A_104 = vector.shape_cast %get3A_103 : vector<1x16xf32> to vector<16xf32>
      %get3A_105 = arith.index_cast %scan3A_74 : i32 to index
      %get3A_106 = arith.constant 32 : index
      %get3A_107 = tpu.vector_load %arg9[%get3A_105, %get3A_106] {strides = array<i32>} : memref<32x768xf32, #tpu.memory_space<vmem>>, vector<1x16xf32>,
      %get3A_108 = vector.shape_cast %get3A_107 : vector<1x16xf32> to vector<16xf32>
      %add3A_109 = arith.addf %get3A_104, %get3A_108 : vector<16xf32>
      %swap3A_110 = arith.index_cast %scan3A_74 : i32 to index
      %swap3A_111 = arith.constant 32 : index
      %swap3A_112 = tpu.vector_load %arg8[%swap3A_110, %swap3A_111] {strides = array<i32>} : memref<32x768xf32, #tpu.memory_space<vmem>>, vector<1x16xf32>,
      %swap3A_113 = vector.shape_cast %swap3A_112 : vector<1x16xf32> to vector<16xf32>
      %swap3A_114 = vector.shape_cast %add3A_109 : vector<16xf32> to vector<1x16xf32>
      tpu.vector_store %arg8[%swap3A_110, %swap3A_111], %swap3A_114 {strides = array<i32>} : memref<32x768xf32, #tpu.memory_space<vmem>>, vector<1x16xf32>,
      %get3A_115 = arith.index_cast %scan3A_74 : i32 to index
      %get3A_116 = arith.constant 48 : index
      %get3A_117 = tpu.vector_load %arg8[%get3A_115, %get3A_116] {strides = array<i32>} : memref<32x768xf32, #tpu.memory_space<vmem>>, vector<1x16xf32>,
      %get3A_118 = vector.shape_cast %get3A_117 : vector<1x16xf32> to vector<16xf32>
      %get3A_119 = arith.index_cast %scan3A_74 : i32 to index
      %get3A_120 = arith.constant 48 : index
      %get3A_121 = tpu.vector_load %arg9[%get3A_119, %get3A_120] {strides = array<i32>} : memref<32x768xf32, #tpu.memory_space<vmem>>, vector<1x16xf32>,
      %get3A_122 = vector.shape_cast %get3A_121 : vector<1x16xf32> to vector<16xf32>
      %add3A_123 = arith.addf %get3A_118, %get3A_122 : vector<16xf32>
      %swap3A_124 = arith.index_cast %scan3A_74 : i32 to index
      %swap3A_125 = arith.constant 48 : index
      %swap3A_126 = tpu.vector_load %arg8[%swap3A_124, %swap3A_125] {strides = array<i32>} : memref<32x768xf32, #tpu.memory_space<vmem>>, vector<1x16xf32>,
      %swap3A_127 = vector.shape_cast %swap3A_126 : vector<1x16xf32> to vector<16xf32>
      %swap3A_128 = vector.shape_cast %add3A_123 : vector<16xf32> to vector<1x16xf32>
      tpu.vector_store %arg8[%swap3A_124, %swap3A_125], %swap3A_128 {strides = array<i32>} : memref<32x768xf32, #tpu.memory_space<vmem>>, vector<1x16xf32>,
      %get3A_129 = arith.index_cast %scan3A_74 : i32 to index
      %get3A_130 = arith.constant 64 : index
      %get3A_131 = tpu.vector_load %arg8[%get3A_129, %get3A_130] {strides = array<i32>} : memref<32x768xf32, #tpu.memory_space<vmem>>, vector<1x16xf32>,
      %get3A_132 = vector.shape_cast %get3A_131 : vector<1x16xf32> to vector<16xf32>
      %get3A_133 = arith.index_cast %scan3A_74 : i32 to index
      %get3A_134 = arith.constant 64 : index
      %get3A_135 = tpu.vector_load %arg9[%get3A_133, %get3A_134] {strides = array<i32>} : memref<32x768xf32, #tpu.memory_space<vmem>>, vector<1x16xf32>,
      %get3A_136 = vector.shape_cast %get3A_135 : vector<1x16xf32> to vector<16xf32>
      %add3A_137 = arith.addf %get3A_132, %get3A_136 : vector<16xf32>
      %swap3A_138 = arith.index_cast %scan3A_74 : i32 to index
      %swap3A_139 = arith.constant 64 : index
      %swap3A_140 = tpu.vector_load %arg8[%swap3A_138, %swap3A_139] {strides = array<i32>} : memref<32x768xf32, #tpu.memory_space<vmem>>, vector<1x16xf32>,
      %swap3A_141 = vector.shape_cast %swap3A_140 : vector<1x16xf32> to vector<16xf32>
      %swap3A_142 = vector.shape_cast %add3A_137 : vector<16xf32> to vector<1x16xf32>
      tpu.vector_store %arg8[%swap3A_138, %swap3A_139], %swap3A_142 {strides = array<i32>} : memref<32x768xf32, #tpu.memory_space<vmem>>, vector<1x16xf32>,
      %get3A_143 = arith.index_cast %scan3A_74 : i32 to index
      %get3A_144 = arith.constant 80 : index
      %get3A_145 = tpu.vector_load %arg8[%get3A_143, %get3A_144] {strides = array<i32>} : memref<32x768xf32, #tpu.memory_space<vmem>>, vector<1x16xf32>,
      %get3A_146 = vector.shape_cast %get3A_145 : vector<1x16xf32> to vector<16xf32>
      %get3A_147 = arith.index_cast %scan3A_74 : i32 to index
      %get3A_148 = arith.constant 80 : index
      %get3A_149 = tpu.vector_load %arg9[%get3A_147, %get3A_148] {strides = array<i32>} : memref<32x768xf32, #tpu.memory_space<vmem>>, vector<1x16xf32>,
      %get3A_150 = vector.shape_cast %get3A_149 : vector<1x16xf32> to vector<16xf32>
      %add3A_151 = arith.addf %get3A_146, %get3A_150 : vector<16xf32>
      %swap3A_152 = arith.index_cast %scan3A_74 : i32 to index
      %swap3A_153 = arith.constant 80 : index
      %swap3A_154 = tpu.vector_load %arg8[%swap3A_152, %swap3A_153] {strides = array<i32>} : memref<32x768xf32, #tpu.memory_space<vmem>>, vector<1x16xf32>,
      %swap3A_155 = vector.shape_cast %swap3A_154 : vector<1x16xf32> to vector<16xf32>
      %swap3A_156 = vector.shape_cast %add3A_151 : vector<16xf32> to vector<1x16xf32>
      tpu.vector_store %arg8[%swap3A_152, %swap3A_153], %swap3A_156 {strides = array<i32>} : memref<32x768xf32, #tpu.memory_space<vmem>>, vector<1x16xf32>,
      %get3A_157 = arith.index_cast %scan3A_74 : i32 to index
      %get3A_158 = arith.constant 96 : index
      %get3A_159 = tpu.vector_load %arg8[%get3A_157, %get3A_158] {strides = array<i32>} : memref<32x768xf32, #tpu.memory_space<vmem>>, vector<1x16xf32>,
      %get3A_160 = vector.shape_cast %get3A_159 : vector<1x16xf32> to vector<16xf32>
      %get3A_161 = arith.index_cast %scan3A_74 : i32 to index
      %get3A_162 = arith.constant 96 : index
      %get3A_163 = tpu.vector_load %arg9[%get3A_161, %get3A_162] {strides = array<i32>} : memref<32x768xf32, #tpu.memory_space<vmem>>, vector<1x16xf32>,
      %get3A_164 = vector.shape_cast %get3A_163 : vector<1x16xf32> to vector<16xf32>
      %add3A_165 = arith.addf %get3A_160, %get3A_164 : vector<16xf32>
      %swap3A_166 = arith.index_cast %scan3A_74 : i32 to index
      %swap3A_167 = arith.constant 96 : index
      %swap3A_168 = tpu.vector_load %arg8[%swap3A_166, %swap3A_167] {strides = array<i32>} : memref<32x768xf32, #tpu.memory_space<vmem>>, vector<1x16xf32>,
      %swap3A_169 = vector.shape_cast %swap3A_168 : vector<1x16xf32> to vector<16xf32>
      %swap3A_170 = vector.shape_cast %add3A_165 : vector<16xf32> to vector<1x16xf32>
      tpu.vector_store %arg8[%swap3A_166, %swap3A_167], %swap3A_170 {strides = array<i32>} : memref<32x768xf32, #tpu.memory_space<vmem>>, vector<1x16xf32>,
      %get3A_171 = arith.index_cast %scan3A_74 : i32 to index
      %get3A_172 = arith.constant 112 : index
      %get3A_173 = tpu.vector_load %arg8[%get3A_171, %get3A_172] {strides = array<i32>} : memref<32x768xf32, #tpu.memory_space<vmem>>, vector<1x16xf32>,
      %get3A_174 = vector.shape_cast %get3A_173 : vector<1x16xf32> to vector<16xf32>
      %get3A_175 = arith.index_cast %scan3A_74 : i32 to index
      %get3A_176 = arith.constant 112 : index
      %get3A_177 = tpu.vector_load %arg9[%get3A_175, %get3A_176] {strides = array<i32>} : memref<32x768xf32, #tpu.memory_space<vmem>>, vector<1x16xf32>,
      %get3A_178 = vector.shape_cast %get3A_177 : vector<1x16xf32> to vector<16xf32>
      %add3A_179 = arith.addf %get3A_174, %get3A_178 : vector<16xf32>
      %swap3A_180 = arith.index_cast %scan3A_74 : i32 to index
      %swap3A_181 = arith.constant 112 : index
      %swap3A_182 = tpu.vector_load %arg8[%swap3A_180, %swap3A_181] {strides = array<i32>} : memref<32x768xf32, #tpu.memory_space<vmem>>, vector<1x16xf32>,
      %swap3A_183 = vector.shape_cast %swap3A_182 : vector<1x16xf32> to vector<16xf32>
      %swap3A_184 = vector.shape_cast %add3A_179 : vector<16xf32> to vector<1x16xf32>
      tpu.vector_store %arg8[%swap3A_180, %swap3A_181], %swap3A_184 {strides = array<i32>} : memref<32x768xf32, #tpu.memory_space<vmem>>, vector<1x16xf32>,
      %get3A_185 = arith.index_cast %scan3A_74 : i32 to index
      %get3A_186 = arith.constant 128 : index
      %get3A_187 = tpu.vector_load %arg8[%get3A_185, %get3A_186] {strides = array<i32>} : memref<32x768xf32, #tpu.memory_space<vmem>>, vector<1x16xf32>,
      %get3A_188 = vector.shape_cast %get3A_187 : vector<1x16xf32> to vector<16xf32>
      %get3A_189 = arith.index_cast %scan3A_74 : i32 to index
      %get3A_190 = arith.constant 128 : index
      %get3A_191 = tpu.vector_load %arg9[%get3A_189, %get3A_190] {strides = array<i32>} : memref<32x768xf32, #tpu.memory_space<vmem>>, vector<1x16xf32>,
      %get3A_192 = vector.shape_cast %get3A_191 : vector<1x16xf32> to vector<16xf32>
      %add3A_193 = arith.addf %get3A_188, %get3A_192 : vector<16xf32>
      %swap3A_194 = arith.index_cast %scan3A_74 : i32 to index
      %swap3A_195 = arith.constant 128 : index
      %swap3A_196 = tpu.vector_load %arg8[%swap3A_194, %swap3A_195] {strides = array<i32>} : memref<32x768xf32, #tpu.memory_space<vmem>>, vector<1x16xf32>,
      %swap3A_197 = vector.shape_cast %swap3A_196 : vector<1x16xf32> to vector<16xf32>
      %swap3A_198 = vector.shape_cast %add3A_193 : vector<16xf32> to vector<1x16xf32>
      tpu.vector_store %arg8[%swap3A_194, %swap3A_195], %swap3A_198 {strides = array<i32>} : memref<32x768xf32, #tpu.memory_space<vmem>>, vector<1x16xf32>,
      %get3A_199 = arith.index_cast %scan3A_74 : i32 to index
      %get3A_200 = arith.constant 144 : index
      %get3A_201 = tpu.vector_load %arg8[%get3A_199, %get3A_200] {strides = array<i32>} : memref<32x768xf32, #tpu.memory_space<vmem>>, vector<1x16xf32>,
      %get3A_202 = vector.shape_cast %get3A_201 : vector<1x16xf32> to vector<16xf32>
      %get3A_203 = arith.index_cast %scan3A_74 : i32 to index
      %get3A_204 = arith.constant 144 : index
      %get3A_205 = tpu.vector_load %arg9[%get3A_203, %get3A_204] {strides = array<i32>} : memref<32x768xf32, #tpu.memory_space<vmem>>, vector<1x16xf32>,
      %get3A_206 = vector.shape_cast %get3A_205 : vector<1x16xf32> to vector<16xf32>
      %add3A_207 = arith.addf %get3A_202, %get3A_206 : vector<16xf32>
      %swap3A_208 = arith.index_cast %scan3A_74 : i32 to index
      %swap3A_209 = arith.constant 144 : index
      %swap3A_210 = tpu.vector_load %arg8[%swap3A_208, %swap3A_209] {strides = array<i32>} : memref<32x768xf32, #tpu.memory_space<vmem>>, vector<1x16xf32>,
      %swap3A_211 = vector.shape_cast %swap3A_210 : vector<1x16xf32> to vector<16xf32>
      %swap3A_212 = vector.shape_cast %add3A_207 : vector<16xf32> to vector<1x16xf32>
      tpu.vector_store %arg8[%swap3A_208, %swap3A_209], %swap3A_212 {strides = array<i32>} : memref<32x768xf32, #tpu.memory_space<vmem>>, vector<1x16xf32>,
      %get3A_213 = arith.index_cast %scan3A_74 : i32 to index
      %get3A_214 = arith.constant 160 : index
      %get3A_215 = tpu.vector_load %arg8[%get3A_213, %get3A_214] {strides = array<i32>} : memref<32x768xf32, #tpu.memory_space<vmem>>, vector<1x16xf32>,
      %get3A_216 = vector.shape_cast %get3A_215 : vector<1x16xf32> to vector<16xf32>
      %get3A_217 = arith.index_cast %scan3A_74 : i32 to index
      %get3A_218 = arith.constant 160 : index
      %get3A_219 = tpu.vector_load %arg9[%get3A_217, %get3A_218] {strides = array<i32>} : memref<32x768xf32, #tpu.memory_space<vmem>>, vector<1x16xf32>,
      %get3A_220 = vector.shape_cast %get3A_219 : vector<1x16xf32> to vector<16xf32>
      %add3A_221 = arith.addf %get3A_216, %get3A_220 : vector<16xf32>
      %swap3A_222 = arith.index_cast %scan3A_74 : i32 to index
      %swap3A_223 = arith.constant 160 : index
      %swap3A_224 = tpu.vector_load %arg8[%swap3A_222, %swap3A_223] {strides = array<i32>} : memref<32x768xf32, #tpu.memory_space<vmem>>, vector<1x16xf32>,
      %swap3A_225 = vector.shape_cast %swap3A_224 : vector<1x16xf32> to vector<16xf32>
      %swap3A_226 = vector.shape_cast %add3A_221 : vector<16xf32> to vector<1x16xf32>
      tpu.vector_store %arg8[%swap3A_222, %swap3A_223], %swap3A_226 {strides = array<i32>} : memref<32x768xf32, #tpu.memory_space<vmem>>, vector<1x16xf32>,
      %get3A_227 = arith.index_cast %scan3A_74 : i32 to index
      %get3A_228 = arith.constant 176 : index
      %get3A_229 = tpu.vector_load %arg8[%get3A_227, %get3A_228] {strides = array<i32>} : memref<32x768xf32, #tpu.memory_space<vmem>>, vector<1x16xf32>,
      %get3A_230 = vector.shape_cast %get3A_229 : vector<1x16xf32> to vector<16xf32>
      %get3A_231 = arith.index_cast %scan3A_74 : i32 to index
      %get3A_232 = arith.constant 176 : index
      %get3A_233 = tpu.vector_load %arg9[%get3A_231, %get3A_232] {strides = array<i32>} : memref<32x768xf32, #tpu.memory_space<vmem>>, vector<1x16xf32>,
      %get3A_234 = vector.shape_cast %get3A_233 : vector<1x16xf32> to vector<16xf32>
      %add3A_235 = arith.addf %get3A_230, %get3A_234 : vector<16xf32>
      %swap3A_236 = arith.index_cast %scan3A_74 : i32 to index
      %swap3A_237 = arith.constant 176 : index
      %swap3A_238 = tpu.vector_load %arg8[%swap3A_236, %swap3A_237] {strides = array<i32>} : memref<32x768xf32, #tpu.memory_space<vmem>>, vector<1x16xf32>,
      %swap3A_239 = vector.shape_cast %swap3A_238 : vector<1x16xf32> to vector<16xf32>
      %swap3A_240 = vector.shape_cast %add3A_235 : vector<16xf32> to vector<1x16xf32>
      tpu.vector_store %arg8[%swap3A_236, %swap3A_237], %swap3A_240 {strides = array<i32>} : memref<32x768xf32, #tpu.memory_space<vmem>>, vector<1x16xf32>,
      %get3A_241 = arith.index_cast %scan3A_74 : i32 to index
      %get3A_242 = arith.constant 192 : index
      %get3A_243 = tpu.vector_load %arg8[%get3A_241, %get3A_242] {strides = array<i32>} : memref<32x768xf32, #tpu.memory_space<vmem>>, vector<1x16xf32>,
      %get3A_244 = vector.shape_cast %get3A_243 : vector<1x16xf32> to vector<16xf32>
      %get3A_245 = arith.index_cast %scan3A_74 : i32 to index
      %get3A_246 = arith.constant 192 : index
      %get3A_247 = tpu.vector_load %arg9[%get3A_245, %get3A_246] {strides = array<i32>} : memref<32x768xf32, #tpu.memory_space<vmem>>, vector<1x16xf32>,
      %get3A_248 = vector.shape_cast %get3A_247 : vector<1x16xf32> to vector<16xf32>
      %add3A_249 = arith.addf %get3A_244, %get3A_248 : vector<16xf32>
      %swap3A_250 = arith.index_cast %scan3A_74 : i32 to index
      %swap3A_251 = arith.constant 192 : index
      %swap3A_252 = tpu.vector_load %arg8[%swap3A_250, %swap3A_251] {strides = array<i32>} : memref<32x768xf32, #tpu.memory_space<vmem>>, vector<1x16xf32>,
      %swap3A_253 = vector.shape_cast %swap3A_252 : vector<1x16xf32> to vector<16xf32>
      %swap3A_254 = vector.shape_cast %add3A_249 : vector<16xf32> to vector<1x16xf32>
      tpu.vector_store %arg8[%swap3A_250, %swap3A_251], %swap3A_254 {strides = array<i32>} : memref<32x768xf32, #tpu.memory_space<vmem>>, vector<1x16xf32>,
      %get3A_255 = arith.index_cast %scan3A_74 : i32 to index
      %get3A_256 = arith.constant 208 : index
      %get3A_257 = tpu.vector_load %arg8[%get3A_255, %get3A_256] {strides = array<i32>} : memref<32x768xf32, #tpu.memory_space<vmem>>, vector<1x16xf32>,
      %get3A_258 = vector.shape_cast %get3A_257 : vector<1x16xf32> to vector<16xf32>
      %get3A_259 = arith.index_cast %scan3A_74 : i32 to index
      %get3A_260 = arith.constant 208 : index
      %get3A_261 = tpu.vector_load %arg9[%get3A_259, %get3A_260] {strides = array<i32>} : memref<32x768xf32, #tpu.memory_space<vmem>>, vector<1x16xf32>,
      %get3A_262 = vector.shape_cast %get3A_261 : vector<1x16xf32> to vector<16xf32>
      %add3A_263 = arith.addf %get3A_258, %get3A_262 : vector<16xf32>
      %swap3A_264 = arith.index_cast %scan3A_74 : i32 to index
      %swap3A_265 = arith.constant 208 : index
      %swap3A_266 = tpu.vector_load %arg8[%swap3A_264, %swap3A_265] {strides = array<i32>} : memref<32x768xf32, #tpu.memory_space<vmem>>, vector<1x16xf32>,
      %swap3A_267 = vector.shape_cast %swap3A_266 : vector<1x16xf32> to vector<16xf32>
      %swap3A_268 = vector.shape_cast %add3A_263 : vector<16xf32> to vector<1x16xf32>
      tpu.vector_store %arg8[%swap3A_264, %swap3A_265], %swap3A_268 {strides = array<i32>} : memref<32x768xf32, #tpu.memory_space<vmem>>, vector<1x16xf32>,
      %get3A_269 = arith.index_cast %scan3A_74 : i32 to index
      %get3A_270 = arith.constant 224 : index
      %get3A_271 = tpu.vector_load %arg8[%get3A_269, %get3A_270] {strides = array<i32>} : memref<32x768xf32, #tpu.memory_space<vmem>>, vector<1x16xf32>,
      %get3A_272 = vector.shape_cast %get3A_271 : vector<1x16xf32> to vector<16xf32>
      %get3A_273 = arith.index_cast %scan3A_74 : i32 to index
      %get3A_274 = arith.constant 224 : index
      %get3A_275 = tpu.vector_load %arg9[%get3A_273, %get3A_274] {strides = array<i32>} : memref<32x768xf32, #tpu.memory_space<vmem>>, vector<1x16xf32>,
      %get3A_276 = vector.shape_cast %get3A_275 : vector<1x16xf32> to vector<16xf32>
      %add3A_277 = arith.addf %get3A_272, %get3A_276 : vector<16xf32>
      %swap3A_278 = arith.index_cast %scan3A_74 : i32 to index
      %swap3A_279 = arith.constant 224 : index
      %swap3A_280 = tpu.vector_load %arg8[%swap3A_278, %swap3A_279] {strides = array<i32>} : memref<32x768xf32, #tpu.memory_space<vmem>>, vector<1x16xf32>,
      %swap3A_281 = vector.shape_cast %swap3A_280 : vector<1x16xf32> to vector<16xf32>
      %swap3A_282 = vector.shape_cast %add3A_277 : vector<16xf32> to vector<1x16xf32>
      tpu.vector_store %arg8[%swap3A_278, %swap3A_279], %swap3A_282 {strides = array<i32>} : memref<32x768xf32, #tpu.memory_space<vmem>>, vector<1x16xf32>,
      %get3A_283 = arith.index_cast %scan3A_74 : i32 to index
      %get3A_284 = arith.constant 240 : index
      %get3A_285 = tpu.vector_load %arg8[%get3A_283, %get3A_284] {strides = array<i32>} : memref<32x768xf32, #tpu.memory_space<vmem>>, vector<1x16xf32>,
      %get3A_286 = vector.shape_cast %get3A_285 : vector<1x16xf32> to vector<16xf32>
      %get3A_287 = arith.index_cast %scan3A_74 : i32 to index
      %get3A_288 = arith.constant 240 : index
      %get3A_289 = tpu.vector_load %arg9[%get3A_287, %get3A_288] {strides = array<i32>} : memref<32x768xf32, #tpu.memory_space<vmem>>, vector<1x16xf32>,
      %get3A_290 = vector.shape_cast %get3A_289 : vector<1x16xf32> to vector<16xf32>
      %add3A_291 = arith.addf %get3A_286, %get3A_290 : vector<16xf32>
      %swap3A_292 = arith.index_cast %scan3A_74 : i32 to index
      %swap3A_293 = arith.constant 240 : index
      %swap3A_294 = tpu.vector_load %arg8[%swap3A_292, %swap3A_293] {strides = array<i32>} : memref<32x768xf32, #tpu.memory_space<vmem>>, vector<1x16xf32>,
      %swap3A_295 = vector.shape_cast %swap3A_294 : vector<1x16xf32> to vector<16xf32>
      %swap3A_296 = vector.shape_cast %add3A_291 : vector<16xf32> to vector<1x16xf32>
      tpu.vector_store %arg8[%swap3A_292, %swap3A_293], %swap3A_296 {strides = array<i32>} : memref<32x768xf32, #tpu.memory_space<vmem>>, vector<1x16xf32>,
      %get3A_297 = arith.index_cast %scan3A_74 : i32 to index
      %get3A_298 = arith.constant 256 : index
      %get3A_299 = tpu.vector_load %arg8[%get3A_297, %get3A_298] {strides = array<i32>} : memref<32x768xf32, #tpu.memory_space<vmem>>, vector<1x16xf32>,
      %get3A_300 = vector.shape_cast %get3A_299 : vector<1x16xf32> to vector<16xf32>
      %get3A_301 = arith.index_cast %scan3A_74 : i32 to index
      %get3A_302 = arith.constant 256 : index
      %get3A_303 = tpu.vector_load %arg9[%get3A_301, %get3A_302] {strides = array<i32>} : memref<32x768xf32, #tpu.memory_space<vmem>>, vector<1x16xf32>,
      %get3A_304 = vector.shape_cast %get3A_303 : vector<1x16xf32> to vector<16xf32>
      %add3A_305 = arith.addf %get3A_300, %get3A_304 : vector<16xf32>
      %swap3A_306 = arith.index_cast %scan3A_74 : i32 to index
      %swap3A_307 = arith.constant 256 : index
      %swap3A_308 = tpu.vector_load %arg8[%swap3A_306, %swap3A_307] {strides = array<i32>} : memref<32x768xf32, #tpu.memory_space<vmem>>, vector<1x16xf32>,
      %swap3A_309 = vector.shape_cast %swap3A_308 : vector<1x16xf32> to vector<16xf32>
      %swap3A_310 = vector.shape_cast %add3A_305 : vector<16xf32> to vector<1x16xf32>
      tpu.vector_store %arg8[%swap3A_306, %swap3A_307], %swap3A_310 {strides = array<i32>} : memref<32x768xf32, #tpu.memory_space<vmem>>, vector<1x16xf32>,
      %get3A_311 = arith.index_cast %scan3A_74 : i32 to index
      %get3A_312 = arith.constant 272 : index
      %get3A_313 = tpu.vector_load %arg8[%get3A_311, %get3A_312] {strides = array<i32>} : memref<32x768xf32, #tpu.memory_space<vmem>>, vector<1x16xf32>,
      %get3A_314 = vector.shape_cast %get3A_313 : vector<1x16xf32> to vector<16xf32>
      %get3A_315 = arith.index_cast %scan3A_74 : i32 to index
      %get3A_316 = arith.constant 272 : index
      %get3A_317 = tpu.vector_load %arg9[%get3A_315, %get3A_316] {strides = array<i32>} : memref<32x768xf32, #tpu.memory_space<vmem>>, vector<1x16xf32>,
      %get3A_318 = vector.shape_cast %get3A_317 : vector<1x16xf32> to vector<16xf32>
      %add3A_319 = arith.addf %get3A_314, %get3A_318 : vector<16xf32>
      %swap3A_320 = arith.index_cast %scan3A_74 : i32 to index
      %swap3A_321 = arith.constant 272 : index
      %swap3A_322 = tpu.vector_load %arg8[%swap3A_320, %swap3A_321] {strides = array<i32>} : memref<32x768xf32, #tpu.memory_space<vmem>>, vector<1x16xf32>,
      %swap3A_323 = vector.shape_cast %swap3A_322 : vector<1x16xf32> to vector<16xf32>
      %swap3A_324 = vector.shape_cast %add3A_319 : vector<16xf32> to vector<1x16xf32>
      tpu.vector_store %arg8[%swap3A_320, %swap3A_321], %swap3A_324 {strides = array<i32>} : memref<32x768xf32, #tpu.memory_space<vmem>>, vector<1x16xf32>,
      %get3A_325 = arith.index_cast %scan3A_74 : i32 to index
      %get3A_326 = arith.constant 288 : index
      %get3A_327 = tpu.vector_load %arg8[%get3A_325, %get3A_326] {strides = array<i32>} : memref<32x768xf32, #tpu.memory_space<vmem>>, vector<1x16xf32>,
      %get3A_328 = vector.shape_cast %get3A_327 : vector<1x16xf32> to vector<16xf32>
      %get3A_329 = arith.index_cast %scan3A_74 : i32 to index
      %get3A_330 = arith.constant 288 : index
      %get3A_331 = tpu.vector_load %arg9[%get3A_329, %get3A_330] {strides = array<i32>} : memref<32x768xf32, #tpu.memory_space<vmem>>, vector<1x16xf32>,
      %get3A_332 = vector.shape_cast %get3A_331 : vector<1x16xf32> to vector<16xf32>
      %add3A_333 = arith.addf %get3A_328, %get3A_332 : vector<16xf32>
      %swap3A_334 = arith.index_cast %scan3A_74 : i32 to index
      %swap3A_335 = arith.constant 288 : index
      %swap3A_336 = tpu.vector_load %arg8[%swap3A_334, %swap3A_335] {strides = array<i32>} : memref<32x768xf32, #tpu.memory_space<vmem>>, vector<1x16xf32>,
      %swap3A_337 = vector.shape_cast %swap3A_336 : vector<1x16xf32> to vector<16xf32>
      %swap3A_338 = vector.shape_cast %add3A_333 : vector<16xf32> to vector<1x16xf32>
      tpu.vector_store %arg8[%swap3A_334, %swap3A_335], %swap3A_338 {strides = array<i32>} : memref<32x768xf32, #tpu.memory_space<vmem>>, vector<1x16xf32>,
      %get3A_339 = arith.index_cast %scan3A_74 : i32 to index
      %get3A_340 = arith.constant 304 : index
      %get3A_341 = tpu.vector_load %arg8[%get3A_339, %get3A_340] {strides = array<i32>} : memref<32x768xf32, #tpu.memory_space<vmem>>, vector<1x16xf32>,
      %get3A_342 = vector.shape_cast %get3A_341 : vector<1x16xf32> to vector<16xf32>
      %get3A_343 = arith.index_cast %scan3A_74 : i32 to index
      %get3A_344 = arith.constant 304 : index
      %get3A_345 = tpu.vector_load %arg9[%get3A_343, %get3A_344] {strides = array<i32>} : memref<32x768xf32, #tpu.memory_space<vmem>>, vector<1x16xf32>,
      %get3A_346 = vector.shape_cast %get3A_345 : vector<1x16xf32> to vector<16xf32>
      %add3A_347 = arith.addf %get3A_342, %get3A_346 : vector<16xf32>
      %swap3A_348 = arith.index_cast %scan3A_74 : i32 to index
      %swap3A_349 = arith.constant 304 : index
      %swap3A_350 = tpu.vector_load %arg8[%swap3A_348, %swap3A_349] {strides = array<i32>} : memref<32x768xf32, #tpu.memory_space<vmem>>, vector<1x16xf32>,
      %swap3A_351 = vector.shape_cast %swap3A_350 : vector<1x16xf32> to vector<16xf32>
      %swap3A_352 = vector.shape_cast %add3A_347 : vector<16xf32> to vector<1x16xf32>
      tpu.vector_store %arg8[%swap3A_348, %swap3A_349], %swap3A_352 {strides = array<i32>} : memref<32x768xf32, #tpu.memory_space<vmem>>, vector<1x16xf32>,
      %get3A_353 = arith.index_cast %scan3A_74 : i32 to index
      %get3A_354 = arith.constant 320 : index
      %get3A_355 = tpu.vector_load %arg8[%get3A_353, %get3A_354] {strides = array<i32>} : memref<32x768xf32, #tpu.memory_space<vmem>>, vector<1x16xf32>,
      %get3A_356 = vector.shape_cast %get3A_355 : vector<1x16xf32> to vector<16xf32>
      %get3A_357 = arith.index_cast %scan3A_74 : i32 to index
      %get3A_358 = arith.constant 320 : index
      %get3A_359 = tpu.vector_load %arg9[%get3A_357, %get3A_358] {strides = array<i32>} : memref<32x768xf32, #tpu.memory_space<vmem>>, vector<1x16xf32>,
      %get3A_360 = vector.shape_cast %get3A_359 : vector<1x16xf32> to vector<16xf32>
      %add3A_361 = arith.addf %get3A_356, %get3A_360 : vector<16xf32>
      %swap3A_362 = arith.index_cast %scan3A_74 : i32 to index
      %swap3A_363 = arith.constant 320 : index
      %swap3A_364 = tpu.vector_load %arg8[%swap3A_362, %swap3A_363] {strides = array<i32>} : memref<32x768xf32, #tpu.memory_space<vmem>>, vector<1x16xf32>,
      %swap3A_365 = vector.shape_cast %swap3A_364 : vector<1x16xf32> to vector<16xf32>
      %swap3A_366 = vector.shape_cast %add3A_361 : vector<16xf32> to vector<1x16xf32>
      tpu.vector_store %arg8[%swap3A_362, %swap3A_363], %swap3A_366 {strides = array<i32>} : memref<32x768xf32, #tpu.memory_space<vmem>>, vector<1x16xf32>,
      %get3A_367 = arith.index_cast %scan3A_74 : i32 to index
      %get3A_368 = arith.constant 336 : index
      %get3A_369 = tpu.vector_load %arg8[%get3A_367, %get3A_368] {strides = array<i32>} : memref<32x768xf32, #tpu.memory_space<vmem>>, vector<1x16xf32>,
      %get3A_370 = vector.shape_cast %get3A_369 : vector<1x16xf32> to vector<16xf32>
      %get3A_371 = arith.index_cast %scan3A_74 : i32 to index
      %get3A_372 = arith.constant 336 : index
      %get3A_373 = tpu.vector_load %arg9[%get3A_371, %get3A_372] {strides = array<i32>} : memref<32x768xf32, #tpu.memory_space<vmem>>, vector<1x16xf32>,
      %get3A_374 = vector.shape_cast %get3A_373 : vector<1x16xf32> to vector<16xf32>
      %add3A_375 = arith.addf %get3A_370, %get3A_374 : vector<16xf32>
      %swap3A_376 = arith.index_cast %scan3A_74 : i32 to index
      %swap3A_377 = arith.constant 336 : index
      %swap3A_378 = tpu.vector_load %arg8[%swap3A_376, %swap3A_377] {strides = array<i32>} : memref<32x768xf32, #tpu.memory_space<vmem>>, vector<1x16xf32>,
      %swap3A_379 = vector.shape_cast %swap3A_378 : vector<1x16xf32> to vector<16xf32>
      %swap3A_380 = vector.shape_cast %add3A_375 : vector<16xf32> to vector<1x16xf32>
      tpu.vector_store %arg8[%swap3A_376, %swap3A_377], %swap3A_380 {strides = array<i32>} : memref<32x768xf32, #tpu.memory_space<vmem>>, vector<1x16xf32>,
      %get3A_381 = arith.index_cast %scan3A_74 : i32 to index
      %get3A_382 = arith.constant 352 : index
      %get3A_383 = tpu.vector_load %arg8[%get3A_381, %get3A_382] {strides = array<i32>} : memref<32x768xf32, #tpu.memory_space<vmem>>, vector<1x16xf32>,
      %get3A_384 = vector.shape_cast %get3A_383 : vector<1x16xf32> to vector<16xf32>
      %get3A_385 = arith.index_cast %scan3A_74 : i32 to index
      %get3A_386 = arith.constant 352 : index
      %get3A_387 = tpu.vector_load %arg9[%get3A_385, %get3A_386] {strides = array<i32>} : memref<32x768xf32, #tpu.memory_space<vmem>>, vector<1x16xf32>,
      %get3A_388 = vector.shape_cast %get3A_387 : vector<1x16xf32> to vector<16xf32>
      %add3A_389 = arith.addf %get3A_384, %get3A_388 : vector<16xf32>
      %swap3A_390 = arith.index_cast %scan3A_74 : i32 to index
      %swap3A_391 = arith.constant 352 : index
      %swap3A_392 = tpu.vector_load %arg8[%swap3A_390, %swap3A_391] {strides = array<i32>} : memref<32x768xf32, #tpu.memory_space<vmem>>, vector<1x16xf32>,
      %swap3A_393 = vector.shape_cast %swap3A_392 : vector<1x16xf32> to vector<16xf32>
      %swap3A_394 = vector.shape_cast %add3A_389 : vector<16xf32> to vector<1x16xf32>
      tpu.vector_store %arg8[%swap3A_390, %swap3A_391], %swap3A_394 {strides = array<i32>} : memref<32x768xf32, #tpu.memory_space<vmem>>, vector<1x16xf32>,
      %get3A_395 = arith.index_cast %scan3A_74 : i32 to index
      %get3A_396 = arith.constant 368 : index
      %get3A_397 = tpu.vector_load %arg8[%get3A_395, %get3A_396] {strides = array<i32>} : memref<32x768xf32, #tpu.memory_space<vmem>>, vector<1x16xf32>,
      %get3A_398 = vector.shape_cast %get3A_397 : vector<1x16xf32> to vector<16xf32>
      %get3A_399 = arith.index_cast %scan3A_74 : i32 to index
      %get3A_400 = arith.constant 368 : index
      %get3A_401 = tpu.vector_load %arg9[%get3A_399, %get3A_400] {strides = array<i32>} : memref<32x768xf32, #tpu.memory_space<vmem>>, vector<1x16xf32>,
      %get3A_402 = vector.shape_cast %get3A_401 : vector<1x16xf32> to vector<16xf32>
      %add3A_403 = arith.addf %get3A_398, %get3A_402 : vector<16xf32>
      %swap3A_404 = arith.index_cast %scan3A_74 : i32 to index
      %swap3A_405 = arith.constant 368 : index
      %swap3A_406 = tpu.vector_load %arg8[%swap3A_404, %swap3A_405] {strides = array<i32>} : memref<32x768xf32, #tpu.memory_space<vmem>>, vector<1x16xf32>,
      %swap3A_407 = vector.shape_cast %swap3A_406 : vector<1x16xf32> to vector<16xf32>
      %swap3A_408 = vector.shape_cast %add3A_403 : vector<16xf32> to vector<1x16xf32>
      tpu.vector_store %arg8[%swap3A_404, %swap3A_405], %swap3A_408 {strides = array<i32>} : memref<32x768xf32, #tpu.memory_space<vmem>>, vector<1x16xf32>,
      %get3A_409 = arith.index_cast %scan3A_74 : i32 to index
      %get3A_410 = arith.constant 384 : index
      %get3A_411 = tpu.vector_load %arg8[%get3A_409, %get3A_410] {strides = array<i32>} : memref<32x768xf32, #tpu.memory_space<vmem>>, vector<1x16xf32>,
      %get3A_412 = vector.shape_cast %get3A_411 : vector<1x16xf32> to vector<16xf32>
      %get3A_413 = arith.index_cast %scan3A_74 : i32 to index
      %get3A_414 = arith.constant 384 : index
      %get3A_415 = tpu.vector_load %arg9[%get3A_413, %get3A_414] {strides = array<i32>} : memref<32x768xf32, #tpu.memory_space<vmem>>, vector<1x16xf32>,
      %get3A_416 = vector.shape_cast %get3A_415 : vector<1x16xf32> to vector<16xf32>
      %add3A_417 = arith.addf %get3A_412, %get3A_416 : vector<16xf32>
      %swap3A_418 = arith.index_cast %scan3A_74 : i32 to index
      %swap3A_419 = arith.constant 384 : index
      %swap3A_420 = tpu.vector_load %arg8[%swap3A_418, %swap3A_419] {strides = array<i32>} : memref<32x768xf32, #tpu.memory_space<vmem>>, vector<1x16xf32>,
      %swap3A_421 = vector.shape_cast %swap3A_420 : vector<1x16xf32> to vector<16xf32>
      %swap3A_422 = vector.shape_cast %add3A_417 : vector<16xf32> to vector<1x16xf32>
      tpu.vector_store %arg8[%swap3A_418, %swap3A_419], %swap3A_422 {strides = array<i32>} : memref<32x768xf32, #tpu.memory_space<vmem>>, vector<1x16xf32>,
      %get3A_423 = arith.index_cast %scan3A_74 : i32 to index
      %get3A_424 = arith.constant 400 : index
      %get3A_425 = tpu.vector_load %arg8[%get3A_423, %get3A_424] {strides = array<i32>} : memref<32x768xf32, #tpu.memory_space<vmem>>, vector<1x16xf32>,
      %get3A_426 = vector.shape_cast %get3A_425 : vector<1x16xf32> to vector<16xf32>
      %get3A_427 = arith.index_cast %scan3A_74 : i32 to index
      %get3A_428 = arith.constant 400 : index
      %get3A_429 = tpu.vector_load %arg9[%get3A_427, %get3A_428] {strides = array<i32>} : memref<32x768xf32, #tpu.memory_space<vmem>>, vector<1x16xf32>,
      %get3A_430 = vector.shape_cast %get3A_429 : vector<1x16xf32> to vector<16xf32>
      %add3A_431 = arith.addf %get3A_426, %get3A_430 : vector<16xf32>
      %swap3A_432 = arith.index_cast %scan3A_74 : i32 to index
      %swap3A_433 = arith.constant 400 : index
      %swap3A_434 = tpu.vector_load %arg8[%swap3A_432, %swap3A_433] {strides = array<i32>} : memref<32x768xf32, #tpu.memory_space<vmem>>, vector<1x16xf32>,
      %swap3A_435 = vector.shape_cast %swap3A_434 : vector<1x16xf32> to vector<16xf32>
      %swap3A_436 = vector.shape_cast %add3A_431 : vector<16xf32> to vector<1x16xf32>
      tpu.vector_store %arg8[%swap3A_432, %swap3A_433], %swap3A_436 {strides = array<i32>} : memref<32x768xf32, #tpu.memory_space<vmem>>, vector<1x16xf32>,
      %get3A_437 = arith.index_cast %scan3A_74 : i32 to index
      %get3A_438 = arith.constant 416 : index
      %get3A_439 = tpu.vector_load %arg8[%get3A_437, %get3A_438] {strides = array<i32>} : memref<32x768xf32, #tpu.memory_space<vmem>>, vector<1x16xf32>,
      %get3A_440 = vector.shape_cast %get3A_439 : vector<1x16xf32> to vector<16xf32>
      %get3A_441 = arith.index_cast %scan3A_74 : i32 to index
      %get3A_442 = arith.constant 416 : index
      %get3A_443 = tpu.vector_load %arg9[%get3A_441, %get3A_442] {strides = array<i32>} : memref<32x768xf32, #tpu.memory_space<vmem>>, vector<1x16xf32>,
      %get3A_444 = vector.shape_cast %get3A_443 : vector<1x16xf32> to vector<16xf32>
      %add3A_445 = arith.addf %get3A_440, %get3A_444 : vector<16xf32>
      %swap3A_446 = arith.index_cast %scan3A_74 : i32 to index
      %swap3A_447 = arith.constant 416 : index
      %swap3A_448 = tpu.vector_load %arg8[%swap3A_446, %swap3A_447] {strides = array<i32>} : memref<32x768xf32, #tpu.memory_space<vmem>>, vector<1x16xf32>,
      %swap3A_449 = vector.shape_cast %swap3A_448 : vector<1x16xf32> to vector<16xf32>
      %swap3A_450 = vector.shape_cast %add3A_445 : vector<16xf32> to vector<1x16xf32>
      tpu.vector_store %arg8[%swap3A_446, %swap3A_447], %swap3A_450 {strides = array<i32>} : memref<32x768xf32, #tpu.memory_space<vmem>>, vector<1x16xf32>,
      %get3A_451 = arith.index_cast %scan3A_74 : i32 to index
      %get3A_452 = arith.constant 432 : index
      %get3A_453 = tpu.vector_load %arg8[%get3A_451, %get3A_452] {strides = array<i32>} : memref<32x768xf32, #tpu.memory_space<vmem>>, vector<1x16xf32>,
      %get3A_454 = vector.shape_cast %get3A_453 : vector<1x16xf32> to vector<16xf32>
      %get3A_455 = arith.index_cast %scan3A_74 : i32 to index
      %get3A_456 = arith.constant 432 : index
      %get3A_457 = tpu.vector_load %arg9[%get3A_455, %get3A_456] {strides = array<i32>} : memref<32x768xf32, #tpu.memory_space<vmem>>, vector<1x16xf32>,
      %get3A_458 = vector.shape_cast %get3A_457 : vector<1x16xf32> to vector<16xf32>
      %add3A_459 = arith.addf %get3A_454, %get3A_458 : vector<16xf32>
      %swap3A_460 = arith.index_cast %scan3A_74 : i32 to index
      %swap3A_461 = arith.constant 432 : index
      %swap3A_462 = tpu.vector_load %arg8[%swap3A_460, %swap3A_461] {strides = array<i32>} : memref<32x768xf32, #tpu.memory_space<vmem>>, vector<1x16xf32>,
      %swap3A_463 = vector.shape_cast %swap3A_462 : vector<1x16xf32> to vector<16xf32>
      %swap3A_464 = vector.shape_cast %add3A_459 : vector<16xf32> to vector<1x16xf32>
      tpu.vector_store %arg8[%swap3A_460, %swap3A_461], %swap3A_464 {strides = array<i32>} : memref<32x768xf32, #tpu.memory_space<vmem>>, vector<1x16xf32>,
      %get3A_465 = arith.index_cast %scan3A_74 : i32 to index
      %get3A_466 = arith.constant 448 : index
      %get3A_467 = tpu.vector_load %arg8[%get3A_465, %get3A_466] {strides = array<i32>} : memref<32x768xf32, #tpu.memory_space<vmem>>, vector<1x16xf32>,
      %get3A_468 = vector.shape_cast %get3A_467 : vector<1x16xf32> to vector<16xf32>
      %get3A_469 = arith.index_cast %scan3A_74 : i32 to index
      %get3A_470 = arith.constant 448 : index
      %get3A_471 = tpu.vector_load %arg9[%get3A_469, %get3A_470] {strides = array<i32>} : memref<32x768xf32, #tpu.memory_space<vmem>>, vector<1x16xf32>,
      %get3A_472 = vector.shape_cast %get3A_471 : vector<1x16xf32> to vector<16xf32>
      %add3A_473 = arith.addf %get3A_468, %get3A_472 : vector<16xf32>
      %swap3A_474 = arith.index_cast %scan3A_74 : i32 to index
      %swap3A_475 = arith.constant 448 : index
      %swap3A_476 = tpu.vector_load %arg8[%swap3A_474, %swap3A_475] {strides = array<i32>} : memref<32x768xf32, #tpu.memory_space<vmem>>, vector<1x16xf32>,
      %swap3A_477 = vector.shape_cast %swap3A_476 : vector<1x16xf32> to vector<16xf32>
      %swap3A_478 = vector.shape_cast %add3A_473 : vector<16xf32> to vector<1x16xf32>
      tpu.vector_store %arg8[%swap3A_474, %swap3A_475], %swap3A_478 {strides = array<i32>} : memref<32x768xf32, #tpu.memory_space<vmem>>, vector<1x16xf32>,
      %get3A_479 = arith.index_cast %scan3A_74 : i32 to index
      %get3A_480 = arith.constant 464 : index
      %get3A_481 = tpu.vector_load %arg8[%get3A_479, %get3A_480] {strides = array<i32>} : memref<32x768xf32, #tpu.memory_space<vmem>>, vector<1x16xf32>,
      %get3A_482 = vector.shape_cast %get3A_481 : vector<1x16xf32> to vector<16xf32>
      %get3A_483 = arith.index_cast %scan3A_74 : i32 to index
      %get3A_484 = arith.constant 464 : index
      %get3A_485 = tpu.vector_load %arg9[%get3A_483, %get3A_484] {strides = array<i32>} : memref<32x768xf32, #tpu.memory_space<vmem>>, vector<1x16xf32>,
      %get3A_486 = vector.shape_cast %get3A_485 : vector<1x16xf32> to vector<16xf32>
      %add3A_487 = arith.addf %get3A_482, %get3A_486 : vector<16xf32>
      %swap3A_488 = arith.index_cast %scan3A_74 : i32 to index
      %swap3A_489 = arith.constant 464 : index
      %swap3A_490 = tpu.vector_load %arg8[%swap3A_488, %swap3A_489] {strides = array<i32>} : memref<32x768xf32, #tpu.memory_space<vmem>>, vector<1x16xf32>,
      %swap3A_491 = vector.shape_cast %swap3A_490 : vector<1x16xf32> to vector<16xf32>
      %swap3A_492 = vector.shape_cast %add3A_487 : vector<16xf32> to vector<1x16xf32>
      tpu.vector_store %arg8[%swap3A_488, %swap3A_489], %swap3A_492 {strides = array<i32>} : memref<32x768xf32, #tpu.memory_space<vmem>>, vector<1x16xf32>,
      %get3A_493 = arith.index_cast %scan3A_74 : i32 to index
      %get3A_494 = arith.constant 480 : index
      %get3A_495 = tpu.vector_load %arg8[%get3A_493, %get3A_494] {strides = array<i32>} : memref<32x768xf32, #tpu.memory_space<vmem>>, vector<1x16xf32>,
      %get3A_496 = vector.shape_cast %get3A_495 : vector<1x16xf32> to vector<16xf32>
      %get3A_497 = arith.index_cast %scan3A_74 : i32 to index
      %get3A_498 = arith.constant 480 : index
      %get3A_499 = tpu.vector_load %arg9[%get3A_497, %get3A_498] {strides = array<i32>} : memref<32x768xf32, #tpu.memory_space<vmem>>, vector<1x16xf32>,
      %get3A_500 = vector.shape_cast %get3A_499 : vector<1x16xf32> to vector<16xf32>
      %add3A_501 = arith.addf %get3A_496, %get3A_500 : vector<16xf32>
      %swap3A_502 = arith.index_cast %scan3A_74 : i32 to index
      %swap3A_503 = arith.constant 480 : index
      %swap3A_504 = tpu.vector_load %arg8[%swap3A_502, %swap3A_503] {strides = array<i32>} : memref<32x768xf32, #tpu.memory_space<vmem>>, vector<1x16xf32>,
      %swap3A_505 = vector.shape_cast %swap3A_504 : vector<1x16xf32> to vector<16xf32>
      %swap3A_506 = vector.shape_cast %add3A_501 : vector<16xf32> to vector<1x16xf32>
      tpu.vector_store %arg8[%swap3A_502, %swap3A_503], %swap3A_506 {strides = array<i32>} : memref<32x768xf32, #tpu.memory_space<vmem>>, vector<1x16xf32>,
      %get3A_507 = arith.index_cast %scan3A_74 : i32 to index
      %get3A_508 = arith.constant 496 : index
      %get3A_509 = tpu.vector_load %arg8[%get3A_507, %get3A_508] {strides = array<i32>} : memref<32x768xf32, #tpu.memory_space<vmem>>, vector<1x16xf32>,
      %get3A_510 = vector.shape_cast %get3A_509 : vector<1x16xf32> to vector<16xf32>
      %get3A_511 = arith.index_cast %scan3A_74 : i32 to index
      %get3A_512 = arith.constant 496 : index
      %get3A_513 = tpu.vector_load %arg9[%get3A_511, %get3A_512] {strides = array<i32>} : memref<32x768xf32, #tpu.memory_space<vmem>>, vector<1x16xf32>,
      %get3A_514 = vector.shape_cast %get3A_513 : vector<1x16xf32> to vector<16xf32>
      %add3A_515 = arith.addf %get3A_510, %get3A_514 : vector<16xf32>
      %swap3A_516 = arith.index_cast %scan3A_74 : i32 to index
      %swap3A_517 = arith.constant 496 : index
      %swap3A_518 = tpu.vector_load %arg8[%swap3A_516, %swap3A_517] {strides = array<i32>} : memref<32x768xf32, #tpu.memory_space<vmem>>, vector<1x16xf32>,
      %swap3A_519 = vector.shape_cast %swap3A_518 : vector<1x16xf32> to vector<16xf32>
      %swap3A_520 = vector.shape_cast %add3A_515 : vector<16xf32> to vector<1x16xf32>
      tpu.vector_store %arg8[%swap3A_516, %swap3A_517], %swap3A_520 {strides = array<i32>} : memref<32x768xf32, #tpu.memory_space<vmem>>, vector<1x16xf32>,
      %get3A_521 = arith.index_cast %scan3A_74 : i32 to index
      %get3A_522 = arith.constant 512 : index
      %get3A_523 = tpu.vector_load %arg8[%get3A_521, %get3A_522] {strides = array<i32>} : memref<32x768xf32, #tpu.memory_space<vmem>>, vector<1x16xf32>,
      %get3A_524 = vector.shape_cast %get3A_523 : vector<1x16xf32> to vector<16xf32>
      %get3A_525 = arith.index_cast %scan3A_74 : i32 to index
      %get3A_526 = arith.constant 512 : index
      %get3A_527 = tpu.vector_load %arg9[%get3A_525, %get3A_526] {strides = array<i32>} : memref<32x768xf32, #tpu.memory_space<vmem>>, vector<1x16xf32>,
      %get3A_528 = vector.shape_cast %get3A_527 : vector<1x16xf32> to vector<16xf32>
      %add3A_529 = arith.addf %get3A_524, %get3A_528 : vector<16xf32>
      %swap3A_530 = arith.index_cast %scan3A_74 : i32 to index
      %swap3A_531 = arith.constant 512 : index
      %swap3A_532 = tpu.vector_load %arg8[%swap3A_530, %swap3A_531] {strides = array<i32>} : memref<32x768xf32, #tpu.memory_space<vmem>>, vector<1x16xf32>,
      %swap3A_533 = vector.shape_cast %swap3A_532 : vector<1x16xf32> to vector<16xf32>
      %swap3A_534 = vector.shape_cast %add3A_529 : vector<16xf32> to vector<1x16xf32>
      tpu.vector_store %arg8[%swap3A_530, %swap3A_531], %swap3A_534 {strides = array<i32>} : memref<32x768xf32, #tpu.memory_space<vmem>>, vector<1x16xf32>,
      %get3A_535 = arith.index_cast %scan3A_74 : i32 to index
      %get3A_536 = arith.constant 528 : index
      %get3A_537 = tpu.vector_load %arg8[%get3A_535, %get3A_536] {strides = array<i32>} : memref<32x768xf32, #tpu.memory_space<vmem>>, vector<1x16xf32>,
      %get3A_538 = vector.shape_cast %get3A_537 : vector<1x16xf32> to vector<16xf32>
      %get3A_539 = arith.index_cast %scan3A_74 : i32 to index
      %get3A_540 = arith.constant 528 : index
      %get3A_541 = tpu.vector_load %arg9[%get3A_539, %get3A_540] {strides = array<i32>} : memref<32x768xf32, #tpu.memory_space<vmem>>, vector<1x16xf32>,
      %get3A_542 = vector.shape_cast %get3A_541 : vector<1x16xf32> to vector<16xf32>
      %add3A_543 = arith.addf %get3A_538, %get3A_542 : vector<16xf32>
      %swap3A_544 = arith.index_cast %scan3A_74 : i32 to index
      %swap3A_545 = arith.constant 528 : index
      %swap3A_546 = tpu.vector_load %arg8[%swap3A_544, %swap3A_545] {strides = array<i32>} : memref<32x768xf32, #tpu.memory_space<vmem>>, vector<1x16xf32>,
      %swap3A_547 = vector.shape_cast %swap3A_546 : vector<1x16xf32> to vector<16xf32>
      %swap3A_548 = vector.shape_cast %add3A_543 : vector<16xf32> to vector<1x16xf32>
      tpu.vector_store %arg8[%swap3A_544, %swap3A_545], %swap3A_548 {strides = array<i32>} : memref<32x768xf32, #tpu.memory_space<vmem>>, vector<1x16xf32>,
      %get3A_549 = arith.index_cast %scan3A_74 : i32 to index
      %get3A_550 = arith.constant 544 : index
      %get3A_551 = tpu.vector_load %arg8[%get3A_549, %get3A_550] {strides = array<i32>} : memref<32x768xf32, #tpu.memory_space<vmem>>, vector<1x16xf32>,
      %get3A_552 = vector.shape_cast %get3A_551 : vector<1x16xf32> to vector<16xf32>
      %get3A_553 = arith.index_cast %scan3A_74 : i32 to index
      %get3A_554 = arith.constant 544 : index
      %get3A_555 = tpu.vector_load %arg9[%get3A_553, %get3A_554] {strides = array<i32>} : memref<32x768xf32, #tpu.memory_space<vmem>>, vector<1x16xf32>,
      %get3A_556 = vector.shape_cast %get3A_555 : vector<1x16xf32> to vector<16xf32>
      %add3A_557 = arith.addf %get3A_552, %get3A_556 : vector<16xf32>
      %swap3A_558 = arith.index_cast %scan3A_74 : i32 to index
      %swap3A_559 = arith.constant 544 : index
      %swap3A_560 = tpu.vector_load %arg8[%swap3A_558, %swap3A_559] {strides = array<i32>} : memref<32x768xf32, #tpu.memory_space<vmem>>, vector<1x16xf32>,
      %swap3A_561 = vector.shape_cast %swap3A_560 : vector<1x16xf32> to vector<16xf32>
      %swap3A_562 = vector.shape_cast %add3A_557 : vector<16xf32> to vector<1x16xf32>
      tpu.vector_store %arg8[%swap3A_558, %swap3A_559], %swap3A_562 {strides = array<i32>} : memref<32x768xf32, #tpu.memory_space<vmem>>, vector<1x16xf32>,
      %get3A_563 = arith.index_cast %scan3A_74 : i32 to index
      %get3A_564 = arith.constant 560 : index
      %get3A_565 = tpu.vector_load %arg8[%get3A_563, %get3A_564] {strides = array<i32>} : memref<32x768xf32, #tpu.memory_space<vmem>>, vector<1x16xf32>,
      %get3A_566 = vector.shape_cast %get3A_565 : vector<1x16xf32> to vector<16xf32>
      %get3A_567 = arith.index_cast %scan3A_74 : i32 to index
      %get3A_568 = arith.constant 560 : index
      %get3A_569 = tpu.vector_load %arg9[%get3A_567, %get3A_568] {strides = array<i32>} : memref<32x768xf32, #tpu.memory_space<vmem>>, vector<1x16xf32>,
      %get3A_570 = vector.shape_cast %get3A_569 : vector<1x16xf32> to vector<16xf32>
      %add3A_571 = arith.addf %get3A_566, %get3A_570 : vector<16xf32>
      %swap3A_572 = arith.index_cast %scan3A_74 : i32 to index
      %swap3A_573 = arith.constant 560 : index
      %swap3A_574 = tpu.vector_load %arg8[%swap3A_572, %swap3A_573] {strides = array<i32>} : memref<32x768xf32, #tpu.memory_space<vmem>>, vector<1x16xf32>,
      %swap3A_575 = vector.shape_cast %swap3A_574 : vector<1x16xf32> to vector<16xf32>
      %swap3A_576 = vector.shape_cast %add3A_571 : vector<16xf32> to vector<1x16xf32>
      tpu.vector_store %arg8[%swap3A_572, %swap3A_573], %swap3A_576 {strides = array<i32>} : memref<32x768xf32, #tpu.memory_space<vmem>>, vector<1x16xf32>,
      %get3A_577 = arith.index_cast %scan3A_74 : i32 to index
      %get3A_578 = arith.constant 576 : index
      %get3A_579 = tpu.vector_load %arg8[%get3A_577, %get3A_578] {strides = array<i32>} : memref<32x768xf32, #tpu.memory_space<vmem>>, vector<1x16xf32>,
      %get3A_580 = vector.shape_cast %get3A_579 : vector<1x16xf32> to vector<16xf32>
      %get3A_581 = arith.index_cast %scan3A_74 : i32 to index
      %get3A_582 = arith.constant 576 : index
      %get3A_583 = tpu.vector_load %arg9[%get3A_581, %get3A_582] {strides = array<i32>} : memref<32x768xf32, #tpu.memory_space<vmem>>, vector<1x16xf32>,
      %get3A_584 = vector.shape_cast %get3A_583 : vector<1x16xf32> to vector<16xf32>
      %add3A_585 = arith.addf %get3A_580, %get3A_584 : vector<16xf32>
      %swap3A_586 = arith.index_cast %scan3A_74 : i32 to index
      %swap3A_587 = arith.constant 576 : index
      %swap3A_588 = tpu.vector_load %arg8[%swap3A_586, %swap3A_587] {strides = array<i32>} : memref<32x768xf32, #tpu.memory_space<vmem>>, vector<1x16xf32>,
      %swap3A_589 = vector.shape_cast %swap3A_588 : vector<1x16xf32> to vector<16xf32>
      %swap3A_590 = vector.shape_cast %add3A_585 : vector<16xf32> to vector<1x16xf32>
      tpu.vector_store %arg8[%swap3A_586, %swap3A_587], %swap3A_590 {strides = array<i32>} : memref<32x768xf32, #tpu.memory_space<vmem>>, vector<1x16xf32>,
      %get3A_591 = arith.index_cast %scan3A_74 : i32 to index
      %get3A_592 = arith.constant 592 : index
      %get3A_593 = tpu.vector_load %arg8[%get3A_591, %get3A_592] {strides = array<i32>} : memref<32x768xf32, #tpu.memory_space<vmem>>, vector<1x16xf32>,
      %get3A_594 = vector.shape_cast %get3A_593 : vector<1x16xf32> to vector<16xf32>
      %get3A_595 = arith.index_cast %scan3A_74 : i32 to index
      %get3A_596 = arith.constant 592 : index
      %get3A_597 = tpu.vector_load %arg9[%get3A_595, %get3A_596] {strides = array<i32>} : memref<32x768xf32, #tpu.memory_space<vmem>>, vector<1x16xf32>,
      %get3A_598 = vector.shape_cast %get3A_597 : vector<1x16xf32> to vector<16xf32>
      %add3A_599 = arith.addf %get3A_594, %get3A_598 : vector<16xf32>
      %swap3A_600 = arith.index_cast %scan3A_74 : i32 to index
      %swap3A_601 = arith.constant 592 : index
      %swap3A_602 = tpu.vector_load %arg8[%swap3A_600, %swap3A_601] {strides = array<i32>} : memref<32x768xf32, #tpu.memory_space<vmem>>, vector<1x16xf32>,
      %swap3A_603 = vector.shape_cast %swap3A_602 : vector<1x16xf32> to vector<16xf32>
      %swap3A_604 = vector.shape_cast %add3A_599 : vector<16xf32> to vector<1x16xf32>
      tpu.vector_store %arg8[%swap3A_600, %swap3A_601], %swap3A_604 {strides = array<i32>} : memref<32x768xf32, #tpu.memory_space<vmem>>, vector<1x16xf32>,
      %get3A_605 = arith.index_cast %scan3A_74 : i32 to index
      %get3A_606 = arith.constant 608 : index
      %get3A_607 = tpu.vector_load %arg8[%get3A_605, %get3A_606] {strides = array<i32>} : memref<32x768xf32, #tpu.memory_space<vmem>>, vector<1x16xf32>,
      %get3A_608 = vector.shape_cast %get3A_607 : vector<1x16xf32> to vector<16xf32>
      %get3A_609 = arith.index_cast %scan3A_74 : i32 to index
      %get3A_610 = arith.constant 608 : index
      %get3A_611 = tpu.vector_load %arg9[%get3A_609, %get3A_610] {strides = array<i32>} : memref<32x768xf32, #tpu.memory_space<vmem>>, vector<1x16xf32>,
      %get3A_612 = vector.shape_cast %get3A_611 : vector<1x16xf32> to vector<16xf32>
      %add3A_613 = arith.addf %get3A_608, %get3A_612 : vector<16xf32>
      %swap3A_614 = arith.index_cast %scan3A_74 : i32 to index
      %swap3A_615 = arith.constant 608 : index
      %swap3A_616 = tpu.vector_load %arg8[%swap3A_614, %swap3A_615] {strides = array<i32>} : memref<32x768xf32, #tpu.memory_space<vmem>>, vector<1x16xf32>,
      %swap3A_617 = vector.shape_cast %swap3A_616 : vector<1x16xf32> to vector<16xf32>
      %swap3A_618 = vector.shape_cast %add3A_613 : vector<16xf32> to vector<1x16xf32>
      tpu.vector_store %arg8[%swap3A_614, %swap3A_615], %swap3A_618 {strides = array<i32>} : memref<32x768xf32, #tpu.memory_space<vmem>>, vector<1x16xf32>,
      %get3A_619 = arith.index_cast %scan3A_74 : i32 to index
      %get3A_620 = arith.constant 624 : index
      %get3A_621 = tpu.vector_load %arg8[%get3A_619, %get3A_620] {strides = array<i32>} : memref<32x768xf32, #tpu.memory_space<vmem>>, vector<1x16xf32>,
      %get3A_622 = vector.shape_cast %get3A_621 : vector<1x16xf32> to vector<16xf32>
      %get3A_623 = arith.index_cast %scan3A_74 : i32 to index
      %get3A_624 = arith.constant 624 : index
      %get3A_625 = tpu.vector_load %arg9[%get3A_623, %get3A_624] {strides = array<i32>} : memref<32x768xf32, #tpu.memory_space<vmem>>, vector<1x16xf32>,
      %get3A_626 = vector.shape_cast %get3A_625 : vector<1x16xf32> to vector<16xf32>
      %add3A_627 = arith.addf %get3A_622, %get3A_626 : vector<16xf32>
      %swap3A_628 = arith.index_cast %scan3A_74 : i32 to index
      %swap3A_629 = arith.constant 624 : index
      %swap3A_630 = tpu.vector_load %arg8[%swap3A_628, %swap3A_629] {strides = array<i32>} : memref<32x768xf32, #tpu.memory_space<vmem>>, vector<1x16xf32>,
      %swap3A_631 = vector.shape_cast %swap3A_630 : vector<1x16xf32> to vector<16xf32>
      %swap3A_632 = vector.shape_cast %add3A_627 : vector<16xf32> to vector<1x16xf32>
      tpu.vector_store %arg8[%swap3A_628, %swap3A_629], %swap3A_632 {strides = array<i32>} : memref<32x768xf32, #tpu.memory_space<vmem>>, vector<1x16xf32>,
      %get3A_633 = arith.index_cast %scan3A_74 : i32 to index
      %get3A_634 = arith.constant 640 : index
      %get3A_635 = tpu.vector_load %arg8[%get3A_633, %get3A_634] {strides = array<i32>} : memref<32x768xf32, #tpu.memory_space<vmem>>, vector<1x16xf32>,
      %get3A_636 = vector.shape_cast %get3A_635 : vector<1x16xf32> to vector<16xf32>
      %get3A_637 = arith.index_cast %scan3A_74 : i32 to index
      %get3A_638 = arith.constant 640 : index
      %get3A_639 = tpu.vector_load %arg9[%get3A_637, %get3A_638] {strides = array<i32>} : memref<32x768xf32, #tpu.memory_space<vmem>>, vector<1x16xf32>,
      %get3A_640 = vector.shape_cast %get3A_639 : vector<1x16xf32> to vector<16xf32>
      %add3A_641 = arith.addf %get3A_636, %get3A_640 : vector<16xf32>
      %swap3A_642 = arith.index_cast %scan3A_74 : i32 to index
      %swap3A_643 = arith.constant 640 : index
      %swap3A_644 = tpu.vector_load %arg8[%swap3A_642, %swap3A_643] {strides = array<i32>} : memref<32x768xf32, #tpu.memory_space<vmem>>, vector<1x16xf32>,
      %swap3A_645 = vector.shape_cast %swap3A_644 : vector<1x16xf32> to vector<16xf32>
      %swap3A_646 = vector.shape_cast %add3A_641 : vector<16xf32> to vector<1x16xf32>
      tpu.vector_store %arg8[%swap3A_642, %swap3A_643], %swap3A_646 {strides = array<i32>} : memref<32x768xf32, #tpu.memory_space<vmem>>, vector<1x16xf32>,
      %get3A_647 = arith.index_cast %scan3A_74 : i32 to index
      %get3A_648 = arith.constant 656 : index
      %get3A_649 = tpu.vector_load %arg8[%get3A_647, %get3A_648] {strides = array<i32>} : memref<32x768xf32, #tpu.memory_space<vmem>>, vector<1x16xf32>,
      %get3A_650 = vector.shape_cast %get3A_649 : vector<1x16xf32> to vector<16xf32>
      %get3A_651 = arith.index_cast %scan3A_74 : i32 to index
      %get3A_652 = arith.constant 656 : index
      %get3A_653 = tpu.vector_load %arg9[%get3A_651, %get3A_652] {strides = array<i32>} : memref<32x768xf32, #tpu.memory_space<vmem>>, vector<1x16xf32>,
      %get3A_654 = vector.shape_cast %get3A_653 : vector<1x16xf32> to vector<16xf32>
      %add3A_655 = arith.addf %get3A_650, %get3A_654 : vector<16xf32>
      %swap3A_656 = arith.index_cast %scan3A_74 : i32 to index
      %swap3A_657 = arith.constant 656 : index
      %swap3A_658 = tpu.vector_load %arg8[%swap3A_656, %swap3A_657] {strides = array<i32>} : memref<32x768xf32, #tpu.memory_space<vmem>>, vector<1x16xf32>,
      %swap3A_659 = vector.shape_cast %swap3A_658 : vector<1x16xf32> to vector<16xf32>
      %swap3A_660 = vector.shape_cast %add3A_655 : vector<16xf32> to vector<1x16xf32>
      tpu.vector_store %arg8[%swap3A_656, %swap3A_657], %swap3A_660 {strides = array<i32>} : memref<32x768xf32, #tpu.memory_space<vmem>>, vector<1x16xf32>,
      %get3A_661 = arith.index_cast %scan3A_74 : i32 to index
      %get3A_662 = arith.constant 672 : index
      %get3A_663 = tpu.vector_load %arg8[%get3A_661, %get3A_662] {strides = array<i32>} : memref<32x768xf32, #tpu.memory_space<vmem>>, vector<1x16xf32>,
      %get3A_664 = vector.shape_cast %get3A_663 : vector<1x16xf32> to vector<16xf32>
      %get3A_665 = arith.index_cast %scan3A_74 : i32 to index
      %get3A_666 = arith.constant 672 : index
      %get3A_667 = tpu.vector_load %arg9[%get3A_665, %get3A_666] {strides = array<i32>} : memref<32x768xf32, #tpu.memory_space<vmem>>, vector<1x16xf32>,
      %get3A_668 = vector.shape_cast %get3A_667 : vector<1x16xf32> to vector<16xf32>
      %add3A_669 = arith.addf %get3A_664, %get3A_668 : vector<16xf32>
      %swap3A_670 = arith.index_cast %scan3A_74 : i32 to index
      %swap3A_671 = arith.constant 672 : index
      %swap3A_672 = tpu.vector_load %arg8[%swap3A_670, %swap3A_671] {strides = array<i32>} : memref<32x768xf32, #tpu.memory_space<vmem>>, vector<1x16xf32>,
      %swap3A_673 = vector.shape_cast %swap3A_672 : vector<1x16xf32> to vector<16xf32>
      %swap3A_674 = vector.shape_cast %add3A_669 : vector<16xf32> to vector<1x16xf32>
      tpu.vector_store %arg8[%swap3A_670, %swap3A_671], %swap3A_674 {strides = array<i32>} : memref<32x768xf32, #tpu.memory_space<vmem>>, vector<1x16xf32>,
      %get3A_675 = arith.index_cast %scan3A_74 : i32 to index
      %get3A_676 = arith.constant 688 : index
      %get3A_677 = tpu.vector_load %arg8[%get3A_675, %get3A_676] {strides = array<i32>} : memref<32x768xf32, #tpu.memory_space<vmem>>, vector<1x16xf32>,
      %get3A_678 = vector.shape_cast %get3A_677 : vector<1x16xf32> to vector<16xf32>
      %get3A_679 = arith.index_cast %scan3A_74 : i32 to index
      %get3A_680 = arith.constant 688 : index
      %get3A_681 = tpu.vector_load %arg9[%get3A_679, %get3A_680] {strides = array<i32>} : memref<32x768xf32, #tpu.memory_space<vmem>>, vector<1x16xf32>,
      %get3A_682 = vector.shape_cast %get3A_681 : vector<1x16xf32> to vector<16xf32>
      %add3A_683 = arith.addf %get3A_678, %get3A_682 : vector<16xf32>
      %swap3A_684 = arith.index_cast %scan3A_74 : i32 to index
      %swap3A_685 = arith.constant 688 : index
      %swap3A_686 = tpu.vector_load %arg8[%swap3A_684, %swap3A_685] {strides = array<i32>} : memref<32x768xf32, #tpu.memory_space<vmem>>, vector<1x16xf32>,
      %swap3A_687 = vector.shape_cast %swap3A_686 : vector<1x16xf32> to vector<16xf32>
      %swap3A_688 = vector.shape_cast %add3A_683 : vector<16xf32> to vector<1x16xf32>
      tpu.vector_store %arg8[%swap3A_684, %swap3A_685], %swap3A_688 {strides = array<i32>} : memref<32x768xf32, #tpu.memory_space<vmem>>, vector<1x16xf32>,
      %get3A_689 = arith.index_cast %scan3A_74 : i32 to index
      %get3A_690 = arith.constant 704 : index
      %get3A_691 = tpu.vector_load %arg8[%get3A_689, %get3A_690] {strides = array<i32>} : memref<32x768xf32, #tpu.memory_space<vmem>>, vector<1x16xf32>,
      %get3A_692 = vector.shape_cast %get3A_691 : vector<1x16xf32> to vector<16xf32>
      %get3A_693 = arith.index_cast %scan3A_74 : i32 to index
      %get3A_694 = arith.constant 704 : index
      %get3A_695 = tpu.vector_load %arg9[%get3A_693, %get3A_694] {strides = array<i32>} : memref<32x768xf32, #tpu.memory_space<vmem>>, vector<1x16xf32>,
      %get3A_696 = vector.shape_cast %get3A_695 : vector<1x16xf32> to vector<16xf32>
      %add3A_697 = arith.addf %get3A_692, %get3A_696 : vector<16xf32>
      %swap3A_698 = arith.index_cast %scan3A_74 : i32 to index
      %swap3A_699 = arith.constant 704 : index
      %swap3A_700 = tpu.vector_load %arg8[%swap3A_698, %swap3A_699] {strides = array<i32>} : memref<32x768xf32, #tpu.memory_space<vmem>>, vector<1x16xf32>,
      %swap3A_701 = vector.shape_cast %swap3A_700 : vector<1x16xf32> to vector<16xf32>
      %swap3A_702 = vector.shape_cast %add3A_697 : vector<16xf32> to vector<1x16xf32>
      tpu.vector_store %arg8[%swap3A_698, %swap3A_699], %swap3A_702 {strides = array<i32>} : memref<32x768xf32, #tpu.memory_space<vmem>>, vector<1x16xf32>,
      %get3A_703 = arith.index_cast %scan3A_74 : i32 to index
      %get3A_704 = arith.constant 720 : index
      %get3A_705 = tpu.vector_load %arg8[%get3A_703, %get3A_704] {strides = array<i32>} : memref<32x768xf32, #tpu.memory_space<vmem>>, vector<1x16xf32>,
      %get3A_706 = vector.shape_cast %get3A_705 : vector<1x16xf32> to vector<16xf32>
      %get3A_707 = arith.index_cast %scan3A_74 : i32 to index
      %get3A_708 = arith.constant 720 : index
      %get3A_709 = tpu.vector_load %arg9[%get3A_707, %get3A_708] {strides = array<i32>} : memref<32x768xf32, #tpu.memory_space<vmem>>, vector<1x16xf32>,
      %get3A_710 = vector.shape_cast %get3A_709 : vector<1x16xf32> to vector<16xf32>
      %add3A_711 = arith.addf %get3A_706, %get3A_710 : vector<16xf32>
      %swap3A_712 = arith.index_cast %scan3A_74 : i32 to index
      %swap3A_713 = arith.constant 720 : index
      %swap3A_714 = tpu.vector_load %arg8[%swap3A_712, %swap3A_713] {strides = array<i32>} : memref<32x768xf32, #tpu.memory_space<vmem>>, vector<1x16xf32>,
      %swap3A_715 = vector.shape_cast %swap3A_714 : vector<1x16xf32> to vector<16xf32>
      %swap3A_716 = vector.shape_cast %add3A_711 : vector<16xf32> to vector<1x16xf32>
      tpu.vector_store %arg8[%swap3A_712, %swap3A_713], %swap3A_716 {strides = array<i32>} : memref<32x768xf32, #tpu.memory_space<vmem>>, vector<1x16xf32>,
      %get3A_717 = arith.index_cast %scan3A_74 : i32 to index
      %get3A_718 = arith.constant 736 : index
      %get3A_719 = tpu.vector_load %arg8[%get3A_717, %get3A_718] {strides = array<i32>} : memref<32x768xf32, #tpu.memory_space<vmem>>, vector<1x16xf32>,
      %get3A_720 = vector.shape_cast %get3A_719 : vector<1x16xf32> to vector<16xf32>
      %get3A_721 = arith.index_cast %scan3A_74 : i32 to index
      %get3A_722 = arith.constant 736 : index
      %get3A_723 = tpu.vector_load %arg9[%get3A_721, %get3A_722] {strides = array<i32>} : memref<32x768xf32, #tpu.memory_space<vmem>>, vector<1x16xf32>,
      %get3A_724 = vector.shape_cast %get3A_723 : vector<1x16xf32> to vector<16xf32>
      %add3A_725 = arith.addf %get3A_720, %get3A_724 : vector<16xf32>
      %swap3A_726 = arith.index_cast %scan3A_74 : i32 to index
      %swap3A_727 = arith.constant 736 : index
      %swap3A_728 = tpu.vector_load %arg8[%swap3A_726, %swap3A_727] {strides = array<i32>} : memref<32x768xf32, #tpu.memory_space<vmem>>, vector<1x16xf32>,
      %swap3A_729 = vector.shape_cast %swap3A_728 : vector<1x16xf32> to vector<16xf32>
      %swap3A_730 = vector.shape_cast %add3A_725 : vector<16xf32> to vector<1x16xf32>
      tpu.vector_store %arg8[%swap3A_726, %swap3A_727], %swap3A_730 {strides = array<i32>} : memref<32x768xf32, #tpu.memory_space<vmem>>, vector<1x16xf32>,
      %get3A_731 = arith.index_cast %scan3A_74 : i32 to index
      %get3A_732 = arith.constant 752 : index
      %get3A_733 = tpu.vector_load %arg8[%get3A_731, %get3A_732] {strides = array<i32>} : memref<32x768xf32, #tpu.memory_space<vmem>>, vector<1x16xf32>,
      %get3A_734 = vector.shape_cast %get3A_733 : vector<1x16xf32> to vector<16xf32>
      %get3A_735 = arith.index_cast %scan3A_74 : i32 to index
      %get3A_736 = arith.constant 752 : index
      %get3A_737 = tpu.vector_load %arg9[%get3A_735, %get3A_736] {strides = array<i32>} : memref<32x768xf32, #tpu.memory_space<vmem>>, vector<1x16xf32>,
      %get3A_738 = vector.shape_cast %get3A_737 : vector<1x16xf32> to vector<16xf32>
      %add3A_739 = arith.addf %get3A_734, %get3A_738 : vector<16xf32>
      %swap3A_740 = arith.index_cast %scan3A_74 : i32 to index
      %swap3A_741 = arith.constant 752 : index
      %swap3A_742 = tpu.vector_load %arg8[%swap3A_740, %swap3A_741] {strides = array<i32>} : memref<32x768xf32, #tpu.memory_space<vmem>>, vector<1x16xf32>,
      %swap3A_743 = vector.shape_cast %swap3A_742 : vector<1x16xf32> to vector<16xf32>
      %swap3A_744 = vector.shape_cast %add3A_739 : vector<16xf32> to vector<1x16xf32>
      tpu.vector_store %arg8[%swap3A_740, %swap3A_741], %swap3A_744 {strides = array<i32>} : memref<32x768xf32, #tpu.memory_space<vmem>>, vector<1x16xf32>,
    }
    %scan3A_69 = arith.constant 32 : i32
    %mul3A_70 = arith.constant 64 : i32
    %mul3A_71 = arith.muli %add3A, %mul3A_70 : i32
    %add3A_72 = arith.constant 32 : i32
    %add3A_73 = arith.addi %mul3A_71, %add3A_72 : i32
    "tpu.region"() ({
      %run_scoped3A = tpu.sem_alloc : memref<!tpu.dma_semaphore, #tpu.memory_space<semaphore_mem>>
      %dma_start3A_74 = arith.constant 0 : i32
      %dma_start3A_75 = tpu.memref_slice %arg5[%add3A_73, %dma_start3A_74] : memref<2048x768xf32, #tpu.memory_space<hbm>> -> memref<32x768xf32, #tpu.memory_space<hbm>>
      %dma_start3A_76 = arith.constant 0 : i32
      %dma_start3A_77 = tpu.memref_slice %arg5[%add3A_73, %dma_start3A_76] : memref<2048x768xf32, #tpu.memory_space<hbm>> -> memref<32x768xf32, #tpu.memory_space<hbm>>
      tpu.enqueue_dma source(%arg8 : memref<32x768xf32, #tpu.memory_space<vmem>>) target(%dma_start3A_77 : memref<32x768xf32, #tpu.memory_space<hbm>>) target_semaphore(%run_scoped3A : memref<!tpu.dma_semaphore, #tpu.memory_space<semaphore_mem>>)
      %dma_wait3A_78 = arith.constant 0 : i32
      %dma_wait3A_79 = tpu.memref_slice %arg5[%add3A_73, %dma_wait3A_78] : memref<2048x768xf32, #tpu.memory_space<hbm>> -> memref<32x768xf32, #tpu.memory_space<hbm>>
      %dma_wait3A_80 = arith.constant 0 : i32
      %dma_wait3A_81 = tpu.memref_slice %arg5[%add3A_73, %dma_wait3A_80] : memref<2048x768xf32, #tpu.memory_space<hbm>> -> memref<32x768xf32, #tpu.memory_space<hbm>>
      tpu.wait_dma2 semaphore(%run_scoped3A : memref<!tpu.dma_semaphore, #tpu.memory_space<semaphore_mem>>) src(%arg8 : memref<32x768xf32, #tpu.memory_space<vmem>>) dst(%dma_wait3A_81 : memref<32x768xf32, #tpu.memory_space<hbm>>)
      tpu.yield
    }) : () -> ()
    return
  }
}

module attributes {stable_mosaic.version = 14 : i64} {
  func.func @_route_body(%arg0: i32, %arg1: memref<512x768xf32, #tpu.memory_space<vmem>>, %arg2: memref<768x8xf32, #tpu.memory_space<vmem>>, %arg3: memref<2048x8xf32, #tpu.memory_space<vmem>>, %arg4: memref<2048x1xi32, #tpu.memory_space<vmem>>, %arg5: memref<2048x1xi32, #tpu.memory_space<vmem>>, %arg6: memref<40x1xi32, #tpu.memory_space<vmem>>, %arg7: memref<1x1xi32, #tpu.memory_space<vmem>>, %arg8: memref<40x1xi32, #tpu.memory_space<vmem>>, %arg9: memref<40x1xi32, #tpu.memory_space<vmem>>, %arg10: memref<2048x8xf32, #tpu.memory_space<vmem>>, %arg11: memref<2048x8xf32, #tpu.memory_space<vmem>>, %arg12: memref<2048x1xi32, #tpu.memory_space<vmem>>, %arg13: memref<2048x1xi32, #tpu.memory_space<vmem>>, %arg14: memref<1x8xf32, #tpu.memory_space<vmem>>, %arg15: memref<512x512xf32, #tpu.memory_space<vmem>>) attributes {dimension_semantics = [#tpu.dimension_semantics<arbitrary>], iteration_bounds = array<i64: 5>, scalar_prefetch = 0 : i64, scratch_operands = 6 : i64, tpu.core_type = #tpu.core_type<tc>, window_params = [{transform_indices = @transform_0, window_bounds = array<i64: 512, 768>}, {pipeline_mode = #tpu.pipeline_mode<synchronous>, transform_indices = @transform_1, window_bounds = array<i64: 768, 8>}, {pipeline_mode = #tpu.pipeline_mode<synchronous>, transform_indices = @transform_2, window_bounds = array<i64: 2048, 8>}, {pipeline_mode = #tpu.pipeline_mode<synchronous>, transform_indices = @transform_3, window_bounds = array<i64: 2048, 1>}, {pipeline_mode = #tpu.pipeline_mode<synchronous>, transform_indices = @transform_4, window_bounds = array<i64: 2048, 1>}, {pipeline_mode = #tpu.pipeline_mode<synchronous>, transform_indices = @transform_5, window_bounds = array<i64: 40, 1>}, {pipeline_mode = #tpu.pipeline_mode<synchronous>, transform_indices = @transform_6, window_bounds = array<i64: 1, 1>}, {pipeline_mode = #tpu.pipeline_mode<synchronous>, transform_indices = @transform_7, window_bounds = array<i64: 40, 1>}, {pipeline_mode = #tpu.pipeline_mode<synchronous>, transform_indices = @transform_8, window_bounds = array<i64: 40, 1>}]} {
    %lt3A = arith.constant 4 : i32
    %lt3A_0 = arith.cmpi slt, %arg0, %lt3A : i32
    %convert_element_type3A = arith.extui %lt3A_0 : i1 to i32
    %cond3A = arith.constant 0 : i32
    %cond3A_1 = arith.cmpi ne, %convert_element_type3A, %cond3A : i32
    scf.if %cond3A_1 {
      %mul3A = arith.constant 512 : i32
      %mul3A_6 = arith.muli %arg0, %mul3A : i32
      %eq3A_7 = arith.constant 0 : i32
      %eq3A_8 = arith.cmpi eq, %arg0, %eq3A_7 : i32
      %convert_element_type3A_9 = arith.extui %eq3A_8 : i1 to i32
      %cond3A_10 = arith.constant 0 : i32
      %cond3A_11 = arith.cmpi ne, %convert_element_type3A_9, %cond3A_10 : i32
      scf.if %cond3A_11 {
        %broadcast_in_dim3A_75 = arith.constant 0.000000e+00 : f32
        %broadcast_in_dim3A_76 = vector.broadcast %broadcast_in_dim3A_75 : f32 to vector<1x8xf32>
        %swap3A_77 = arith.constant 0 : index
        %swap3A_78 = arith.constant 0 : index
        %swap3A_79 = vector.load %arg14[%swap3A_77, %swap3A_78] : memref<1x8xf32, #tpu.memory_space<vmem>>, vector<1x8xf32>
        tpu.vector_store %arg14[%swap3A_77, %swap3A_78], %broadcast_in_dim3A_76 {strides = array<i32>} : memref<1x8xf32, #tpu.memory_space<vmem>>, vector<1x8xf32>,
        %iota3A_80 = tpu.iota {dimensions = array<i32: 0>} : vector<512x512xi32>
        %iota3A_81 = tpu.iota {dimensions = array<i32: 1>} : vector<512x512xi32>
        %lt3A_82 = arith.cmpi slt, %iota3A_81, %iota3A_80 : vector<512x512xi32>
        %convert_element_type3A_83 = arith.extui %lt3A_82 : vector<512x512xi1> to vector<512x512xi32>
        %convert_element_type3A_84 = arith.sitofp %convert_element_type3A_83 : vector<512x512xi32> to vector<512x512xf32>
        %swap3A_85 = arith.constant 0 : index
        %swap3A_86 = arith.constant 0 : index
        %swap3A_87 = vector.load %arg15[%swap3A_85, %swap3A_86] : memref<512x512xf32, #tpu.memory_space<vmem>>, vector<512x512xf32>
        tpu.vector_store %arg15[%swap3A_85, %swap3A_86], %convert_element_type3A_84 {strides = array<i32>} : memref<512x512xf32, #tpu.memory_space<vmem>>, vector<512x512xf32>,
      } else {
      }
      %get3A = arith.constant 0 : index
      %get3A_12 = arith.constant 0 : index
      %get3A_13 = vector.load %arg1[%get3A, %get3A_12] : memref<512x768xf32, #tpu.memory_space<vmem>>, vector<512x768xf32>
      %get3A_14 = arith.constant 0 : index
      %get3A_15 = arith.constant 0 : index
      %get3A_16 = vector.load %arg2[%get3A_14, %get3A_15] : memref<768x8xf32, #tpu.memory_space<vmem>>, vector<768x8xf32>
      %dot_general3A = arith.constant dense<0.000000e+00> : vector<512x8xf32>
      %dot_general3A_17 = tpu.matmul %get3A_13, %get3A_16, %dot_general3A {dimension_numbers = #tpu.dot_dimension_numbers<[1], [0], [0], [1], [0, 0, 1, 1], [], []>, transpose_lhs_hint = false} : vector<512x768xf32>, vector<768x8xf32>, vector<512x8xf32> -> vector<512x8xf32>
      %swap3A = arith.index_cast %mul3A_6 : i32 to index
      %swap3A_18 = arith.constant 0 : index
      %swap3A_19 = vector.load %arg10[%swap3A, %swap3A_18] : memref<2048x8xf32, #tpu.memory_space<vmem>>, vector<512x8xf32>
      tpu.vector_store %arg10[%swap3A, %swap3A_18], %dot_general3A_17 {strides = array<i32>} : memref<2048x8xf32, #tpu.memory_space<vmem>>, vector<512x8xf32>,
      %iota3A = tpu.iota {dimensions = array<i32: 1>} : vector<512x8xi32>
      %reduce_max3A = arith.constant dense<0xFF800000> : vector<512xf32>
      %reduce_max3A_20 = vector.multi_reduction <maximumf>, %dot_general3A_17, %reduce_max3A [1] : vector<512x8xf32> to vector<512xf32>
      %broadcast_in_dim3A = vector.shape_cast %reduce_max3A_20 : vector<512xf32> to vector<512x1xf32>
      %eq3A_21 = vector.broadcast %broadcast_in_dim3A : vector<512x1xf32> to vector<512x8xf32>
      %eq3A_22 = arith.cmpf oeq, %dot_general3A_17, %eq3A_21 : vector<512x8xf32>
      %jit3A = arith.constant 8 : i32
      %broadcast_in_dim3A_23 = vector.broadcast %jit3A : i32 to vector<512x8xi32>
      %select_n3A = arith.select %eq3A_22, %iota3A, %broadcast_in_dim3A_23 : vector<512x8xi1>, vector<512x8xi32>
      %reduce_min3A = arith.constant dense<2147483647> : vector<512xi32>
      %reduce_min3A_24 = vector.multi_reduction <minsi>, %select_n3A, %reduce_min3A [1] : vector<512x8xi32> to vector<512xi32>
      %broadcast_in_dim3A_25 = vector.shape_cast %reduce_min3A_24 : vector<512xi32> to vector<512x1xi32>
      %broadcast_in_dim3A_26 = arith.constant 0xFF800000 : f32
      %broadcast_in_dim3A_27 = vector.broadcast %broadcast_in_dim3A_26 : f32 to vector<512x8xf32>
      %eq3A_28 = vector.broadcast %broadcast_in_dim3A_25 : vector<512x1xi32> to vector<512x8xi32>
      %eq3A_29 = arith.cmpi eq, %iota3A, %eq3A_28 : vector<512x8xi32>
      %select_n3A_30 = arith.select %eq3A_29, %broadcast_in_dim3A_27, %dot_general3A_17 : vector<512x8xi1>, vector<512x8xf32>
      %reduce_max3A_31 = arith.constant dense<0xFF800000> : vector<512xf32>
      %reduce_max3A_32 = vector.multi_reduction <maximumf>, %select_n3A_30, %reduce_max3A_31 [1] : vector<512x8xf32> to vector<512xf32>
      %broadcast_in_dim3A_33 = vector.shape_cast %reduce_max3A_32 : vector<512xf32> to vector<512x1xf32>
      %eq3A_34 = vector.broadcast %broadcast_in_dim3A_33 : vector<512x1xf32> to vector<512x8xf32>
      %eq3A_35 = arith.cmpf oeq, %select_n3A_30, %eq3A_34 : vector<512x8xf32>
      %jit3A_36 = arith.constant 8 : i32
      %broadcast_in_dim3A_37 = vector.broadcast %jit3A_36 : i32 to vector<512x8xi32>
      %select_n3A_38 = arith.select %eq3A_35, %iota3A, %broadcast_in_dim3A_37 : vector<512x8xi1>, vector<512x8xi32>
      %reduce_min3A_39 = arith.constant dense<2147483647> : vector<512xi32>
      %reduce_min3A_40 = vector.multi_reduction <minsi>, %select_n3A_38, %reduce_min3A_39 [1] : vector<512x8xi32> to vector<512xi32>
      %broadcast_in_dim3A_41 = vector.shape_cast %reduce_min3A_40 : vector<512xi32> to vector<512x1xi32>
      %swap3A_42 = arith.index_cast %mul3A_6 : i32 to index
      %swap3A_43 = arith.constant 0 : index
      %swap3A_44 = vector.load %arg12[%swap3A_42, %swap3A_43] : memref<2048x1xi32, #tpu.memory_space<vmem>>, vector<512x1xi32>
      tpu.vector_store %arg12[%swap3A_42, %swap3A_43], %broadcast_in_dim3A_25 {strides = array<i32>} : memref<2048x1xi32, #tpu.memory_space<vmem>>, vector<512x1xi32>,
      %swap3A_45 = arith.index_cast %mul3A_6 : i32 to index
      %swap3A_46 = arith.constant 0 : index
      %swap3A_47 = vector.load %arg13[%swap3A_45, %swap3A_46] : memref<2048x1xi32, #tpu.memory_space<vmem>>, vector<512x1xi32>
      tpu.vector_store %arg13[%swap3A_45, %swap3A_46], %broadcast_in_dim3A_41 {strides = array<i32>} : memref<2048x1xi32, #tpu.memory_space<vmem>>, vector<512x1xi32>,
      %eq3A_48 = vector.broadcast %broadcast_in_dim3A_25 : vector<512x1xi32> to vector<512x8xi32>
      %eq3A_49 = arith.cmpi eq, %iota3A, %eq3A_48 : vector<512x8xi32>
      %eq3A_50 = vector.broadcast %broadcast_in_dim3A_41 : vector<512x1xi32> to vector<512x8xi32>
      %eq3A_51 = arith.cmpi eq, %iota3A, %eq3A_50 : vector<512x8xi32>
      %or3A = arith.ori %eq3A_49, %eq3A_51 : vector<512x8xi1>
      %convert_element_type3A_52 = arith.extui %or3A : vector<512x8xi1> to vector<512x8xi32>
      %convert_element_type3A_53 = arith.sitofp %convert_element_type3A_52 : vector<512x8xi32> to vector<512x8xf32>
      %get3A_54 = arith.constant 0 : index
      %get3A_55 = arith.constant 0 : index
      %get3A_56 = vector.load %arg15[%get3A_54, %get3A_55] : memref<512x512xf32, #tpu.memory_space<vmem>>, vector<512x512xf32>
      %dot_general3A_57 = arith.constant dense<0.000000e+00> : vector<512x8xf32>
      %dot_general3A_58 = tpu.matmul %get3A_56, %convert_element_type3A_53, %dot_general3A_57 {dimension_numbers = #tpu.dot_dimension_numbers<[1], [0], [0], [1], [0, 0, 1, 1], [], []>, transpose_lhs_hint = false} : vector<512x512xf32>, vector<512x8xf32>, vector<512x8xf32> -> vector<512x8xf32>
      %get3A_59 = arith.constant 0 : index
      %get3A_60 = arith.constant 0 : index
      %get3A_61 = vector.load %arg14[%get3A_59, %get3A_60] : memref<1x8xf32, #tpu.memory_space<vmem>>, vector<1x8xf32>
      %add3A = vector.broadcast %get3A_61 : vector<1x8xf32> to vector<512x8xf32>
      %add3A_62 = arith.addf %dot_general3A_58, %add3A : vector<512x8xf32>
      %swap3A_63 = arith.index_cast %mul3A_6 : i32 to index
      %swap3A_64 = arith.constant 0 : index
      %swap3A_65 = vector.load %arg11[%swap3A_63, %swap3A_64] : memref<2048x8xf32, #tpu.memory_space<vmem>>, vector<512x8xf32>
      tpu.vector_store %arg11[%swap3A_63, %swap3A_64], %add3A_62 {strides = array<i32>} : memref<2048x8xf32, #tpu.memory_space<vmem>>, vector<512x8xf32>,
      %get3A_66 = arith.constant 0 : index
      %get3A_67 = arith.constant 0 : index
      %get3A_68 = vector.load %arg14[%get3A_66, %get3A_67] : memref<1x8xf32, #tpu.memory_space<vmem>>, vector<1x8xf32>
      %reduce_sum3A = arith.constant dense<0.000000e+00> : vector<8xf32>
      %reduce_sum3A_69 = vector.multi_reduction <add>, %convert_element_type3A_53, %reduce_sum3A [0] : vector<512x8xf32> to vector<8xf32>
      %broadcast_in_dim3A_70 = vector.shape_cast %reduce_sum3A_69 : vector<8xf32> to vector<1x8xf32>
      %add3A_71 = arith.addf %get3A_68, %broadcast_in_dim3A_70 : vector<1x8xf32>
      %swap3A_72 = arith.constant 0 : index
      %swap3A_73 = arith.constant 0 : index
      %swap3A_74 = vector.load %arg14[%swap3A_72, %swap3A_73] : memref<1x8xf32, #tpu.memory_space<vmem>>, vector<1x8xf32>
      tpu.vector_store %arg14[%swap3A_72, %swap3A_73], %add3A_71 {strides = array<i32>} : memref<1x8xf32, #tpu.memory_space<vmem>>, vector<1x8xf32>,
    } else {
    }
    %eq3A = arith.constant 4 : i32
    %eq3A_2 = arith.cmpi eq, %arg0, %eq3A : i32
    %convert_element_type3A_3 = arith.extui %eq3A_2 : i1 to i32
    %cond3A_4 = arith.constant 0 : i32
    %cond3A_5 = arith.cmpi ne, %convert_element_type3A_3, %cond3A_4 : i32
    scf.if %cond3A_5 {
      %get3A = arith.constant 0 : index
      %get3A_6 = arith.constant 0 : index
      %get3A_7 = vector.load %arg10[%get3A, %get3A_6] : memref<2048x8xf32, #tpu.memory_space<vmem>>, vector<2048x8xf32>
      %swap3A = arith.constant 0 : index
      %swap3A_8 = arith.constant 0 : index
      %swap3A_9 = vector.load %arg3[%swap3A, %swap3A_8] : memref<2048x8xf32, #tpu.memory_space<vmem>>, vector<2048x8xf32>
      tpu.vector_store %arg3[%swap3A, %swap3A_8], %get3A_7 {strides = array<i32>} : memref<2048x8xf32, #tpu.memory_space<vmem>>, vector<2048x8xf32>,
      %get3A_10 = arith.constant 0 : index
      %get3A_11 = arith.constant 0 : index
      %get3A_12 = vector.load %arg14[%get3A_10, %get3A_11] : memref<1x8xf32, #tpu.memory_space<vmem>>, vector<1x8xf32>
      %add3A = arith.constant 1.270000e+02 : f32
      %add3A_13 = vector.broadcast %add3A : f32 to vector<1x8xf32>
      %add3A_14 = arith.addf %get3A_12, %add3A_13 : vector<1x8xf32>
      %mul3A = arith.constant 7.812500e-03 : f32
      %mul3A_15 = vector.broadcast %mul3A : f32 to vector<1x8xf32>
      %mul3A_16 = arith.mulf %add3A_14, %mul3A_15 : vector<1x8xf32>
      %floor3A = math.floor %mul3A_16 : vector<1x8xf32>
      %mul3A_17 = arith.constant 1.280000e+02 : f32
      %mul3A_18 = vector.broadcast %mul3A_17 : f32 to vector<1x8xf32>
      %mul3A_19 = arith.mulf %floor3A, %mul3A_18 : vector<1x8xf32>
      %iota3A = tpu.iota {dimensions = array<i32: 0>} : vector<8x8xi32>
      %iota3A_20 = tpu.iota {dimensions = array<i32: 1>} : vector<8x8xi32>
      %lt3A_21 = arith.cmpi slt, %iota3A, %iota3A_20 : vector<8x8xi32>
      %convert_element_type3A_22 = arith.extui %lt3A_21 : vector<8x8xi1> to vector<8x8xi32>
      %convert_element_type3A_23 = arith.sitofp %convert_element_type3A_22 : vector<8x8xi32> to vector<8x8xf32>
      %dot_general3A = arith.constant dense<0.000000e+00> : vector<1x8xf32>
      %dot_general3A_24 = tpu.matmul %mul3A_19, %convert_element_type3A_23, %dot_general3A {dimension_numbers = #tpu.dot_dimension_numbers<[1], [0], [0], [1], [0, 0, 1, 1], [], []>, transpose_lhs_hint = false} : vector<1x8xf32>, vector<8x8xf32>, vector<1x8xf32> -> vector<1x8xf32>
      %get3A_25 = arith.constant 0 : index
      %get3A_26 = arith.constant 0 : index
      %get3A_27 = vector.load %arg11[%get3A_25, %get3A_26] : memref<2048x8xf32, #tpu.memory_space<vmem>>, vector<2048x8xf32>
      %get3A_28 = arith.constant 0 : index
      %get3A_29 = arith.constant 0 : index
      %get3A_30 = vector.load %arg12[%get3A_28, %get3A_29] : memref<2048x1xi32, #tpu.memory_space<vmem>>, vector<2048x1xi32>
      %get3A_31 = arith.constant 0 : index
      %get3A_32 = arith.constant 0 : index
      %get3A_33 = vector.load %arg13[%get3A_31, %get3A_32] : memref<2048x1xi32, #tpu.memory_space<vmem>>, vector<2048x1xi32>
      %iota3A_34 = tpu.iota {dimensions = array<i32: 1>} : vector<2048x8xi32>
      %add3A_35 = vector.broadcast %dot_general3A_24 : vector<1x8xf32> to vector<2048x8xf32>
      %add3A_36 = arith.addf %add3A_35, %get3A_27 : vector<2048x8xf32>
      %eq3A_37 = vector.broadcast %get3A_30 : vector<2048x1xi32> to vector<2048x8xi32>
      %eq3A_38 = arith.cmpi eq, %iota3A_34, %eq3A_37 : vector<2048x8xi32>
      %jit3A = arith.constant 0.000000e+00 : f32
      %broadcast_in_dim3A = vector.broadcast %jit3A : f32 to vector<2048x8xf32>
      %select_n3A = arith.select %eq3A_38, %add3A_36, %broadcast_in_dim3A : vector<2048x8xi1>, vector<2048x8xf32>
      %reduce_sum3A = arith.constant dense<0.000000e+00> : vector<2048xf32>
      %reduce_sum3A_39 = vector.multi_reduction <add>, %select_n3A, %reduce_sum3A [1] : vector<2048x8xf32> to vector<2048xf32>
      %broadcast_in_dim3A_40 = vector.shape_cast %reduce_sum3A_39 : vector<2048xf32> to vector<2048x1xf32>
      %eq3A_41 = vector.broadcast %get3A_33 : vector<2048x1xi32> to vector<2048x8xi32>
      %eq3A_42 = arith.cmpi eq, %iota3A_34, %eq3A_41 : vector<2048x8xi32>
      %jit3A_43 = arith.constant 0.000000e+00 : f32
      %broadcast_in_dim3A_44 = vector.broadcast %jit3A_43 : f32 to vector<2048x8xf32>
      %select_n3A_45 = arith.select %eq3A_42, %add3A_36, %broadcast_in_dim3A_44 : vector<2048x8xi1>, vector<2048x8xf32>
      %reduce_sum3A_46 = arith.constant dense<0.000000e+00> : vector<2048xf32>
      %reduce_sum3A_47 = vector.multi_reduction <add>, %select_n3A_45, %reduce_sum3A_46 [1] : vector<2048x8xf32> to vector<2048xf32>
      %broadcast_in_dim3A_48 = vector.shape_cast %reduce_sum3A_47 : vector<2048xf32> to vector<2048x1xf32>
      %convert_element_type3A_49 = arith.fptosi %broadcast_in_dim3A_40 : vector<2048x1xf32> to vector<2048x1xi32>
      %swap3A_50 = arith.constant 0 : index
      %swap3A_51 = arith.constant 0 : index
      %swap3A_52 = vector.load %arg4[%swap3A_50, %swap3A_51] : memref<2048x1xi32, #tpu.memory_space<vmem>>, vector<2048x1xi32>
      tpu.vector_store %arg4[%swap3A_50, %swap3A_51], %convert_element_type3A_49 {strides = array<i32>} : memref<2048x1xi32, #tpu.memory_space<vmem>>, vector<2048x1xi32>,
      %convert_element_type3A_53 = arith.fptosi %broadcast_in_dim3A_48 : vector<2048x1xf32> to vector<2048x1xi32>
      %swap3A_54 = arith.constant 0 : index
      %swap3A_55 = arith.constant 0 : index
      %swap3A_56 = vector.load %arg5[%swap3A_54, %swap3A_55] : memref<2048x1xi32, #tpu.memory_space<vmem>>, vector<2048x1xi32>
      tpu.vector_store %arg5[%swap3A_54, %swap3A_55], %convert_element_type3A_53 {strides = array<i32>} : memref<2048x1xi32, #tpu.memory_space<vmem>>, vector<2048x1xi32>,
      %add3A_57 = arith.addf %dot_general3A_24, %mul3A_19 : vector<1x8xf32>
      %iota3A_58 = tpu.iota {dimensions = array<i32: 0>} : vector<40x8xi32>
      %mul3A_59 = arith.constant 128 : i32
      %mul3A_60 = vector.broadcast %mul3A_59 : i32 to vector<40x8xi32>
      %mul3A_61 = arith.muli %iota3A_58, %mul3A_60 : vector<40x8xi32>
      %convert_element_type3A_62 = arith.sitofp %mul3A_61 : vector<40x8xi32> to vector<40x8xf32>
      %ge3A = vector.broadcast %add3A_57 : vector<1x8xf32> to vector<40x8xf32>
      %ge3A_63 = arith.cmpf oge, %convert_element_type3A_62, %ge3A : vector<40x8xf32>
      %convert_element_type3A_64 = arith.extui %ge3A_63 : vector<40x8xi1> to vector<40x8xi32>
      %reduce_sum3A_65 = arith.constant dense<0> : vector<40xi32>
      %reduce_sum3A_66 = vector.multi_reduction <add>, %convert_element_type3A_64, %reduce_sum3A_65 [1] : vector<40x8xi32> to vector<40xi32>
      %broadcast_in_dim3A_67 = vector.shape_cast %reduce_sum3A_66 : vector<40xi32> to vector<40x1xi32>
      %iota3A_68 = tpu.iota {dimensions = array<i32: 1>} : vector<1x8xi32>
      %gt3A = arith.constant 0.000000e+00 : f32
      %gt3A_69 = vector.broadcast %gt3A : f32 to vector<1x8xf32>
      %gt3A_70 = arith.cmpf ogt, %mul3A_19, %gt3A_69 : vector<1x8xf32>
      %jit3A_71 = arith.constant 0 : i32
      %broadcast_in_dim3A_72 = vector.broadcast %jit3A_71 : i32 to vector<1x8xi32>
      %select_n3A_73 = arith.select %gt3A_70, %iota3A_68, %broadcast_in_dim3A_72 : vector<1x8xi1>, vector<1x8xi32>
      %reduce_max3A = arith.constant dense<-2147483648> : vector<1xi32>
      %reduce_max3A_74 = vector.multi_reduction <maxsi>, %select_n3A_73, %reduce_max3A [1] : vector<1x8xi32> to vector<1xi32>
      %broadcast_in_dim3A_75 = vector.shape_cast %reduce_max3A_74 : vector<1xi32> to vector<1x1xi32>
      %min3A = vector.broadcast %broadcast_in_dim3A_75 : vector<1x1xi32> to vector<40x1xi32>
      %min3A_76 = arith.minsi %broadcast_in_dim3A_67, %min3A : vector<40x1xi32>
      %swap3A_77 = arith.constant 0 : index
      %swap3A_78 = arith.constant 0 : index
      %swap3A_79 = vector.load %arg6[%swap3A_77, %swap3A_78] : memref<40x1xi32, #tpu.memory_space<vmem>>, vector<40x1xi32>
      tpu.vector_store %arg6[%swap3A_77, %swap3A_78], %min3A_76 {strides = array<i32>} : memref<40x1xi32, #tpu.memory_space<vmem>>, vector<40x1xi32>,
      %reduce_sum3A_80 = arith.constant dense<0.000000e+00> : vector<1xf32>
      %reduce_sum3A_81 = vector.multi_reduction <add>, %mul3A_19, %reduce_sum3A_80 [1] : vector<1x8xf32> to vector<1xf32>
      %broadcast_in_dim3A_82 = vector.shape_cast %reduce_sum3A_81 : vector<1xf32> to vector<1x1xf32>
      %convert_element_type3A_83 = arith.fptosi %broadcast_in_dim3A_82 : vector<1x1xf32> to vector<1x1xi32>
      %swap3A_84 = arith.constant 0 : index
      %swap3A_85 = arith.constant 0 : index
      %swap3A_86 = vector.load %arg7[%swap3A_84, %swap3A_85] : memref<1x1xi32, #tpu.memory_space<vmem>>, vector<1x1xi32>
      tpu.vector_store %arg7[%swap3A_84, %swap3A_85], %convert_element_type3A_83 {strides = array<i32>} : memref<1x1xi32, #tpu.memory_space<vmem>>, vector<1x1xi32>,
      %iota3A_87 = tpu.iota {dimensions = array<i32: 1>} : vector<40x8xi32>
      %gt3A_88 = arith.constant 0.000000e+00 : f32
      %gt3A_89 = vector.broadcast %gt3A_88 : f32 to vector<1x8xf32>
      %gt3A_90 = arith.cmpf ogt, %mul3A_19, %gt3A_89 : vector<1x8xf32>
      %gt3A_91 = vector.broadcast %min3A_76 : vector<40x1xi32> to vector<40x8xi32>
      %gt3A_92 = arith.cmpi sgt, %iota3A_87, %gt3A_91 : vector<40x8xi32>
      %and3A = vector.broadcast %gt3A_90 : vector<1x8xi1> to vector<40x8xi1>
      %and3A_93 = arith.andi %gt3A_92, %and3A : vector<40x8xi1>
      %jit3A_94 = arith.constant 8 : i32
      %broadcast_in_dim3A_95 = vector.broadcast %jit3A_94 : i32 to vector<40x8xi32>
      %select_n3A_96 = arith.select %and3A_93, %iota3A_87, %broadcast_in_dim3A_95 : vector<40x8xi1>, vector<40x8xi32>
      %reduce_min3A = arith.constant dense<2147483647> : vector<40xi32>
      %reduce_min3A_97 = vector.multi_reduction <minsi>, %select_n3A_96, %reduce_min3A [1] : vector<40x8xi32> to vector<40xi32>
      %broadcast_in_dim3A_98 = vector.shape_cast %reduce_min3A_97 : vector<40xi32> to vector<40x1xi32>
      %eq3A_99 = arith.constant 8 : i32
      %eq3A_100 = vector.broadcast %eq3A_99 : i32 to vector<40x1xi32>
      %eq3A_101 = arith.cmpi eq, %broadcast_in_dim3A_98, %eq3A_100 : vector<40x1xi32>
      %select_n3A_102 = arith.select %eq3A_101, %min3A_76, %broadcast_in_dim3A_98 : vector<40x1xi1>, vector<40x1xi32>
      %swap3A_103 = arith.constant 0 : index
      %swap3A_104 = arith.constant 0 : index
      %swap3A_105 = vector.load %arg8[%swap3A_103, %swap3A_104] : memref<40x1xi32, #tpu.memory_space<vmem>>, vector<40x1xi32>
      tpu.vector_store %arg8[%swap3A_103, %swap3A_104], %select_n3A_102 {strides = array<i32>} : memref<40x1xi32, #tpu.memory_space<vmem>>, vector<40x1xi32>,
      %gt3A_106 = vector.broadcast %select_n3A_102 : vector<40x1xi32> to vector<40x8xi32>
      %gt3A_107 = arith.cmpi sgt, %iota3A_87, %gt3A_106 : vector<40x8xi32>
      %and3A_108 = vector.broadcast %gt3A_90 : vector<1x8xi1> to vector<40x8xi1>
      %and3A_109 = arith.andi %gt3A_107, %and3A_108 : vector<40x8xi1>
      %jit3A_110 = arith.constant 8 : i32
      %broadcast_in_dim3A_111 = vector.broadcast %jit3A_110 : i32 to vector<40x8xi32>
      %select_n3A_112 = arith.select %and3A_109, %iota3A_87, %broadcast_in_dim3A_111 : vector<40x8xi1>, vector<40x8xi32>
      %reduce_min3A_113 = arith.constant dense<2147483647> : vector<40xi32>
      %reduce_min3A_114 = vector.multi_reduction <minsi>, %select_n3A_112, %reduce_min3A_113 [1] : vector<40x8xi32> to vector<40xi32>
      %broadcast_in_dim3A_115 = vector.shape_cast %reduce_min3A_114 : vector<40xi32> to vector<40x1xi32>
      %eq3A_116 = arith.constant 8 : i32
      %eq3A_117 = vector.broadcast %eq3A_116 : i32 to vector<40x1xi32>
      %eq3A_118 = arith.cmpi eq, %broadcast_in_dim3A_115, %eq3A_117 : vector<40x1xi32>
      %select_n3A_119 = arith.select %eq3A_118, %select_n3A_102, %broadcast_in_dim3A_115 : vector<40x1xi1>, vector<40x1xi32>
      %swap3A_120 = arith.constant 0 : index
      %swap3A_121 = arith.constant 0 : index
      %swap3A_122 = vector.load %arg9[%swap3A_120, %swap3A_121] : memref<40x1xi32, #tpu.memory_space<vmem>>, vector<40x1xi32>
      tpu.vector_store %arg9[%swap3A_120, %swap3A_121], %select_n3A_119 {strides = array<i32>} : memref<40x1xi32, #tpu.memory_space<vmem>>, vector<40x1xi32>,
    } else {
    }
    return
  }
  func.func @transform_0(%arg0: i32) -> (i32, i32) {
    %min3A = arith.constant 3 : i32
    %min3A_0 = arith.minsi %arg0, %min3A : i32
    %c0_i32 = arith.constant 0 : i32
    %c0_i32_1 = arith.constant 0 : i32
    return %min3A_0, %c0_i32 : i32, i32
  }
  func.func @transform_1(%arg0: i32) -> (i32, i32) {
    %c0_i32 = arith.constant 0 : i32
    %c0_i32_0 = arith.constant 0 : i32
    %c0_i32_1 = arith.constant 0 : i32
    return %c0_i32, %c0_i32_0 : i32, i32
  }
  func.func @transform_2(%arg0: i32) -> (i32, i32) {
    %c0_i32 = arith.constant 0 : i32
    %c0_i32_0 = arith.constant 0 : i32
    %c0_i32_1 = arith.constant 0 : i32
    return %c0_i32, %c0_i32_0 : i32, i32
  }
  func.func @transform_3(%arg0: i32) -> (i32, i32) {
    %c0_i32 = arith.constant 0 : i32
    %c0_i32_0 = arith.constant 0 : i32
    %c0_i32_1 = arith.constant 0 : i32
    return %c0_i32, %c0_i32_0 : i32, i32
  }
  func.func @transform_4(%arg0: i32) -> (i32, i32) {
    %c0_i32 = arith.constant 0 : i32
    %c0_i32_0 = arith.constant 0 : i32
    %c0_i32_1 = arith.constant 0 : i32
    return %c0_i32, %c0_i32_0 : i32, i32
  }
  func.func @transform_5(%arg0: i32) -> (i32, i32) {
    %c0_i32 = arith.constant 0 : i32
    %c0_i32_0 = arith.constant 0 : i32
    %c0_i32_1 = arith.constant 0 : i32
    return %c0_i32, %c0_i32_0 : i32, i32
  }
  func.func @transform_6(%arg0: i32) -> (i32, i32) {
    %c0_i32 = arith.constant 0 : i32
    %c0_i32_0 = arith.constant 0 : i32
    %c0_i32_1 = arith.constant 0 : i32
    return %c0_i32, %c0_i32_0 : i32, i32
  }
  func.func @transform_7(%arg0: i32) -> (i32, i32) {
    %c0_i32 = arith.constant 0 : i32
    %c0_i32_0 = arith.constant 0 : i32
    %c0_i32_1 = arith.constant 0 : i32
    return %c0_i32, %c0_i32_0 : i32, i32
  }
  func.func @transform_8(%arg0: i32) -> (i32, i32) {
    %c0_i32 = arith.constant 0 : i32
    %c0_i32_0 = arith.constant 0 : i32
    %c0_i32_1 = arith.constant 0 : i32
    return %c0_i32, %c0_i32_0 : i32, i32
  }
}

module attributes {stable_mosaic.version = 14 : i64} {
  func.func @_gmm_body(%arg0: i32, %arg1: memref<40xi32, #tpu.memory_space<smem>>, %arg2: memref<1xi32, #tpu.memory_space<smem>>, %arg3: memref<40xi32, #tpu.memory_space<smem>>, %arg4: memref<40xi32, #tpu.memory_space<smem>>, %arg5: memref<128x768xf32, #tpu.memory_space<vmem>>, %arg6: memref<8x768x1536xf32, #tpu.memory_space<any>>, %arg7: memref<1x1x1536xf32, #tpu.memory_space<vmem>>, %arg8: memref<8x1536x768xf32, #tpu.memory_space<any>>, %arg9: memref<1x1x768xf32, #tpu.memory_space<vmem>>, %arg10: memref<128x768xf32, #tpu.memory_space<vmem>>, %arg11: memref<3x768x1536xf32, #tpu.memory_space<vmem>>, %arg12: memref<3x1536x768xf32, #tpu.memory_space<vmem>>, %arg13: memref<3x2x!tpu.dma_semaphore, #tpu.memory_space<semaphore_mem>>, %arg14: memref<2xi32, #tpu.memory_space<smem>>) attributes {dimension_semantics = [#tpu.dimension_semantics<arbitrary>], iteration_bounds = array<i64: 40>, scalar_prefetch = 4 : i64, scratch_operands = 4 : i64, tpu.core_type = #tpu.core_type<tc>, window_params = [{transform_indices = @transform_0, window_bounds = array<i64: 128, 768>}, {}, {transform_indices = @transform_2, window_bounds = array<i64: 1, 1, 1536>}, {}, {transform_indices = @transform_4, window_bounds = array<i64: 1, 1, 768>}, {transform_indices = @transform_5, window_bounds = array<i64: 128, 768>}]} {
    %get3A = arith.index_cast %arg0 : i32 to index
    %get3A_0 = memref.load %arg1[%get3A] : memref<40xi32, #tpu.memory_space<smem>>
    %gt3A = arith.constant 0 : i32
    %gt3A_1 = arith.cmpi sgt, %arg0, %gt3A : i32
    %sub3A = arith.constant 1 : i32
    %sub3A_2 = arith.subi %arg0, %sub3A : i32
    %max3A = arith.constant 0 : i32
    %max3A_3 = arith.maxsi %sub3A_2, %max3A : i32
    %get3A_4 = arith.index_cast %max3A_3 : i32 to index
    %get3A_5 = memref.load %arg1[%get3A_4] : memref<40xi32, #tpu.memory_space<smem>>
    %jit3A = arith.constant -1 : i32
    %select_n3A = arith.select %gt3A_1, %get3A_5, %jit3A : i32
    %ne3A = arith.cmpi ne, %get3A_0, %select_n3A : i32
    %get3A_6 = arith.index_cast %arg0 : i32 to index
    %get3A_7 = memref.load %arg3[%get3A_6] : memref<40xi32, #tpu.memory_space<smem>>
    %get3A_8 = arith.index_cast %arg0 : i32 to index
    %get3A_9 = memref.load %arg4[%get3A_8] : memref<40xi32, #tpu.memory_space<smem>>
    %eq3A = arith.constant 0 : i32
    %eq3A_10 = arith.cmpi eq, %arg0, %eq3A : i32
    %convert_element_type3A = arith.extui %eq3A_10 : i1 to i32
    %cond3A = arith.constant 0 : i32
    %cond3A_11 = arith.cmpi ne, %convert_element_type3A, %cond3A : i32
    scf.if %cond3A_11 {
      %swap3A = arith.constant 0 : i32
      %swap3A_40 = arith.constant 0 : index
      %swap3A_41 = memref.load %arg14[%swap3A_40] : memref<2xi32, #tpu.memory_space<smem>>
      memref.store %swap3A, %arg14[%swap3A_40] : memref<2xi32, #tpu.memory_space<smem>>
      %swap3A_42 = arith.constant 0 : i32
      %swap3A_43 = arith.constant 1 : index
      %swap3A_44 = memref.load %arg14[%swap3A_43] : memref<2xi32, #tpu.memory_space<smem>>
      memref.store %swap3A_42, %arg14[%swap3A_43] : memref<2xi32, #tpu.memory_space<smem>>
      %dma_start3A = arith.constant 0 : i32
      %dma_start3A_45 = arith.constant 0 : i32
      %dma_start3A_46 = arith.constant 0 : i32
      %dma_start3A_47 = tpu.memref_slice %arg13[%dma_start3A_45, %dma_start3A_46] : memref<3x2x!tpu.dma_semaphore, #tpu.memory_space<semaphore_mem>> -> memref<1x1x!tpu.dma_semaphore, #tpu.memory_space<semaphore_mem>>
      %dma_start3A_48 = tpu.memref_squeeze %dma_start3A_47 : memref<1x1x!tpu.dma_semaphore, #tpu.memory_space<semaphore_mem>> -> memref<!tpu.dma_semaphore, #tpu.memory_space<semaphore_mem>>
      %dma_start3A_49 = arith.constant 0 : i32
      %dma_start3A_50 = arith.constant 0 : i32
      %dma_start3A_51 = tpu.memref_slice %arg11[%dma_start3A, %dma_start3A_49, %dma_start3A_50] : memref<3x768x1536xf32, #tpu.memory_space<vmem>> -> memref<1x768x1536xf32, #tpu.memory_space<vmem>>
      %dma_start3A_52 = tpu.memref_squeeze %dma_start3A_51 : memref<1x768x1536xf32, #tpu.memory_space<vmem>> -> memref<768x1536xf32, #tpu.memory_space<vmem>>
      %dma_start3A_53 = arith.constant 0 : i32
      %dma_start3A_54 = arith.constant 0 : i32
      %dma_start3A_55 = tpu.memref_slice %arg6[%get3A_0, %dma_start3A_53, %dma_start3A_54] : memref<8x768x1536xf32, #tpu.memory_space<any>> -> memref<1x768x1536xf32, #tpu.memory_space<any>>
      %dma_start3A_56 = tpu.memref_squeeze %dma_start3A_55 : memref<1x768x1536xf32, #tpu.memory_space<any>> -> memref<768x1536xf32, #tpu.memory_space<any>>
      tpu.enqueue_dma source(%dma_start3A_56 : memref<768x1536xf32, #tpu.memory_space<any>>) target(%dma_start3A_52 : memref<768x1536xf32, #tpu.memory_space<vmem>>) target_semaphore(%dma_start3A_48 : memref<!tpu.dma_semaphore, #tpu.memory_space<semaphore_mem>>)
      %dma_start3A_57 = arith.constant 0 : i32
      %dma_start3A_58 = arith.constant 0 : i32
      %dma_start3A_59 = arith.constant 1 : i32
      %dma_start3A_60 = tpu.memref_slice %arg13[%dma_start3A_58, %dma_start3A_59] : memref<3x2x!tpu.dma_semaphore, #tpu.memory_space<semaphore_mem>> -> memref<1x1x!tpu.dma_semaphore, #tpu.memory_space<semaphore_mem>>
      %dma_start3A_61 = tpu.memref_squeeze %dma_start3A_60 : memref<1x1x!tpu.dma_semaphore, #tpu.memory_space<semaphore_mem>> -> memref<!tpu.dma_semaphore, #tpu.memory_space<semaphore_mem>>
      %dma_start3A_62 = arith.constant 0 : i32
      %dma_start3A_63 = arith.constant 0 : i32
      %dma_start3A_64 = tpu.memref_slice %arg12[%dma_start3A_57, %dma_start3A_62, %dma_start3A_63] : memref<3x1536x768xf32, #tpu.memory_space<vmem>> -> memref<1x1536x768xf32, #tpu.memory_space<vmem>>
      %dma_start3A_65 = tpu.memref_squeeze %dma_start3A_64 : memref<1x1536x768xf32, #tpu.memory_space<vmem>> -> memref<1536x768xf32, #tpu.memory_space<vmem>>
      %dma_start3A_66 = arith.constant 0 : i32
      %dma_start3A_67 = arith.constant 0 : i32
      %dma_start3A_68 = tpu.memref_slice %arg8[%get3A_0, %dma_start3A_66, %dma_start3A_67] : memref<8x1536x768xf32, #tpu.memory_space<any>> -> memref<1x1536x768xf32, #tpu.memory_space<any>>
      %dma_start3A_69 = tpu.memref_squeeze %dma_start3A_68 : memref<1x1536x768xf32, #tpu.memory_space<any>> -> memref<1536x768xf32, #tpu.memory_space<any>>
      tpu.enqueue_dma source(%dma_start3A_69 : memref<1536x768xf32, #tpu.memory_space<any>>) target(%dma_start3A_65 : memref<1536x768xf32, #tpu.memory_space<vmem>>) target_semaphore(%dma_start3A_61 : memref<!tpu.dma_semaphore, #tpu.memory_space<semaphore_mem>>)
      %swap3A_70 = arith.constant 1 : i32
      %swap3A_71 = arith.constant 0 : index
      %swap3A_72 = memref.load %arg14[%swap3A_71] : memref<2xi32, #tpu.memory_space<smem>>
      memref.store %swap3A_70, %arg14[%swap3A_71] : memref<2xi32, #tpu.memory_space<smem>>
      %ne3A_73 = arith.cmpi ne, %get3A_7, %get3A_0 : i32
      %convert_element_type3A_74 = arith.extui %ne3A_73 : i1 to i32
      %cond3A_75 = arith.constant 0 : i32
      %cond3A_76 = arith.cmpi ne, %convert_element_type3A_74, %cond3A_75 : i32
      scf.if %cond3A_76 {
        %dma_start3A_77 = arith.constant 1 : i32
        %dma_start3A_78 = arith.constant 1 : i32
        %dma_start3A_79 = arith.constant 0 : i32
        %dma_start3A_80 = tpu.memref_slice %arg13[%dma_start3A_78, %dma_start3A_79] : memref<3x2x!tpu.dma_semaphore, #tpu.memory_space<semaphore_mem>> -> memref<1x1x!tpu.dma_semaphore, #tpu.memory_space<semaphore_mem>>
        %dma_start3A_81 = tpu.memref_squeeze %dma_start3A_80 : memref<1x1x!tpu.dma_semaphore, #tpu.memory_space<semaphore_mem>> -> memref<!tpu.dma_semaphore, #tpu.memory_space<semaphore_mem>>
        %dma_start3A_82 = arith.constant 0 : i32
        %dma_start3A_83 = arith.constant 0 : i32
        %dma_start3A_84 = tpu.memref_slice %arg11[%dma_start3A_77, %dma_start3A_82, %dma_start3A_83] : memref<3x768x1536xf32, #tpu.memory_space<vmem>> -> memref<1x768x1536xf32, #tpu.memory_space<vmem>>
        %dma_start3A_85 = tpu.memref_squeeze %dma_start3A_84 : memref<1x768x1536xf32, #tpu.memory_space<vmem>> -> memref<768x1536xf32, #tpu.memory_space<vmem>>
        %dma_start3A_86 = arith.constant 0 : i32
        %dma_start3A_87 = arith.constant 0 : i32
        %dma_start3A_88 = tpu.memref_slice %arg6[%get3A_7, %dma_start3A_86, %dma_start3A_87] : memref<8x768x1536xf32, #tpu.memory_space<any>> -> memref<1x768x1536xf32, #tpu.memory_space<any>>
        %dma_start3A_89 = tpu.memref_squeeze %dma_start3A_88 : memref<1x768x1536xf32, #tpu.memory_space<any>> -> memref<768x1536xf32, #tpu.memory_space<any>>
        tpu.enqueue_dma source(%dma_start3A_89 : memref<768x1536xf32, #tpu.memory_space<any>>) target(%dma_start3A_85 : memref<768x1536xf32, #tpu.memory_space<vmem>>) target_semaphore(%dma_start3A_81 : memref<!tpu.dma_semaphore, #tpu.memory_space<semaphore_mem>>)
        %dma_start3A_90 = arith.constant 1 : i32
        %dma_start3A_91 = arith.constant 1 : i32
        %dma_start3A_92 = arith.constant 1 : i32
        %dma_start3A_93 = tpu.memref_slice %arg13[%dma_start3A_91, %dma_start3A_92] : memref<3x2x!tpu.dma_semaphore, #tpu.memory_space<semaphore_mem>> -> memref<1x1x!tpu.dma_semaphore, #tpu.memory_space<semaphore_mem>>
        %dma_start3A_94 = tpu.memref_squeeze %dma_start3A_93 : memref<1x1x!tpu.dma_semaphore, #tpu.memory_space<semaphore_mem>> -> memref<!tpu.dma_semaphore, #tpu.memory_space<semaphore_mem>>
        %dma_start3A_95 = arith.constant 0 : i32
        %dma_start3A_96 = arith.constant 0 : i32
        %dma_start3A_97 = tpu.memref_slice %arg12[%dma_start3A_90, %dma_start3A_95, %dma_start3A_96] : memref<3x1536x768xf32, #tpu.memory_space<vmem>> -> memref<1x1536x768xf32, #tpu.memory_space<vmem>>
        %dma_start3A_98 = tpu.memref_squeeze %dma_start3A_97 : memref<1x1536x768xf32, #tpu.memory_space<vmem>> -> memref<1536x768xf32, #tpu.memory_space<vmem>>
        %dma_start3A_99 = arith.constant 0 : i32
        %dma_start3A_100 = arith.constant 0 : i32
        %dma_start3A_101 = tpu.memref_slice %arg8[%get3A_7, %dma_start3A_99, %dma_start3A_100] : memref<8x1536x768xf32, #tpu.memory_space<any>> -> memref<1x1536x768xf32, #tpu.memory_space<any>>
        %dma_start3A_102 = tpu.memref_squeeze %dma_start3A_101 : memref<1x1536x768xf32, #tpu.memory_space<any>> -> memref<1536x768xf32, #tpu.memory_space<any>>
        tpu.enqueue_dma source(%dma_start3A_102 : memref<1536x768xf32, #tpu.memory_space<any>>) target(%dma_start3A_98 : memref<1536x768xf32, #tpu.memory_space<vmem>>) target_semaphore(%dma_start3A_94 : memref<!tpu.dma_semaphore, #tpu.memory_space<semaphore_mem>>)
        %swap3A_103 = arith.constant 2 : i32
        %swap3A_104 = arith.constant 0 : index
        %swap3A_105 = memref.load %arg14[%swap3A_104] : memref<2xi32, #tpu.memory_space<smem>>
        memref.store %swap3A_103, %arg14[%swap3A_104] : memref<2xi32, #tpu.memory_space<smem>>
      } else {
      }
    } else {
    }
    %convert_element_type3A_12 = arith.extui %ne3A : i1 to i32
    %cond3A_13 = arith.constant 0 : i32
    %cond3A_14 = arith.cmpi ne, %convert_element_type3A_12, %cond3A_13 : i32
    scf.if %cond3A_14 {
      %get3A_40 = arith.constant 1 : index
      %get3A_41 = memref.load %arg14[%get3A_40] : memref<2xi32, #tpu.memory_space<smem>>
      %rem3A_42 = arith.constant 3 : i32
      %rem3A_43 = arith.remsi %get3A_41, %rem3A_42 : i32
      %eq3A_44 = arith.constant 0 : i32
      %eq3A_45 = arith.cmpi eq, %rem3A_43, %eq3A_44 : i32
      %convert_element_type3A_46 = arith.extui %eq3A_45 : i1 to i32
      %cond3A_47 = arith.constant 0 : i32
      %cond3A_48 = arith.cmpi ne, %convert_element_type3A_46, %cond3A_47 : i32
      scf.if %cond3A_48 {
        %dma_wait3A = arith.constant 0 : i32
        %dma_wait3A_67 = arith.constant 0 : i32
        %dma_wait3A_68 = arith.constant 0 : i32
        %dma_wait3A_69 = tpu.memref_slice %arg13[%dma_wait3A_67, %dma_wait3A_68] : memref<3x2x!tpu.dma_semaphore, #tpu.memory_space<semaphore_mem>> -> memref<1x1x!tpu.dma_semaphore, #tpu.memory_space<semaphore_mem>>
        %dma_wait3A_70 = tpu.memref_squeeze %dma_wait3A_69 : memref<1x1x!tpu.dma_semaphore, #tpu.memory_space<semaphore_mem>> -> memref<!tpu.dma_semaphore, #tpu.memory_space<semaphore_mem>>
        %dma_wait3A_71 = arith.constant 0 : i32
        %dma_wait3A_72 = arith.constant 0 : i32
        %dma_wait3A_73 = tpu.memref_slice %arg11[%dma_wait3A, %dma_wait3A_71, %dma_wait3A_72] : memref<3x768x1536xf32, #tpu.memory_space<vmem>> -> memref<1x768x1536xf32, #tpu.memory_space<vmem>>
        %dma_wait3A_74 = tpu.memref_squeeze %dma_wait3A_73 : memref<1x768x1536xf32, #tpu.memory_space<vmem>> -> memref<768x1536xf32, #tpu.memory_space<vmem>>
        %dma_wait3A_75 = arith.constant 0 : i32
        %dma_wait3A_76 = arith.constant 0 : i32
        %dma_wait3A_77 = tpu.memref_slice %arg6[%get3A_0, %dma_wait3A_75, %dma_wait3A_76] : memref<8x768x1536xf32, #tpu.memory_space<any>> -> memref<1x768x1536xf32, #tpu.memory_space<any>>
        %dma_wait3A_78 = tpu.memref_squeeze %dma_wait3A_77 : memref<1x768x1536xf32, #tpu.memory_space<any>> -> memref<768x1536xf32, #tpu.memory_space<any>>
        tpu.wait_dma2 semaphore(%dma_wait3A_70 : memref<!tpu.dma_semaphore, #tpu.memory_space<semaphore_mem>>) src(%dma_wait3A_78 : memref<768x1536xf32, #tpu.memory_space<any>>) dst(%dma_wait3A_74 : memref<768x1536xf32, #tpu.memory_space<vmem>>)
        %dma_wait3A_79 = arith.constant 0 : i32
        %dma_wait3A_80 = arith.constant 0 : i32
        %dma_wait3A_81 = arith.constant 1 : i32
        %dma_wait3A_82 = tpu.memref_slice %arg13[%dma_wait3A_80, %dma_wait3A_81] : memref<3x2x!tpu.dma_semaphore, #tpu.memory_space<semaphore_mem>> -> memref<1x1x!tpu.dma_semaphore, #tpu.memory_space<semaphore_mem>>
        %dma_wait3A_83 = tpu.memref_squeeze %dma_wait3A_82 : memref<1x1x!tpu.dma_semaphore, #tpu.memory_space<semaphore_mem>> -> memref<!tpu.dma_semaphore, #tpu.memory_space<semaphore_mem>>
        %dma_wait3A_84 = arith.constant 0 : i32
        %dma_wait3A_85 = arith.constant 0 : i32
        %dma_wait3A_86 = tpu.memref_slice %arg12[%dma_wait3A_79, %dma_wait3A_84, %dma_wait3A_85] : memref<3x1536x768xf32, #tpu.memory_space<vmem>> -> memref<1x1536x768xf32, #tpu.memory_space<vmem>>
        %dma_wait3A_87 = tpu.memref_squeeze %dma_wait3A_86 : memref<1x1536x768xf32, #tpu.memory_space<vmem>> -> memref<1536x768xf32, #tpu.memory_space<vmem>>
        %dma_wait3A_88 = arith.constant 0 : i32
        %dma_wait3A_89 = arith.constant 0 : i32
        %dma_wait3A_90 = tpu.memref_slice %arg8[%get3A_0, %dma_wait3A_88, %dma_wait3A_89] : memref<8x1536x768xf32, #tpu.memory_space<any>> -> memref<1x1536x768xf32, #tpu.memory_space<any>>
        %dma_wait3A_91 = tpu.memref_squeeze %dma_wait3A_90 : memref<1x1536x768xf32, #tpu.memory_space<any>> -> memref<1536x768xf32, #tpu.memory_space<any>>
        tpu.wait_dma2 semaphore(%dma_wait3A_83 : memref<!tpu.dma_semaphore, #tpu.memory_space<semaphore_mem>>) src(%dma_wait3A_91 : memref<1536x768xf32, #tpu.memory_space<any>>) dst(%dma_wait3A_87 : memref<1536x768xf32, #tpu.memory_space<vmem>>)
      } else {
      }
      %eq3A_49 = arith.constant 1 : i32
      %eq3A_50 = arith.cmpi eq, %rem3A_43, %eq3A_49 : i32
      %convert_element_type3A_51 = arith.extui %eq3A_50 : i1 to i32
      %cond3A_52 = arith.constant 0 : i32
      %cond3A_53 = arith.cmpi ne, %convert_element_type3A_51, %cond3A_52 : i32
      scf.if %cond3A_53 {
        %dma_wait3A = arith.constant 1 : i32
        %dma_wait3A_67 = arith.constant 1 : i32
        %dma_wait3A_68 = arith.constant 0 : i32
        %dma_wait3A_69 = tpu.memref_slice %arg13[%dma_wait3A_67, %dma_wait3A_68] : memref<3x2x!tpu.dma_semaphore, #tpu.memory_space<semaphore_mem>> -> memref<1x1x!tpu.dma_semaphore, #tpu.memory_space<semaphore_mem>>
        %dma_wait3A_70 = tpu.memref_squeeze %dma_wait3A_69 : memref<1x1x!tpu.dma_semaphore, #tpu.memory_space<semaphore_mem>> -> memref<!tpu.dma_semaphore, #tpu.memory_space<semaphore_mem>>
        %dma_wait3A_71 = arith.constant 0 : i32
        %dma_wait3A_72 = arith.constant 0 : i32
        %dma_wait3A_73 = tpu.memref_slice %arg11[%dma_wait3A, %dma_wait3A_71, %dma_wait3A_72] : memref<3x768x1536xf32, #tpu.memory_space<vmem>> -> memref<1x768x1536xf32, #tpu.memory_space<vmem>>
        %dma_wait3A_74 = tpu.memref_squeeze %dma_wait3A_73 : memref<1x768x1536xf32, #tpu.memory_space<vmem>> -> memref<768x1536xf32, #tpu.memory_space<vmem>>
        %dma_wait3A_75 = arith.constant 0 : i32
        %dma_wait3A_76 = arith.constant 0 : i32
        %dma_wait3A_77 = tpu.memref_slice %arg6[%get3A_0, %dma_wait3A_75, %dma_wait3A_76] : memref<8x768x1536xf32, #tpu.memory_space<any>> -> memref<1x768x1536xf32, #tpu.memory_space<any>>
        %dma_wait3A_78 = tpu.memref_squeeze %dma_wait3A_77 : memref<1x768x1536xf32, #tpu.memory_space<any>> -> memref<768x1536xf32, #tpu.memory_space<any>>
        tpu.wait_dma2 semaphore(%dma_wait3A_70 : memref<!tpu.dma_semaphore, #tpu.memory_space<semaphore_mem>>) src(%dma_wait3A_78 : memref<768x1536xf32, #tpu.memory_space<any>>) dst(%dma_wait3A_74 : memref<768x1536xf32, #tpu.memory_space<vmem>>)
        %dma_wait3A_79 = arith.constant 1 : i32
        %dma_wait3A_80 = arith.constant 1 : i32
        %dma_wait3A_81 = arith.constant 1 : i32
        %dma_wait3A_82 = tpu.memref_slice %arg13[%dma_wait3A_80, %dma_wait3A_81] : memref<3x2x!tpu.dma_semaphore, #tpu.memory_space<semaphore_mem>> -> memref<1x1x!tpu.dma_semaphore, #tpu.memory_space<semaphore_mem>>
        %dma_wait3A_83 = tpu.memref_squeeze %dma_wait3A_82 : memref<1x1x!tpu.dma_semaphore, #tpu.memory_space<semaphore_mem>> -> memref<!tpu.dma_semaphore, #tpu.memory_space<semaphore_mem>>
        %dma_wait3A_84 = arith.constant 0 : i32
        %dma_wait3A_85 = arith.constant 0 : i32
        %dma_wait3A_86 = tpu.memref_slice %arg12[%dma_wait3A_79, %dma_wait3A_84, %dma_wait3A_85] : memref<3x1536x768xf32, #tpu.memory_space<vmem>> -> memref<1x1536x768xf32, #tpu.memory_space<vmem>>
        %dma_wait3A_87 = tpu.memref_squeeze %dma_wait3A_86 : memref<1x1536x768xf32, #tpu.memory_space<vmem>> -> memref<1536x768xf32, #tpu.memory_space<vmem>>
        %dma_wait3A_88 = arith.constant 0 : i32
        %dma_wait3A_89 = arith.constant 0 : i32
        %dma_wait3A_90 = tpu.memref_slice %arg8[%get3A_0, %dma_wait3A_88, %dma_wait3A_89] : memref<8x1536x768xf32, #tpu.memory_space<any>> -> memref<1x1536x768xf32, #tpu.memory_space<any>>
        %dma_wait3A_91 = tpu.memref_squeeze %dma_wait3A_90 : memref<1x1536x768xf32, #tpu.memory_space<any>> -> memref<1536x768xf32, #tpu.memory_space<any>>
        tpu.wait_dma2 semaphore(%dma_wait3A_83 : memref<!tpu.dma_semaphore, #tpu.memory_space<semaphore_mem>>) src(%dma_wait3A_91 : memref<1536x768xf32, #tpu.memory_space<any>>) dst(%dma_wait3A_87 : memref<1536x768xf32, #tpu.memory_space<vmem>>)
      } else {
      }
      %eq3A_54 = arith.constant 2 : i32
      %eq3A_55 = arith.cmpi eq, %rem3A_43, %eq3A_54 : i32
      %convert_element_type3A_56 = arith.extui %eq3A_55 : i1 to i32
      %cond3A_57 = arith.constant 0 : i32
      %cond3A_58 = arith.cmpi ne, %convert_element_type3A_56, %cond3A_57 : i32
      scf.if %cond3A_58 {
        %dma_wait3A = arith.constant 2 : i32
        %dma_wait3A_67 = arith.constant 2 : i32
        %dma_wait3A_68 = arith.constant 0 : i32
        %dma_wait3A_69 = tpu.memref_slice %arg13[%dma_wait3A_67, %dma_wait3A_68] : memref<3x2x!tpu.dma_semaphore, #tpu.memory_space<semaphore_mem>> -> memref<1x1x!tpu.dma_semaphore, #tpu.memory_space<semaphore_mem>>
        %dma_wait3A_70 = tpu.memref_squeeze %dma_wait3A_69 : memref<1x1x!tpu.dma_semaphore, #tpu.memory_space<semaphore_mem>> -> memref<!tpu.dma_semaphore, #tpu.memory_space<semaphore_mem>>
        %dma_wait3A_71 = arith.constant 0 : i32
        %dma_wait3A_72 = arith.constant 0 : i32
        %dma_wait3A_73 = tpu.memref_slice %arg11[%dma_wait3A, %dma_wait3A_71, %dma_wait3A_72] : memref<3x768x1536xf32, #tpu.memory_space<vmem>> -> memref<1x768x1536xf32, #tpu.memory_space<vmem>>
        %dma_wait3A_74 = tpu.memref_squeeze %dma_wait3A_73 : memref<1x768x1536xf32, #tpu.memory_space<vmem>> -> memref<768x1536xf32, #tpu.memory_space<vmem>>
        %dma_wait3A_75 = arith.constant 0 : i32
        %dma_wait3A_76 = arith.constant 0 : i32
        %dma_wait3A_77 = tpu.memref_slice %arg6[%get3A_0, %dma_wait3A_75, %dma_wait3A_76] : memref<8x768x1536xf32, #tpu.memory_space<any>> -> memref<1x768x1536xf32, #tpu.memory_space<any>>
        %dma_wait3A_78 = tpu.memref_squeeze %dma_wait3A_77 : memref<1x768x1536xf32, #tpu.memory_space<any>> -> memref<768x1536xf32, #tpu.memory_space<any>>
        tpu.wait_dma2 semaphore(%dma_wait3A_70 : memref<!tpu.dma_semaphore, #tpu.memory_space<semaphore_mem>>) src(%dma_wait3A_78 : memref<768x1536xf32, #tpu.memory_space<any>>) dst(%dma_wait3A_74 : memref<768x1536xf32, #tpu.memory_space<vmem>>)
        %dma_wait3A_79 = arith.constant 2 : i32
        %dma_wait3A_80 = arith.constant 2 : i32
        %dma_wait3A_81 = arith.constant 1 : i32
        %dma_wait3A_82 = tpu.memref_slice %arg13[%dma_wait3A_80, %dma_wait3A_81] : memref<3x2x!tpu.dma_semaphore, #tpu.memory_space<semaphore_mem>> -> memref<1x1x!tpu.dma_semaphore, #tpu.memory_space<semaphore_mem>>
        %dma_wait3A_83 = tpu.memref_squeeze %dma_wait3A_82 : memref<1x1x!tpu.dma_semaphore, #tpu.memory_space<semaphore_mem>> -> memref<!tpu.dma_semaphore, #tpu.memory_space<semaphore_mem>>
        %dma_wait3A_84 = arith.constant 0 : i32
        %dma_wait3A_85 = arith.constant 0 : i32
        %dma_wait3A_86 = tpu.memref_slice %arg12[%dma_wait3A_79, %dma_wait3A_84, %dma_wait3A_85] : memref<3x1536x768xf32, #tpu.memory_space<vmem>> -> memref<1x1536x768xf32, #tpu.memory_space<vmem>>
        %dma_wait3A_87 = tpu.memref_squeeze %dma_wait3A_86 : memref<1x1536x768xf32, #tpu.memory_space<vmem>> -> memref<1536x768xf32, #tpu.memory_space<vmem>>
        %dma_wait3A_88 = arith.constant 0 : i32
        %dma_wait3A_89 = arith.constant 0 : i32
        %dma_wait3A_90 = tpu.memref_slice %arg8[%get3A_0, %dma_wait3A_88, %dma_wait3A_89] : memref<8x1536x768xf32, #tpu.memory_space<any>> -> memref<1x1536x768xf32, #tpu.memory_space<any>>
        %dma_wait3A_91 = tpu.memref_squeeze %dma_wait3A_90 : memref<1x1536x768xf32, #tpu.memory_space<any>> -> memref<1536x768xf32, #tpu.memory_space<any>>
        tpu.wait_dma2 semaphore(%dma_wait3A_83 : memref<!tpu.dma_semaphore, #tpu.memory_space<semaphore_mem>>) src(%dma_wait3A_91 : memref<1536x768xf32, #tpu.memory_space<any>>) dst(%dma_wait3A_87 : memref<1536x768xf32, #tpu.memory_space<vmem>>)
      } else {
      }
      %get3A_59 = arith.constant 1 : index
      %get3A_60 = memref.load %arg14[%get3A_59] : memref<2xi32, #tpu.memory_space<smem>>
      %add3A = arith.constant 1 : i32
      %add3A_61 = arith.addi %get3A_60, %add3A : i32
      %swap3A = arith.constant 1 : index
      %swap3A_62 = memref.load %arg14[%swap3A] : memref<2xi32, #tpu.memory_space<smem>>
      memref.store %add3A_61, %arg14[%swap3A] : memref<2xi32, #tpu.memory_space<smem>>
      %ne3A_63 = arith.cmpi ne, %get3A_9, %get3A_7 : i32
      %convert_element_type3A_64 = arith.extui %ne3A_63 : i1 to i32
      %cond3A_65 = arith.constant 0 : i32
      %cond3A_66 = arith.cmpi ne, %convert_element_type3A_64, %cond3A_65 : i32
      scf.if %cond3A_66 {
        %get3A_67 = arith.constant 0 : index
        %get3A_68 = memref.load %arg14[%get3A_67] : memref<2xi32, #tpu.memory_space<smem>>
        %rem3A_69 = arith.constant 3 : i32
        %rem3A_70 = arith.remsi %get3A_68, %rem3A_69 : i32
        %eq3A_71 = arith.constant 0 : i32
        %eq3A_72 = arith.cmpi eq, %rem3A_70, %eq3A_71 : i32
        %convert_element_type3A_73 = arith.extui %eq3A_72 : i1 to i32
        %cond3A_74 = arith.constant 0 : i32
        %cond3A_75 = arith.cmpi ne, %convert_element_type3A_73, %cond3A_74 : i32
        scf.if %cond3A_75 {
          %dma_start3A = arith.constant 0 : i32
          %dma_start3A_92 = arith.constant 0 : i32
          %dma_start3A_93 = arith.constant 0 : i32
          %dma_start3A_94 = tpu.memref_slice %arg13[%dma_start3A_92, %dma_start3A_93] : memref<3x2x!tpu.dma_semaphore, #tpu.memory_space<semaphore_mem>> -> memref<1x1x!tpu.dma_semaphore, #tpu.memory_space<semaphore_mem>>
          %dma_start3A_95 = tpu.memref_squeeze %dma_start3A_94 : memref<1x1x!tpu.dma_semaphore, #tpu.memory_space<semaphore_mem>> -> memref<!tpu.dma_semaphore, #tpu.memory_space<semaphore_mem>>
          %dma_start3A_96 = arith.constant 0 : i32
          %dma_start3A_97 = arith.constant 0 : i32
          %dma_start3A_98 = tpu.memref_slice %arg11[%dma_start3A, %dma_start3A_96, %dma_start3A_97] : memref<3x768x1536xf32, #tpu.memory_space<vmem>> -> memref<1x768x1536xf32, #tpu.memory_space<vmem>>
          %dma_start3A_99 = tpu.memref_squeeze %dma_start3A_98 : memref<1x768x1536xf32, #tpu.memory_space<vmem>> -> memref<768x1536xf32, #tpu.memory_space<vmem>>
          %dma_start3A_100 = arith.constant 0 : i32
          %dma_start3A_101 = arith.constant 0 : i32
          %dma_start3A_102 = tpu.memref_slice %arg6[%get3A_9, %dma_start3A_100, %dma_start3A_101] : memref<8x768x1536xf32, #tpu.memory_space<any>> -> memref<1x768x1536xf32, #tpu.memory_space<any>>
          %dma_start3A_103 = tpu.memref_squeeze %dma_start3A_102 : memref<1x768x1536xf32, #tpu.memory_space<any>> -> memref<768x1536xf32, #tpu.memory_space<any>>
          tpu.enqueue_dma source(%dma_start3A_103 : memref<768x1536xf32, #tpu.memory_space<any>>) target(%dma_start3A_99 : memref<768x1536xf32, #tpu.memory_space<vmem>>) target_semaphore(%dma_start3A_95 : memref<!tpu.dma_semaphore, #tpu.memory_space<semaphore_mem>>)
          %dma_start3A_104 = arith.constant 0 : i32
          %dma_start3A_105 = arith.constant 0 : i32
          %dma_start3A_106 = arith.constant 1 : i32
          %dma_start3A_107 = tpu.memref_slice %arg13[%dma_start3A_105, %dma_start3A_106] : memref<3x2x!tpu.dma_semaphore, #tpu.memory_space<semaphore_mem>> -> memref<1x1x!tpu.dma_semaphore, #tpu.memory_space<semaphore_mem>>
          %dma_start3A_108 = tpu.memref_squeeze %dma_start3A_107 : memref<1x1x!tpu.dma_semaphore, #tpu.memory_space<semaphore_mem>> -> memref<!tpu.dma_semaphore, #tpu.memory_space<semaphore_mem>>
          %dma_start3A_109 = arith.constant 0 : i32
          %dma_start3A_110 = arith.constant 0 : i32
          %dma_start3A_111 = tpu.memref_slice %arg12[%dma_start3A_104, %dma_start3A_109, %dma_start3A_110] : memref<3x1536x768xf32, #tpu.memory_space<vmem>> -> memref<1x1536x768xf32, #tpu.memory_space<vmem>>
          %dma_start3A_112 = tpu.memref_squeeze %dma_start3A_111 : memref<1x1536x768xf32, #tpu.memory_space<vmem>> -> memref<1536x768xf32, #tpu.memory_space<vmem>>
          %dma_start3A_113 = arith.constant 0 : i32
          %dma_start3A_114 = arith.constant 0 : i32
          %dma_start3A_115 = tpu.memref_slice %arg8[%get3A_9, %dma_start3A_113, %dma_start3A_114] : memref<8x1536x768xf32, #tpu.memory_space<any>> -> memref<1x1536x768xf32, #tpu.memory_space<any>>
          %dma_start3A_116 = tpu.memref_squeeze %dma_start3A_115 : memref<1x1536x768xf32, #tpu.memory_space<any>> -> memref<1536x768xf32, #tpu.memory_space<any>>
          tpu.enqueue_dma source(%dma_start3A_116 : memref<1536x768xf32, #tpu.memory_space<any>>) target(%dma_start3A_112 : memref<1536x768xf32, #tpu.memory_space<vmem>>) target_semaphore(%dma_start3A_108 : memref<!tpu.dma_semaphore, #tpu.memory_space<semaphore_mem>>)
        } else {
        }
        %eq3A_76 = arith.constant 1 : i32
        %eq3A_77 = arith.cmpi eq, %rem3A_70, %eq3A_76 : i32
        %convert_element_type3A_78 = arith.extui %eq3A_77 : i1 to i32
        %cond3A_79 = arith.constant 0 : i32
        %cond3A_80 = arith.cmpi ne, %convert_element_type3A_78, %cond3A_79 : i32
        scf.if %cond3A_80 {
          %dma_start3A = arith.constant 1 : i32
          %dma_start3A_92 = arith.constant 1 : i32
          %dma_start3A_93 = arith.constant 0 : i32
          %dma_start3A_94 = tpu.memref_slice %arg13[%dma_start3A_92, %dma_start3A_93] : memref<3x2x!tpu.dma_semaphore, #tpu.memory_space<semaphore_mem>> -> memref<1x1x!tpu.dma_semaphore, #tpu.memory_space<semaphore_mem>>
          %dma_start3A_95 = tpu.memref_squeeze %dma_start3A_94 : memref<1x1x!tpu.dma_semaphore, #tpu.memory_space<semaphore_mem>> -> memref<!tpu.dma_semaphore, #tpu.memory_space<semaphore_mem>>
          %dma_start3A_96 = arith.constant 0 : i32
          %dma_start3A_97 = arith.constant 0 : i32
          %dma_start3A_98 = tpu.memref_slice %arg11[%dma_start3A, %dma_start3A_96, %dma_start3A_97] : memref<3x768x1536xf32, #tpu.memory_space<vmem>> -> memref<1x768x1536xf32, #tpu.memory_space<vmem>>
          %dma_start3A_99 = tpu.memref_squeeze %dma_start3A_98 : memref<1x768x1536xf32, #tpu.memory_space<vmem>> -> memref<768x1536xf32, #tpu.memory_space<vmem>>
          %dma_start3A_100 = arith.constant 0 : i32
          %dma_start3A_101 = arith.constant 0 : i32
          %dma_start3A_102 = tpu.memref_slice %arg6[%get3A_9, %dma_start3A_100, %dma_start3A_101] : memref<8x768x1536xf32, #tpu.memory_space<any>> -> memref<1x768x1536xf32, #tpu.memory_space<any>>
          %dma_start3A_103 = tpu.memref_squeeze %dma_start3A_102 : memref<1x768x1536xf32, #tpu.memory_space<any>> -> memref<768x1536xf32, #tpu.memory_space<any>>
          tpu.enqueue_dma source(%dma_start3A_103 : memref<768x1536xf32, #tpu.memory_space<any>>) target(%dma_start3A_99 : memref<768x1536xf32, #tpu.memory_space<vmem>>) target_semaphore(%dma_start3A_95 : memref<!tpu.dma_semaphore, #tpu.memory_space<semaphore_mem>>)
          %dma_start3A_104 = arith.constant 1 : i32
          %dma_start3A_105 = arith.constant 1 : i32
          %dma_start3A_106 = arith.constant 1 : i32
          %dma_start3A_107 = tpu.memref_slice %arg13[%dma_start3A_105, %dma_start3A_106] : memref<3x2x!tpu.dma_semaphore, #tpu.memory_space<semaphore_mem>> -> memref<1x1x!tpu.dma_semaphore, #tpu.memory_space<semaphore_mem>>
          %dma_start3A_108 = tpu.memref_squeeze %dma_start3A_107 : memref<1x1x!tpu.dma_semaphore, #tpu.memory_space<semaphore_mem>> -> memref<!tpu.dma_semaphore, #tpu.memory_space<semaphore_mem>>
          %dma_start3A_109 = arith.constant 0 : i32
          %dma_start3A_110 = arith.constant 0 : i32
          %dma_start3A_111 = tpu.memref_slice %arg12[%dma_start3A_104, %dma_start3A_109, %dma_start3A_110] : memref<3x1536x768xf32, #tpu.memory_space<vmem>> -> memref<1x1536x768xf32, #tpu.memory_space<vmem>>
          %dma_start3A_112 = tpu.memref_squeeze %dma_start3A_111 : memref<1x1536x768xf32, #tpu.memory_space<vmem>> -> memref<1536x768xf32, #tpu.memory_space<vmem>>
          %dma_start3A_113 = arith.constant 0 : i32
          %dma_start3A_114 = arith.constant 0 : i32
          %dma_start3A_115 = tpu.memref_slice %arg8[%get3A_9, %dma_start3A_113, %dma_start3A_114] : memref<8x1536x768xf32, #tpu.memory_space<any>> -> memref<1x1536x768xf32, #tpu.memory_space<any>>
          %dma_start3A_116 = tpu.memref_squeeze %dma_start3A_115 : memref<1x1536x768xf32, #tpu.memory_space<any>> -> memref<1536x768xf32, #tpu.memory_space<any>>
          tpu.enqueue_dma source(%dma_start3A_116 : memref<1536x768xf32, #tpu.memory_space<any>>) target(%dma_start3A_112 : memref<1536x768xf32, #tpu.memory_space<vmem>>) target_semaphore(%dma_start3A_108 : memref<!tpu.dma_semaphore, #tpu.memory_space<semaphore_mem>>)
        } else {
        }
        %eq3A_81 = arith.constant 2 : i32
        %eq3A_82 = arith.cmpi eq, %rem3A_70, %eq3A_81 : i32
        %convert_element_type3A_83 = arith.extui %eq3A_82 : i1 to i32
        %cond3A_84 = arith.constant 0 : i32
        %cond3A_85 = arith.cmpi ne, %convert_element_type3A_83, %cond3A_84 : i32
        scf.if %cond3A_85 {
          %dma_start3A = arith.constant 2 : i32
          %dma_start3A_92 = arith.constant 2 : i32
          %dma_start3A_93 = arith.constant 0 : i32
          %dma_start3A_94 = tpu.memref_slice %arg13[%dma_start3A_92, %dma_start3A_93] : memref<3x2x!tpu.dma_semaphore, #tpu.memory_space<semaphore_mem>> -> memref<1x1x!tpu.dma_semaphore, #tpu.memory_space<semaphore_mem>>
          %dma_start3A_95 = tpu.memref_squeeze %dma_start3A_94 : memref<1x1x!tpu.dma_semaphore, #tpu.memory_space<semaphore_mem>> -> memref<!tpu.dma_semaphore, #tpu.memory_space<semaphore_mem>>
          %dma_start3A_96 = arith.constant 0 : i32
          %dma_start3A_97 = arith.constant 0 : i32
          %dma_start3A_98 = tpu.memref_slice %arg11[%dma_start3A, %dma_start3A_96, %dma_start3A_97] : memref<3x768x1536xf32, #tpu.memory_space<vmem>> -> memref<1x768x1536xf32, #tpu.memory_space<vmem>>
          %dma_start3A_99 = tpu.memref_squeeze %dma_start3A_98 : memref<1x768x1536xf32, #tpu.memory_space<vmem>> -> memref<768x1536xf32, #tpu.memory_space<vmem>>
          %dma_start3A_100 = arith.constant 0 : i32
          %dma_start3A_101 = arith.constant 0 : i32
          %dma_start3A_102 = tpu.memref_slice %arg6[%get3A_9, %dma_start3A_100, %dma_start3A_101] : memref<8x768x1536xf32, #tpu.memory_space<any>> -> memref<1x768x1536xf32, #tpu.memory_space<any>>
          %dma_start3A_103 = tpu.memref_squeeze %dma_start3A_102 : memref<1x768x1536xf32, #tpu.memory_space<any>> -> memref<768x1536xf32, #tpu.memory_space<any>>
          tpu.enqueue_dma source(%dma_start3A_103 : memref<768x1536xf32, #tpu.memory_space<any>>) target(%dma_start3A_99 : memref<768x1536xf32, #tpu.memory_space<vmem>>) target_semaphore(%dma_start3A_95 : memref<!tpu.dma_semaphore, #tpu.memory_space<semaphore_mem>>)
          %dma_start3A_104 = arith.constant 2 : i32
          %dma_start3A_105 = arith.constant 2 : i32
          %dma_start3A_106 = arith.constant 1 : i32
          %dma_start3A_107 = tpu.memref_slice %arg13[%dma_start3A_105, %dma_start3A_106] : memref<3x2x!tpu.dma_semaphore, #tpu.memory_space<semaphore_mem>> -> memref<1x1x!tpu.dma_semaphore, #tpu.memory_space<semaphore_mem>>
          %dma_start3A_108 = tpu.memref_squeeze %dma_start3A_107 : memref<1x1x!tpu.dma_semaphore, #tpu.memory_space<semaphore_mem>> -> memref<!tpu.dma_semaphore, #tpu.memory_space<semaphore_mem>>
          %dma_start3A_109 = arith.constant 0 : i32
          %dma_start3A_110 = arith.constant 0 : i32
          %dma_start3A_111 = tpu.memref_slice %arg12[%dma_start3A_104, %dma_start3A_109, %dma_start3A_110] : memref<3x1536x768xf32, #tpu.memory_space<vmem>> -> memref<1x1536x768xf32, #tpu.memory_space<vmem>>
          %dma_start3A_112 = tpu.memref_squeeze %dma_start3A_111 : memref<1x1536x768xf32, #tpu.memory_space<vmem>> -> memref<1536x768xf32, #tpu.memory_space<vmem>>
          %dma_start3A_113 = arith.constant 0 : i32
          %dma_start3A_114 = arith.constant 0 : i32
          %dma_start3A_115 = tpu.memref_slice %arg8[%get3A_9, %dma_start3A_113, %dma_start3A_114] : memref<8x1536x768xf32, #tpu.memory_space<any>> -> memref<1x1536x768xf32, #tpu.memory_space<any>>
          %dma_start3A_116 = tpu.memref_squeeze %dma_start3A_115 : memref<1x1536x768xf32, #tpu.memory_space<any>> -> memref<1536x768xf32, #tpu.memory_space<any>>
          tpu.enqueue_dma source(%dma_start3A_116 : memref<1536x768xf32, #tpu.memory_space<any>>) target(%dma_start3A_112 : memref<1536x768xf32, #tpu.memory_space<vmem>>) target_semaphore(%dma_start3A_108 : memref<!tpu.dma_semaphore, #tpu.memory_space<semaphore_mem>>)
        } else {
        }
        %get3A_86 = arith.constant 0 : index
        %get3A_87 = memref.load %arg14[%get3A_86] : memref<2xi32, #tpu.memory_space<smem>>
        %add3A_88 = arith.constant 1 : i32
        %add3A_89 = arith.addi %get3A_87, %add3A_88 : i32
        %swap3A_90 = arith.constant 0 : index
        %swap3A_91 = memref.load %arg14[%swap3A_90] : memref<2xi32, #tpu.memory_space<smem>>
        memref.store %add3A_89, %arg14[%swap3A_90] : memref<2xi32, #tpu.memory_space<smem>>
      } else {
      }
    } else {
    }
    %get3A_15 = arith.constant 1 : index
    %get3A_16 = memref.load %arg14[%get3A_15] : memref<2xi32, #tpu.memory_space<smem>>
    %sub3A_17 = arith.constant 1 : i32
    %sub3A_18 = arith.subi %get3A_16, %sub3A_17 : i32
    %rem3A = arith.constant 3 : i32
    %rem3A_19 = arith.remsi %sub3A_18, %rem3A : i32
    %mul3A = arith.constant 128 : i32
    %mul3A_20 = arith.muli %arg0, %mul3A : i32
    %get3A_21 = arith.constant 0 : index
    %get3A_22 = memref.load %arg2[%get3A_21] : memref<1xi32, #tpu.memory_space<smem>>
    %lt3A = arith.cmpi slt, %mul3A_20, %get3A_22 : i32
    %eq3A_23 = arith.constant 0 : i32
    %eq3A_24 = arith.cmpi eq, %rem3A_19, %eq3A_23 : i32
    %and3A = arith.andi %lt3A, %eq3A_24 : i1
    %convert_element_type3A_25 = arith.extui %and3A : i1 to i32
    %cond3A_26 = arith.constant 0 : i32
    %cond3A_27 = arith.cmpi ne, %convert_element_type3A_25, %cond3A_26 : i32
    scf.if %cond3A_27 {
      %get3A_40 = arith.constant 0 : index
      %get3A_41 = arith.constant 0 : index
      %get3A_42 = vector.load %arg5[%get3A_40, %get3A_41] : memref<128x768xf32, #tpu.memory_space<vmem>>, vector<128x768xf32>
      %get3A_43 = arith.constant 0 : index
      %get3A_44 = arith.constant 0 : index
      %get3A_45 = arith.constant 0 : index
      %get3A_46 = vector.load %arg11[%get3A_43, %get3A_44, %get3A_45] : memref<3x768x1536xf32, #tpu.memory_space<vmem>>, vector<1x768x1536xf32>
      %get3A_47 = vector.shape_cast %get3A_46 : vector<1x768x1536xf32> to vector<768x1536xf32>
      %dot_general3A = arith.constant dense<0.000000e+00> : vector<128x1536xf32>
      %dot_general3A_48 = tpu.matmul %get3A_42, %get3A_47, %dot_general3A {dimension_numbers = #tpu.dot_dimension_numbers<[1], [0], [0], [1], [0, 0, 1, 1], [], []>, transpose_lhs_hint = false} : vector<128x768xf32>, vector<768x1536xf32>, vector<128x1536xf32> -> vector<128x1536xf32>
      %get3A_49 = arith.constant 0 : index
      %get3A_50 = arith.constant 0 : index
      %get3A_51 = arith.constant 0 : index
      %get3A_52 = vector.load %arg7[%get3A_49, %get3A_50, %get3A_51] : memref<1x1x1536xf32, #tpu.memory_space<vmem>>, vector<1x1x1536xf32>
      %get3A_53 = vector.shape_cast %get3A_52 : vector<1x1x1536xf32> to vector<1x1536xf32>
      %add3A = vector.broadcast %get3A_53 : vector<1x1536xf32> to vector<128x1536xf32>
      %add3A_54 = arith.addf %dot_general3A_48, %add3A : vector<128x1536xf32>
      %logistic3A = arith.negf %add3A_54 : vector<128x1536xf32>
      %logistic3A_55 = math.exp %logistic3A : vector<128x1536xf32>
      %logistic3A_56 = arith.constant 1.000000e+00 : f32
      %logistic3A_57 = vector.broadcast %logistic3A_56 : f32 to vector<128x1536xf32>
      %logistic3A_58 = arith.addf %logistic3A_57, %logistic3A_55 : vector<128x1536xf32>
      %logistic3A_59 = arith.divf %logistic3A_57, %logistic3A_58 : vector<128x1536xf32>
      %mul3A_60 = arith.mulf %add3A_54, %logistic3A_59 : vector<128x1536xf32>
      %get3A_61 = arith.constant 0 : index
      %get3A_62 = arith.constant 0 : index
      %get3A_63 = arith.constant 0 : index
      %get3A_64 = vector.load %arg12[%get3A_61, %get3A_62, %get3A_63] : memref<3x1536x768xf32, #tpu.memory_space<vmem>>, vector<1x1536x768xf32>
      %get3A_65 = vector.shape_cast %get3A_64 : vector<1x1536x768xf32> to vector<1536x768xf32>
      %dot_general3A_66 = arith.constant dense<0.000000e+00> : vector<128x768xf32>
      %dot_general3A_67 = tpu.matmul %mul3A_60, %get3A_65, %dot_general3A_66 {dimension_numbers = #tpu.dot_dimension_numbers<[1], [0], [0], [1], [0, 0, 1, 1], [], []>, transpose_lhs_hint = false} : vector<128x1536xf32>, vector<1536x768xf32>, vector<128x768xf32> -> vector<128x768xf32>
      %get3A_68 = arith.constant 0 : index
      %get3A_69 = arith.constant 0 : index
      %get3A_70 = arith.constant 0 : index
      %get3A_71 = vector.load %arg9[%get3A_68, %get3A_69, %get3A_70] : memref<1x1x768xf32, #tpu.memory_space<vmem>>, vector<1x1x768xf32>
      %get3A_72 = vector.shape_cast %get3A_71 : vector<1x1x768xf32> to vector<1x768xf32>
      %add3A_73 = vector.broadcast %get3A_72 : vector<1x768xf32> to vector<128x768xf32>
      %add3A_74 = arith.addf %dot_general3A_67, %add3A_73 : vector<128x768xf32>
      %swap3A = arith.constant 0 : index
      %swap3A_75 = arith.constant 0 : index
      %swap3A_76 = vector.load %arg10[%swap3A, %swap3A_75] : memref<128x768xf32, #tpu.memory_space<vmem>>, vector<128x768xf32>
      tpu.vector_store %arg10[%swap3A, %swap3A_75], %add3A_74 {strides = array<i32>} : memref<128x768xf32, #tpu.memory_space<vmem>>, vector<128x768xf32>,
    } else {
    }
    %eq3A_28 = arith.constant 1 : i32
    %eq3A_29 = arith.cmpi eq, %rem3A_19, %eq3A_28 : i32
    %and3A_30 = arith.andi %lt3A, %eq3A_29 : i1
    %convert_element_type3A_31 = arith.extui %and3A_30 : i1 to i32
    %cond3A_32 = arith.constant 0 : i32
    %cond3A_33 = arith.cmpi ne, %convert_element_type3A_31, %cond3A_32 : i32
    scf.if %cond3A_33 {
      %get3A_40 = arith.constant 0 : index
      %get3A_41 = arith.constant 0 : index
      %get3A_42 = vector.load %arg5[%get3A_40, %get3A_41] : memref<128x768xf32, #tpu.memory_space<vmem>>, vector<128x768xf32>
      %get3A_43 = arith.constant 1 : index
      %get3A_44 = arith.constant 0 : index
      %get3A_45 = arith.constant 0 : index
      %get3A_46 = vector.load %arg11[%get3A_43, %get3A_44, %get3A_45] : memref<3x768x1536xf32, #tpu.memory_space<vmem>>, vector<1x768x1536xf32>
      %get3A_47 = vector.shape_cast %get3A_46 : vector<1x768x1536xf32> to vector<768x1536xf32>
      %dot_general3A = arith.constant dense<0.000000e+00> : vector<128x1536xf32>
      %dot_general3A_48 = tpu.matmul %get3A_42, %get3A_47, %dot_general3A {dimension_numbers = #tpu.dot_dimension_numbers<[1], [0], [0], [1], [0, 0, 1, 1], [], []>, transpose_lhs_hint = false} : vector<128x768xf32>, vector<768x1536xf32>, vector<128x1536xf32> -> vector<128x1536xf32>
      %get3A_49 = arith.constant 0 : index
      %get3A_50 = arith.constant 0 : index
      %get3A_51 = arith.constant 0 : index
      %get3A_52 = vector.load %arg7[%get3A_49, %get3A_50, %get3A_51] : memref<1x1x1536xf32, #tpu.memory_space<vmem>>, vector<1x1x1536xf32>
      %get3A_53 = vector.shape_cast %get3A_52 : vector<1x1x1536xf32> to vector<1x1536xf32>
      %add3A = vector.broadcast %get3A_53 : vector<1x1536xf32> to vector<128x1536xf32>
      %add3A_54 = arith.addf %dot_general3A_48, %add3A : vector<128x1536xf32>
      %logistic3A = arith.negf %add3A_54 : vector<128x1536xf32>
      %logistic3A_55 = math.exp %logistic3A : vector<128x1536xf32>
      %logistic3A_56 = arith.constant 1.000000e+00 : f32
      %logistic3A_57 = vector.broadcast %logistic3A_56 : f32 to vector<128x1536xf32>
      %logistic3A_58 = arith.addf %logistic3A_57, %logistic3A_55 : vector<128x1536xf32>
      %logistic3A_59 = arith.divf %logistic3A_57, %logistic3A_58 : vector<128x1536xf32>
      %mul3A_60 = arith.mulf %add3A_54, %logistic3A_59 : vector<128x1536xf32>
      %get3A_61 = arith.constant 1 : index
      %get3A_62 = arith.constant 0 : index
      %get3A_63 = arith.constant 0 : index
      %get3A_64 = vector.load %arg12[%get3A_61, %get3A_62, %get3A_63] : memref<3x1536x768xf32, #tpu.memory_space<vmem>>, vector<1x1536x768xf32>
      %get3A_65 = vector.shape_cast %get3A_64 : vector<1x1536x768xf32> to vector<1536x768xf32>
      %dot_general3A_66 = arith.constant dense<0.000000e+00> : vector<128x768xf32>
      %dot_general3A_67 = tpu.matmul %mul3A_60, %get3A_65, %dot_general3A_66 {dimension_numbers = #tpu.dot_dimension_numbers<[1], [0], [0], [1], [0, 0, 1, 1], [], []>, transpose_lhs_hint = false} : vector<128x1536xf32>, vector<1536x768xf32>, vector<128x768xf32> -> vector<128x768xf32>
      %get3A_68 = arith.constant 0 : index
      %get3A_69 = arith.constant 0 : index
      %get3A_70 = arith.constant 0 : index
      %get3A_71 = vector.load %arg9[%get3A_68, %get3A_69, %get3A_70] : memref<1x1x768xf32, #tpu.memory_space<vmem>>, vector<1x1x768xf32>
      %get3A_72 = vector.shape_cast %get3A_71 : vector<1x1x768xf32> to vector<1x768xf32>
      %add3A_73 = vector.broadcast %get3A_72 : vector<1x768xf32> to vector<128x768xf32>
      %add3A_74 = arith.addf %dot_general3A_67, %add3A_73 : vector<128x768xf32>
      %swap3A = arith.constant 0 : index
      %swap3A_75 = arith.constant 0 : index
      %swap3A_76 = vector.load %arg10[%swap3A, %swap3A_75] : memref<128x768xf32, #tpu.memory_space<vmem>>, vector<128x768xf32>
      tpu.vector_store %arg10[%swap3A, %swap3A_75], %add3A_74 {strides = array<i32>} : memref<128x768xf32, #tpu.memory_space<vmem>>, vector<128x768xf32>,
    } else {
    }
    %eq3A_34 = arith.constant 2 : i32
    %eq3A_35 = arith.cmpi eq, %rem3A_19, %eq3A_34 : i32
    %and3A_36 = arith.andi %lt3A, %eq3A_35 : i1
    %convert_element_type3A_37 = arith.extui %and3A_36 : i1 to i32
    %cond3A_38 = arith.constant 0 : i32
    %cond3A_39 = arith.cmpi ne, %convert_element_type3A_37, %cond3A_38 : i32
    scf.if %cond3A_39 {
      %get3A_40 = arith.constant 0 : index
      %get3A_41 = arith.constant 0 : index
      %get3A_42 = vector.load %arg5[%get3A_40, %get3A_41] : memref<128x768xf32, #tpu.memory_space<vmem>>, vector<128x768xf32>
      %get3A_43 = arith.constant 2 : index
      %get3A_44 = arith.constant 0 : index
      %get3A_45 = arith.constant 0 : index
      %get3A_46 = vector.load %arg11[%get3A_43, %get3A_44, %get3A_45] : memref<3x768x1536xf32, #tpu.memory_space<vmem>>, vector<1x768x1536xf32>
      %get3A_47 = vector.shape_cast %get3A_46 : vector<1x768x1536xf32> to vector<768x1536xf32>
      %dot_general3A = arith.constant dense<0.000000e+00> : vector<128x1536xf32>
      %dot_general3A_48 = tpu.matmul %get3A_42, %get3A_47, %dot_general3A {dimension_numbers = #tpu.dot_dimension_numbers<[1], [0], [0], [1], [0, 0, 1, 1], [], []>, transpose_lhs_hint = false} : vector<128x768xf32>, vector<768x1536xf32>, vector<128x1536xf32> -> vector<128x1536xf32>
      %get3A_49 = arith.constant 0 : index
      %get3A_50 = arith.constant 0 : index
      %get3A_51 = arith.constant 0 : index
      %get3A_52 = vector.load %arg7[%get3A_49, %get3A_50, %get3A_51] : memref<1x1x1536xf32, #tpu.memory_space<vmem>>, vector<1x1x1536xf32>
      %get3A_53 = vector.shape_cast %get3A_52 : vector<1x1x1536xf32> to vector<1x1536xf32>
      %add3A = vector.broadcast %get3A_53 : vector<1x1536xf32> to vector<128x1536xf32>
      %add3A_54 = arith.addf %dot_general3A_48, %add3A : vector<128x1536xf32>
      %logistic3A = arith.negf %add3A_54 : vector<128x1536xf32>
      %logistic3A_55 = math.exp %logistic3A : vector<128x1536xf32>
      %logistic3A_56 = arith.constant 1.000000e+00 : f32
      %logistic3A_57 = vector.broadcast %logistic3A_56 : f32 to vector<128x1536xf32>
      %logistic3A_58 = arith.addf %logistic3A_57, %logistic3A_55 : vector<128x1536xf32>
      %logistic3A_59 = arith.divf %logistic3A_57, %logistic3A_58 : vector<128x1536xf32>
      %mul3A_60 = arith.mulf %add3A_54, %logistic3A_59 : vector<128x1536xf32>
      %get3A_61 = arith.constant 2 : index
      %get3A_62 = arith.constant 0 : index
      %get3A_63 = arith.constant 0 : index
      %get3A_64 = vector.load %arg12[%get3A_61, %get3A_62, %get3A_63] : memref<3x1536x768xf32, #tpu.memory_space<vmem>>, vector<1x1536x768xf32>
      %get3A_65 = vector.shape_cast %get3A_64 : vector<1x1536x768xf32> to vector<1536x768xf32>
      %dot_general3A_66 = arith.constant dense<0.000000e+00> : vector<128x768xf32>
      %dot_general3A_67 = tpu.matmul %mul3A_60, %get3A_65, %dot_general3A_66 {dimension_numbers = #tpu.dot_dimension_numbers<[1], [0], [0], [1], [0, 0, 1, 1], [], []>, transpose_lhs_hint = false} : vector<128x1536xf32>, vector<1536x768xf32>, vector<128x768xf32> -> vector<128x768xf32>
      %get3A_68 = arith.constant 0 : index
      %get3A_69 = arith.constant 0 : index
      %get3A_70 = arith.constant 0 : index
      %get3A_71 = vector.load %arg9[%get3A_68, %get3A_69, %get3A_70] : memref<1x1x768xf32, #tpu.memory_space<vmem>>, vector<1x1x768xf32>
      %get3A_72 = vector.shape_cast %get3A_71 : vector<1x1x768xf32> to vector<1x768xf32>
      %add3A_73 = vector.broadcast %get3A_72 : vector<1x768xf32> to vector<128x768xf32>
      %add3A_74 = arith.addf %dot_general3A_67, %add3A_73 : vector<128x768xf32>
      %swap3A = arith.constant 0 : index
      %swap3A_75 = arith.constant 0 : index
      %swap3A_76 = vector.load %arg10[%swap3A, %swap3A_75] : memref<128x768xf32, #tpu.memory_space<vmem>>, vector<128x768xf32>
      tpu.vector_store %arg10[%swap3A, %swap3A_75], %add3A_74 {strides = array<i32>} : memref<128x768xf32, #tpu.memory_space<vmem>>, vector<128x768xf32>,
    } else {
    }
    return
  }
  func.func @transform_0(%arg0: i32, %arg1: memref<40xi32, #tpu.memory_space<smem>>, %arg2: memref<1xi32, #tpu.memory_space<smem>>, %arg3: memref<40xi32, #tpu.memory_space<smem>>, %arg4: memref<40xi32, #tpu.memory_space<smem>>) -> (i32, i32) {
    %c0_i32 = arith.constant 0 : i32
    %c0_i32_0 = arith.constant 0 : i32
    return %arg0, %c0_i32 : i32, i32
  }
  func.func @transform_2(%arg0: i32, %arg1: memref<40xi32, #tpu.memory_space<smem>>, %arg2: memref<1xi32, #tpu.memory_space<smem>>, %arg3: memref<40xi32, #tpu.memory_space<smem>>, %arg4: memref<40xi32, #tpu.memory_space<smem>>) -> (i32, i32, i32) {
    %get3A = arith.index_cast %arg0 : i32 to index
    %get3A_0 = memref.load %arg1[%get3A] : memref<40xi32, #tpu.memory_space<smem>>
    %c0_i32 = arith.constant 0 : i32
    %c0_i32_1 = arith.constant 0 : i32
    %c0_i32_2 = arith.constant 0 : i32
    return %get3A_0, %c0_i32, %c0_i32_1 : i32, i32, i32
  }
  func.func @transform_4(%arg0: i32, %arg1: memref<40xi32, #tpu.memory_space<smem>>, %arg2: memref<1xi32, #tpu.memory_space<smem>>, %arg3: memref<40xi32, #tpu.memory_space<smem>>, %arg4: memref<40xi32, #tpu.memory_space<smem>>) -> (i32, i32, i32) {
    %get3A = arith.index_cast %arg0 : i32 to index
    %get3A_0 = memref.load %arg1[%get3A] : memref<40xi32, #tpu.memory_space<smem>>
    %c0_i32 = arith.constant 0 : i32
    %c0_i32_1 = arith.constant 0 : i32
    %c0_i32_2 = arith.constant 0 : i32
    return %get3A_0, %c0_i32, %c0_i32_1 : i32, i32, i32
  }
  func.func @transform_5(%arg0: i32, %arg1: memref<40xi32, #tpu.memory_space<smem>>, %arg2: memref<1xi32, #tpu.memory_space<smem>>, %arg3: memref<40xi32, #tpu.memory_space<smem>>, %arg4: memref<40xi32, #tpu.memory_space<smem>>) -> (i32, i32) {
    %c0_i32 = arith.constant 0 : i32
    %c0_i32_0 = arith.constant 0 : i32
    return %arg0, %c0_i32 : i32, i32
  }
}

</mosaic_0001>

<sc_bundles>
// kernel: kernel.6.cloned.1.call-start
scs
__scs_entry_jumppad:
0x0: {  	(pc) =	sbr.rel $0x88, $3  }
0x1: {  	(tag) =	ssettag $0x0;
	lr =	simm.s32 $0x1  }
0x2: {  	[smem:$0x3F9B] =	sst lr;
	_ =	strace $0xD0000000  }
0x3: {  	_ = 	snop  }
0x4: {  	_ = 	snop  }
0x5: {  	_ = 	snop  }
0x6: {  	_ = 	snop  }
0x7: {  	_ = 	snop  }
__scs_overlays_trampoline_lowered:
0x8: {  	[smem:$0x3FAA] =	sst s0  }
0x9: {  	[smem:$0x3FAB] =	sst s1  }
0xa: {  	[smem:$0x3FAC] =	sst s2  }
0xb: {  	[smem:$0x3FAD] =	sst s3  }
0xc: {  	[smem:$0x3FAE] =	sst s4  }
0xd: {  	[smem:$0x3FAF] =	sst s5  }
0xe: {  	[smem:$0x3FB0] =	sst s6  }
0xf: {  	[smem:$0x3FB1] =	sst s7  }
0x10: {  	[smem:$0x3FB2] =	sst s8  }
0x11: {  	[smem:$0x3FB3] =	sst s9;
	s0 =	simm.s32 @!p0 $0x0  }
0x12: {  	s1 =	sld [smem:$0x3F99];
	s0 =	simm.s32 @p0 $0x1  }
0x13: {  	[smem:$0x3FB4] =	sst s0;
	s0 =	simm.s32 @!p1 $0x0  }
0x14: {  	s2 =	sld [smem:$0x3F98];
	s0 =	simm.s32 @p1 $0x1  }
0x15: {  	[smem:$0x3FB5] =	sst s0;
	s0 =	simm.s32 @!p2 $0x0  }
0x16: {  	s3 =	sld [smem:$0x3FDB];
	s0 =	simm.s32 @p2 $0x1  }
0x17: {  	s4 =	simm.s32 $0x1BF5;
	[smem:$0x3FB7] =	sst s0  }
0x18: {  	s0 =	sld [smem:$0x3F9A];
	_ =	swait.ge [sflag:s4], $0x0  }
0x19: {  	s7 =	sld [smem:$0x3F9B]  }
0x1a: {  	s8 =	sadd.s32 $0xFFFFE003, lr  }
0x1b: {  	s9 =	sadd.s32 $0xFFFFFEF7, lr;
	s5 =	simm.s32 $0xFFFFFFFF;
	p2 =	slt.u32 s8, $0xFFFFF086  }
0x1c: {  	p1 =	slt.u32 s9, $0xF7A;
	s5 =	simm.s32 @!p2 $0x0  }
0x1d: {  	s5 =	simm.s32 @p1 $0x1;
	p0 =	seq.s32 s7, s2  }
0x1e: {  	s7 =	smul.u32 @!p0 $0xF7A, s2;
	p2 =	seq.s32 @!p0 s5, $0x0  }
0x1f: {  	s9 =	smul.u32 $0xF7A, s1;
	s8 =	simm.s32 @!p0 $0x1BF5;
	p2 =	por !p2, p0  }
0x20: {  	[sflag:s8] =	ssyncset.s32 @!p0 $0xFFFFF086;
	s6 =	sadd.s32 @!p0 s3, s7;
	s7 =	simm.s32 @!p0 $0x108  }
0x21: {  	s3 =	sadd.s32 s3, s9;
	s6 =	sadd.s32 @!p0 $0x88, s6;
	s7 =	simm.s32 @p2 $0x1082  }
0x22: {  	[simem:s7], [sflag:s8] =	dma.local @!p0 [hbm:s6], $0xF7A  }
0x23: {  	s9 =	sor.u32 $0xD0000000, s2;
	s6 =	simm.s32 $0x108;
	_ =	swait.ge @!p0 [sflag:s8], $0x0  }
0x24: {  	s3 =	sadd.s32 $0x88, s3;
	s6 =	simm.s32 @!p1 $0x1082;
	[sflag:s4] =	ssyncset.s32 $0xFFFFF086  }
0x25: {  	[simem:s6], [sflag:s4] =	dma.local [hbm:s3], $0xF7A  }
0x26: {  	[smem:$0x3F9B] =	sst s1;
	(tag) =	ssettag s2;
	_ =	strace s9  }
0x27: {  	s1 =	sld [smem:$0x3FAB]  }
0x28: {  	s2 =	sld [smem:$0x3FAC]  }
0x29: {  	s4 =	sld [smem:$0x3FAE]  }
0x2a: {  	p0 =	seq.s32 s5, $0x0;
	s5 =	sld [smem:$0x3FAF]  }
0x2b: {  	s6 =	sld [smem:$0x3FB0]  }
0x2c: {  	s7 =	sld [smem:$0x3FB1]  }
0x2d: {  	s3 =	simm.s32 $0x108;
	s8 =	sld [smem:$0x3FB2]  }
0x2e: {  	s3 =	simm.s32 @!p0 $0x1082;
	s9 =	sld [smem:$0x3FB3]  }
0x2f: {  	lr =	sadd.s32 s0, s3;
	s0 =	sld [smem:$0x3FAA]  }
0x30: {  	s3 =	sld [smem:$0x3FAD]  }
0x31: {  	[smem:$0x3FB6] =	sst s10  }
0x32: {  	s10 =	sld [smem:$0x3FB4];
	_ =	sdelay $0x3  }
0x33: {  	p0 =	seq.s32 s10, $0x1;
	s10 =	sld [smem:$0x3FB6];
	_ =	sdelay $0x3  }
0x34: {  	[smem:$0x3FB6] =	sst s10  }
0x35: {  	s10 =	sld [smem:$0x3FB5];
	_ =	sdelay $0x3  }
0x36: {  	p1 =	seq.s32 s10, $0x1;
	s10 =	sld [smem:$0x3FB6];
	_ =	sdelay $0x3  }
0x37: {  	[smem:$0x3FB6] =	sst s10  }
0x38: {  	s10 =	sld [smem:$0x3FB7]  }
0x39: {  	_ = 	snop;
	(pc) =	sbr.ind lr, $3  }
0x3a: {  	_ = 	snop  }
0x3b: {  	_ = 	snop  }
0x3c: {  	p2 =	seq.s32 s10, $0x1;
	s10 =	sld [smem:$0x3FB6]  }
0x3d: {  	_ =	shalt  }
0x3e: {  	_ =	shalt  }
0x3f: {  	_ =	shalt  }
0x40: {  	_ =	shalt  }
0x41: {  	_ =	shalt  }
0x42: {  	_ =	shalt  }
0x43: {  	_ =	shalt  }
0x44: {  	_ =	shalt  }
0x45: {  	_ =	shalt  }
0x46: {  	_ =	shalt  }
0x47: {  	_ =	shalt  }
0x48: {  	_ =	shalt  }
0x49: {  	_ =	shalt  }
0x4a: {  	_ =	shalt  }
0x4b: {  	_ =	shalt  }
0x4c: {  	_ =	shalt  }
0x4d: {  	_ =	shalt  }
0x4e: {  	_ =	shalt  }
0x4f: {  	_ =	shalt  }
0x50: {  	_ =	shalt  }
0x51: {  	_ =	shalt  }
0x52: {  	_ =	shalt  }
0x53: {  	_ =	shalt  }
0x54: {  	_ =	shalt  }
0x55: {  	_ =	shalt  }
0x56: {  	_ =	shalt  }
0x57: {  	_ =	shalt  }
0x58: {  	_ =	shalt  }
0x59: {  	_ =	shalt  }
0x5a: {  	_ =	shalt  }
0x5b: {  	_ =	shalt  }
0x5c: {  	_ =	shalt  }
0x5d: {  	_ =	shalt  }
0x5e: {  	_ =	shalt  }
0x5f: {  	_ =	shalt  }
0x60: {  	_ =	shalt  }
0x61: {  	_ =	shalt  }
0x62: {  	_ =	shalt  }
0x63: {  	_ =	shalt  }
0x64: {  	_ =	shalt  }
0x65: {  	_ =	shalt  }
0x66: {  	_ =	shalt  }
0x67: {  	_ =	shalt  }
0x68: {  	_ =	shalt  }
0x69: {  	_ =	shalt  }
0x6a: {  	_ =	shalt  }
0x6b: {  	_ =	shalt  }
0x6c: {  	_ =	shalt  }
0x6d: {  	_ =	shalt  }
0x6e: {  	_ =	shalt  }
0x6f: {  	_ =	shalt  }
0x70: {  	_ =	shalt  }
0x71: {  	_ =	shalt  }
0x72: {  	_ =	shalt  }
0x73: {  	_ =	shalt  }
0x74: {  	_ =	shalt  }
0x75: {  	_ =	shalt  }
0x76: {  	_ =	shalt  }
0x77: {  	_ =	shalt  }
0x78: {  	_ =	shalt  }
0x79: {  	_ =	shalt  }
0x7a: {  	_ =	shalt  }
0x7b: {  	_ =	shalt  }
0x7c: {  	_ =	shalt  }
0x7d: {  	_ =	shalt  }
0x7e: {  	_ =	shalt  }
0x7f: {  	_ =	shalt  }
0x80: {  	_ =	shalt  }
0x81: {  	_ =	shalt  }
0x82: {  	_ =	shalt  }
0x83: {  	_ =	shalt  }
0x84: {  	_ =	shalt  }
0x85: {  	_ =	shalt  }
0x86: {  	_ =	shalt  }
0x87: {  	_ =	shalt  }
.Lfunc_end0:
.L_simem_size_0:
called_computation_lowered:
.L_overlay_start_0:
0x88: {  	s2 =	sld [smem:$0x3FD9]  }
0x89: {  	s3 =	sld [smem:$0x3FFE];
	_ =	sdelay $0x1  }
0x8a: {  	s1 =	srdreg.scid  }
0x8b: {  	s0 =	sand.u32 $0x1, s1  }
0x8c: {  	s14 =	sshll.u32 s0, $0xA;
	s2 =	sadd.s32 s3, s2  }
0x8d: {  	s2 =	sadd.s32 s2, s14  }
0x8e: {  	[smem:$0x3FC2] =	sst s2  }
0x8f: {  	_ = 	snop  }
0x90: {  	s2 =	sld [smem:$0x3FD0];
	_ =	sdelay $0x2  }
0x91: {  	s4 =	simm.s32 $0xA;
	s5 =	simm.s32 $0x10;
	s15 =	sld [smem:$0x3FC9]  }
0x92: {  	[smem:s5], [sflag:s4] =	dma.local [hbm:s2], $0x1  }
0x93: {  	_ =	swait.eq [sflag:s4], $0x1  }
0x94: {  	[sflag:s4] =	ssyncset.done $0x0  }
0x95: {  	[sflag:s4] =	ssyncadd.s32 $0xFFFFFFFF  }
0x96: {  	s16 =	sld [smem:$0x11];
	(tm) =	ssettm $0x1  }
0x97: {  	s17 =	sld [smem:$0x3FFB];
	_ =	sdelay $0x3  }
0x98: {  	_ =	strace s17  }
0x99: {  	s4 =	sld [smem:$0x3FFC];
	_ =	sdelay $0x3  }
0x9a: {  	_ =	strace s4  }
0x9b: {  	s4 =	sld [smem:$0x3FFD];
	_ =	sdelay $0x3  }
0x9c: {  	_ =	strace s4  }
0x9d: {  	_ =	strace $0x8FFFFFFF  }
0x9e: {  	s18 =	sld [smem:$0x3FDB];
	_ =	sdelay $0x1  }
0x9f: {  	s19 =	simm.s32 $_scs_section_size  }
0xa0: {  	s6 =	simm.s32 $_size__tile_overlayer_lowered;
	s7 =	simm.s32 $_tile_overlayer_lowered  }
0xa1: {  	s22 =	simm.s32 $0x1BFF;
	s21 =	sshll.u32 s7, $0x1;
	s4 =	sadd.s32 s19, s18  }
0xa2: {  	s8 =	simm.s32 $0x0;
	s20 =	sshll.u32 s6, $0x1;
	s6 =	sadd.s32 s21, s4  }
0xa3: {  	[timem:s8], [sflag:s22] =	dma.local [hbm:s6], s20  }
0xa4: {  	_ =	swait.ge [sflag:s22], s20  }
0xa5: {  	s5 =	ssub.s32 $0x0, s20;
	[sflag:s22] =	ssyncset.done $0x0  }
0xa6: {  	[sflag:s22] =	ssyncadd.s32 s5;
	_ =	sdelay $0x1  }
0xa7: {  	s23 =	simm.s32 $0x1B8B  }
0xa8: {  	_ =	swait.ge [sflag:s23], $0x1  }
0xa9: {  	[sflag:s23] =	ssyncset.done $0x0  }
0xaa: {  	s25 =	simm.s32 $0x1B8E;
	s24 =	sld [smem:$0x3FFE];
	[sflag:s23] =	ssyncadd.s32 $0xFFFFFFFF  }
0xab: {  	s26 =	simm.s32 $execute0_lowered;
	[smem:$0x3FD2] =	sst s25  }
0xac: {  	s6 =	sshll.u32 s26, $0x1;
	_ =	strace $0x80000046;
	[dreg:$0x1] =	wrdreg $0xFFFFFFFF  }
0xad: {  	s28 =	simm.s32 $_size_execute0_lowered;
	s4 =	sadd.s32 s4, s6;
	[dreg:$0x0] =	wrdreg $0x0  }
0xae: {  	s6 =	sshll.u32 s28, $0x1;
	[dreg:$0x2] =	wrdreg s4  }
0xaf: {  	[dreg:$0x3] =	wrdreg s6  }
0xb0: {  	[dreg:$0x4] =	wrdreg $0xC0  }
0xb1: {  	_ =	task [dreg:s8], $0x5FFFF  }
0xb2: {  	[dreg:$0x1] =	wrdreg $0xFFFFFFFF  }
0xb3: {  	[dreg:$0x0] =	wrdreg $0x60  }
0xb4: {  	[dreg:$0x2] =	wrdreg s15  }
0xb5: {  	[dreg:$0x3] =	wrdreg s16  }
0xb6: {  	[dreg:$0x4] =	wrdreg s24  }
0xb7: {  	[dreg:$0x5] =	wrdreg $0x9  }
0xb8: {  	_ =	task.clear_ibuf [dreg:s8], $0x6FFFF;
	_ =	strace $0x90000046  }
0xb9: {  	s29 =	simm.s32 $0x9;
	_ =	strace $0x80000048  }
0xba: {  	_ =	swait.ge [sflag:s29], $0x1  }
0xbb: {  	[sflag:s29] =	ssyncadd.s32 $0xFFFFFFFF  }
0xbc: {  	_ =	strace $0x90000048  }
0xbd: {  	_ =	sfence  }
0xbe: {  	s30 =	sld [smem:$0x0];
	_ =	sdelay $0x2  }
0xbf: {  	s31 =	sshll.u32 s1, $0xD;
	s1 =	sshrl.u32 s1, $0x2  }
0xc0: {  	s3 =	sand.u32 $0x4000, s31;
	s1 =	sadd.s32 s1, s30  }
0xc1: {  	s0 =	sor.u32 s3, s0;
	s1 =	sshll.u32 s1, $0x11  }
0xc2: {  	s0 =	sor.u32 s1, s0  }
0xc3: {  	s0 =	sadd.s32 $0x8F2B, s0  }
0xc4: {  	[sflag:s0] =	ssyncadd.remote.s32 $0x1  }
0xc5: {  	_ =	sfence.sel $0xFFFF  }
0xc6: {  	[dreg:$0x0] =	wrdreg $0xFFFFFFFF;
	(pc) =	sbr.abs _section_cstart, $3  }
0xc7: {  	[dreg:$0x1] =	wrdreg $0xFFFFFFFF  }
0xc8: {  	_ =	task.clear_ibuf [dreg:s8], $0x2FFFF;
	_ =	strace $0x9FFFFFFF  }
0xc9: {  	(tm) =	ssettm $0x7FFFFFFF  }
tec
execute0_lowered:
.L_overlay_start_1:
0x0: {  	(tag) =	ssettag $0x1  }
0x1: {  	s1 =	srdreg.scid;
	s0 =	stileid.u32  }
0x2: {  	s5 =	rddreg [dreg:$0x0];
	s1 =	sand.u32 $0x1, s1;
	s2 =	sshll.u32 s0, $0x1  }
0x3: {  	s6 =	rddreg [dreg:$0x1];
	s4 =	sor.u32 s1, s2  }
0x4: {  	s2 =	rddreg [dreg:$0x2];
	s3 =	sshll.u32 s4, $0x4  }
0x5: {  	s4 =	sshll.u32 s4, $0x6;
	s7 =	sand.u32 $0xF0, s3;
	s3 =	simm.s32 $0x0  }
0x6: {  	s6 =	sadd.s32 s6, s4;
	[smem:$0x7FF] =	sst s3  }
0x7: {  	s15 =	simm.s32 $0xA00;
	_ =	strace $0x80000047;
	[dreg:$0x4] =	wrdreg s6  }
0x8: {  	s16 =	simm.s32 $0x1200;
	[dreg:$0x8] =	wrdreg s15  }
0x9: {  	s17 =	simm.s32 $0x1A00;
	[dreg:$0x9] =	wrdreg s16  }
0xa: {  	s18 =	simm.s32 $0x2200;
	[dreg:$0xa] =	wrdreg s17  }
0xb: {  	s19 =	simm.s32 $0x2A00;
	[dreg:$0xb] =	wrdreg s18  }
0xc: {  	s20 =	simm.s32 $0x3200;
	[dreg:$0xc] =	wrdreg s19  }
0xd: {  	s21 =	simm.s32 $0x3A00;
	[dreg:$0xd] =	wrdreg s20  }
0xe: {  	s22 =	simm.s32 $0x4200;
	[dreg:$0xe] =	wrdreg s21  }
0xf: {  	s23 =	simm.s32 $0x4A00;
	[dreg:$0xf] =	wrdreg s22  }
0x10: {  	s24 =	simm.s32 $0x5200;
	[dreg:$0x10] =	wrdreg s23  }
0x11: {  	s25 =	simm.s32 $0x5A00;
	[dreg:$0x11] =	wrdreg s24  }
0x12: {  	s26 =	simm.s32 $0x6A00;
	[dreg:$0x12] =	wrdreg s25  }
0x13: {  	s0 =	simm.s32 $0x7200;
	[dreg:$0x13] =	wrdreg s26  }
0x14: {  	s9 =	simm.s32 $0x9200;
	[dreg:$0x14] =	wrdreg s0  }
0x15: {  	s10 =	simm.s32 $0x9A00;
	[dreg:$0x18] =	wrdreg s9  }
0x16: {  	s11 =	simm.s32 $0xA200;
	[dreg:$0x19] =	wrdreg s10  }
0x17: {  	s12 =	simm.s32 $0xAA00;
	s28 =	simm.s32 $0x17A00;
	[dreg:$0x1a] =	wrdreg s11  }
0x18: {  	s29 =	simm.s32 $0x5;
	s6 =	simm.s32 $0x7A00;
	[dreg:$0x1b] =	wrdreg s12  }
0x19: {  	s30 =	simm.s32 $0x6;
	s15 =	simm.s32 $0xBA00;
	[dreg:$0x15] =	wrdreg s6  }
0x1a: {  	s31 =	simm.s32 $0x7;
	s16 =	simm.s32 $0xCA00;
	[dreg:$0x1d] =	wrdreg s15  }
0x1b: {  	s1 =	ssub.s32 $0x2, s1;
	s17 =	simm.s32 $0xD200;
	[dreg:$0x1e] =	wrdreg s16  }
0x1c: {  	s8 =	smul.u32 $0x300, s7;
	s18 =	simm.s32 $0xDA00;
	[dreg:$0x1f] =	wrdreg s17  }
0x1d: {  	s7 =	smul.u32 $0x1800, s7;
	s19 =	simm.s32 $0xE200;
	[smem:$0x7F5] =	sst s18  }
0x1e: {  	s20 =	simm.s32 $0xEA00;
	s9 =	simm.s32 $0x200;
	[smem:$0x7F6] =	sst s19  }
0x1f: {  	s21 =	simm.s32 $0xF200;
	s10 =	simm.s32 $0x6200;
	[smem:$0x7F7] =	sst s20  }
0x20: {  	s22 =	simm.s32 $0xFA00;
	s11 =	simm.s32 $0xC200;
	[smem:$0x7F8] =	sst s21  }
0x21: {  	s23 =	simm.s32 $0x10200;
	s12 =	simm.s32 $0x12200;
	[smem:$0x7F9] =	sst s22  }
0x22: {  	s24 =	simm.s32 $0x10A00;
	s25 =	simm.s32 $0x11200;
	[smem:$0x7FA] =	sst s23  }
0x23: {  	s26 =	simm.s32 $0x11A00;
	s4 =	sadd.s32 s5, s8;
	[smem:$0x7FB] =	sst s24  }
0x24: {  	s7 =	sshrl.u32 s7, $0x3;
	s8 =	simm.s32 $0x8A00;
	[smem:$0x7FC] =	sst s25  }
0x25: {  	s6 =	sadd.s32 $0x200, s2;
	s15 =	simm.s32 $0x3;
	[smem:$0x7FD] =	sst s26  }
0x26: {  	s16 =	simm.s32 $0x4;
	s18 =	simm.s32 $0x13200;
	s19 =	simm.s32 $0x13A00  }
0x27: {  	s20 =	simm.s32 $0x14200;
	s21 =	simm.s32 $0x14A00;
	s22 =	simm.s32 $0x15200  }
0x28: {  	s23 =	simm.s32 $0x15A00;
	s13 =	sadd.s32 $0xC00, s4;
	[dreg:$0x17] =	wrdreg s8  }
0x29: {  	s5 =	sadd.s32 s5, s7;
	s7 =	simm.s32 $0x8200;
	[dreg:$0x5] =	wrdreg s13  }
0x2a: {  	s24 =	simm.s32 $0x16200;
	s14 =	sadd.s32 $0x1800, s5;
	[dreg:$0x16] =	wrdreg s7  }
0x2b: {  	s25 =	simm.s32 $0x16A00;
	s5 =	sadd.s32 $0x2400, s5;
	[dreg:$0x6] =	wrdreg s14  }
0x2c: {  	s26 =	simm.s32 $0x17200;
	s13 =	simm.s32 $0xB200;
	[dreg:$0x7] =	wrdreg s5  }
0x2d: {  	v2 =	vlaneseq.u32;
	s8 =	simm.s32 $0x9;
	s14 =	sshrl.u32 s1, $0x1;
	[dreg:$0x1c] =	wrdreg s13  }
0x2e: {  	vm0 =	vmmov $0xffff;
	v1 =	vshrl.u32 v2, $0x3;
	s5 =	sadd.s32 $0x100, s2;
	s13 =	simm.s32 $0x1;
	s1 =	ssub.s32 s1, s14  }
0x2f: {  	v0 =	vand.u32 $0x7, v2;
	v2 =	vor.u32 $0x8, v2;
	v1 =	vmul.u32 $0x8, v1;
	s14 =	simm.s32 $0x2;
	s7 =	smax.u32 s1, $0x1;
	s1 =	simm.s32 $0x8  }
.LBB2_1:
0x30: {  	s0 =	rddreg [dreg:$0x4]  }
0x31: {  	[tilespmem:s3], [sflag:$0x9] =	stream.linear.gather [hbm4b:s0+s3], $0x200, $0x38;
	[tilespmem:$0x18200] =	vst v63  }
0x32: {  	_ =	swait.ge [sflag:s8], $0x200  }
0x33: {  	[sflag:s8] =	ssyncset.done $0x0  }
0x34: {  	[sflag:s8] =	ssyncadd.s32 $0xFFFFFE00  }
0x35: {  	[tilespmem:s9], [sflag:$0x1] =	stream.linear.gather [hbm4b:s4+s3], $0x6000, $0x38;
	[tilespmem:$0x18200] =	vst v63  }
0x36: {  	s0 =	rddreg [dreg:$0x5]  }
0x37: {  	[tilespmem:s10], [sflag:$0x2] =	stream.linear.gather [hbm4b:s0+s3], $0x6000, $0x38;
	[tilespmem:$0x18200] =	vst v63  }
0x38: {  	s17 =	rddreg [dreg:$0x6]  }
0x39: {  	[tilespmem:s11], [sflag:$0x3] =	stream.linear.gather [hbm4b:s17+s3], $0x6000, $0x38;
	[tilespmem:$0x18200] =	vst v63  }
0x3a: {  	s0 =	rddreg [dreg:$0x7]  }
0x3b: {  	[tilespmem:s12], [sflag:$0x4] =	stream.linear.gather [hbm4b:s0+s3], $0x6000, $0x38;
	[tilespmem:$0x18200] =	vst v63  }
0x3c: {  	_ =	swait.ge [sflag:s13], $0x6000  }
0x3d: {  	[sflag:s13] =	ssyncset.done $0x0  }
0x3e: {  	[sflag:s13] =	ssyncadd.s32 $0xFFFFA000  }
0x3f: {  	v3 =	vld [tilespmem:$0x0];
	_ =	sdelay $0x4  }
0x40: {  	v4 =	vshrl.u32 v3, $0x3  }
0x41: {  	v4 =	vmul.u32 $0x30, v4  }
0x42: {  	v3 =	vand.u32 $0x7, v3  }
0x43: {  	v3 =	vor.u32 v3, v4  }
0x44: {  	v4 =	vperm.xlane v3, v0;
	_ =	sdelay $0x1  }
0x45: {  	v4 =	vadd.s32 v1, v4;
	_ =	sdelay $0x3  }
0x46: {  	v3 =	vperm.xlane v3, v2  }
0x47: {  	[hbm4b:s2+s3] =	stream.indirect_vreg.scatter [tilespmem:s9], [sflag:$0x5], $0x80, v4, vm0, $0xb8;
	[tilespmem:$0x18200] =	vst v63  }
0x48: {  	s0 =	rddreg [dreg:$0x8];
	v3 =	vadd.s32 v1, v3  }
0x49: {  	[hbm4b:s5+s3] =	stream.indirect_vreg.scatter [tilespmem:s0], [sflag:$0x5], $0x80, v4, vm0, $0xb8;
	[tilespmem:$0x18200] =	vst v63  }
0x4a: {  	s17 =	rddreg [dreg:$0x9]  }
0x4b: {  	[hbm4b:s6+s3] =	stream.indirect_vreg.scatter [tilespmem:s17], [sflag:$0x5], $0x80, v4, vm0, $0xb8;
	[tilespmem:$0x18200] =	vst v63  }
0x4c: {  	s0 =	rddreg [dreg:$0xa]  }
0x4d: {  	[hbm4b:s2+s3] =	stream.indirect_vreg.scatter [tilespmem:s0], [sflag:$0x5], $0x80, v3, vm0, $0xb8;
	[tilespmem:$0x18200] =	vst v63  }
0x4e: {  	s17 =	rddreg [dreg:$0xb]  }
0x4f: {  	[hbm4b:s5+s3] =	stream.indirect_vreg.scatter [tilespmem:s17], [sflag:$0x5], $0x80, v3, vm0, $0xb8;
	[tilespmem:$0x18200] =	vst v63  }
0x50: {  	s0 =	rddreg [dreg:$0xc]  }
0x51: {  	[hbm4b:s6+s3] =	stream.indirect_vreg.scatter [tilespmem:s0], [sflag:$0x5], $0x80, v3, vm0, $0xb8;
	[tilespmem:$0x18200] =	vst v63  }
0x52: {  	v3 =	vld [tilespmem:$0x10];
	_ =	sdelay $0x4  }
0x53: {  	v57 =	vshrl.u32 v3, $0x3  }
0x54: {  	v4 =	vmul.u32 $0x30, v57  }
0x55: {  	v3 =	vand.u32 $0x7, v3  }
0x56: {  	v3 =	vor.u32 v3, v4  }
0x57: {  	v4 =	vperm.xlane v3, v0;
	_ =	sdelay $0x1  }
0x58: {  	v4 =	vadd.s32 v1, v4;
	_ =	sdelay $0x3  }
0x59: {  	s0 =	rddreg [dreg:$0xd];
	v3 =	vperm.xlane v3, v2  }
0x5a: {  	[hbm4b:s2+s3] =	stream.indirect_vreg.scatter [tilespmem:s0], [sflag:$0x5], $0x80, v4, vm0, $0xb8;
	[tilespmem:$0x18200] =	vst v63  }
0x5b: {  	s17 =	rddreg [dreg:$0xe];
	v3 =	vadd.s32 v1, v3  }
0x5c: {  	[hbm4b:s5+s3] =	stream.indirect_vreg.scatter [tilespmem:s17], [sflag:$0x5], $0x80, v4, vm0, $0xb8;
	[tilespmem:$0x18200] =	vst v63  }
0x5d: {  	s0 =	rddreg [dreg:$0xf]  }
0x5e: {  	[hbm4b:s6+s3] =	stream.indirect_vreg.scatter [tilespmem:s0], [sflag:$0x5], $0x80, v4, vm0, $0xb8;
	[tilespmem:$0x18200] =	vst v63  }
0x5f: {  	s17 =	rddreg [dreg:$0x10]  }
0x60: {  	[hbm4b:s2+s3] =	stream.indirect_vreg.scatter [tilespmem:s17], [sflag:$0x5], $0x80, v3, vm0, $0xb8;
	[tilespmem:$0x18200] =	vst v63  }
0x61: {  	s0 =	rddreg [dreg:$0x11]  }
0x62: {  	[hbm4b:s5+s3] =	stream.indirect_vreg.scatter [tilespmem:s0], [sflag:$0x5], $0x80, v3, vm0, $0xb8;
	[tilespmem:$0x18200] =	vst v63  }
0x63: {  	s17 =	rddreg [dreg:$0x12]  }
0x64: {  	[hbm4b:s6+s3] =	stream.indirect_vreg.scatter [tilespmem:s17], [sflag:$0x5], $0x80, v3, vm0, $0xb8;
	[tilespmem:$0x18200] =	vst v63  }
0x65: {  	_ =	swait.ge [sflag:s14], $0x6000  }
0x66: {  	[sflag:s14] =	ssyncset.done $0x0  }
0x67: {  	[sflag:s14] =	ssyncadd.s32 $0xFFFFA000  }
0x68: {  	v3 =	vld [tilespmem:$0x80];
	_ =	sdelay $0x4  }
0x69: {  	v58 =	vshrl.u32 v3, $0x3  }
0x6a: {  	v4 =	vmul.u32 $0x30, v58  }
0x6b: {  	v3 =	vand.u32 $0x7, v3  }
0x6c: {  	v3 =	vor.u32 v3, v4  }
0x6d: {  	v4 =	vperm.xlane v3, v0;
	_ =	sdelay $0x1  }
0x6e: {  	v4 =	vadd.s32 v1, v4;
	_ =	sdelay $0x3  }
0x6f: {  	v3 =	vperm.xlane v3, v2  }
0x70: {  	[hbm4b:s2+s3] =	stream.indirect_vreg.scatter [tilespmem:s10], [sflag:$0x6], $0x80, v4, vm0, $0xb8;
	[tilespmem:$0x18200] =	vst v63  }
0x71: {  	s0 =	rddreg [dreg:$0x13];
	v3 =	vadd.s32 v1, v3  }
0x72: {  	[hbm4b:s5+s3] =	stream.indirect_vreg.scatter [tilespmem:s0], [sflag:$0x6], $0x80, v4, vm0, $0xb8;
	[tilespmem:$0x18200] =	vst v63  }
0x73: {  	s17 =	rddreg [dreg:$0x14]  }
0x74: {  	[hbm4b:s6+s3] =	stream.indirect_vreg.scatter [tilespmem:s17], [sflag:$0x6], $0x80, v4, vm0, $0xb8;
	[tilespmem:$0x18200] =	vst v63  }
0x75: {  	s0 =	rddreg [dreg:$0x15]  }
0x76: {  	[hbm4b:s2+s3] =	stream.indirect_vreg.scatter [tilespmem:s0], [sflag:$0x6], $0x80, v3, vm0, $0xb8;
	[tilespmem:$0x18200] =	vst v63  }
0x77: {  	s17 =	rddreg [dreg:$0x16]  }
0x78: {  	[hbm4b:s5+s3] =	stream.indirect_vreg.scatter [tilespmem:s17], [sflag:$0x6], $0x80, v3, vm0, $0xb8;
	[tilespmem:$0x18200] =	vst v63  }
0x79: {  	s0 =	rddreg [dreg:$0x17]  }
0x7a: {  	[hbm4b:s6+s3] =	stream.indirect_vreg.scatter [tilespmem:s0], [sflag:$0x6], $0x80, v3, vm0, $0xb8;
	[tilespmem:$0x18200] =	vst v63  }
0x7b: {  	v3 =	vld [tilespmem:$0x90];
	_ =	sdelay $0x4  }
0x7c: {  	v59 =	vshrl.u32 v3, $0x3  }
0x7d: {  	v4 =	vmul.u32 $0x30, v59  }
0x7e: {  	v3 =	vand.u32 $0x7, v3  }
0x7f: {  	v3 =	vor.u32 v3, v4  }
0x80: {  	v4 =	vperm.xlane v3, v0;
	_ =	sdelay $0x1  }
0x81: {  	v4 =	vadd.s32 v1, v4;
	_ =	sdelay $0x3  }
0x82: {  	s0 =	rddreg [dreg:$0x18];
	v3 =	vperm.xlane v3, v2  }
0x83: {  	[hbm4b:s2+s3] =	stream.indirect_vreg.scatter [tilespmem:s0], [sflag:$0x6], $0x80, v4, vm0, $0xb8;
	[tilespmem:$0x18200] =	vst v63  }
0x84: {  	s17 =	rddreg [dreg:$0x19];
	v3 =	vadd.s32 v1, v3  }
0x85: {  	[hbm4b:s5+s3] =	stream.indirect_vreg.scatter [tilespmem:s17], [sflag:$0x6], $0x80, v4, vm0, $0xb8;
	[tilespmem:$0x18200] =	vst v63  }
0x86: {  	s0 =	rddreg [dreg:$0x1a]  }
0x87: {  	[hbm4b:s6+s3] =	stream.indirect_vreg.scatter [tilespmem:s0], [sflag:$0x6], $0x80, v4, vm0, $0xb8;
	[tilespmem:$0x18200] =	vst v63  }
0x88: {  	s17 =	rddreg [dreg:$0x1b]  }
0x89: {  	[hbm4b:s2+s3] =	stream.indirect_vreg.scatter [tilespmem:s17], [sflag:$0x6], $0x80, v3, vm0, $0xb8;
	[tilespmem:$0x18200] =	vst v63  }
0x8a: {  	s0 =	rddreg [dreg:$0x1c]  }
0x8b: {  	[hbm4b:s5+s3] =	stream.indirect_vreg.scatter [tilespmem:s0], [sflag:$0x6], $0x80, v3, vm0, $0xb8;
	[tilespmem:$0x18200] =	vst v63  }
0x8c: {  	s17 =	rddreg [dreg:$0x1d]  }
0x8d: {  	[hbm4b:s6+s3] =	stream.indirect_vreg.scatter [tilespmem:s17], [sflag:$0x6], $0x80, v3, vm0, $0xb8;
	[tilespmem:$0x18200] =	vst v63  }
0x8e: {  	_ =	swait.ge [sflag:s15], $0x6000  }
0x8f: {  	[sflag:s15] =	ssyncset.done $0x0  }
0x90: {  	[sflag:s15] =	ssyncadd.s32 $0xFFFFA000  }
0x91: {  	v3 =	vld [tilespmem:$0x100];
	_ =	sdelay $0x4  }
0x92: {  	v60 =	vshrl.u32 v3, $0x3  }
0x93: {  	v4 =	vmul.u32 $0x30, v60  }
0x94: {  	v3 =	vand.u32 $0x7, v3  }
0x95: {  	v3 =	vor.u32 v3, v4  }
0x96: {  	v4 =	vperm.xlane v3, v0;
	_ =	sdelay $0x1  }
0x97: {  	v4 =	vadd.s32 v1, v4;
	_ =	sdelay $0x3  }
0x98: {  	s0 =	rddreg [dreg:$0x1e];
	v3 =	vperm.xlane v3, v2  }
0x99: {  	[hbm4b:s2+s3] =	stream.indirect_vreg.scatter [tilespmem:s11], [sflag:$0x7], $0x80, v4, vm0, $0xb8;
	[tilespmem:$0x18200] =	vst v63  }
0x9a: {  	s17 =	rddreg [dreg:$0x1f];
	v3 =	vadd.s32 v1, v3  }
0x9b: {  	[hbm4b:s5+s3] =	stream.indirect_vreg.scatter [tilespmem:s0], [sflag:$0x7], $0x80, v4, vm0, $0xb8;
	[tilespmem:$0x18200] =	vst v63  }
0x9c: {  	s0 =	sld [smem:$0x7F5]  }
0x9d: {  	[hbm4b:s6+s3] =	stream.indirect_vreg.scatter [tilespmem:s17], [sflag:$0x7], $0x80, v4, vm0, $0xb8;
	[tilespmem:$0x18200] =	vst v63  }
0x9e: {  	s17 =	sld [smem:$0x7F6]  }
0x9f: {  	[hbm4b:s2+s3] =	stream.indirect_vreg.scatter [tilespmem:s0], [sflag:$0x7], $0x80, v3, vm0, $0xb8;
	[tilespmem:$0x18200] =	vst v63  }
0xa0: {  	s0 =	sld [smem:$0x7F7]  }
0xa1: {  	[hbm4b:s5+s3] =	stream.indirect_vreg.scatter [tilespmem:s17], [sflag:$0x7], $0x80, v3, vm0, $0xb8;
	[tilespmem:$0x18200] =	vst v63  }
0xa2: {  	_ = 	snop  }
0xa3: {  	[hbm4b:s6+s3] =	stream.indirect_vreg.scatter [tilespmem:s0], [sflag:$0x7], $0x80, v3, vm0, $0xb8;
	[tilespmem:$0x18200] =	vst v63  }
0xa4: {  	v3 =	vld [tilespmem:$0x110];
	_ =	sdelay $0x4  }
0xa5: {  	v61 =	vshrl.u32 v3, $0x3  }
0xa6: {  	v4 =	vmul.u32 $0x30, v61  }
0xa7: {  	v3 =	vand.u32 $0x7, v3  }
0xa8: {  	v3 =	vor.u32 v3, v4  }
0xa9: {  	v4 =	vperm.xlane v3, v0;
	_ =	sdelay $0x1  }
0xaa: {  	v4 =	vadd.s32 v1, v4;
	_ =	sdelay $0x1  }
0xab: {  	s0 =	sld [smem:$0x7F8];
	_ =	sdelay $0x1  }
0xac: {  	s17 =	sld [smem:$0x7F9];
	v3 =	vperm.xlane v3, v2  }
0xad: {  	[hbm4b:s2+s3] =	stream.indirect_vreg.scatter [tilespmem:s0], [sflag:$0x7], $0x80, v4, vm0, $0xb8;
	[tilespmem:$0x18200] =	vst v63  }
0xae: {  	v3 =	vadd.s32 v1, v3;
	s0 =	sld [smem:$0x7FA]  }
0xaf: {  	[hbm4b:s5+s3] =	stream.indirect_vreg.scatter [tilespmem:s17], [sflag:$0x7], $0x80, v4, vm0, $0xb8;
	[tilespmem:$0x18200] =	vst v63  }
0xb0: {  	s17 =	sld [smem:$0x7FB]  }
0xb1: {  	[hbm4b:s6+s3] =	stream.indirect_vreg.scatter [tilespmem:s0], [sflag:$0x7], $0x80, v4, vm0, $0xb8;
	[tilespmem:$0x18200] =	vst v63  }
0xb2: {  	s0 =	sld [smem:$0x7FC]  }
0xb3: {  	[hbm4b:s2+s3] =	stream.indirect_vreg.scatter [tilespmem:s17], [sflag:$0x7], $0x80, v3, vm0, $0xb8;
	[tilespmem:$0x18200] =	vst v63  }
0xb4: {  	s17 =	sld [smem:$0x7FD]  }
0xb5: {  	[hbm4b:s5+s3] =	stream.indirect_vreg.scatter [tilespmem:s0], [sflag:$0x7], $0x80, v3, vm0, $0xb8;
	[tilespmem:$0x18200] =	vst v63  }
0xb6: {  	_ = 	snop  }
0xb7: {  	[hbm4b:s6+s3] =	stream.indirect_vreg.scatter [tilespmem:s17], [sflag:$0x7], $0x80, v3, vm0, $0xb8;
	[tilespmem:$0x18200] =	vst v63  }
0xb8: {  	_ =	swait.ge [sflag:s16], $0x6000  }
0xb9: {  	[sflag:s16] =	ssyncset.done $0x0  }
0xba: {  	[sflag:s16] =	ssyncadd.s32 $0xFFFFA000  }
0xbb: {  	v3 =	vld [tilespmem:$0x180];
	_ =	sdelay $0x4  }
0xbc: {  	v62 =	vshrl.u32 v3, $0x3  }
0xbd: {  	v4 =	vmul.u32 $0x30, v62  }
0xbe: {  	v3 =	vand.u32 $0x7, v3  }
0xbf: {  	v3 =	vor.u32 v3, v4  }
0xc0: {  	v4 =	vperm.xlane v3, v0;
	_ =	sdelay $0x1  }
0xc1: {  	v4 =	vadd.s32 v1, v4;
	_ =	sdelay $0x3  }
0xc2: {  	v3 =	vperm.xlane v3, v2  }
0xc3: {  	[hbm4b:s2+s3] =	stream.indirect_vreg.scatter [tilespmem:s12], [sflag:$0x8], $0x80, v4, vm0, $0xb8;
	[tilespmem:$0x18200] =	vst v63  }
0xc4: {  	s17 =	simm.s32 $0x12A00;
	v3 =	vadd.s32 v1, v3  }
0xc5: {  	[hbm4b:s5+s3] =	stream.indirect_vreg.scatter [tilespmem:s17], [sflag:$0x8], $0x80, v4, vm0, $0xb8;
	[tilespmem:$0x18200] =	vst v63  }
0xc6: {  	_ = 	snop  }
0xc7: {  	[hbm4b:s6+s3] =	stream.indirect_vreg.scatter [tilespmem:s18], [sflag:$0x8], $0x80, v4, vm0, $0xb8;
	[tilespmem:$0x18200] =	vst v63  }
0xc8: {  	_ = 	snop  }
0xc9: {  	[hbm4b:s2+s3] =	stream.indirect_vreg.scatter [tilespmem:s19], [sflag:$0x8], $0x80, v3, vm0, $0xb8;
	[tilespmem:$0x18200] =	vst v63  }
0xca: {  	_ = 	snop  }
0xcb: {  	[hbm4b:s5+s3] =	stream.indirect_vreg.scatter [tilespmem:s20], [sflag:$0x8], $0x80, v3, vm0, $0xb8;
	[tilespmem:$0x18200] =	vst v63  }
0xcc: {  	_ = 	snop  }
0xcd: {  	[hbm4b:s6+s3] =	stream.indirect_vreg.scatter [tilespmem:s21], [sflag:$0x8], $0x80, v3, vm0, $0xb8;
	[tilespmem:$0x18200] =	vst v63  }
0xce: {  	v3 =	vld [tilespmem:$0x190];
	_ =	sdelay $0x4  }
0xcf: {  	v63 =	vshrl.u32 v3, $0x3  }
0xd0: {  	v4 =	vmul.u32 $0x30, v63  }
0xd1: {  	v3 =	vand.u32 $0x7, v3  }
0xd2: {  	v3 =	vor.u32 v3, v4  }
0xd3: {  	v4 =	vperm.xlane v3, v0;
	_ =	sdelay $0x1  }
0xd4: {  	v4 =	vadd.s32 v1, v4;
	_ =	sdelay $0x3  }
0xd5: {  	v3 =	vperm.xlane v3, v2  }
0xd6: {  	[hbm4b:s2+s3] =	stream.indirect_vreg.scatter [tilespmem:s22], [sflag:$0x8], $0x80, v4, vm0, $0xb8;
	[tilespmem:$0x18200] =	vst v63  }
0xd7: {  	v3 =	vadd.s32 v1, v3  }
0xd8: {  	[hbm4b:s5+s3] =	stream.indirect_vreg.scatter [tilespmem:s23], [sflag:$0x8], $0x80, v4, vm0, $0xb8;
	[tilespmem:$0x18200] =	vst v63  }
0xd9: {  	_ = 	snop  }
0xda: {  	[hbm4b:s6+s3] =	stream.indirect_vreg.scatter [tilespmem:s24], [sflag:$0x8], $0x80, v4, vm0, $0xb8;
	[tilespmem:$0x18200] =	vst v63  }
0xdb: {  	_ = 	snop  }
0xdc: {  	[hbm4b:s2+s3] =	stream.indirect_vreg.scatter [tilespmem:s25], [sflag:$0x8], $0x80, v3, vm0, $0xb8;
	[tilespmem:$0x18200] =	vst v63  }
0xdd: {  	_ = 	snop  }
0xde: {  	[hbm4b:s5+s3] =	stream.indirect_vreg.scatter [tilespmem:s26], [sflag:$0x8], $0x80, v3, vm0, $0xb8;
	[tilespmem:$0x18200] =	vst v63  }
0xdf: {  	_ = 	snop  }
0xe0: {  	[hbm4b:s6+s3] =	stream.indirect_vreg.scatter [tilespmem:s28], [sflag:$0x8], $0x80, v3, vm0, $0xb8;
	[tilespmem:$0x18200] =	vst v63  }
0xe1: {  	_ =	swait.ge [sflag:s29], $0x6000  }
0xe2: {  	[sflag:s29] =	ssyncset.done $0x0  }
0xe3: {  	[sflag:s29] =	ssyncadd.s32 $0xFFFFA000  }
0xe4: {  	_ =	swait.ge [sflag:s30], $0x6000  }
0xe5: {  	[sflag:s30] =	ssyncset.done $0x0  }
0xe6: {  	[sflag:s30] =	ssyncadd.s32 $0xFFFFA000  }
0xe7: {  	p0 =	sne.s32 s7, $0x1;
	_ =	swait.ge [sflag:s31], $0x6000  }
.Ltmp0:
0xe8: {  	[sflag:s31] =	ssyncset.done $0x0;
	(pc) =	sbr.rel @p0 .LBB2_1-.Ltmp0, $4  }
0xe9: {  	[sflag:s31] =	ssyncadd.s32 $0xFFFFA000  }
0xea: {  	_ =	swait.ge [sflag:s1], $0x6000  }
0xeb: {  	[sflag:s1] =	ssyncset.done $0x0  }
0xec: {  	s7 =	sadd.s32 $0xFFFFFFFF, s7;
	[sflag:s1] =	ssyncadd.s32 $0xFFFFA000  }
0xed: {  	_ =	sfence.sel $0x180000  }
0xee: {  	[bflag:$0x0] =	sbarrier.arrive $0xFFFF  }
0xef: {  	_ =	strace $0x90000047  }
0xf0: {  	s0 =	stileid.u32;
	[bflag:$0x2] =	sbarrier.arrive $0xFFFF  }
0xf1: {  	p0 =	sne.s32 s0, $0x0;
	s0 =	rddreg [dreg:$0x3]  }
0xf2: {  	s0 =	sadd.s32 @!p0 $0x100000, s0  }
0xf3: {  	[sflag:s0] =	ssyncadd.tile.s32 @!p0 $0x1;
	_ =	shalt  }
.Lfunc_end2:
_tile_overlayer_lowered:
.L_overlay_start_2:
0xf4: {  	(tag) =	ssettag $0x2  }
0xf5: {  	s0 =	rddreg [dreg:$0x0];
	s2 =	stileid.u32  }
0xf6: {  	s1 =	rddreg [dreg:$0x1];
	p0 =	sne.s32 s2, $0x0  }
0xf7: {  	s3 =	rddreg [dreg:$0x2];
	[bflag:$0x3] =	sbarrier.arrive $0xFFFF;
	s2 =	simm.s32 @!p0 $0x1C09  }
0xf8: {  	[timem:s3], [sflag:s2] =	dma.local @!p0 [hbm:s0], s1  }
0xf9: {  	s0 =	simm.s32 @!p0 $0x9  }
0xfa: {  	_ =	swait.ge @!p0 [sflag:s0], s1  }
0xfb: {  	s1 =	ssub.s32 @!p0 $0x0, s1;
	[sflag:s0] =	ssyncset.done @!p0 $0x0  }
0xfc: {  	[sflag:s0] =	ssyncadd.s32 @!p0 s1  }
0xfd: {  	[bflag:$0x3] =	sbarrier.arrive $0xFFFF  }
0xfe: {  	_ =	shalt  }

// kernel: kernel.9.cloned.1.call-start
scs
__scs_entry_jumppad:
0x0: {  	(pc) =	sbr.rel $0x88, $3  }
0x1: {  	(tag) =	ssettag $0x0;
	lr =	simm.s32 $0x1  }
0x2: {  	[smem:$0x3F9B] =	sst lr;
	_ =	strace $0xD0000000  }
0x3: {  	_ = 	snop  }
0x4: {  	_ = 	snop  }
0x5: {  	_ = 	snop  }
0x6: {  	_ = 	snop  }
0x7: {  	_ = 	snop  }
__scs_overlays_trampoline_lowered:
0x8: {  	[smem:$0x3FAA] =	sst s0  }
0x9: {  	[smem:$0x3FAB] =	sst s1  }
0xa: {  	[smem:$0x3FAC] =	sst s2  }
0xb: {  	[smem:$0x3FAD] =	sst s3  }
0xc: {  	[smem:$0x3FAE] =	sst s4  }
0xd: {  	[smem:$0x3FAF] =	sst s5  }
0xe: {  	[smem:$0x3FB0] =	sst s6  }
0xf: {  	[smem:$0x3FB1] =	sst s7  }
0x10: {  	[smem:$0x3FB2] =	sst s8  }
0x11: {  	[smem:$0x3FB3] =	sst s9;
	s0 =	simm.s32 @!p0 $0x0  }
0x12: {  	s1 =	sld [smem:$0x3F99];
	s0 =	simm.s32 @p0 $0x1  }
0x13: {  	[smem:$0x3FB4] =	sst s0;
	s0 =	simm.s32 @!p1 $0x0  }
0x14: {  	s2 =	sld [smem:$0x3F98];
	s0 =	simm.s32 @p1 $0x1  }
0x15: {  	[smem:$0x3FB5] =	sst s0;
	s0 =	simm.s32 @!p2 $0x0  }
0x16: {  	s3 =	sld [smem:$0x3FDB];
	s0 =	simm.s32 @p2 $0x1  }
0x17: {  	s4 =	simm.s32 $0x1BF5;
	[smem:$0x3FB7] =	sst s0  }
0x18: {  	s0 =	sld [smem:$0x3F9A];
	_ =	swait.ge [sflag:s4], $0x0  }
0x19: {  	s7 =	sld [smem:$0x3F9B]  }
0x1a: {  	s8 =	sadd.s32 $0xFFFFE003, lr  }
0x1b: {  	s9 =	sadd.s32 $0xFFFFFEF7, lr;
	s5 =	simm.s32 $0xFFFFFFFF;
	p2 =	slt.u32 s8, $0xFFFFF086  }
0x1c: {  	p1 =	slt.u32 s9, $0xF7A;
	s5 =	simm.s32 @!p2 $0x0  }
0x1d: {  	s5 =	simm.s32 @p1 $0x1;
	p0 =	seq.s32 s7, s2  }
0x1e: {  	s7 =	smul.u32 @!p0 $0xF7A, s2;
	p2 =	seq.s32 @!p0 s5, $0x0  }
0x1f: {  	s9 =	smul.u32 $0xF7A, s1;
	s8 =	simm.s32 @!p0 $0x1BF5;
	p2 =	por !p2, p0  }
0x20: {  	[sflag:s8] =	ssyncset.s32 @!p0 $0xFFFFF086;
	s6 =	sadd.s32 @!p0 s3, s7;
	s7 =	simm.s32 @!p0 $0x108  }
0x21: {  	s3 =	sadd.s32 s3, s9;
	s6 =	sadd.s32 @!p0 $0x88, s6;
	s7 =	simm.s32 @p2 $0x1082  }
0x22: {  	[simem:s7], [sflag:s8] =	dma.local @!p0 [hbm:s6], $0xF7A  }
0x23: {  	s9 =	sor.u32 $0xD0000000, s2;
	s6 =	simm.s32 $0x108;
	_ =	swait.ge @!p0 [sflag:s8], $0x0  }
0x24: {  	s3 =	sadd.s32 $0x88, s3;
	s6 =	simm.s32 @!p1 $0x1082;
	[sflag:s4] =	ssyncset.s32 $0xFFFFF086  }
0x25: {  	[simem:s6], [sflag:s4] =	dma.local [hbm:s3], $0xF7A  }
0x26: {  	[smem:$0x3F9B] =	sst s1;
	(tag) =	ssettag s2;
	_ =	strace s9  }
0x27: {  	s1 =	sld [smem:$0x3FAB]  }
0x28: {  	s2 =	sld [smem:$0x3FAC]  }
0x29: {  	s4 =	sld [smem:$0x3FAE]  }
0x2a: {  	p0 =	seq.s32 s5, $0x0;
	s5 =	sld [smem:$0x3FAF]  }
0x2b: {  	s6 =	sld [smem:$0x3FB0]  }
0x2c: {  	s7 =	sld [smem:$0x3FB1]  }
0x2d: {  	s3 =	simm.s32 $0x108;
	s8 =	sld [smem:$0x3FB2]  }
0x2e: {  	s3 =	simm.s32 @!p0 $0x1082;
	s9 =	sld [smem:$0x3FB3]  }
0x2f: {  	lr =	sadd.s32 s0, s3;
	s0 =	sld [smem:$0x3FAA]  }
0x30: {  	s3 =	sld [smem:$0x3FAD]  }
0x31: {  	[smem:$0x3FB6] =	sst s10  }
0x32: {  	s10 =	sld [smem:$0x3FB4];
	_ =	sdelay $0x3  }
0x33: {  	p0 =	seq.s32 s10, $0x1;
	s10 =	sld [smem:$0x3FB6];
	_ =	sdelay $0x3  }
0x34: {  	[smem:$0x3FB6] =	sst s10  }
0x35: {  	s10 =	sld [smem:$0x3FB5];
	_ =	sdelay $0x3  }
0x36: {  	p1 =	seq.s32 s10, $0x1;
	s10 =	sld [smem:$0x3FB6];
	_ =	sdelay $0x3  }
0x37: {  	[smem:$0x3FB6] =	sst s10  }
0x38: {  	s10 =	sld [smem:$0x3FB7]  }
0x39: {  	_ = 	snop;
	(pc) =	sbr.ind lr, $3  }
0x3a: {  	_ = 	snop  }
0x3b: {  	_ = 	snop  }
0x3c: {  	p2 =	seq.s32 s10, $0x1;
	s10 =	sld [smem:$0x3FB6]  }
0x3d: {  	_ =	shalt  }
0x3e: {  	_ =	shalt  }
0x3f: {  	_ =	shalt  }
0x40: {  	_ =	shalt  }
0x41: {  	_ =	shalt  }
0x42: {  	_ =	shalt  }
0x43: {  	_ =	shalt  }
0x44: {  	_ =	shalt  }
0x45: {  	_ =	shalt  }
0x46: {  	_ =	shalt  }
0x47: {  	_ =	shalt  }
0x48: {  	_ =	shalt  }
0x49: {  	_ =	shalt  }
0x4a: {  	_ =	shalt  }
0x4b: {  	_ =	shalt  }
0x4c: {  	_ =	shalt  }
0x4d: {  	_ =	shalt  }
0x4e: {  	_ =	shalt  }
0x4f: {  	_ =	shalt  }
0x50: {  	_ =	shalt  }
0x51: {  	_ =	shalt  }
0x52: {  	_ =	shalt  }
0x53: {  	_ =	shalt  }
0x54: {  	_ =	shalt  }
0x55: {  	_ =	shalt  }
0x56: {  	_ =	shalt  }
0x57: {  	_ =	shalt  }
0x58: {  	_ =	shalt  }
0x59: {  	_ =	shalt  }
0x5a: {  	_ =	shalt  }
0x5b: {  	_ =	shalt  }
0x5c: {  	_ =	shalt  }
0x5d: {  	_ =	shalt  }
0x5e: {  	_ =	shalt  }
0x5f: {  	_ =	shalt  }
0x60: {  	_ =	shalt  }
0x61: {  	_ =	shalt  }
0x62: {  	_ =	shalt  }
0x63: {  	_ =	shalt  }
0x64: {  	_ =	shalt  }
0x65: {  	_ =	shalt  }
0x66: {  	_ =	shalt  }
0x67: {  	_ =	shalt  }
0x68: {  	_ =	shalt  }
0x69: {  	_ =	shalt  }
0x6a: {  	_ =	shalt  }
0x6b: {  	_ =	shalt  }
0x6c: {  	_ =	shalt  }
0x6d: {  	_ =	shalt  }
0x6e: {  	_ =	shalt  }
0x6f: {  	_ =	shalt  }
0x70: {  	_ =	shalt  }
0x71: {  	_ =	shalt  }
0x72: {  	_ =	shalt  }
0x73: {  	_ =	shalt  }
0x74: {  	_ =	shalt  }
0x75: {  	_ =	shalt  }
0x76: {  	_ =	shalt  }
0x77: {  	_ =	shalt  }
0x78: {  	_ =	shalt  }
0x79: {  	_ =	shalt  }
0x7a: {  	_ =	shalt  }
0x7b: {  	_ =	shalt  }
0x7c: {  	_ =	shalt  }
0x7d: {  	_ =	shalt  }
0x7e: {  	_ =	shalt  }
0x7f: {  	_ =	shalt  }
0x80: {  	_ =	shalt  }
0x81: {  	_ =	shalt  }
0x82: {  	_ =	shalt  }
0x83: {  	_ =	shalt  }
0x84: {  	_ =	shalt  }
0x85: {  	_ =	shalt  }
0x86: {  	_ =	shalt  }
0x87: {  	_ =	shalt  }
.Lfunc_end0:
.L_simem_size_0:
called_computation.1_lowered:
.L_overlay_start_0:
0x88: {  	s2 =	sld [smem:$0x3FD9]  }
0x89: {  	s3 =	sld [smem:$0x3FFE];
	_ =	sdelay $0x1  }
0x8a: {  	s1 =	srdreg.scid  }
0x8b: {  	s0 =	sand.u32 $0x1, s1  }
0x8c: {  	s14 =	sshll.u32 s0, $0xA;
	s2 =	sadd.s32 s3, s2  }
0x8d: {  	s2 =	sadd.s32 s2, s14  }
0x8e: {  	[smem:$0x3FC2] =	sst s2  }
0x8f: {  	_ = 	snop  }
0x90: {  	s2 =	sld [smem:$0x3FD0];
	_ =	sdelay $0x2  }
0x91: {  	s15 =	simm.s32 $0xA;
	s4 =	simm.s32 $0x10  }
0x92: {  	[smem:s4], [sflag:s15] =	dma.local [hbm:s2], $0x1  }
0x93: {  	_ =	swait.eq [sflag:s15], $0x1  }
0x94: {  	[sflag:s15] =	ssyncset.done $0x0  }
0x95: {  	[sflag:s15] =	ssyncadd.s32 $0xFFFFFFFF  }
0x96: {  	s16 =	sld [smem:$0x10];
	(tm) =	ssettm $0x1  }
0x97: {  	s17 =	sld [smem:$0x3FFB];
	_ =	sdelay $0x3  }
0x98: {  	_ =	strace s17  }
0x99: {  	s3 =	sld [smem:$0x3FFC];
	_ =	sdelay $0x3  }
0x9a: {  	_ =	strace s3  }
0x9b: {  	s3 =	sld [smem:$0x3FFD];
	_ =	sdelay $0x3  }
0x9c: {  	_ =	strace s3  }
0x9d: {  	_ =	strace $0x8FFFFFFF  }
0x9e: {  	s18 =	sld [smem:$0x3FDB];
	_ =	sdelay $0x1  }
0x9f: {  	s19 =	simm.s32 $_scs_section_size  }
0xa0: {  	s5 =	simm.s32 $_size__tile_overlayer_lowered;
	s6 =	simm.s32 $_tile_overlayer_lowered  }
0xa1: {  	s22 =	simm.s32 $0x1BFF;
	s21 =	sshll.u32 s6, $0x1;
	s3 =	sadd.s32 s19, s18  }
0xa2: {  	s7 =	simm.s32 $0x0;
	s20 =	sshll.u32 s5, $0x1;
	s5 =	sadd.s32 s21, s3  }
0xa3: {  	[timem:s7], [sflag:s22] =	dma.local [hbm:s5], s20  }
0xa4: {  	_ =	swait.ge [sflag:s22], s20  }
0xa5: {  	s4 =	ssub.s32 $0x0, s20;
	[sflag:s22] =	ssyncset.done $0x0  }
0xa6: {  	[sflag:s22] =	ssyncadd.s32 s4;
	_ =	sdelay $0x1  }
0xa7: {  	s23 =	simm.s32 $0x1B8B  }
0xa8: {  	_ =	swait.ge [sflag:s23], $0x1  }
0xa9: {  	[sflag:s23] =	ssyncset.done $0x0  }
0xaa: {  	s25 =	simm.s32 $0x1B8E;
	s24 =	sld [smem:$0x3FFE];
	[sflag:s23] =	ssyncadd.s32 $0xFFFFFFFF  }
0xab: {  	s26 =	simm.s32 $execute0_lowered;
	[smem:$0x3FD2] =	sst s25  }
0xac: {  	s5 =	sshll.u32 s26, $0x1;
	_ =	strace $0x80000049;
	[dreg:$0x1] =	wrdreg $0xFFFFFFFF  }
0xad: {  	s28 =	simm.s32 $_size_execute0_lowered;
	s3 =	sadd.s32 s3, s5;
	[dreg:$0x0] =	wrdreg $0x0  }
0xae: {  	s5 =	sshll.u32 s28, $0x1;
	[dreg:$0x2] =	wrdreg s3  }
0xaf: {  	[dreg:$0x3] =	wrdreg s5  }
0xb0: {  	[dreg:$0x4] =	wrdreg $0xC0  }
0xb1: {  	_ =	task [dreg:s7], $0x5FFFF  }
0xb2: {  	[dreg:$0x1] =	wrdreg $0xFFFFFFFF  }
0xb3: {  	[dreg:$0x0] =	wrdreg $0x60  }
0xb4: {  	[dreg:$0x2] =	wrdreg s24  }
0xb5: {  	[dreg:$0x3] =	wrdreg s16  }
0xb6: {  	[dreg:$0x4] =	wrdreg $0x9  }
0xb7: {  	_ =	task.clear_ibuf [dreg:s7], $0x5FFFF;
	_ =	strace $0x90000049  }
0xb8: {  	s29 =	simm.s32 $0x9;
	_ =	strace $0x8000004B  }
0xb9: {  	_ =	swait.ge [sflag:s29], $0x1  }
0xba: {  	[sflag:s29] =	ssyncadd.s32 $0xFFFFFFFF  }
0xbb: {  	_ =	strace $0x9000004B  }
0xbc: {  	_ =	sfence  }
0xbd: {  	s30 =	sld [smem:$0x0];
	_ =	sdelay $0x2  }
0xbe: {  	s31 =	sshll.u32 s1, $0xD;
	s1 =	sshrl.u32 s1, $0x2  }
0xbf: {  	s3 =	sand.u32 $0x4000, s31;
	s1 =	sadd.s32 s1, s30  }
0xc0: {  	s0 =	sor.u32 s3, s0;
	s1 =	sshll.u32 s1, $0x11  }
0xc1: {  	s0 =	sor.u32 s1, s0  }
0xc2: {  	s0 =	sadd.s32 $0x8F2B, s0  }
0xc3: {  	[sflag:s0] =	ssyncadd.remote.s32 $0x1  }
0xc4: {  	_ =	sfence.sel $0xFFFF  }
0xc5: {  	[dreg:$0x0] =	wrdreg $0xFFFFFFFF;
	(pc) =	sbr.abs _section_cstart, $3  }
0xc6: {  	[dreg:$0x1] =	wrdreg $0xFFFFFFFF  }
0xc7: {  	_ =	task.clear_ibuf [dreg:s7], $0x2FFFF;
	_ =	strace $0x9FFFFFFF  }
0xc8: {  	(tm) =	ssettm $0x7FFFFFFF  }
0xc9: {  	_ =	shalt  }
tec
execute0_lowered:
.L_overlay_start_1:
0x0: {  	(tag) =	ssettag $0x1  }
0x1: {  	s2 =	rddreg [dreg:$0x0]  }
0x2: {  	s0 =	rddreg [dreg:$0x1]  }
0x3: {  	s1 =	srdreg.scid;
	s4 =	stileid.u32;
	s3 =	simm.s32 $0x0  }
0x4: {  	s11 =	simm.s32 $0x3;
	s13 =	simm.s32 $0x200;
	s23 =	simm.s32 $0x5200  }
0x5: {  	s24 =	simm.s32 $0x5A00;
	s25 =	simm.s32 $0x6200;
	s28 =	simm.s32 $0x7200  }
0x6: {  	s29 =	simm.s32 $0x7A00;
	s30 =	simm.s32 $0x8200;
	s31 =	simm.s32 $0x8A00  }
0x7: {  	s12 =	simm.s32 $0xA200;
	s14 =	simm.s32 $0xAA00;
	s15 =	simm.s32 $0xB200  }
0x8: {  	s16 =	simm.s32 $0xBA00;
	s17 =	simm.s32 $0x1;
	s18 =	simm.s32 $0x2  }
0x9: {  	s19 =	simm.s32 $0x0;
	s1 =	sand.u32 $0x1, s1;
	s4 =	sshll.u32 s4, $0x1  }
0xa: {  	[smem:$0x7FF] =	sst s3;
	s4 =	sor.u32 s1, s4;
	s1 =	ssub.s32 $0x2, s1  }
0xb: {  	_ =	strace $0x8000004A;
	s5 =	sshll.u32 s4, $0x5;
	s7 =	smul.u32 $0xC000, s4  }
0xc: {  	s6 =	sshrl.u32 s1, $0x1;
	s4 =	smul.u32 $0x1800, s4;
	s5 =	sadd.s32 s5, s2  }
0xd: {  	s1 =	ssub.s32 s1, s6;
	s6 =	sadd.s32 $0x100, s2;
	s26 =	sadd.s32 $0x78400, s5  }
0xe: {  	s7 =	sshrl.u32 s7, $0x3;
	s5 =	sadd.s32 $0x78000, s5;
	s8 =	sadd.s32 s0, s4  }
0xf: {  	v2 =	vlaneseq.u32;
	s10 =	smax.u32 s1, $0x1;
	s1 =	simm.s32 $0x9A00;
	[dreg:$0x3] =	wrdreg s26  }
0x10: {  	vm0 =	vmmov $0xffff;
	v1 =	vshrl.u32 v2, $0x3;
	[dreg:$0x4] =	wrdreg s5;
	s9 =	sadd.s32 s0, s7;
	s7 =	sadd.s32 $0x200, s2  }
0x11: {  	v0 =	vand.u32 $0x7, v2;
	v2 =	vor.u32 $0x8, v2;
	v1 =	vmul.u32 $0x8, v1;
	s26 =	simm.s32 $0x6A00;
	s0 =	simm.s32 $0x9200;
	s9 =	sadd.s32 $0xC00, s9  }
.LBB2_1:
0x12: {  	s4 =	rddreg [dreg:$0x3]  }
0x13: {  	[tilespmem:s3], [sflag:$0x3] =	stream.linear.gather [hbm4b:s4+s3], $0x100, $0x38;
	[tilespmem:$0xC200] =	vst v63  }
0x14: {  	_ =	swait.ge [sflag:s11], $0x100  }
0x15: {  	[sflag:s11] =	ssyncset.done $0x0  }
0x16: {  	s5 =	simm.s32 $0x100;
	s20 =	rddreg [dreg:$0x4];
	[sflag:s11] =	ssyncadd.s32 $0xFFFFFF00  }
0x17: {  	[tilespmem:s5], [sflag:$0x3] =	stream.linear.gather [hbm4b:s20+s3], $0x100, $0x38;
	[tilespmem:$0xC200] =	vst v63  }
0x18: {  	_ =	swait.ge [sflag:s11], $0x100  }
0x19: {  	[sflag:s11] =	ssyncset.done $0x0  }
0x1a: {  	[sflag:s11] =	ssyncadd.s32 $0xFFFFFF00  }
0x1b: {  	v3 =	vld [tilespmem:$0x0];
	_ =	sdelay $0x4  }
0x1c: {  	v4 =	vshrl.u32 v3, $0x3  }
0x1d: {  	v4 =	vmul.u32 $0x30, v4  }
0x1e: {  	v3 =	vand.u32 $0x7, v3  }
0x1f: {  	v3 =	vor.u32 v3, v4  }
0x20: {  	v4 =	vperm.xlane v3, v0;
	_ =	sdelay $0x1  }
0x21: {  	v4 =	vadd.s32 v1, v4;
	_ =	sdelay $0x3  }
0x22: {  	v3 =	vperm.xlane v3, v2  }
0x23: {  	[tilespmem:s13], [sflag:$0x1] =	stream.indirect_vreg.gather [hbm4b:s2+s3], $0x80, v4, vm0, $0xb8;
	[tilespmem:$0xC200] =	vst v63  }
0x24: {  	s21 =	simm.s32 $0xA00;
	v3 =	vadd.s32 v1, v3  }
0x25: {  	[tilespmem:s21], [sflag:$0x1] =	stream.indirect_vreg.gather [hbm4b:s6+s3], $0x80, v4, vm0, $0xb8;
	[tilespmem:$0xC200] =	vst v63  }
0x26: {  	s22 =	simm.s32 $0x1200  }
0x27: {  	[tilespmem:s22], [sflag:$0x1] =	stream.indirect_vreg.gather [hbm4b:s7+s3], $0x80, v4, vm0, $0xb8;
	[tilespmem:$0xC200] =	vst v63  }
0x28: {  	s5 =	simm.s32 $0x1A00  }
0x29: {  	[tilespmem:s5], [sflag:$0x1] =	stream.indirect_vreg.gather [hbm4b:s2+s3], $0x80, v3, vm0, $0xb8;
	[tilespmem:$0xC200] =	vst v63  }
0x2a: {  	s20 =	simm.s32 $0x2200  }
0x2b: {  	[tilespmem:s20], [sflag:$0x1] =	stream.indirect_vreg.gather [hbm4b:s6+s3], $0x80, v3, vm0, $0xb8;
	[tilespmem:$0xC200] =	vst v63  }
0x2c: {  	s21 =	simm.s32 $0x2A00  }
0x2d: {  	[tilespmem:s21], [sflag:$0x1] =	stream.indirect_vreg.gather [hbm4b:s7+s3], $0x80, v3, vm0, $0xb8;
	[tilespmem:$0xC200] =	vst v63  }
0x2e: {  	v3 =	vld [tilespmem:$0x10];
	_ =	sdelay $0x4  }
0x2f: {  	v4 =	vshrl.u32 v3, $0x3  }
0x30: {  	v4 =	vmul.u32 $0x30, v4  }
0x31: {  	v3 =	vand.u32 $0x7, v3  }
0x32: {  	v3 =	vor.u32 v3, v4  }
0x33: {  	v4 =	vperm.xlane v3, v0;
	_ =	sdelay $0x1  }
0x34: {  	v4 =	vadd.s32 v1, v4;
	_ =	sdelay $0x3  }
0x35: {  	s22 =	simm.s32 $0x3200;
	v3 =	vperm.xlane v3, v2  }
0x36: {  	[tilespmem:s22], [sflag:$0x1] =	stream.indirect_vreg.gather [hbm4b:s2+s3], $0x80, v4, vm0, $0xb8;
	[tilespmem:$0xC200] =	vst v63  }
0x37: {  	s5 =	simm.s32 $0x3A00;
	v3 =	vadd.s32 v1, v3  }
0x38: {  	[tilespmem:s5], [sflag:$0x1] =	stream.indirect_vreg.gather [hbm4b:s6+s3], $0x80, v4, vm0, $0xb8;
	[tilespmem:$0xC200] =	vst v63  }
0x39: {  	s20 =	simm.s32 $0x4200  }
0x3a: {  	[tilespmem:s20], [sflag:$0x1] =	stream.indirect_vreg.gather [hbm4b:s7+s3], $0x80, v4, vm0, $0xb8;
	[tilespmem:$0xC200] =	vst v63  }
0x3b: {  	s21 =	simm.s32 $0x4A00  }
0x3c: {  	[tilespmem:s21], [sflag:$0x1] =	stream.indirect_vreg.gather [hbm4b:s2+s3], $0x80, v3, vm0, $0xb8;
	[tilespmem:$0xC200] =	vst v63  }
0x3d: {  	_ = 	snop  }
0x3e: {  	[tilespmem:s23], [sflag:$0x1] =	stream.indirect_vreg.gather [hbm4b:s6+s3], $0x80, v3, vm0, $0xb8;
	[tilespmem:$0xC200] =	vst v63  }
0x3f: {  	_ = 	snop  }
0x40: {  	[tilespmem:s24], [sflag:$0x1] =	stream.indirect_vreg.gather [hbm4b:s7+s3], $0x80, v3, vm0, $0xb8;
	[tilespmem:$0xC200] =	vst v63  }
0x41: {  	v3 =	vld [tilespmem:$0x100];
	_ =	sdelay $0x4  }
0x42: {  	v4 =	vshrl.u32 v3, $0x3  }
0x43: {  	v4 =	vmul.u32 $0x30, v4  }
0x44: {  	v3 =	vand.u32 $0x7, v3  }
0x45: {  	v3 =	vor.u32 v3, v4  }
0x46: {  	v4 =	vperm.xlane v3, v0;
	_ =	sdelay $0x1  }
0x47: {  	v4 =	vadd.s32 v1, v4;
	_ =	sdelay $0x3  }
0x48: {  	v3 =	vperm.xlane v3, v2  }
0x49: {  	[tilespmem:s25], [sflag:$0x2] =	stream.indirect_vreg.gather [hbm4b:s2+s3], $0x80, v4, vm0, $0xb8;
	[tilespmem:$0xC200] =	vst v63  }
0x4a: {  	v3 =	vadd.s32 v1, v3  }
0x4b: {  	[tilespmem:s26], [sflag:$0x2] =	stream.indirect_vreg.gather [hbm4b:s6+s3], $0x80, v4, vm0, $0xb8;
	[tilespmem:$0xC200] =	vst v63  }
0x4c: {  	_ = 	snop  }
0x4d: {  	[tilespmem:s28], [sflag:$0x2] =	stream.indirect_vreg.gather [hbm4b:s7+s3], $0x80, v4, vm0, $0xb8;
	[tilespmem:$0xC200] =	vst v63  }
0x4e: {  	_ = 	snop  }
0x4f: {  	[tilespmem:s29], [sflag:$0x2] =	stream.indirect_vreg.gather [hbm4b:s2+s3], $0x80, v3, vm0, $0xb8;
	[tilespmem:$0xC200] =	vst v63  }
0x50: {  	_ = 	snop  }
0x51: {  	[tilespmem:s30], [sflag:$0x2] =	stream.indirect_vreg.gather [hbm4b:s6+s3], $0x80, v3, vm0, $0xb8;
	[tilespmem:$0xC200] =	vst v63  }
0x52: {  	_ = 	snop  }
0x53: {  	[tilespmem:s31], [sflag:$0x2] =	stream.indirect_vreg.gather [hbm4b:s7+s3], $0x80, v3, vm0, $0xb8;
	[tilespmem:$0xC200] =	vst v63  }
0x54: {  	v3 =	vld [tilespmem:$0x110];
	_ =	sdelay $0x4  }
0x55: {  	v4 =	vshrl.u32 v3, $0x3  }
0x56: {  	v4 =	vmul.u32 $0x30, v4  }
0x57: {  	v3 =	vand.u32 $0x7, v3  }
0x58: {  	v3 =	vor.u32 v3, v4  }
0x59: {  	v4 =	vperm.xlane v3, v0;
	_ =	sdelay $0x1  }
0x5a: {  	v4 =	vadd.s32 v1, v4;
	_ =	sdelay $0x3  }
0x5b: {  	v3 =	vperm.xlane v3, v2  }
0x5c: {  	[tilespmem:s0], [sflag:$0x2] =	stream.indirect_vreg.gather [hbm4b:s2+s3], $0x80, v4, vm0, $0xb8;
	[tilespmem:$0xC200] =	vst v63  }
0x5d: {  	v3 =	vadd.s32 v1, v3  }
0x5e: {  	[tilespmem:s1], [sflag:$0x2] =	stream.indirect_vreg.gather [hbm4b:s6+s3], $0x80, v4, vm0, $0xb8;
	[tilespmem:$0xC200] =	vst v63  }
0x5f: {  	_ = 	snop  }
0x60: {  	[tilespmem:s12], [sflag:$0x2] =	stream.indirect_vreg.gather [hbm4b:s7+s3], $0x80, v4, vm0, $0xb8;
	[tilespmem:$0xC200] =	vst v63  }
0x61: {  	_ = 	snop  }
0x62: {  	[tilespmem:s14], [sflag:$0x2] =	stream.indirect_vreg.gather [hbm4b:s2+s3], $0x80, v3, vm0, $0xb8;
	[tilespmem:$0xC200] =	vst v63  }
0x63: {  	_ = 	snop  }
0x64: {  	[tilespmem:s15], [sflag:$0x2] =	stream.indirect_vreg.gather [hbm4b:s6+s3], $0x80, v3, vm0, $0xb8;
	[tilespmem:$0xC200] =	vst v63  }
0x65: {  	_ = 	snop  }
0x66: {  	[tilespmem:s16], [sflag:$0x2] =	stream.indirect_vreg.gather [hbm4b:s7+s3], $0x80, v3, vm0, $0xb8;
	[tilespmem:$0xC200] =	vst v63  }
0x67: {  	_ =	swait.ge [sflag:s17], $0x6000  }
0x68: {  	[sflag:s17] =	ssyncset.done $0x0  }
0x69: {  	s22 =	simm.s32 $0x0;
	[sflag:s17] =	ssyncadd.s32 $0xFFFFA000  }
0x6a: {  	s4 =	smul.u32 $0x1800, s22;
	_ =	swait.ge [sflag:s18], $0x6000  }
0x6b: {  	s20 =	sand.u32 $0x380, s3;
	[sflag:s18] =	ssyncset.done $0x0  }
0x6c: {  	s4 =	sor.u32 s20, s4;
	[sflag:s18] =	ssyncadd.s32 $0xFFFFA000  }
0x6d: {  	v12 =	vld [tilespmem:s4+$0x6200]  }
0x6e: {  	v13 =	vld [tilespmem:s4+$0x6210]  }
0x6f: {  	v14 =	vld [tilespmem:s4+$0x6220]  }
0x70: {  	v15 =	vld [tilespmem:s4+$0x6230]  }
0x71: {  	v16 =	vld [tilespmem:s4+$0x6240]  }
0x72: {  	v17 =	vld [tilespmem:s4+$0x6250]  }
0x73: {  	v18 =	vld [tilespmem:s4+$0x6260]  }
0x74: {  	v19 =	vld [tilespmem:s4+$0x6270]  }
0x75: {  	v20 =	vld [tilespmem:s4+$0x6600]  }
0x76: {  	v21 =	vld [tilespmem:s4+$0x6610]  }
0x77: {  	v22 =	vld [tilespmem:s4+$0x6620]  }
0x78: {  	v23 =	vld [tilespmem:s4+$0x6630]  }
0x79: {  	v24 =	vld [tilespmem:s4+$0x6640]  }
0x7a: {  	v25 =	vld [tilespmem:s4+$0x6650]  }
0x7b: {  	v26 =	vld [tilespmem:s4+$0x6660]  }
0x7c: {  	v27 =	vld [tilespmem:s4+$0x6670]  }
0x7d: {  	v28 =	vld [tilespmem:s4+$0x6A00]  }
0x7e: {  	v29 =	vld [tilespmem:s4+$0x6A10]  }
0x7f: {  	v30 =	vld [tilespmem:s4+$0x6A20]  }
0x80: {  	v31 =	vld [tilespmem:s4+$0x6A30]  }
0x81: {  	v32 =	vld [tilespmem:s4+$0x6A40]  }
0x82: {  	v33 =	vld [tilespmem:s4+$0x6A50]  }
0x83: {  	v34 =	vld [tilespmem:s4+$0x6A60]  }
0x84: {  	v35 =	vld [tilespmem:s4+$0x6A70]  }
0x85: {  	v36 =	vld [tilespmem:s4+$0x6E00]  }
0x86: {  	v37 =	vld [tilespmem:s4+$0x6E10]  }
0x87: {  	v38 =	vld [tilespmem:s4+$0x6E20]  }
0x88: {  	v39 =	vld [tilespmem:s4+$0x6E30]  }
0x89: {  	v40 =	vld [tilespmem:s4+$0x6E40]  }
0x8a: {  	v41 =	vld [tilespmem:s4+$0x6E50]  }
0x8b: {  	v42 =	vld [tilespmem:s4+$0x6E60]  }
0x8c: {  	v43 =	vld [tilespmem:s4+$0x6E70]  }
0x8d: {  	v44 =	vld [tilespmem:s4+$0x7200]  }
0x8e: {  	v45 =	vld [tilespmem:s4+$0x7210]  }
0x8f: {  	v46 =	vld [tilespmem:s4+$0x7220]  }
0x90: {  	v47 =	vld [tilespmem:s4+$0x7230]  }
0x91: {  	v48 =	vld [tilespmem:s4+$0x7240]  }
0x92: {  	v49 =	vld [tilespmem:s4+$0x7250]  }
0x93: {  	v50 =	vld [tilespmem:s4+$0x7260]  }
0x94: {  	v11 =	vld [tilespmem:s4+$0x7270]  }
0x95: {  	v10 =	vld [tilespmem:s4+$0x7600]  }
0x96: {  	v9 =	vld [tilespmem:s4+$0x7610]  }
0x97: {  	v8 =	vld [tilespmem:s4+$0x7620]  }
0x98: {  	v7 =	vld [tilespmem:s4+$0x7630]  }
0x99: {  	v6 =	vld [tilespmem:s4+$0x7640]  }
0x9a: {  	v51 =	vld [tilespmem:s4+$0x200]  }
0x9b: {  	v52 =	vld [tilespmem:s4+$0x210]  }
0x9c: {  	v53 =	vld [tilespmem:s4+$0x220]  }
0x9d: {  	v54 =	vld [tilespmem:s4+$0x230]  }
0x9e: {  	v55 =	vld [tilespmem:s4+$0x240]  }
0x9f: {  	v62 =	vld [tilespmem:s4+$0x250];
	v12 =	vadd.f32 v12, v51  }
0xa0: {  	v63 =	vld [tilespmem:s4+$0x260];
	v13 =	vadd.f32 v13, v52  }
0xa1: {  	[tilespmem:s4+$0x200] =	vst v12;
	v12 =	vadd.f32 v14, v53;
	v14 =	vld [tilespmem:s4+$0x270]  }
0xa2: {  	[tilespmem:s4+$0x210] =	vst v13;
	v13 =	vadd.f32 v15, v54;
	v15 =	vld [tilespmem:s4+$0x600]  }
0xa3: {  	[tilespmem:s4+$0x220] =	vst v12;
	v12 =	vadd.f32 v16, v55;
	v16 =	vld [tilespmem:s4+$0x610]  }
0xa4: {  	[tilespmem:s4+$0x230] =	vst v13;
	v13 =	vadd.f32 v17, v62;
	v17 =	vld [tilespmem:s4+$0x620]  }
0xa5: {  	v5 =	vld [tilespmem:s4+$0x7650]  }
0xa6: {  	[tilespmem:s4+$0x240] =	vst v12;
	v12 =	vadd.f32 v18, v63;
	v18 =	vld [tilespmem:s4+$0x670]  }
0xa7: {  	[tilespmem:s4+$0x250] =	vst v13;
	v13 =	vadd.f32 v19, v14;
	v14 =	vld [tilespmem:s4+$0x630]  }
0xa8: {  	[tilespmem:s4+$0x260] =	vst v12;
	v12 =	vadd.f32 v20, v15;
	v15 =	vld [tilespmem:s4+$0x640]  }
0xa9: {  	[tilespmem:s4+$0x270] =	vst v13;
	v13 =	vadd.f32 v21, v16;
	v16 =	vadd.f32 v22, v17;
	v17 =	vld [tilespmem:s4+$0x660]  }
0xaa: {  	[tilespmem:s4+$0x600] =	vst v12;
	v12 =	vld [tilespmem:s4+$0x650]  }
0xab: {  	[tilespmem:s4+$0x610] =	vst v13;
	v13 =	vld [tilespmem:s4+$0xA00];
	v18 =	vadd.f32 v27, v18  }
0xac: {  	[tilespmem:s4+$0x620] =	vst v16;
	v16 =	vld [tilespmem:s4+$0xA10];
	v14 =	vadd.f32 v23, v14  }
0xad: {  	v4 =	vld [tilespmem:s4+$0x7660];
	v15 =	vadd.f32 v24, v15;
	[tilespmem:s4+$0x670] =	vst v18  }
0xae: {  	[tilespmem:s4+$0x630] =	vst v14;
	v14 =	vld [tilespmem:s4+$0xA20];
	v17 =	vadd.f32 v26, v17  }
0xaf: {  	v12 =	vadd.f32 v25, v12;
	[tilespmem:s4+$0x640] =	vst v15;
	v15 =	vld [tilespmem:s4+$0xA30]  }
0xb0: {  	v18 =	vld [tilespmem:s4+$0xA70];
	[tilespmem:s4+$0x660] =	vst v17;
	v13 =	vadd.f32 v28, v13  }
0xb1: {  	v16 =	vadd.f32 v29, v16;
	[tilespmem:s4+$0x650] =	vst v12;
	v12 =	vld [tilespmem:s4+$0xA40]  }
0xb2: {  	v17 =	vld [tilespmem:s4+$0xA50];
	[tilespmem:s4+$0xA00] =	vst v13  }
0xb3: {  	[tilespmem:s4+$0xA10] =	vst v16;
	v16 =	vld [tilespmem:s4+$0xA60];
	v13 =	vadd.f32 v30, v14  }
0xb4: {  	v14 =	vld [tilespmem:s4+$0xE00];
	v15 =	vadd.f32 v31, v15  }
0xb5: {  	[tilespmem:s4+$0xA20] =	vst v13;
	v13 =	vld [tilespmem:s4+$0xE10]  }
0xb6: {  	v12 =	vadd.f32 v32, v12;
	[tilespmem:s4+$0xA30] =	vst v15;
	v15 =	vld [tilespmem:s4+$0xE20]  }
0xb7: {  	v3 =	vld [tilespmem:s4+$0x7670];
	v17 =	vadd.f32 v33, v17  }
0xb8: {  	v16 =	vadd.f32 v34, v16;
	[tilespmem:s4+$0xA40] =	vst v12;
	v12 =	vld [tilespmem:s4+$0xE30]  }
0xb9: {  	[tilespmem:s4+$0xA50] =	vst v17;
	v17 =	vld [tilespmem:s4+$0xE40];
	v14 =	vadd.f32 v36, v14  }
0xba: {  	v18 =	vadd.f32 v35, v18;
	[tilespmem:s4+$0xA60] =	vst v16;
	v16 =	vld [tilespmem:s4+$0xE50]  }
0xbb: {  	v13 =	vadd.f32 v37, v13;
	[tilespmem:s4+$0xE00] =	vst v14;
	v14 =	vadd.f32 v38, v15;
	v15 =	vld [tilespmem:s4+$0xE60]  }
0xbc: {  	[tilespmem:s4+$0xA70] =	vst v18;
	v18 =	vld [tilespmem:s4+$0xE70]  }
0xbd: {  	[tilespmem:s4+$0xE10] =	vst v13;
	v13 =	vld [tilespmem:s4+$0x1200];
	v12 =	vadd.f32 v39, v12  }
0xbe: {  	v17 =	vadd.f32 v40, v17;
	[tilespmem:s4+$0xE20] =	vst v14;
	v14 =	vld [tilespmem:s4+$0x1210]  }
0xbf: {  	v16 =	vadd.f32 v41, v16;
	[tilespmem:s4+$0xE30] =	vst v12;
	v12 =	vld [tilespmem:s4+$0x1220]  }
0xc0: {  	[tilespmem:s4+$0xE40] =	vst v17;
	v17 =	vld [tilespmem:s4+$0x1230];
	v15 =	vadd.f32 v42, v15  }
0xc1: {  	v19 =	vld [tilespmem:s4+$0x1240];
	[tilespmem:s4+$0xE50] =	vst v16;
	v16 =	vadd.f32 v43, v18  }
0xc2: {  	v18 =	vld [tilespmem:s4+$0x1250];
	v13 =	vadd.f32 v44, v13;
	[tilespmem:s4+$0xE60] =	vst v15  }
0xc3: {  	v20 =	vld [tilespmem:s4+$0x1260];
	[tilespmem:s4+$0xE70] =	vst v16;
	v14 =	vadd.f32 v45, v14  }
0xc4: {  	v16 =	vld [tilespmem:s4+$0x1270];
	[tilespmem:s4+$0x1200] =	vst v13;
	v12 =	vadd.f32 v46, v12  }
0xc5: {  	v15 =	vld [tilespmem:s4+$0x1600];
	v13 =	vadd.f32 v47, v17;
	[tilespmem:s4+$0x1210] =	vst v14  }
0xc6: {  	v14 =	vld [tilespmem:s4+$0x1610];
	[tilespmem:s4+$0x1220] =	vst v12;
	v12 =	vadd.f32 v48, v19  }
0xc7: {  	[tilespmem:s4+$0x1230] =	vst v13;
	v13 =	vld [tilespmem:s4+$0x1620];
	v18 =	vadd.f32 v49, v18  }
0xc8: {  	s20 =	simm.s32 $0x1;
	s21 =	simm.s32 $0x0;
	v17 =	vadd.f32 v50, v20;
	[tilespmem:s4+$0x1240] =	vst v12;
	v12 =	vld [tilespmem:s4+$0x1630]  }
.LBB2_2:
0xc9: {  	s22 =	sshrl.u32 s20, $0x3;
	p0 =	sne.s32 s20, $0x1F;
	[tilespmem:s4+$0x1250] =	vst v18;
	v11 =	vadd.f32 v11, v16;
	v16 =	vld [tilespmem:s4+$0x1640]  }
0xca: {  	s21 =	sadd.s32 $0x80, s21;
	s22 =	smul.u32 $0x1800, s22;
	[tilespmem:s4+$0x1260] =	vst v17;
	v10 =	vadd.f32 v10, v15;
	v15 =	vld [tilespmem:s4+$0x1650]  }
0xcb: {  	s5 =	sand.u32 $0x380, s21;
	[tilespmem:s4+$0x1270] =	vst v11;
	v9 =	vadd.f32 v9, v14;
	v11 =	vld [tilespmem:s4+$0x1660]  }
0xcc: {  	s5 =	sor.u32 s5, s22;
	[tilespmem:s4+$0x1600] =	vst v10;
	v8 =	vadd.f32 v8, v13;
	v10 =	vld [tilespmem:s4+$0x1670]  }
0xcd: {  	v39 =	vld [tilespmem:s5+$0x6200];
	[tilespmem:s4+$0x1610] =	vst v9;
	v7 =	vadd.f32 v7, v12  }
0xce: {  	v40 =	vld [tilespmem:s5+$0x6210];
	[tilespmem:s4+$0x1620] =	vst v8;
	v6 =	vadd.f32 v6, v16  }
0xcf: {  	v41 =	vld [tilespmem:s5+$0x6220];
	[tilespmem:s4+$0x1630] =	vst v7;
	v5 =	vadd.f32 v5, v15  }
0xd0: {  	v42 =	vld [tilespmem:s5+$0x6230];
	[tilespmem:s4+$0x1640] =	vst v6;
	v4 =	vadd.f32 v4, v11  }
0xd1: {  	v43 =	vld [tilespmem:s5+$0x6240];
	[tilespmem:s4+$0x1650] =	vst v5;
	v3 =	vadd.f32 v3, v10  }
0xd2: {  	v44 =	vld [tilespmem:s5+$0x6250];
	[tilespmem:s4+$0x1660] =	vst v4  }
0xd3: {  	v45 =	vld [tilespmem:s5+$0x6260];
	[tilespmem:s4+$0x1670] =	vst v3;
	s4 =	smov.u32 s5  }
0xd4: {  	v46 =	vld [tilespmem:s4+$0x6270]  }
0xd5: {  	v47 =	vld [tilespmem:s4+$0x6600]  }
0xd6: {  	v48 =	vld [tilespmem:s4+$0x6610]  }
0xd7: {  	v49 =	vld [tilespmem:s4+$0x6620]  }
0xd8: {  	v50 =	vld [tilespmem:s4+$0x6630]  }
0xd9: {  	v38 =	vld [tilespmem:s4+$0x6640]  }
0xda: {  	v37 =	vld [tilespmem:s4+$0x6650]  }
0xdb: {  	v36 =	vld [tilespmem:s4+$0x6660]  }
0xdc: {  	v35 =	vld [tilespmem:s4+$0x6670]  }
0xdd: {  	v34 =	vld [tilespmem:s4+$0x6A00]  }
0xde: {  	v33 =	vld [tilespmem:s4+$0x6A10]  }
0xdf: {  	v32 =	vld [tilespmem:s4+$0x6A20]  }
0xe0: {  	v31 =	vld [tilespmem:s4+$0x6A30]  }
0xe1: {  	v30 =	vld [tilespmem:s4+$0x6A40]  }
0xe2: {  	v29 =	vld [tilespmem:s4+$0x6A50]  }
0xe3: {  	v28 =	vld [tilespmem:s4+$0x6A60]  }
0xe4: {  	v27 =	vld [tilespmem:s4+$0x6A70]  }
0xe5: {  	v26 =	vld [tilespmem:s4+$0x6E00]  }
0xe6: {  	v25 =	vld [tilespmem:s4+$0x6E10]  }
0xe7: {  	v24 =	vld [tilespmem:s4+$0x6E20]  }
0xe8: {  	v23 =	vld [tilespmem:s4+$0x6E30]  }
0xe9: {  	v22 =	vld [tilespmem:s4+$0x6E40]  }
0xea: {  	v21 =	vld [tilespmem:s4+$0x6E50]  }
0xeb: {  	v20 =	vld [tilespmem:s4+$0x6E60]  }
0xec: {  	v19 =	vld [tilespmem:s4+$0x6E70]  }
0xed: {  	v18 =	vld [tilespmem:s4+$0x7200]  }
0xee: {  	v17 =	vld [tilespmem:s4+$0x7210]  }
0xef: {  	v16 =	vld [tilespmem:s4+$0x7220]  }
0xf0: {  	v15 =	vld [tilespmem:s4+$0x7230]  }
0xf1: {  	v14 =	vld [tilespmem:s4+$0x7240]  }
0xf2: {  	v13 =	vld [tilespmem:s4+$0x7250]  }
0xf3: {  	v12 =	vld [tilespmem:s4+$0x7260]  }
0xf4: {  	v11 =	vld [tilespmem:s4+$0x7270]  }
0xf5: {  	v10 =	vld [tilespmem:s4+$0x7600]  }
0xf6: {  	v9 =	vld [tilespmem:s4+$0x7610]  }
0xf7: {  	v8 =	vld [tilespmem:s4+$0x7620]  }
0xf8: {  	v7 =	vld [tilespmem:s4+$0x7630]  }
0xf9: {  	v6 =	vld [tilespmem:s4+$0x7640]  }
0xfa: {  	v5 =	vld [tilespmem:s4+$0x7650]  }
0xfb: {  	v4 =	vld [tilespmem:s4+$0x7660]  }
0xfc: {  	v3 =	vld [tilespmem:s4+$0x7670]  }
0xfd: {  	v51 =	vld [tilespmem:s4+$0x200]  }
0xfe: {  	v52 =	vld [tilespmem:s4+$0x210]  }
0xff: {  	v53 =	vld [tilespmem:s4+$0x220]  }
0x100: {  	v54 =	vld [tilespmem:s4+$0x230]  }
0x101: {  	v55 =	vld [tilespmem:s4+$0x240]  }
0x102: {  	v39 =	vadd.f32 v39, v51;
	v51 =	vld [tilespmem:s4+$0x250]  }
0x103: {  	v40 =	vadd.f32 v40, v52;
	v52 =	vld [tilespmem:s4+$0x260]  }
0x104: {  	[tilespmem:s4+$0x200] =	vst v39;
	v39 =	vadd.f32 v41, v53;
	v41 =	vld [tilespmem:s4+$0x270]  }
0x105: {  	[tilespmem:s4+$0x210] =	vst v40;
	v40 =	vadd.f32 v42, v54;
	v42 =	vld [tilespmem:s4+$0x600]  }
0x106: {  	[tilespmem:s4+$0x220] =	vst v39;
	v39 =	vadd.f32 v43, v55;
	v43 =	vld [tilespmem:s4+$0x610]  }
0x107: {  	[tilespmem:s4+$0x230] =	vst v40;
	v40 =	vadd.f32 v44, v51;
	v44 =	vld [tilespmem:s4+$0x620]  }
0x108: {  	[tilespmem:s4+$0x240] =	vst v39;
	v39 =	vadd.f32 v45, v52;
	v45 =	vld [tilespmem:s4+$0x630]  }
0x109: {  	[tilespmem:s4+$0x250] =	vst v40;
	v40 =	vadd.f32 v46, v41;
	v41 =	vld [tilespmem:s4+$0x640]  }
0x10a: {  	[tilespmem:s4+$0x260] =	vst v39;
	v39 =	vadd.f32 v47, v42;
	v42 =	vld [tilespmem:s4+$0x650]  }
0x10b: {  	[tilespmem:s4+$0x270] =	vst v40;
	v40 =	vadd.f32 v48, v43;
	v43 =	vld [tilespmem:s4+$0x660]  }
0x10c: {  	[tilespmem:s4+$0x600] =	vst v39;
	v39 =	vadd.f32 v49, v44;
	v44 =	vld [tilespmem:s4+$0x670]  }
0x10d: {  	[tilespmem:s4+$0x610] =	vst v40;
	v40 =	vadd.f32 v50, v45;
	v45 =	vld [tilespmem:s4+$0xA00]  }
0x10e: {  	[tilespmem:s4+$0x620] =	vst v39;
	v38 =	vadd.f32 v38, v41;
	v39 =	vld [tilespmem:s4+$0xA10]  }
0x10f: {  	[tilespmem:s4+$0x630] =	vst v40;
	v37 =	vadd.f32 v37, v42;
	v40 =	vld [tilespmem:s4+$0xA20]  }
0x110: {  	[tilespmem:s4+$0x640] =	vst v38;
	v36 =	vadd.f32 v36, v43;
	v38 =	vld [tilespmem:s4+$0xA30]  }
0x111: {  	[tilespmem:s4+$0x650] =	vst v37;
	v35 =	vadd.f32 v35, v44;
	v37 =	vld [tilespmem:s4+$0xA40]  }
0x112: {  	[tilespmem:s4+$0x660] =	vst v36;
	v34 =	vadd.f32 v34, v45;
	v36 =	vld [tilespmem:s4+$0xA50]  }
0x113: {  	[tilespmem:s4+$0x670] =	vst v35;
	v33 =	vadd.f32 v33, v39;
	v35 =	vld [tilespmem:s4+$0xA60]  }
0x114: {  	[tilespmem:s4+$0xA00] =	vst v34;
	v32 =	vadd.f32 v32, v40;
	v34 =	vld [tilespmem:s4+$0xA70]  }
0x115: {  	[tilespmem:s4+$0xA10] =	vst v33;
	v31 =	vadd.f32 v31, v38;
	v33 =	vld [tilespmem:s4+$0xE00]  }
0x116: {  	[tilespmem:s4+$0xA20] =	vst v32;
	v30 =	vadd.f32 v30, v37;
	v32 =	vld [tilespmem:s4+$0xE10]  }
0x117: {  	[tilespmem:s4+$0xA30] =	vst v31;
	v29 =	vadd.f32 v29, v36;
	v31 =	vld [tilespmem:s4+$0xE20]  }
0x118: {  	[tilespmem:s4+$0xA40] =	vst v30;
	v28 =	vadd.f32 v28, v35;
	v30 =	vld [tilespmem:s4+$0xE30]  }
0x119: {  	[tilespmem:s4+$0xA50] =	vst v29;
	v27 =	vadd.f32 v27, v34;
	v29 =	vld [tilespmem:s4+$0xE40]  }
0x11a: {  	[tilespmem:s4+$0xA60] =	vst v28;
	v26 =	vadd.f32 v26, v33;
	v28 =	vld [tilespmem:s4+$0xE50]  }
0x11b: {  	[tilespmem:s4+$0xA70] =	vst v27;
	v25 =	vadd.f32 v25, v32;
	v27 =	vld [tilespmem:s4+$0xE60]  }
0x11c: {  	[tilespmem:s4+$0xE00] =	vst v26;
	v24 =	vadd.f32 v24, v31;
	v26 =	vld [tilespmem:s4+$0xE70]  }
0x11d: {  	[tilespmem:s4+$0xE10] =	vst v25;
	v23 =	vadd.f32 v23, v30;
	v25 =	vld [tilespmem:s4+$0x1200]  }
0x11e: {  	[tilespmem:s4+$0xE20] =	vst v24;
	v22 =	vadd.f32 v22, v29;
	v24 =	vld [tilespmem:s4+$0x1210]  }
0x11f: {  	[tilespmem:s4+$0xE30] =	vst v23;
	v21 =	vadd.f32 v21, v28;
	v23 =	vld [tilespmem:s4+$0x1220]  }
0x120: {  	[tilespmem:s4+$0xE40] =	vst v22;
	v20 =	vadd.f32 v20, v27;
	v22 =	vld [tilespmem:s4+$0x1230]  }
0x121: {  	[tilespmem:s4+$0xE50] =	vst v21;
	v19 =	vadd.f32 v19, v26;
	v21 =	vld [tilespmem:s4+$0x1240]  }
0x122: {  	[tilespmem:s4+$0xE60] =	vst v20;
	v18 =	vadd.f32 v18, v25;
	v20 =	vld [tilespmem:s4+$0x1250]  }
0x123: {  	[tilespmem:s4+$0xE70] =	vst v19;
	v17 =	vadd.f32 v17, v24;
	v19 =	vld [tilespmem:s4+$0x1260]  }
.Ltmp0:
0x124: {  	[tilespmem:s4+$0x1200] =	vst v18;
	v18 =	vadd.f32 v16, v23;
	v16 =	vld [tilespmem:s4+$0x1270];
	(pc) =	sbr.rel @p0 .LBB2_2-.Ltmp0, $4  }
0x125: {  	[tilespmem:s4+$0x1210] =	vst v17;
	v17 =	vadd.f32 v15, v22;
	v15 =	vld [tilespmem:s4+$0x1600]  }
0x126: {  	[tilespmem:s4+$0x1220] =	vst v18;
	v21 =	vadd.f32 v14, v21;
	v14 =	vld [tilespmem:s4+$0x1610]  }
0x127: {  	[tilespmem:s4+$0x1230] =	vst v17;
	v18 =	vadd.f32 v13, v20;
	v13 =	vld [tilespmem:s4+$0x1620]  }
0x128: {  	s20 =	sadd.s32 $0x1, s20;
	[tilespmem:s4+$0x1240] =	vst v21;
	v17 =	vadd.f32 v12, v19;
	v12 =	vld [tilespmem:s4+$0x1630]  }
0x129: {  	[tilespmem:s4+$0x1250] =	vst v18;
	v18 =	vld [tilespmem:s4+$0x1640];
	v11 =	vadd.f32 v11, v16  }
0x12a: {  	v16 =	vld [tilespmem:s4+$0x1650];
	[tilespmem:s4+$0x1260] =	vst v17;
	v10 =	vadd.f32 v10, v15  }
0x12b: {  	[tilespmem:s4+$0x1270] =	vst v11;
	v9 =	vadd.f32 v9, v14;
	v11 =	vld [tilespmem:s4+$0x1660]  }
0x12c: {  	[tilespmem:s4+$0x1600] =	vst v10;
	v8 =	vadd.f32 v8, v13;
	v10 =	vld [tilespmem:s4+$0x1670]  }
0x12d: {  	[tilespmem:s4+$0x1610] =	vst v9;
	v7 =	vadd.f32 v7, v12  }
0x12e: {  	[tilespmem:s4+$0x1620] =	vst v8;
	v6 =	vadd.f32 v6, v18  }
0x12f: {  	v5 =	vadd.f32 v5, v16;
	[tilespmem:s4+$0x1630] =	vst v7  }
0x130: {  	[tilespmem:s4+$0x1640] =	vst v6;
	v4 =	vadd.f32 v4, v11  }
0x131: {  	[tilespmem:s4+$0x1650] =	vst v5;
	v3 =	vadd.f32 v3, v10  }
0x132: {  	[tilespmem:s4+$0x1660] =	vst v4  }
0x133: {  	[tilespmem:s4+$0x1670] =	vst v3;
	s4 =	simm.s32 $0x0  }
0x134: {  	[hbm4b:s8+s4] =	stream.linear.scatter [tilespmem:s13], [sflag:$0x3], $0x6000, $0x38;
	[tilespmem:$0xC200] =	vst v63  }
0x135: {  	_ =	swait.ge [sflag:s11], $0x6000  }
0x136: {  	[sflag:s11] =	ssyncset.done $0x0  }
0x137: {  	[sflag:s11] =	ssyncadd.s32 $0xFFFFA000  }
0x138: {  	v3 =	vld [tilespmem:$0x80];
	_ =	sdelay $0x4  }
0x139: {  	v4 =	vshrl.u32 v3, $0x3  }
0x13a: {  	v4 =	vmul.u32 $0x30, v4  }
0x13b: {  	v3 =	vand.u32 $0x7, v3  }
0x13c: {  	v3 =	vor.u32 v3, v4  }
0x13d: {  	v4 =	vperm.xlane v3, v0;
	_ =	sdelay $0x1  }
0x13e: {  	v4 =	vadd.s32 v1, v4;
	_ =	sdelay $0x3  }
0x13f: {  	v3 =	vperm.xlane v3, v2  }
0x140: {  	[tilespmem:s13], [sflag:$0x1] =	stream.indirect_vreg.gather [hbm4b:s2+s4], $0x80, v4, vm0, $0xb8;
	[tilespmem:$0xC200] =	vst v63  }
0x141: {  	s5 =	simm.s32 $0xA00;
	v3 =	vadd.s32 v1, v3  }
0x142: {  	[tilespmem:s5], [sflag:$0x1] =	stream.indirect_vreg.gather [hbm4b:s6+s4], $0x80, v4, vm0, $0xb8;
	[tilespmem:$0xC200] =	vst v63  }
0x143: {  	s20 =	simm.s32 $0x1200  }
0x144: {  	[tilespmem:s20], [sflag:$0x1] =	stream.indirect_vreg.gather [hbm4b:s7+s4], $0x80, v4, vm0, $0xb8;
	[tilespmem:$0xC200] =	vst v63  }
0x145: {  	s21 =	simm.s32 $0x1A00  }
0x146: {  	[tilespmem:s21], [sflag:$0x1] =	stream.indirect_vreg.gather [hbm4b:s2+s4], $0x80, v3, vm0, $0xb8;
	[tilespmem:$0xC200] =	vst v63  }
0x147: {  	s22 =	simm.s32 $0x2200  }
0x148: {  	[tilespmem:s22], [sflag:$0x1] =	stream.indirect_vreg.gather [hbm4b:s6+s4], $0x80, v3, vm0, $0xb8;
	[tilespmem:$0xC200] =	vst v63  }
0x149: {  	s20 =	simm.s32 $0x2A00  }
0x14a: {  	[tilespmem:s20], [sflag:$0x1] =	stream.indirect_vreg.gather [hbm4b:s7+s4], $0x80, v3, vm0, $0xb8;
	[tilespmem:$0xC200] =	vst v63  }
0x14b: {  	v3 =	vld [tilespmem:$0x90];
	_ =	sdelay $0x4  }
0x14c: {  	v4 =	vshrl.u32 v3, $0x3  }
0x14d: {  	v4 =	vmul.u32 $0x30, v4  }
0x14e: {  	v3 =	vand.u32 $0x7, v3  }
0x14f: {  	v3 =	vor.u32 v3, v4  }
0x150: {  	v4 =	vperm.xlane v3, v0;
	_ =	sdelay $0x1  }
0x151: {  	v4 =	vadd.s32 v1, v4;
	_ =	sdelay $0x3  }
0x152: {  	s21 =	simm.s32 $0x3200;
	v3 =	vperm.xlane v3, v2  }
0x153: {  	[tilespmem:s21], [sflag:$0x1] =	stream.indirect_vreg.gather [hbm4b:s2+s4], $0x80, v4, vm0, $0xb8;
	[tilespmem:$0xC200] =	vst v63  }
0x154: {  	s22 =	simm.s32 $0x3A00;
	v3 =	vadd.s32 v1, v3  }
0x155: {  	[tilespmem:s22], [sflag:$0x1] =	stream.indirect_vreg.gather [hbm4b:s6+s4], $0x80, v4, vm0, $0xb8;
	[tilespmem:$0xC200] =	vst v63  }
0x156: {  	s20 =	simm.s32 $0x4200  }
0x157: {  	[tilespmem:s20], [sflag:$0x1] =	stream.indirect_vreg.gather [hbm4b:s7+s4], $0x80, v4, vm0, $0xb8;
	[tilespmem:$0xC200] =	vst v63  }
0x158: {  	s21 =	simm.s32 $0x4A00  }
0x159: {  	[tilespmem:s21], [sflag:$0x1] =	stream.indirect_vreg.gather [hbm4b:s2+s4], $0x80, v3, vm0, $0xb8;
	[tilespmem:$0xC200] =	vst v63  }
0x15a: {  	_ = 	snop  }
0x15b: {  	[tilespmem:s23], [sflag:$0x1] =	stream.indirect_vreg.gather [hbm4b:s6+s4], $0x80, v3, vm0, $0xb8;
	[tilespmem:$0xC200] =	vst v63  }
0x15c: {  	_ = 	snop  }
0x15d: {  	[tilespmem:s24], [sflag:$0x1] =	stream.indirect_vreg.gather [hbm4b:s7+s4], $0x80, v3, vm0, $0xb8;
	[tilespmem:$0xC200] =	vst v63  }
0x15e: {  	v3 =	vld [tilespmem:$0x180];
	_ =	sdelay $0x4  }
0x15f: {  	v4 =	vshrl.u32 v3, $0x3  }
0x160: {  	v4 =	vmul.u32 $0x30, v4  }
0x161: {  	v3 =	vand.u32 $0x7, v3  }
0x162: {  	v3 =	vor.u32 v3, v4  }
0x163: {  	v4 =	vperm.xlane v3, v0;
	_ =	sdelay $0x1  }
0x164: {  	v4 =	vadd.s32 v1, v4;
	_ =	sdelay $0x3  }
0x165: {  	v3 =	vperm.xlane v3, v2  }
0x166: {  	[tilespmem:s25], [sflag:$0x2] =	stream.indirect_vreg.gather [hbm4b:s2+s4], $0x80, v4, vm0, $0xb8;
	[tilespmem:$0xC200] =	vst v63  }
0x167: {  	v3 =	vadd.s32 v1, v3  }
0x168: {  	[tilespmem:s26], [sflag:$0x2] =	stream.indirect_vreg.gather [hbm4b:s6+s4], $0x80, v4, vm0, $0xb8;
	[tilespmem:$0xC200] =	vst v63  }
0x169: {  	_ = 	snop  }
0x16a: {  	[tilespmem:s28], [sflag:$0x2] =	stream.indirect_vreg.gather [hbm4b:s7+s4], $0x80, v4, vm0, $0xb8;
	[tilespmem:$0xC200] =	vst v63  }
0x16b: {  	_ = 	snop  }
0x16c: {  	[tilespmem:s29], [sflag:$0x2] =	stream.indirect_vreg.gather [hbm4b:s2+s4], $0x80, v3, vm0, $0xb8;
	[tilespmem:$0xC200] =	vst v63  }
0x16d: {  	_ = 	snop  }
0x16e: {  	[tilespmem:s30], [sflag:$0x2] =	stream.indirect_vreg.gather [hbm4b:s6+s4], $0x80, v3, vm0, $0xb8;
	[tilespmem:$0xC200] =	vst v63  }
0x16f: {  	_ = 	snop  }
0x170: {  	[tilespmem:s31], [sflag:$0x2] =	stream.indirect_vreg.gather [hbm4b:s7+s4], $0x80, v3, vm0, $0xb8;
	[tilespmem:$0xC200] =	vst v63  }
0x171: {  	v3 =	vld [tilespmem:$0x190];
	_ =	sdelay $0x4  }
0x172: {  	v4 =	vshrl.u32 v3, $0x3  }
0x173: {  	v4 =	vmul.u32 $0x30, v4  }
0x174: {  	v3 =	vand.u32 $0x7, v3  }
0x175: {  	v3 =	vor.u32 v3, v4  }
0x176: {  	v4 =	vperm.xlane v3, v0;
	_ =	sdelay $0x1  }
0x177: {  	v4 =	vadd.s32 v1, v4;
	_ =	sdelay $0x3  }
0x178: {  	v3 =	vperm.xlane v3, v2  }
0x179: {  	[tilespmem:s0], [sflag:$0x2] =	stream.indirect_vreg.gather [hbm4b:s2+s4], $0x80, v4, vm0, $0xb8;
	[tilespmem:$0xC200] =	vst v63  }
0x17a: {  	v3 =	vadd.s32 v1, v3  }
0x17b: {  	[tilespmem:s1], [sflag:$0x2] =	stream.indirect_vreg.gather [hbm4b:s6+s4], $0x80, v4, vm0, $0xb8;
	[tilespmem:$0xC200] =	vst v63  }
0x17c: {  	_ = 	snop  }
0x17d: {  	[tilespmem:s12], [sflag:$0x2] =	stream.indirect_vreg.gather [hbm4b:s7+s4], $0x80, v4, vm0, $0xb8;
	[tilespmem:$0xC200] =	vst v63  }
0x17e: {  	_ = 	snop  }
0x17f: {  	[tilespmem:s14], [sflag:$0x2] =	stream.indirect_vreg.gather [hbm4b:s2+s4], $0x80, v3, vm0, $0xb8;
	[tilespmem:$0xC200] =	vst v63  }
0x180: {  	_ = 	snop  }
0x181: {  	[tilespmem:s15], [sflag:$0x2] =	stream.indirect_vreg.gather [hbm4b:s6+s4], $0x80, v3, vm0, $0xb8;
	[tilespmem:$0xC200] =	vst v63  }
0x182: {  	_ = 	snop  }
0x183: {  	[tilespmem:s16], [sflag:$0x2] =	stream.indirect_vreg.gather [hbm4b:s7+s4], $0x80, v3, vm0, $0xb8;
	[tilespmem:$0xC200] =	vst v63  }
0x184: {  	_ =	swait.ge [sflag:s17], $0x6000  }
0x185: {  	[sflag:s17] =	ssyncset.done $0x0  }
0x186: {  	s22 =	simm.s32 $0x0;
	[sflag:s17] =	ssyncadd.s32 $0xFFFFA000  }
0x187: {  	s5 =	smul.u32 $0x1800, s22;
	_ =	swait.ge [sflag:s18], $0x6000  }
0x188: {  	s20 =	sand.u32 $0x380, s4;
	[sflag:s18] =	ssyncset.done $0x0  }
0x189: {  	s20 =	sor.u32 s20, s5;
	[sflag:s18] =	ssyncadd.s32 $0xFFFFA000  }
0x18a: {  	v12 =	vld [tilespmem:s20+$0x6200]  }
0x18b: {  	v13 =	vld [tilespmem:s20+$0x6210]  }
0x18c: {  	v14 =	vld [tilespmem:s20+$0x6220]  }
0x18d: {  	v15 =	vld [tilespmem:s20+$0x6230]  }
0x18e: {  	v16 =	vld [tilespmem:s20+$0x6240]  }
0x18f: {  	v17 =	vld [tilespmem:s20+$0x6250]  }
0x190: {  	v18 =	vld [tilespmem:s20+$0x6260]  }
0x191: {  	v19 =	vld [tilespmem:s20+$0x6270]  }
0x192: {  	v20 =	vld [tilespmem:s20+$0x6600]  }
0x193: {  	v21 =	vld [tilespmem:s20+$0x6610]  }
0x194: {  	v22 =	vld [tilespmem:s20+$0x6620]  }
0x195: {  	v23 =	vld [tilespmem:s20+$0x6630]  }
0x196: {  	v24 =	vld [tilespmem:s20+$0x6640]  }
0x197: {  	v25 =	vld [tilespmem:s20+$0x6650]  }
0x198: {  	v26 =	vld [tilespmem:s20+$0x6660]  }
0x199: {  	v27 =	vld [tilespmem:s20+$0x6670]  }
0x19a: {  	v28 =	vld [tilespmem:s20+$0x6A00]  }
0x19b: {  	v29 =	vld [tilespmem:s20+$0x6A10]  }
0x19c: {  	v30 =	vld [tilespmem:s20+$0x6A20]  }
0x19d: {  	v31 =	vld [tilespmem:s20+$0x6A30]  }
0x19e: {  	v32 =	vld [tilespmem:s20+$0x6A40]  }
0x19f: {  	v33 =	vld [tilespmem:s20+$0x6A50]  }
0x1a0: {  	v34 =	vld [tilespmem:s20+$0x6A60]  }
0x1a1: {  	v35 =	vld [tilespmem:s20+$0x6A70]  }
0x1a2: {  	v36 =	vld [tilespmem:s20+$0x6E00]  }
0x1a3: {  	v37 =	vld [tilespmem:s20+$0x6E10]  }
0x1a4: {  	v38 =	vld [tilespmem:s20+$0x6E20]  }
0x1a5: {  	v39 =	vld [tilespmem:s20+$0x6E30]  }
0x1a6: {  	v40 =	vld [tilespmem:s20+$0x6E40]  }
0x1a7: {  	v41 =	vld [tilespmem:s20+$0x6E50]  }
0x1a8: {  	v42 =	vld [tilespmem:s20+$0x6E60]  }
0x1a9: {  	v43 =	vld [tilespmem:s20+$0x6E70]  }
0x1aa: {  	v44 =	vld [tilespmem:s20+$0x7200]  }
0x1ab: {  	v45 =	vld [tilespmem:s20+$0x7210]  }
0x1ac: {  	v46 =	vld [tilespmem:s20+$0x7220]  }
0x1ad: {  	v47 =	vld [tilespmem:s20+$0x7230]  }
0x1ae: {  	v48 =	vld [tilespmem:s20+$0x7240]  }
0x1af: {  	v49 =	vld [tilespmem:s20+$0x7250]  }
0x1b0: {  	v50 =	vld [tilespmem:s20+$0x7260]  }
0x1b1: {  	v11 =	vld [tilespmem:s20+$0x7270]  }
0x1b2: {  	v10 =	vld [tilespmem:s20+$0x7600]  }
0x1b3: {  	v9 =	vld [tilespmem:s20+$0x7610]  }
0x1b4: {  	v8 =	vld [tilespmem:s20+$0x7620]  }
0x1b5: {  	v7 =	vld [tilespmem:s20+$0x7630]  }
0x1b6: {  	v6 =	vld [tilespmem:s20+$0x7640]  }
0x1b7: {  	v51 =	vld [tilespmem:s20+$0x200]  }
0x1b8: {  	v52 =	vld [tilespmem:s20+$0x210]  }
0x1b9: {  	v53 =	vld [tilespmem:s20+$0x220]  }
0x1ba: {  	v54 =	vld [tilespmem:s20+$0x230]  }
0x1bb: {  	v55 =	vld [tilespmem:s20+$0x240]  }
0x1bc: {  	v62 =	vld [tilespmem:s20+$0x250];
	v12 =	vadd.f32 v12, v51  }
0x1bd: {  	v63 =	vld [tilespmem:s20+$0x260];
	v13 =	vadd.f32 v13, v52  }
0x1be: {  	[tilespmem:s20+$0x200] =	vst v12;
	v12 =	vadd.f32 v14, v53;
	v14 =	vld [tilespmem:s20+$0x270]  }
0x1bf: {  	[tilespmem:s20+$0x210] =	vst v13;
	v13 =	vadd.f32 v15, v54;
	v15 =	vld [tilespmem:s20+$0x600]  }
0x1c0: {  	[tilespmem:s20+$0x220] =	vst v12;
	v12 =	vadd.f32 v16, v55;
	v16 =	vld [tilespmem:s20+$0x610]  }
0x1c1: {  	[tilespmem:s20+$0x230] =	vst v13;
	v13 =	vadd.f32 v17, v62;
	v17 =	vld [tilespmem:s20+$0x620]  }
0x1c2: {  	v5 =	vld [tilespmem:s20+$0x7650]  }
0x1c3: {  	[tilespmem:s20+$0x240] =	vst v12;
	v12 =	vadd.f32 v18, v63;
	v18 =	vld [tilespmem:s20+$0x670]  }
0x1c4: {  	[tilespmem:s20+$0x250] =	vst v13;
	v13 =	vadd.f32 v19, v14;
	v14 =	vld [tilespmem:s20+$0x630]  }
0x1c5: {  	[tilespmem:s20+$0x260] =	vst v12;
	v12 =	vadd.f32 v20, v15;
	v15 =	vld [tilespmem:s20+$0x640]  }
0x1c6: {  	[tilespmem:s20+$0x270] =	vst v13;
	v13 =	vadd.f32 v21, v16;
	v16 =	vadd.f32 v22, v17;
	v17 =	vld [tilespmem:s20+$0x660]  }
0x1c7: {  	[tilespmem:s20+$0x600] =	vst v12;
	v12 =	vld [tilespmem:s20+$0x650]  }
0x1c8: {  	[tilespmem:s20+$0x610] =	vst v13;
	v13 =	vld [tilespmem:s20+$0xA00];
	v18 =	vadd.f32 v27, v18  }
0x1c9: {  	[tilespmem:s20+$0x620] =	vst v16;
	v16 =	vld [tilespmem:s20+$0xA10];
	v14 =	vadd.f32 v23, v14  }
0x1ca: {  	v4 =	vld [tilespmem:s20+$0x7660];
	v15 =	vadd.f32 v24, v15;
	[tilespmem:s20+$0x670] =	vst v18  }
0x1cb: {  	[tilespmem:s20+$0x630] =	vst v14;
	v14 =	vld [tilespmem:s20+$0xA20];
	v17 =	vadd.f32 v26, v17  }
0x1cc: {  	v12 =	vadd.f32 v25, v12;
	[tilespmem:s20+$0x640] =	vst v15;
	v15 =	vld [tilespmem:s20+$0xA30]  }
0x1cd: {  	v18 =	vld [tilespmem:s20+$0xA70];
	[tilespmem:s20+$0x660] =	vst v17;
	v13 =	vadd.f32 v28, v13  }
0x1ce: {  	v16 =	vadd.f32 v29, v16;
	[tilespmem:s20+$0x650] =	vst v12;
	v12 =	vld [tilespmem:s20+$0xA40]  }
0x1cf: {  	v17 =	vld [tilespmem:s20+$0xA50];
	[tilespmem:s20+$0xA00] =	vst v13  }
0x1d0: {  	[tilespmem:s20+$0xA10] =	vst v16;
	v16 =	vld [tilespmem:s20+$0xA60];
	v13 =	vadd.f32 v30, v14  }
0x1d1: {  	v14 =	vld [tilespmem:s20+$0xE00];
	v15 =	vadd.f32 v31, v15  }
0x1d2: {  	[tilespmem:s20+$0xA20] =	vst v13;
	v13 =	vld [tilespmem:s20+$0xE10]  }
0x1d3: {  	v12 =	vadd.f32 v32, v12;
	[tilespmem:s20+$0xA30] =	vst v15;
	v15 =	vld [tilespmem:s20+$0xE20]  }
0x1d4: {  	v3 =	vld [tilespmem:s20+$0x7670];
	v17 =	vadd.f32 v33, v17  }
0x1d5: {  	v16 =	vadd.f32 v34, v16;
	[tilespmem:s20+$0xA40] =	vst v12;
	v12 =	vld [tilespmem:s20+$0xE30]  }
0x1d6: {  	[tilespmem:s20+$0xA50] =	vst v17;
	v17 =	vld [tilespmem:s20+$0xE40];
	v14 =	vadd.f32 v36, v14  }
0x1d7: {  	v18 =	vadd.f32 v35, v18;
	[tilespmem:s20+$0xA60] =	vst v16;
	v16 =	vld [tilespmem:s20+$0xE50]  }
0x1d8: {  	v13 =	vadd.f32 v37, v13;
	[tilespmem:s20+$0xE00] =	vst v14;
	v14 =	vadd.f32 v38, v15;
	v15 =	vld [tilespmem:s20+$0xE60]  }
0x1d9: {  	[tilespmem:s20+$0xA70] =	vst v18;
	v18 =	vld [tilespmem:s20+$0xE70]  }
0x1da: {  	[tilespmem:s20+$0xE10] =	vst v13;
	v13 =	vld [tilespmem:s20+$0x1200];
	v12 =	vadd.f32 v39, v12  }
0x1db: {  	v17 =	vadd.f32 v40, v17;
	[tilespmem:s20+$0xE20] =	vst v14;
	v14 =	vld [tilespmem:s20+$0x1210]  }
0x1dc: {  	v16 =	vadd.f32 v41, v16;
	[tilespmem:s20+$0xE30] =	vst v12;
	v12 =	vld [tilespmem:s20+$0x1220]  }
0x1dd: {  	[tilespmem:s20+$0xE40] =	vst v17;
	v17 =	vld [tilespmem:s20+$0x1230];
	v15 =	vadd.f32 v42, v15  }
0x1de: {  	v19 =	vld [tilespmem:s20+$0x1240];
	[tilespmem:s20+$0xE50] =	vst v16;
	v16 =	vadd.f32 v43, v18  }
0x1df: {  	v18 =	vld [tilespmem:s20+$0x1250];
	v13 =	vadd.f32 v44, v13;
	[tilespmem:s20+$0xE60] =	vst v15  }
0x1e0: {  	v20 =	vld [tilespmem:s20+$0x1260];
	[tilespmem:s20+$0xE70] =	vst v16;
	v14 =	vadd.f32 v45, v14  }
0x1e1: {  	v16 =	vld [tilespmem:s20+$0x1270];
	[tilespmem:s20+$0x1200] =	vst v13;
	v12 =	vadd.f32 v46, v12  }
0x1e2: {  	v15 =	vld [tilespmem:s20+$0x1600];
	v13 =	vadd.f32 v47, v17;
	[tilespmem:s20+$0x1210] =	vst v14  }
0x1e3: {  	v14 =	vld [tilespmem:s20+$0x1610];
	[tilespmem:s20+$0x1220] =	vst v12;
	v12 =	vadd.f32 v48, v19  }
0x1e4: {  	[tilespmem:s20+$0x1230] =	vst v13;
	v13 =	vld [tilespmem:s20+$0x1620];
	v18 =	vadd.f32 v49, v18  }
0x1e5: {  	s21 =	simm.s32 $0x1;
	v17 =	vadd.f32 v50, v20;
	[tilespmem:s20+$0x1240] =	vst v12;
	v12 =	vld [tilespmem:s20+$0x1630]  }
.LBB2_4:
0x1e6: {  	s5 =	sshrl.u32 s21, $0x3;
	p0 =	sne.s32 s21, $0x1F;
	[tilespmem:s20+$0x1250] =	vst v18;
	v11 =	vadd.f32 v11, v16;
	v16 =	vld [tilespmem:s20+$0x1640]  }
0x1e7: {  	s4 =	sadd.s32 $0x80, s4;
	s5 =	smul.u32 $0x1800, s5;
	[tilespmem:s20+$0x1260] =	vst v17;
	v10 =	vadd.f32 v10, v15;
	v15 =	vld [tilespmem:s20+$0x1650]  }
0x1e8: {  	s22 =	sand.u32 $0x380, s4;
	[tilespmem:s20+$0x1270] =	vst v11;
	v9 =	vadd.f32 v9, v14;
	v11 =	vld [tilespmem:s20+$0x1660]  }
0x1e9: {  	s5 =	sor.u32 s22, s5;
	[tilespmem:s20+$0x1600] =	vst v10;
	v8 =	vadd.f32 v8, v13;
	v10 =	vld [tilespmem:s20+$0x1670]  }
0x1ea: {  	v39 =	vld [tilespmem:s5+$0x6200];
	[tilespmem:s20+$0x1610] =	vst v9;
	v7 =	vadd.f32 v7, v12  }
0x1eb: {  	v40 =	vld [tilespmem:s5+$0x6210];
	[tilespmem:s20+$0x1620] =	vst v8;
	v6 =	vadd.f32 v6, v16  }
0x1ec: {  	v41 =	vld [tilespmem:s5+$0x6220];
	[tilespmem:s20+$0x1630] =	vst v7;
	v5 =	vadd.f32 v5, v15  }
0x1ed: {  	v42 =	vld [tilespmem:s5+$0x6230];
	[tilespmem:s20+$0x1640] =	vst v6;
	v4 =	vadd.f32 v4, v11  }
0x1ee: {  	v43 =	vld [tilespmem:s5+$0x6240];
	[tilespmem:s20+$0x1650] =	vst v5;
	v3 =	vadd.f32 v3, v10  }
0x1ef: {  	v44 =	vld [tilespmem:s5+$0x6250];
	[tilespmem:s20+$0x1660] =	vst v4  }
0x1f0: {  	v45 =	vld [tilespmem:s5+$0x6260];
	[tilespmem:s20+$0x1670] =	vst v3;
	s20 =	smov.u32 s5  }
0x1f1: {  	v46 =	vld [tilespmem:s20+$0x6270]  }
0x1f2: {  	v47 =	vld [tilespmem:s20+$0x6600]  }
0x1f3: {  	v48 =	vld [tilespmem:s20+$0x6610]  }
0x1f4: {  	v49 =	vld [tilespmem:s20+$0x6620]  }
0x1f5: {  	v50 =	vld [tilespmem:s20+$0x6630]  }
0x1f6: {  	v38 =	vld [tilespmem:s20+$0x6640]  }
0x1f7: {  	v37 =	vld [tilespmem:s20+$0x6650]  }
0x1f8: {  	v36 =	vld [tilespmem:s20+$0x6660]  }
0x1f9: {  	v35 =	vld [tilespmem:s20+$0x6670]  }
0x1fa: {  	v34 =	vld [tilespmem:s20+$0x6A00]  }
0x1fb: {  	v33 =	vld [tilespmem:s20+$0x6A10]  }
0x1fc: {  	v32 =	vld [tilespmem:s20+$0x6A20]  }
0x1fd: {  	v31 =	vld [tilespmem:s20+$0x6A30]  }
0x1fe: {  	v30 =	vld [tilespmem:s20+$0x6A40]  }
0x1ff: {  	v29 =	vld [tilespmem:s20+$0x6A50]  }
0x200: {  	v28 =	vld [tilespmem:s20+$0x6A60]  }
0x201: {  	v27 =	vld [tilespmem:s20+$0x6A70]  }
0x202: {  	v26 =	vld [tilespmem:s20+$0x6E00]  }
0x203: {  	v25 =	vld [tilespmem:s20+$0x6E10]  }
0x204: {  	v24 =	vld [tilespmem:s20+$0x6E20]  }
0x205: {  	v23 =	vld [tilespmem:s20+$0x6E30]  }
0x206: {  	v22 =	vld [tilespmem:s20+$0x6E40]  }
0x207: {  	v21 =	vld [tilespmem:s20+$0x6E50]  }
0x208: {  	v20 =	vld [tilespmem:s20+$0x6E60]  }
0x209: {  	v19 =	vld [tilespmem:s20+$0x6E70]  }
0x20a: {  	v18 =	vld [tilespmem:s20+$0x7200]  }
0x20b: {  	v17 =	vld [tilespmem:s20+$0x7210]  }
0x20c: {  	v16 =	vld [tilespmem:s20+$0x7220]  }
0x20d: {  	v15 =	vld [tilespmem:s20+$0x7230]  }
0x20e: {  	v14 =	vld [tilespmem:s20+$0x7240]  }
0x20f: {  	v13 =	vld [tilespmem:s20+$0x7250]  }
0x210: {  	v12 =	vld [tilespmem:s20+$0x7260]  }
0x211: {  	v11 =	vld [tilespmem:s20+$0x7270]  }
0x212: {  	v10 =	vld [tilespmem:s20+$0x7600]  }
0x213: {  	v9 =	vld [tilespmem:s20+$0x7610]  }
0x214: {  	v8 =	vld [tilespmem:s20+$0x7620]  }
0x215: {  	v7 =	vld [tilespmem:s20+$0x7630]  }
0x216: {  	v6 =	vld [tilespmem:s20+$0x7640]  }
0x217: {  	v5 =	vld [tilespmem:s20+$0x7650]  }
0x218: {  	v4 =	vld [tilespmem:s20+$0x7660]  }
0x219: {  	v3 =	vld [tilespmem:s20+$0x7670]  }
0x21a: {  	v51 =	vld [tilespmem:s20+$0x200]  }
0x21b: {  	v52 =	vld [tilespmem:s20+$0x210]  }
0x21c: {  	v53 =	vld [tilespmem:s20+$0x220]  }
0x21d: {  	v54 =	vld [tilespmem:s20+$0x230]  }
0x21e: {  	v55 =	vld [tilespmem:s20+$0x240]  }
0x21f: {  	v39 =	vadd.f32 v39, v51;
	v51 =	vld [tilespmem:s20+$0x250]  }
0x220: {  	v40 =	vadd.f32 v40, v52;
	v52 =	vld [tilespmem:s20+$0x260]  }
0x221: {  	[tilespmem:s20+$0x200] =	vst v39;
	v39 =	vadd.f32 v41, v53;
	v41 =	vld [tilespmem:s20+$0x270]  }
0x222: {  	[tilespmem:s20+$0x210] =	vst v40;
	v40 =	vadd.f32 v42, v54;
	v42 =	vld [tilespmem:s20+$0x600]  }
0x223: {  	[tilespmem:s20+$0x220] =	vst v39;
	v39 =	vadd.f32 v43, v55;
	v43 =	vld [tilespmem:s20+$0x610]  }
0x224: {  	[tilespmem:s20+$0x230] =	vst v40;
	v40 =	vadd.f32 v44, v51;
	v44 =	vld [tilespmem:s20+$0x620]  }
0x225: {  	[tilespmem:s20+$0x240] =	vst v39;
	v39 =	vadd.f32 v45, v52;
	v45 =	vld [tilespmem:s20+$0x630]  }
0x226: {  	[tilespmem:s20+$0x250] =	vst v40;
	v40 =	vadd.f32 v46, v41;
	v41 =	vld [tilespmem:s20+$0x640]  }
0x227: {  	[tilespmem:s20+$0x260] =	vst v39;
	v39 =	vadd.f32 v47, v42;
	v42 =	vld [tilespmem:s20+$0x650]  }
0x228: {  	[tilespmem:s20+$0x270] =	vst v40;
	v40 =	vadd.f32 v48, v43;
	v43 =	vld [tilespmem:s20+$0x660]  }
0x229: {  	[tilespmem:s20+$0x600] =	vst v39;
	v39 =	vadd.f32 v49, v44;
	v44 =	vld [tilespmem:s20+$0x670]  }
0x22a: {  	[tilespmem:s20+$0x610] =	vst v40;
	v40 =	vadd.f32 v50, v45;
	v45 =	vld [tilespmem:s20+$0xA00]  }
0x22b: {  	[tilespmem:s20+$0x620] =	vst v39;
	v38 =	vadd.f32 v38, v41;
	v39 =	vld [tilespmem:s20+$0xA10]  }
0x22c: {  	[tilespmem:s20+$0x630] =	vst v40;
	v37 =	vadd.f32 v37, v42;
	v40 =	vld [tilespmem:s20+$0xA20]  }
0x22d: {  	[tilespmem:s20+$0x640] =	vst v38;
	v36 =	vadd.f32 v36, v43;
	v38 =	vld [tilespmem:s20+$0xA30]  }
0x22e: {  	[tilespmem:s20+$0x650] =	vst v37;
	v35 =	vadd.f32 v35, v44;
	v37 =	vld [tilespmem:s20+$0xA40]  }
0x22f: {  	[tilespmem:s20+$0x660] =	vst v36;
	v34 =	vadd.f32 v34, v45;
	v36 =	vld [tilespmem:s20+$0xA50]  }
0x230: {  	[tilespmem:s20+$0x670] =	vst v35;
	v33 =	vadd.f32 v33, v39;
	v35 =	vld [tilespmem:s20+$0xA60]  }
0x231: {  	[tilespmem:s20+$0xA00] =	vst v34;
	v32 =	vadd.f32 v32, v40;
	v34 =	vld [tilespmem:s20+$0xA70]  }
0x232: {  	[tilespmem:s20+$0xA10] =	vst v33;
	v31 =	vadd.f32 v31, v38;
	v33 =	vld [tilespmem:s20+$0xE00]  }
0x233: {  	[tilespmem:s20+$0xA20] =	vst v32;
	v30 =	vadd.f32 v30, v37;
	v32 =	vld [tilespmem:s20+$0xE10]  }
0x234: {  	[tilespmem:s20+$0xA30] =	vst v31;
	v29 =	vadd.f32 v29, v36;
	v31 =	vld [tilespmem:s20+$0xE20]  }
0x235: {  	[tilespmem:s20+$0xA40] =	vst v30;
	v28 =	vadd.f32 v28, v35;
	v30 =	vld [tilespmem:s20+$0xE30]  }
0x236: {  	[tilespmem:s20+$0xA50] =	vst v29;
	v27 =	vadd.f32 v27, v34;
	v29 =	vld [tilespmem:s20+$0xE40]  }
0x237: {  	[tilespmem:s20+$0xA60] =	vst v28;
	v26 =	vadd.f32 v26, v33;
	v28 =	vld [tilespmem:s20+$0xE50]  }
0x238: {  	[tilespmem:s20+$0xA70] =	vst v27;
	v25 =	vadd.f32 v25, v32;
	v27 =	vld [tilespmem:s20+$0xE60]  }
0x239: {  	[tilespmem:s20+$0xE00] =	vst v26;
	v24 =	vadd.f32 v24, v31;
	v26 =	vld [tilespmem:s20+$0xE70]  }
0x23a: {  	[tilespmem:s20+$0xE10] =	vst v25;
	v23 =	vadd.f32 v23, v30;
	v25 =	vld [tilespmem:s20+$0x1200]  }
0x23b: {  	[tilespmem:s20+$0xE20] =	vst v24;
	v22 =	vadd.f32 v22, v29;
	v24 =	vld [tilespmem:s20+$0x1210]  }
0x23c: {  	[tilespmem:s20+$0xE30] =	vst v23;
	v21 =	vadd.f32 v21, v28;
	v23 =	vld [tilespmem:s20+$0x1220]  }
0x23d: {  	[tilespmem:s20+$0xE40] =	vst v22;
	v20 =	vadd.f32 v20, v27;
	v22 =	vld [tilespmem:s20+$0x1230]  }
0x23e: {  	[tilespmem:s20+$0xE50] =	vst v21;
	v19 =	vadd.f32 v19, v26;
	v21 =	vld [tilespmem:s20+$0x1240]  }
0x23f: {  	[tilespmem:s20+$0xE60] =	vst v20;
	v18 =	vadd.f32 v18, v25;
	v20 =	vld [tilespmem:s20+$0x1250]  }
0x240: {  	[tilespmem:s20+$0xE70] =	vst v19;
	v17 =	vadd.f32 v17, v24;
	v19 =	vld [tilespmem:s20+$0x1260]  }
.Ltmp1:
0x241: {  	[tilespmem:s20+$0x1200] =	vst v18;
	v18 =	vadd.f32 v16, v23;
	v16 =	vld [tilespmem:s20+$0x1270];
	(pc) =	sbr.rel @p0 .LBB2_4-.Ltmp1, $4  }
0x242: {  	[tilespmem:s20+$0x1210] =	vst v17;
	v17 =	vadd.f32 v15, v22;
	v15 =	vld [tilespmem:s20+$0x1600]  }
0x243: {  	[tilespmem:s20+$0x1220] =	vst v18;
	v21 =	vadd.f32 v14, v21;
	v14 =	vld [tilespmem:s20+$0x1610]  }
0x244: {  	[tilespmem:s20+$0x1230] =	vst v17;
	v18 =	vadd.f32 v13, v20;
	v13 =	vld [tilespmem:s20+$0x1620]  }
0x245: {  	s21 =	sadd.s32 $0x1, s21;
	[tilespmem:s20+$0x1240] =	vst v21;
	v17 =	vadd.f32 v12, v19;
	v12 =	vld [tilespmem:s20+$0x1630]  }
0x246: {  	[tilespmem:s20+$0x1250] =	vst v18;
	v60 =	vld [tilespmem:s20+$0x1640];
	v11 =	vadd.f32 v11, v16  }
0x247: {  	v61 =	vld [tilespmem:s20+$0x1650];
	[tilespmem:s20+$0x1260] =	vst v17;
	v10 =	vadd.f32 v10, v15  }
0x248: {  	v62 =	vld [tilespmem:s20+$0x1660];
	[tilespmem:s20+$0x1270] =	vst v11;
	v9 =	vadd.f32 v9, v14  }
0x249: {  	v63 =	vld [tilespmem:s20+$0x1670];
	[tilespmem:s20+$0x1600] =	vst v10;
	v8 =	vadd.f32 v8, v13  }
0x24a: {  	[tilespmem:s20+$0x1610] =	vst v9;
	v7 =	vadd.f32 v7, v12  }
0x24b: {  	[tilespmem:s20+$0x1620] =	vst v8;
	v6 =	vadd.f32 v6, v60  }
0x24c: {  	v5 =	vadd.f32 v5, v61;
	[tilespmem:s20+$0x1630] =	vst v7  }
0x24d: {  	v4 =	vadd.f32 v4, v62;
	[tilespmem:s20+$0x1640] =	vst v6  }
0x24e: {  	s19 =	sadd.s32 $0x1, s19;
	v3 =	vadd.f32 v3, v63;
	[tilespmem:s20+$0x1650] =	vst v5  }
0x24f: {  	p0 =	sne.s32 s19, s10;
	[tilespmem:s20+$0x1660] =	vst v4  }
.Ltmp2:
0x250: {  	[tilespmem:s20+$0x1670] =	vst v3;
	(pc) =	sbr.rel @p0 .LBB2_1-.Ltmp2, $4  }
0x251: {  	[hbm4b:s9+s3] =	stream.linear.scatter [tilespmem:s13], [sflag:$0x3], $0x6000, $0x38;
	[tilespmem:$0xC200] =	vst v63  }
0x252: {  	_ =	swait.ge [sflag:s11], $0x6000  }
0x253: {  	[sflag:s11] =	ssyncset.done $0x0  }
0x254: {  	[sflag:s11] =	ssyncadd.s32 $0xFFFFA000  }
0x255: {  	_ =	sfence.sel $0x180000  }
0x256: {  	[bflag:$0x0] =	sbarrier.arrive $0xFFFF  }
0x257: {  	_ =	strace $0x9000004A  }
0x258: {  	s0 =	stileid.u32;
	[bflag:$0x2] =	sbarrier.arrive $0xFFFF  }
0x259: {  	p0 =	sne.s32 s0, $0x0;
	s0 =	rddreg [dreg:$0x2]  }
0x25a: {  	s0 =	sadd.s32 @!p0 $0x100000, s0  }
0x25b: {  	[sflag:s0] =	ssyncadd.tile.s32 @!p0 $0x1;
	_ =	shalt  }
.Lfunc_end2:
_tile_overlayer_lowered:
.L_overlay_start_2:
0x25c: {  	(tag) =	ssettag $0x2  }
0x25d: {  	s0 =	rddreg [dreg:$0x0];
	s2 =	stileid.u32  }
0x25e: {  	s1 =	rddreg [dreg:$0x1];
	p0 =	sne.s32 s2, $0x0  }
0x25f: {  	s3 =	rddreg [dreg:$0x2];
	[bflag:$0x3] =	sbarrier.arrive $0xFFFF;
	s2 =	simm.s32 @!p0 $0x1C03  }
0x260: {  	[timem:s3], [sflag:s2] =	dma.local @!p0 [hbm:s0], s1  }
0x261: {  	s0 =	simm.s32 @!p0 $0x3  }
0x262: {  	_ =	swait.ge @!p0 [sflag:s0], s1  }
0x263: {  	s1 =	ssub.s32 @!p0 $0x0, s1;
	[sflag:s0] =	ssyncset.done @!p0 $0x0  }
0x264: {  	[sflag:s0] =	ssyncadd.s32 @!p0 s1  }
0x265: {  	[bflag:$0x3] =	sbarrier.arrive $0xFFFF  }
0x266: {  	_ =	shalt  }

</sc_bundles>
